<compile_context>
chip_gen: v7x
topology: tpu7x:2x2x1
jax: 0.10.2.dev20260603
libtpu: 0.0.44.dev20260713+nightly
codegen_flags: <defaults>
</compile_context>

<pallas_src>
import dataclasses
import functools

import jax
import jax.numpy as jnp
from jax import lax
from jax.experimental import pallas as pl
from jax.experimental.pallas import tpu as pltpu
from jax.experimental.pallas import tpu_sc as plsc

N = 10000
E = 320000
D = 128
NC, NS = 2, 16
NW = NC * NS
BLK = 128
NB = 79
E_PAD = NW * NB * BLK
N_PAD = 10240
RPT = N_PAD // NS
LANES = 16

_mesh = plsc.VectorSubcoreMesh(
    core_axis_name="c", subcore_axis_name="s", num_cores=NC, num_subcores=NS
)

_f32 = jnp.float32

_sc_params = pltpu.CompilerParams()
if "needs_layout_passes" in pltpu.CompilerParams.__dataclass_fields__:
    _sc_params = dataclasses.replace(_sc_params, needs_layout_passes=False)


@functools.partial(
    pl.kernel,
    out_type=jax.ShapeDtypeStruct((NW * N,), _f32),
    mesh=_mesh,
    scratch_types=[
        pltpu.VMEM((NB, BLK), jnp.int32),
        pltpu.VMEM((NB, BLK), _f32),
        pltpu.VMEM((N,), _f32),
    ],
    compiler_params=_sc_params,
)
def _deg_kernel(ei_hbm, w_hbm, out_hbm, colb, wb, degloc):
    c = lax.axis_index("c")
    s = lax.axis_index("s")
    wid = c * NS + s
    pltpu.sync_copy(ei_hbm.at[1, wid], colb)
    pltpu.sync_copy(w_hbm.at[wid], wb)

    @pl.loop(0, N, step=LANES)
    def _zero(i):
        degloc[pl.ds(i, LANES)] = jnp.zeros((LANES,), _f32)

    @pl.loop(0, NB)
    def _blocks(blk):
        @pl.loop(0, BLK, step=LANES)
        def _groups(j0):
            col16 = colb[blk, pl.ds(j0, LANES)]
            w16 = wb[blk, pl.ds(j0, LANES)]
            plsc.addupdate_scatter(degloc, [col16], w16)

    pltpu.sync_copy(degloc, out_hbm.at[pl.ds(wid * N, N)])


@functools.partial(
    pl.kernel,
    out_type=jax.ShapeDtypeStruct((NC, N_PAD, D), _f32),
    mesh=_mesh,
    scratch_types=[
        pltpu.VMEM((NB, BLK), jnp.int32),
        pltpu.VMEM((NB, BLK), jnp.int32),
        pltpu.VMEM((BLK,), _f32),
        pltpu.VMEM((BLK, D), _f32),
        pltpu.VMEM_SHARED((N_PAD, D), _f32),
        pltpu.SemaphoreType.DMA,
    ],
    compiler_params=_sc_params,
)
def _agg_kernel(h_hbm, ei_hbm, w_hbm, out_hbm,
                rowb, colb, wstage, buf, acc, wsem):
    c = lax.axis_index("c")
    s = lax.axis_index("s")
    wid = c * NS + s
    pltpu.sync_copy(ei_hbm.at[0, wid], rowb)
    pltpu.sync_copy(ei_hbm.at[1, wid], colb)

    @pl.loop(0, BLK)
    def _zrow(i):
        for k in range(D // LANES):
            buf[i, pl.ds(k * LANES, LANES)] = jnp.zeros((LANES,), _f32)

    for r in range(RPT // BLK):
        pltpu.sync_copy(buf, acc.at[pl.ds(s * RPT + r * BLK, BLK)])
    plsc.subcore_barrier()

    @pl.loop(0, NB)
    def _blocks(blk):
        pltpu.async_copy(w_hbm.at[wid, blk], wstage, wsem)
        pltpu.sync_copy(h_hbm.at[rowb.at[blk]], buf)
        pltpu.make_async_copy(w_hbm.at[wid, blk], wstage, wsem).wait()

        @pl.loop(0, BLK, step=LANES)
        def _groups(j0):
            w16 = wstage[pl.ds(j0, LANES)]
            for jj in range(LANES):
                sp = w16.at[jnp.full((LANES,), jj, jnp.int32)].get(
                    mode="promise_in_bounds"
                )
                for k in range(D // LANES):
                    sl = pl.ds(k * LANES, LANES)
                    buf[j0 + jj, sl] = buf[j0 + jj, sl] * sp

        pltpu.sync_copy(buf, acc.at[colb.at[blk]], add=True)

    plsc.subcore_barrier()
    pltpu.sync_copy(acc.at[pl.ds(s * RPT, RPT)], out_hbm.at[c, pl.ds(s * RPT, RPT)])


def _tc1_body(parts_ref, x_ref, w1_ref, h1p_ref, dinv_ref):
    deg = jnp.sum(parts_ref[...], axis=0) + 1.0
    dinv = jnp.where(deg > 0, lax.rsqrt(deg), 0.0)[:, None]
    h1 = jnp.dot(x_ref[...], w1_ref[...], preferred_element_type=_f32)
    h1p_ref[...] = h1 * dinv
    dinv_ref[...] = dinv


def _tc2_body(acc_ref, h1p_ref, dinv_ref, b1_ref, w2_ref, h2p_ref):
    dinv = dinv_ref[...]
    agg = acc_ref[0, :N] + acc_ref[1, :N]
    x2 = jnp.maximum((agg + h1p_ref[...]) * dinv + b1_ref[...], 0.0)
    h2 = jnp.dot(x2, w2_ref[...], preferred_element_type=_f32)
    h2p_ref[...] = h2 * dinv


def _tc3_body(acc_ref, h2p_ref, dinv_ref, b2_ref, bn_g_ref, bn_b_ref,
              ln_g_ref, ln_b_ref, out_ref):
    dinv = dinv_ref[...]
    agg = acc_ref[0, :N] + acc_ref[1, :N]
    t = jnp.maximum((agg + h2p_ref[...]) * dinv + b2_ref[...], 0.0)
    mu = jnp.mean(t, axis=0, keepdims=True)
    var = jnp.mean((t - mu) ** 2, axis=0, keepdims=True)
    h = (t - mu) / jnp.sqrt(var + 1e-5) * bn_g_ref[...] + bn_b_ref[...]
    lmu = jnp.mean(h, axis=1, keepdims=True)
    lvar = jnp.mean((h - lmu) ** 2, axis=1, keepdims=True)
    out_ref[...] = (h - lmu) / jnp.sqrt(lvar + 1e-5) * ln_g_ref[...] + ln_b_ref[...]


def kernel(x, edge_index, edge_weight, W1, b1, W2, b2, bn_g, bn_b, ln_g, ln_b):
    pad = E_PAD - E
    ei3 = jnp.concatenate(
        [edge_index, jnp.zeros((2, pad), edge_index.dtype)], axis=1
    ).reshape(2, NW, NB, BLK)
    w3 = jnp.concatenate(
        [edge_weight, jnp.zeros((pad,), edge_weight.dtype)]
    ).reshape(NW, NB, BLK)

    parts = _deg_kernel(ei3, w3).reshape(NW, N)

    h1p, dinv = pl.pallas_call(
        _tc1_body,
        out_shape=[jax.ShapeDtypeStruct((N, D), _f32),
                   jax.ShapeDtypeStruct((N, 1), _f32)],
    )(parts, x, W1)

    acc1 = _agg_kernel(h1p, ei3, w3)

    h2p = pl.pallas_call(
        _tc2_body,
        out_shape=jax.ShapeDtypeStruct((N, D), _f32),
    )(acc1, h1p, dinv, b1.reshape(1, D), W2)

    acc2 = _agg_kernel(h2p, ei3, w3)

    out = pl.pallas_call(
        _tc3_body,
        out_shape=jax.ShapeDtypeStruct((N, D), _f32),
    )(acc2, h2p, dinv, b2.reshape(1, D), bn_g.reshape(1, D),
      bn_b.reshape(1, D), ln_g.reshape(1, D), ln_b.reshape(1, D))
    return out

# --- scband reference (transcript-rebuilt; emitter-appended) ---
"""Pipeline reference for scband-gcn-71451075936454 (READ-ONLY COPY).

The authoritative reference and input builder live on the scoring server;
editing this copy changes nothing except your own understanding.
"""

import jax, jax.numpy as jnp
import numpy as np

N_NODES = 10000
N_EDGES = 320000
D = 128


def setup_inputs(seed: int = 0) -> dict:
    key = jax.random.key(seed)
    ks = jax.random.split(key, 12)
    x = jax.random.normal(ks[0], (N_NODES, D), dtype=jnp.float32)
    edge_index = jax.random.randint(ks[1], (2, N_EDGES), 0, N_NODES)
    edge_weight = jax.random.uniform(ks[2], (N_EDGES,), dtype=jnp.float32)
    s = 1.0 / np.sqrt(D)
    W1 = jax.random.uniform(ks[3], (D, D), dtype=jnp.float32, minval=-s, maxval=s)
    b1 = jnp.zeros((D,), dtype=jnp.float32)
    W2 = jax.random.uniform(ks[4], (D, D), dtype=jnp.float32, minval=-s, maxval=s)
    b2 = jnp.zeros((D,), dtype=jnp.float32)
    bn_g = jnp.ones((D,), dtype=jnp.float32)
    bn_b = jnp.zeros((D,), dtype=jnp.float32)
    ln_g = jnp.ones((D,), dtype=jnp.float32)
    ln_b = jnp.zeros((D,), dtype=jnp.float32)
    return {"x": x, "edge_index": edge_index, "edge_weight": edge_weight,
            "W1": W1, "b1": b1, "W2": W2, "b2": b2,
            "bn_g": bn_g, "bn_b": bn_b, "ln_g": ln_g, "ln_b": ln_b}


def _gcn_conv(x, edge_index, edge_weight, W, b):
    # PyG GCNConv: add self-loops (weight 1), symmetric normalization, gather/scatter-add
    n = x.shape[0]
    loop = jnp.arange(n)
    row = jnp.concatenate([edge_index[0], loop])  # source j
    col = jnp.concatenate([edge_index[1], loop])  # target i
    w = jnp.concatenate([edge_weight, jnp.ones((n,), dtype=edge_weight.dtype)])
    deg = jax.ops.segment_sum(w, col, num_segments=n)
    dinv = jnp.where(deg > 0, jax.lax.rsqrt(jnp.maximum(deg, 1e-12)), 0.0)
    norm = dinv[row] * w * dinv[col]
    h = x @ W
    msg = norm[:, None] * h[row]          # gather from source nodes
    out = jax.ops.segment_sum(msg, col, num_segments=n)  # scatter-add to targets
    return out + b


def reference(x, edge_index, edge_weight, W1, b1, W2, b2, bn_g, bn_b, ln_g, ln_b):
    # dropout is identity in eval mode
    h = jax.nn.relu(_gcn_conv(x, edge_index, edge_weight, W1, b1))
    h = jax.nn.relu(_gcn_conv(h, edge_index, edge_weight, W2, b2))
    # BatchNorm1d (batch statistics)
    mu = jnp.mean(h, axis=0)
    var = jnp.var(h, axis=0)
    h = (h - mu) / jnp.sqrt(var + 1e-5) * bn_g + bn_b
    # LayerNorm over last dim
    lmu = jnp.mean(h, axis=-1, keepdims=True)
    lvar = jnp.var(h, axis=-1, keepdims=True)
    h = (h - lmu) / jnp.sqrt(lvar + 1e-5) * ln_g + ln_b
    return h

if __name__ == "__main__":
    import jax
    _d = setup_inputs()
    print(jax.jit(kernel)(*tuple(_d.values())))

</pallas_src>

<mosaic_0001>
#map = affine_map<(d0, d1) -> (0, 0)>
#map1 = affine_map<(d0, d1) -> (0, 0, 0, 0)>
#map2 = affine_map<(d0, d1) -> (0, 0, 0)>
module attributes {stable_mosaic.version = 14 : i64} {
  func.func @_agg_kernel(%arg0: i32, %arg1: i32, %arg2: memref<10000x128xf32, #tpu.memory_space<hbm>>, %arg3: memref<2x32x79x128xi32, #tpu.memory_space<hbm>>, %arg4: memref<32x79x128xf32, #tpu.memory_space<hbm>>, %arg5: memref<2x10240x128xf32, #tpu.memory_space<hbm>>, %arg6: memref<79x128xi32, #tpu.memory_space<vmem>>, %arg7: memref<79x128xi32, #tpu.memory_space<vmem>>, %arg8: memref<128xf32, #tpu.memory_space<vmem>>, %arg9: memref<128x128xf32, #tpu.memory_space<vmem>>, %arg10: memref<10240x128xf32, #tpu.memory_space<vmem_shared>>, %arg11: memref<!tpu.dma_semaphore, #tpu.memory_space<semaphore_mem>>) attributes {dimension_semantics = [#tpu.dimension_semantics<core_parallel>, #tpu.dimension_semantics<subcore_parallel>], iteration_bounds = array<i64: 2, 16>, scalar_prefetch = 0 : i64, scratch_operands = 6 : i64, tpu.core_type = #tpu.core_type<sc_vector_subcore>, window_params = [{transform_indices = #map}, {transform_indices = #map1}, {transform_indices = #map2}, {transform_indices = #map2}]} {
    %mul3A = arith.constant 16 : i32
    %mul3A_0 = arith.muli %arg0, %mul3A : i32
    %add3A = arith.addi %mul3A_0, %arg1 : i32
    %run_scoped3A = arith.constant 0 : i32
    "tpu.region"() ({
      %run_scoped3A_36 = tpu.sem_alloc : memref<!tpu.dma_semaphore, #tpu.memory_space<semaphore_mem>>
      %dma_start3A = arith.constant 0 : i32
      %dma_start3A_37 = arith.constant 0 : i32
      %dma_start3A_38 = tpu.memref_slice %arg3[%run_scoped3A, %add3A, %dma_start3A, %dma_start3A_37] : memref<2x32x79x128xi32, #tpu.memory_space<hbm>> -> memref<1x1x79x128xi32, #tpu.memory_space<hbm>>
      %dma_start3A_39 = tpu.memref_squeeze %dma_start3A_38 : memref<1x1x79x128xi32, #tpu.memory_space<hbm>> -> memref<79x128xi32, #tpu.memory_space<hbm>>
      %dma_start3A_40 = arith.constant 0 : i32
      %dma_start3A_41 = arith.constant 0 : i32
      %dma_start3A_42 = tpu.memref_slice %arg3[%run_scoped3A, %add3A, %dma_start3A_40, %dma_start3A_41] : memref<2x32x79x128xi32, #tpu.memory_space<hbm>> -> memref<1x1x79x128xi32, #tpu.memory_space<hbm>>
      %dma_start3A_43 = tpu.memref_squeeze %dma_start3A_42 : memref<1x1x79x128xi32, #tpu.memory_space<hbm>> -> memref<79x128xi32, #tpu.memory_space<hbm>>
      tpu.enqueue_dma source(%dma_start3A_43 : memref<79x128xi32, #tpu.memory_space<hbm>>) target(%arg6 : memref<79x128xi32, #tpu.memory_space<vmem>>) target_semaphore(%run_scoped3A_36 : memref<!tpu.dma_semaphore, #tpu.memory_space<semaphore_mem>>)
      %dma_wait3A = arith.constant 0 : i32
      %dma_wait3A_44 = arith.constant 0 : i32
      %dma_wait3A_45 = tpu.memref_slice %arg3[%run_scoped3A, %add3A, %dma_wait3A, %dma_wait3A_44] : memref<2x32x79x128xi32, #tpu.memory_space<hbm>> -> memref<1x1x79x128xi32, #tpu.memory_space<hbm>>
      %dma_wait3A_46 = tpu.memref_squeeze %dma_wait3A_45 : memref<1x1x79x128xi32, #tpu.memory_space<hbm>> -> memref<79x128xi32, #tpu.memory_space<hbm>>
      %dma_wait3A_47 = arith.constant 0 : i32
      %dma_wait3A_48 = arith.constant 0 : i32
      %dma_wait3A_49 = tpu.memref_slice %arg3[%run_scoped3A, %add3A, %dma_wait3A_47, %dma_wait3A_48] : memref<2x32x79x128xi32, #tpu.memory_space<hbm>> -> memref<1x1x79x128xi32, #tpu.memory_space<hbm>>
      %dma_wait3A_50 = tpu.memref_squeeze %dma_wait3A_49 : memref<1x1x79x128xi32, #tpu.memory_space<hbm>> -> memref<79x128xi32, #tpu.memory_space<hbm>>
      tpu.wait_dma2 semaphore(%run_scoped3A_36 : memref<!tpu.dma_semaphore, #tpu.memory_space<semaphore_mem>>) src(%dma_wait3A_50 : memref<79x128xi32, #tpu.memory_space<hbm>>) dst(%arg6 : memref<79x128xi32, #tpu.memory_space<vmem>>)
      tpu.yield
    }) : () -> ()
    %run_scoped3A_1 = arith.constant 1 : i32
    "tpu.region"() ({
      %run_scoped3A_36 = tpu.sem_alloc : memref<!tpu.dma_semaphore, #tpu.memory_space<semaphore_mem>>
      %dma_start3A = arith.constant 0 : i32
      %dma_start3A_37 = arith.constant 0 : i32
      %dma_start3A_38 = tpu.memref_slice %arg3[%run_scoped3A_1, %add3A, %dma_start3A, %dma_start3A_37] : memref<2x32x79x128xi32, #tpu.memory_space<hbm>> -> memref<1x1x79x128xi32, #tpu.memory_space<hbm>>
      %dma_start3A_39 = tpu.memref_squeeze %dma_start3A_38 : memref<1x1x79x128xi32, #tpu.memory_space<hbm>> -> memref<79x128xi32, #tpu.memory_space<hbm>>
      %dma_start3A_40 = arith.constant 0 : i32
      %dma_start3A_41 = arith.constant 0 : i32
      %dma_start3A_42 = tpu.memref_slice %arg3[%run_scoped3A_1, %add3A, %dma_start3A_40, %dma_start3A_41] : memref<2x32x79x128xi32, #tpu.memory_space<hbm>> -> memref<1x1x79x128xi32, #tpu.memory_space<hbm>>
      %dma_start3A_43 = tpu.memref_squeeze %dma_start3A_42 : memref<1x1x79x128xi32, #tpu.memory_space<hbm>> -> memref<79x128xi32, #tpu.memory_space<hbm>>
      tpu.enqueue_dma source(%dma_start3A_43 : memref<79x128xi32, #tpu.memory_space<hbm>>) target(%arg7 : memref<79x128xi32, #tpu.memory_space<vmem>>) target_semaphore(%run_scoped3A_36 : memref<!tpu.dma_semaphore, #tpu.memory_space<semaphore_mem>>)
      %dma_wait3A = arith.constant 0 : i32
      %dma_wait3A_44 = arith.constant 0 : i32
      %dma_wait3A_45 = tpu.memref_slice %arg3[%run_scoped3A_1, %add3A, %dma_wait3A, %dma_wait3A_44] : memref<2x32x79x128xi32, #tpu.memory_space<hbm>> -> memref<1x1x79x128xi32, #tpu.memory_space<hbm>>
      %dma_wait3A_46 = tpu.memref_squeeze %dma_wait3A_45 : memref<1x1x79x128xi32, #tpu.memory_space<hbm>> -> memref<79x128xi32, #tpu.memory_space<hbm>>
      %dma_wait3A_47 = arith.constant 0 : i32
      %dma_wait3A_48 = arith.constant 0 : i32
      %dma_wait3A_49 = tpu.memref_slice %arg3[%run_scoped3A_1, %add3A, %dma_wait3A_47, %dma_wait3A_48] : memref<2x32x79x128xi32, #tpu.memory_space<hbm>> -> memref<1x1x79x128xi32, #tpu.memory_space<hbm>>
      %dma_wait3A_50 = tpu.memref_squeeze %dma_wait3A_49 : memref<1x1x79x128xi32, #tpu.memory_space<hbm>> -> memref<79x128xi32, #tpu.memory_space<hbm>>
      tpu.wait_dma2 semaphore(%run_scoped3A_36 : memref<!tpu.dma_semaphore, #tpu.memory_space<semaphore_mem>>) src(%dma_wait3A_50 : memref<79x128xi32, #tpu.memory_space<hbm>>) dst(%arg7 : memref<79x128xi32, #tpu.memory_space<vmem>>)
      tpu.yield
    }) : () -> ()
    %scan3A = arith.constant 0 : i32
    %scan3A_2 = arith.constant 128 : i32
    %scan3A_3 = arith.addi %scan3A, %scan3A_2 : i32
    %scan3A_4 = arith.constant 1 : i32
    scf.for %scan3A_36 = %scan3A to %scan3A_3 step %scan3A_4  : i32 {
      %mul3A_37 = arith.constant 1 : i32
      %mul3A_38 = arith.muli %scan3A_36, %mul3A_37 : i32
      %add3A_39 = arith.constant 0 : i32
      %add3A_40 = arith.addi %add3A_39, %mul3A_38 : i32
      %broadcast_in_dim3A = arith.constant 0.000000e+00 : f32
      %broadcast_in_dim3A_41 = vector.broadcast %broadcast_in_dim3A : f32 to vector<16xf32>
      %swap3A = arith.index_cast %add3A_40 : i32 to index
      %swap3A_42 = arith.constant 0 : index
      %swap3A_43 = tpu.vector_load %arg9[%swap3A, %swap3A_42] {strides = array<i32>} : memref<128x128xf32, #tpu.memory_space<vmem>>, vector<16xf32>,
      tpu.vector_store %arg9[%swap3A, %swap3A_42], %broadcast_in_dim3A_41 {strides = array<i32>} : memref<128x128xf32, #tpu.memory_space<vmem>>, vector<16xf32>,
      %broadcast_in_dim3A_44 = arith.constant 0.000000e+00 : f32
      %broadcast_in_dim3A_45 = vector.broadcast %broadcast_in_dim3A_44 : f32 to vector<16xf32>
      %swap3A_46 = arith.index_cast %add3A_40 : i32 to index
      %swap3A_47 = arith.constant 16 : index
      %swap3A_48 = tpu.vector_load %arg9[%swap3A_46, %swap3A_47] {strides = array<i32>} : memref<128x128xf32, #tpu.memory_space<vmem>>, vector<16xf32>,
      tpu.vector_store %arg9[%swap3A_46, %swap3A_47], %broadcast_in_dim3A_45 {strides = array<i32>} : memref<128x128xf32, #tpu.memory_space<vmem>>, vector<16xf32>,
      %broadcast_in_dim3A_49 = arith.constant 0.000000e+00 : f32
      %broadcast_in_dim3A_50 = vector.broadcast %broadcast_in_dim3A_49 : f32 to vector<16xf32>
      %swap3A_51 = arith.index_cast %add3A_40 : i32 to index
      %swap3A_52 = arith.constant 32 : index
      %swap3A_53 = tpu.vector_load %arg9[%swap3A_51, %swap3A_52] {strides = array<i32>} : memref<128x128xf32, #tpu.memory_space<vmem>>, vector<16xf32>,
      tpu.vector_store %arg9[%swap3A_51, %swap3A_52], %broadcast_in_dim3A_50 {strides = array<i32>} : memref<128x128xf32, #tpu.memory_space<vmem>>, vector<16xf32>,
      %broadcast_in_dim3A_54 = arith.constant 0.000000e+00 : f32
      %broadcast_in_dim3A_55 = vector.broadcast %broadcast_in_dim3A_54 : f32 to vector<16xf32>
      %swap3A_56 = arith.index_cast %add3A_40 : i32 to index
      %swap3A_57 = arith.constant 48 : index
      %swap3A_58 = tpu.vector_load %arg9[%swap3A_56, %swap3A_57] {strides = array<i32>} : memref<128x128xf32, #tpu.memory_space<vmem>>, vector<16xf32>,
      tpu.vector_store %arg9[%swap3A_56, %swap3A_57], %broadcast_in_dim3A_55 {strides = array<i32>} : memref<128x128xf32, #tpu.memory_space<vmem>>, vector<16xf32>,
      %broadcast_in_dim3A_59 = arith.constant 0.000000e+00 : f32
      %broadcast_in_dim3A_60 = vector.broadcast %broadcast_in_dim3A_59 : f32 to vector<16xf32>
      %swap3A_61 = arith.index_cast %add3A_40 : i32 to index
      %swap3A_62 = arith.constant 64 : index
      %swap3A_63 = tpu.vector_load %arg9[%swap3A_61, %swap3A_62] {strides = array<i32>} : memref<128x128xf32, #tpu.memory_space<vmem>>, vector<16xf32>,
      tpu.vector_store %arg9[%swap3A_61, %swap3A_62], %broadcast_in_dim3A_60 {strides = array<i32>} : memref<128x128xf32, #tpu.memory_space<vmem>>, vector<16xf32>,
      %broadcast_in_dim3A_64 = arith.constant 0.000000e+00 : f32
      %broadcast_in_dim3A_65 = vector.broadcast %broadcast_in_dim3A_64 : f32 to vector<16xf32>
      %swap3A_66 = arith.index_cast %add3A_40 : i32 to index
      %swap3A_67 = arith.constant 80 : index
      %swap3A_68 = tpu.vector_load %arg9[%swap3A_66, %swap3A_67] {strides = array<i32>} : memref<128x128xf32, #tpu.memory_space<vmem>>, vector<16xf32>,
      tpu.vector_store %arg9[%swap3A_66, %swap3A_67], %broadcast_in_dim3A_65 {strides = array<i32>} : memref<128x128xf32, #tpu.memory_space<vmem>>, vector<16xf32>,
      %broadcast_in_dim3A_69 = arith.constant 0.000000e+00 : f32
      %broadcast_in_dim3A_70 = vector.broadcast %broadcast_in_dim3A_69 : f32 to vector<16xf32>
      %swap3A_71 = arith.index_cast %add3A_40 : i32 to index
      %swap3A_72 = arith.constant 96 : index
      %swap3A_73 = tpu.vector_load %arg9[%swap3A_71, %swap3A_72] {strides = array<i32>} : memref<128x128xf32, #tpu.memory_space<vmem>>, vector<16xf32>,
      tpu.vector_store %arg9[%swap3A_71, %swap3A_72], %broadcast_in_dim3A_70 {strides = array<i32>} : memref<128x128xf32, #tpu.memory_space<vmem>>, vector<16xf32>,
      %broadcast_in_dim3A_74 = arith.constant 0.000000e+00 : f32
      %broadcast_in_dim3A_75 = vector.broadcast %broadcast_in_dim3A_74 : f32 to vector<16xf32>
      %swap3A_76 = arith.index_cast %add3A_40 : i32 to index
      %swap3A_77 = arith.constant 112 : index
      %swap3A_78 = tpu.vector_load %arg9[%swap3A_76, %swap3A_77] {strides = array<i32>} : memref<128x128xf32, #tpu.memory_space<vmem>>, vector<16xf32>,
      tpu.vector_store %arg9[%swap3A_76, %swap3A_77], %broadcast_in_dim3A_75 {strides = array<i32>} : memref<128x128xf32, #tpu.memory_space<vmem>>, vector<16xf32>,
    }
    %scan3A_5 = arith.constant 128 : i32
    %mul3A_6 = arith.constant 640 : i32
    %mul3A_7 = arith.muli %arg1, %mul3A_6 : i32
    %add3A_8 = arith.constant 0 : i32
    %add3A_9 = arith.addi %mul3A_7, %add3A_8 : i32
    "tpu.region"() ({
      %run_scoped3A_36 = tpu.sem_alloc : memref<!tpu.dma_semaphore, #tpu.memory_space<semaphore_mem>>
      %dma_start3A = arith.constant 0 : i32
      %dma_start3A_37 = tpu.memref_slice %arg10[%add3A_9, %dma_start3A] : memref<10240x128xf32, #tpu.memory_space<vmem_shared>> -> memref<128x128xf32, #tpu.memory_space<vmem_shared>>
      %dma_start3A_38 = arith.constant 0 : i32
      %dma_start3A_39 = tpu.memref_slice %arg10[%add3A_9, %dma_start3A_38] : memref<10240x128xf32, #tpu.memory_space<vmem_shared>> -> memref<128x128xf32, #tpu.memory_space<vmem_shared>>
      tpu.enqueue_dma source(%arg9 : memref<128x128xf32, #tpu.memory_space<vmem>>) target(%dma_start3A_39 : memref<128x128xf32, #tpu.memory_space<vmem_shared>>) target_semaphore(%run_scoped3A_36 : memref<!tpu.dma_semaphore, #tpu.memory_space<semaphore_mem>>)
      %dma_wait3A = arith.constant 0 : i32
      %dma_wait3A_40 = tpu.memref_slice %arg10[%add3A_9, %dma_wait3A] : memref<10240x128xf32, #tpu.memory_space<vmem_shared>> -> memref<128x128xf32, #tpu.memory_space<vmem_shared>>
      %dma_wait3A_41 = arith.constant 0 : i32
      %dma_wait3A_42 = tpu.memref_slice %arg10[%add3A_9, %dma_wait3A_41] : memref<10240x128xf32, #tpu.memory_space<vmem_shared>> -> memref<128x128xf32, #tpu.memory_space<vmem_shared>>
      tpu.wait_dma2 semaphore(%run_scoped3A_36 : memref<!tpu.dma_semaphore, #tpu.memory_space<semaphore_mem>>) src(%arg9 : memref<128x128xf32, #tpu.memory_space<vmem>>) dst(%dma_wait3A_42 : memref<128x128xf32, #tpu.memory_space<vmem_shared>>)
      tpu.yield
    }) : () -> ()
    %mul3A_10 = arith.constant 640 : i32
    %mul3A_11 = arith.muli %arg1, %mul3A_10 : i32
    %add3A_12 = arith.constant 128 : i32
    %add3A_13 = arith.addi %mul3A_11, %add3A_12 : i32
    "tpu.region"() ({
      %run_scoped3A_36 = tpu.sem_alloc : memref<!tpu.dma_semaphore, #tpu.memory_space<semaphore_mem>>
      %dma_start3A = arith.constant 0 : i32
      %dma_start3A_37 = tpu.memref_slice %arg10[%add3A_13, %dma_start3A] : memref<10240x128xf32, #tpu.memory_space<vmem_shared>> -> memref<128x128xf32, #tpu.memory_space<vmem_shared>>
      %dma_start3A_38 = arith.constant 0 : i32
      %dma_start3A_39 = tpu.memref_slice %arg10[%add3A_13, %dma_start3A_38] : memref<10240x128xf32, #tpu.memory_space<vmem_shared>> -> memref<128x128xf32, #tpu.memory_space<vmem_shared>>
      tpu.enqueue_dma source(%arg9 : memref<128x128xf32, #tpu.memory_space<vmem>>) target(%dma_start3A_39 : memref<128x128xf32, #tpu.memory_space<vmem_shared>>) target_semaphore(%run_scoped3A_36 : memref<!tpu.dma_semaphore, #tpu.memory_space<semaphore_mem>>)
      %dma_wait3A = arith.constant 0 : i32
      %dma_wait3A_40 = tpu.memref_slice %arg10[%add3A_13, %dma_wait3A] : memref<10240x128xf32, #tpu.memory_space<vmem_shared>> -> memref<128x128xf32, #tpu.memory_space<vmem_shared>>
      %dma_wait3A_41 = arith.constant 0 : i32
      %dma_wait3A_42 = tpu.memref_slice %arg10[%add3A_13, %dma_wait3A_41] : memref<10240x128xf32, #tpu.memory_space<vmem_shared>> -> memref<128x128xf32, #tpu.memory_space<vmem_shared>>
      tpu.wait_dma2 semaphore(%run_scoped3A_36 : memref<!tpu.dma_semaphore, #tpu.memory_space<semaphore_mem>>) src(%arg9 : memref<128x128xf32, #tpu.memory_space<vmem>>) dst(%dma_wait3A_42 : memref<128x128xf32, #tpu.memory_space<vmem_shared>>)
      tpu.yield
    }) : () -> ()
    %mul3A_14 = arith.constant 640 : i32
    %mul3A_15 = arith.muli %arg1, %mul3A_14 : i32
    %add3A_16 = arith.constant 256 : i32
    %add3A_17 = arith.addi %mul3A_15, %add3A_16 : i32
    "tpu.region"() ({
      %run_scoped3A_36 = tpu.sem_alloc : memref<!tpu.dma_semaphore, #tpu.memory_space<semaphore_mem>>
      %dma_start3A = arith.constant 0 : i32
      %dma_start3A_37 = tpu.memref_slice %arg10[%add3A_17, %dma_start3A] : memref<10240x128xf32, #tpu.memory_space<vmem_shared>> -> memref<128x128xf32, #tpu.memory_space<vmem_shared>>
      %dma_start3A_38 = arith.constant 0 : i32
      %dma_start3A_39 = tpu.memref_slice %arg10[%add3A_17, %dma_start3A_38] : memref<10240x128xf32, #tpu.memory_space<vmem_shared>> -> memref<128x128xf32, #tpu.memory_space<vmem_shared>>
      tpu.enqueue_dma source(%arg9 : memref<128x128xf32, #tpu.memory_space<vmem>>) target(%dma_start3A_39 : memref<128x128xf32, #tpu.memory_space<vmem_shared>>) target_semaphore(%run_scoped3A_36 : memref<!tpu.dma_semaphore, #tpu.memory_space<semaphore_mem>>)
      %dma_wait3A = arith.constant 0 : i32
      %dma_wait3A_40 = tpu.memref_slice %arg10[%add3A_17, %dma_wait3A] : memref<10240x128xf32, #tpu.memory_space<vmem_shared>> -> memref<128x128xf32, #tpu.memory_space<vmem_shared>>
      %dma_wait3A_41 = arith.constant 0 : i32
      %dma_wait3A_42 = tpu.memref_slice %arg10[%add3A_17, %dma_wait3A_41] : memref<10240x128xf32, #tpu.memory_space<vmem_shared>> -> memref<128x128xf32, #tpu.memory_space<vmem_shared>>
      tpu.wait_dma2 semaphore(%run_scoped3A_36 : memref<!tpu.dma_semaphore, #tpu.memory_space<semaphore_mem>>) src(%arg9 : memref<128x128xf32, #tpu.memory_space<vmem>>) dst(%dma_wait3A_42 : memref<128x128xf32, #tpu.memory_space<vmem_shared>>)
      tpu.yield
    }) : () -> ()
    %mul3A_18 = arith.constant 640 : i32
    %mul3A_19 = arith.muli %arg1, %mul3A_18 : i32
    %add3A_20 = arith.constant 384 : i32
    %add3A_21 = arith.addi %mul3A_19, %add3A_20 : i32
    "tpu.region"() ({
      %run_scoped3A_36 = tpu.sem_alloc : memref<!tpu.dma_semaphore, #tpu.memory_space<semaphore_mem>>
      %dma_start3A = arith.constant 0 : i32
      %dma_start3A_37 = tpu.memref_slice %arg10[%add3A_21, %dma_start3A] : memref<10240x128xf32, #tpu.memory_space<vmem_shared>> -> memref<128x128xf32, #tpu.memory_space<vmem_shared>>
      %dma_start3A_38 = arith.constant 0 : i32
      %dma_start3A_39 = tpu.memref_slice %arg10[%add3A_21, %dma_start3A_38] : memref<10240x128xf32, #tpu.memory_space<vmem_shared>> -> memref<128x128xf32, #tpu.memory_space<vmem_shared>>
      tpu.enqueue_dma source(%arg9 : memref<128x128xf32, #tpu.memory_space<vmem>>) target(%dma_start3A_39 : memref<128x128xf32, #tpu.memory_space<vmem_shared>>) target_semaphore(%run_scoped3A_36 : memref<!tpu.dma_semaphore, #tpu.memory_space<semaphore_mem>>)
      %dma_wait3A = arith.constant 0 : i32
      %dma_wait3A_40 = tpu.memref_slice %arg10[%add3A_21, %dma_wait3A] : memref<10240x128xf32, #tpu.memory_space<vmem_shared>> -> memref<128x128xf32, #tpu.memory_space<vmem_shared>>
      %dma_wait3A_41 = arith.constant 0 : i32
      %dma_wait3A_42 = tpu.memref_slice %arg10[%add3A_21, %dma_wait3A_41] : memref<10240x128xf32, #tpu.memory_space<vmem_shared>> -> memref<128x128xf32, #tpu.memory_space<vmem_shared>>
      tpu.wait_dma2 semaphore(%run_scoped3A_36 : memref<!tpu.dma_semaphore, #tpu.memory_space<semaphore_mem>>) src(%arg9 : memref<128x128xf32, #tpu.memory_space<vmem>>) dst(%dma_wait3A_42 : memref<128x128xf32, #tpu.memory_space<vmem_shared>>)
      tpu.yield
    }) : () -> ()
    %mul3A_22 = arith.constant 640 : i32
    %mul3A_23 = arith.muli %arg1, %mul3A_22 : i32
    %add3A_24 = arith.constant 512 : i32
    %add3A_25 = arith.addi %mul3A_23, %add3A_24 : i32
    "tpu.region"() ({
      %run_scoped3A_36 = tpu.sem_alloc : memref<!tpu.dma_semaphore, #tpu.memory_space<semaphore_mem>>
      %dma_start3A = arith.constant 0 : i32
      %dma_start3A_37 = tpu.memref_slice %arg10[%add3A_25, %dma_start3A] : memref<10240x128xf32, #tpu.memory_space<vmem_shared>> -> memref<128x128xf32, #tpu.memory_space<vmem_shared>>
      %dma_start3A_38 = arith.constant 0 : i32
      %dma_start3A_39 = tpu.memref_slice %arg10[%add3A_25, %dma_start3A_38] : memref<10240x128xf32, #tpu.memory_space<vmem_shared>> -> memref<128x128xf32, #tpu.memory_space<vmem_shared>>
      tpu.enqueue_dma source(%arg9 : memref<128x128xf32, #tpu.memory_space<vmem>>) target(%dma_start3A_39 : memref<128x128xf32, #tpu.memory_space<vmem_shared>>) target_semaphore(%run_scoped3A_36 : memref<!tpu.dma_semaphore, #tpu.memory_space<semaphore_mem>>)
      %dma_wait3A = arith.constant 0 : i32
      %dma_wait3A_40 = tpu.memref_slice %arg10[%add3A_25, %dma_wait3A] : memref<10240x128xf32, #tpu.memory_space<vmem_shared>> -> memref<128x128xf32, #tpu.memory_space<vmem_shared>>
      %dma_wait3A_41 = arith.constant 0 : i32
      %dma_wait3A_42 = tpu.memref_slice %arg10[%add3A_25, %dma_wait3A_41] : memref<10240x128xf32, #tpu.memory_space<vmem_shared>> -> memref<128x128xf32, #tpu.memory_space<vmem_shared>>
      tpu.wait_dma2 semaphore(%run_scoped3A_36 : memref<!tpu.dma_semaphore, #tpu.memory_space<semaphore_mem>>) src(%arg9 : memref<128x128xf32, #tpu.memory_space<vmem>>) dst(%dma_wait3A_42 : memref<128x128xf32, #tpu.memory_space<vmem_shared>>)
      tpu.yield
    }) : () -> ()
    %barrier3A = arith.constant 0 : index
    tpu.barrier barrier_id(%barrier3A)
    %scan3A_26 = arith.constant 0 : i32
    %scan3A_27 = arith.constant 79 : i32
    %scan3A_28 = arith.addi %scan3A_26, %scan3A_27 : i32
    %scan3A_29 = arith.constant 1 : i32
    scf.for %scan3A_36 = %scan3A_26 to %scan3A_28 step %scan3A_29  : i32 {
      %mul3A_37 = arith.constant 1 : i32
      %mul3A_38 = arith.muli %scan3A_36, %mul3A_37 : i32
      %add3A_39 = arith.constant 0 : i32
      %add3A_40 = arith.addi %add3A_39, %mul3A_38 : i32
      %dma_start3A = arith.constant 0 : i32
      %dma_start3A_41 = tpu.memref_slice %arg4[%add3A, %add3A_40, %dma_start3A] : memref<32x79x128xf32, #tpu.memory_space<hbm>> -> memref<1x1x128xf32, #tpu.memory_space<hbm>>
      %dma_start3A_42 = tpu.memref_squeeze %dma_start3A_41 : memref<1x1x128xf32, #tpu.memory_space<hbm>> -> memref<128xf32, #tpu.memory_space<hbm>>
      %dma_start3A_43 = arith.constant 0 : i32
      %dma_start3A_44 = tpu.memref_slice %arg4[%add3A, %add3A_40, %dma_start3A_43] : memref<32x79x128xf32, #tpu.memory_space<hbm>> -> memref<1x1x128xf32, #tpu.memory_space<hbm>>
      %dma_start3A_45 = tpu.memref_squeeze %dma_start3A_44 : memref<1x1x128xf32, #tpu.memory_space<hbm>> -> memref<128xf32, #tpu.memory_space<hbm>>
      tpu.enqueue_dma source(%dma_start3A_45 : memref<128xf32, #tpu.memory_space<hbm>>) target(%arg8 : memref<128xf32, #tpu.memory_space<vmem>>) target_semaphore(%arg11 : memref<!tpu.dma_semaphore, #tpu.memory_space<semaphore_mem>>)
      "tpu.region"() ({
        %run_scoped3A_56 = tpu.sem_alloc : memref<!tpu.dma_semaphore, #tpu.memory_space<semaphore_mem>>
        %dma_start3A_57 = arith.constant 0 : i32
        %dma_start3A_58 = tpu.memref_slice %arg6[%add3A_40, %dma_start3A_57] : memref<79x128xi32, #tpu.memory_space<vmem>> -> memref<1x128xi32, #tpu.memory_space<vmem>>
        %dma_start3A_59 = tpu.memref_squeeze %dma_start3A_58 : memref<1x128xi32, #tpu.memory_space<vmem>> -> memref<128xi32, #tpu.memory_space<vmem>>
        %dma_start3A_60 = arith.constant 0 : i32
        %dma_start3A_61 = arith.constant 0 : i32
        %dma_start3A_62 = tpu.memref_slice %arg2[%dma_start3A_60, %dma_start3A_61] : memref<10000x128xf32, #tpu.memory_space<hbm>> -> memref<10000x128xf32, #tpu.memory_space<hbm>>
        tpu.enqueue_indirect_dma source(%dma_start3A_62 : memref<10000x128xf32, #tpu.memory_space<hbm>>) target(%arg9 : memref<128x128xf32, #tpu.memory_space<vmem>>) offsets(%dma_start3A_59 : memref<128xi32, #tpu.memory_space<vmem>>) semaphore(%run_scoped3A_56 : memref<!tpu.dma_semaphore, #tpu.memory_space<semaphore_mem>>)
        %dma_wait3A_63 = arith.constant 0 : i32
        %dma_wait3A_64 = tpu.memref_slice %arg6[%add3A_40, %dma_wait3A_63] : memref<79x128xi32, #tpu.memory_space<vmem>> -> memref<1x128xi32, #tpu.memory_space<vmem>>
        %dma_wait3A_65 = tpu.memref_squeeze %dma_wait3A_64 : memref<1x128xi32, #tpu.memory_space<vmem>> -> memref<128xi32, #tpu.memory_space<vmem>>
        %dma_wait3A_66 = arith.constant 0 : i32
        %dma_wait3A_67 = arith.constant 0 : i32
        %dma_wait3A_68 = tpu.memref_slice %arg2[%dma_wait3A_66, %dma_wait3A_67] : memref<10000x128xf32, #tpu.memory_space<hbm>> -> memref<10000x128xf32, #tpu.memory_space<hbm>>
        tpu.wait_indirect_dma semaphore(%run_scoped3A_56 : memref<!tpu.dma_semaphore, #tpu.memory_space<semaphore_mem>>) src(%dma_wait3A_68 : memref<10000x128xf32, #tpu.memory_space<hbm>>) dst(%arg9 : memref<128x128xf32, #tpu.memory_space<vmem>>)
        tpu.yield
      }) : () -> ()
      %dma_wait3A = arith.constant 0 : i32
      %dma_wait3A_46 = tpu.memref_slice %arg4[%add3A, %add3A_40, %dma_wait3A] : memref<32x79x128xf32, #tpu.memory_space<hbm>> -> memref<1x1x128xf32, #tpu.memory_space<hbm>>
      %dma_wait3A_47 = tpu.memref_squeeze %dma_wait3A_46 : memref<1x1x128xf32, #tpu.memory_space<hbm>> -> memref<128xf32, #tpu.memory_space<hbm>>
      %dma_wait3A_48 = arith.constant 0 : i32
      %dma_wait3A_49 = tpu.memref_slice %arg4[%add3A, %add3A_40, %dma_wait3A_48] : memref<32x79x128xf32, #tpu.memory_space<hbm>> -> memref<1x1x128xf32, #tpu.memory_space<hbm>>
      %dma_wait3A_50 = tpu.memref_squeeze %dma_wait3A_49 : memref<1x1x128xf32, #tpu.memory_space<hbm>> -> memref<128xf32, #tpu.memory_space<hbm>>
      tpu.wait_dma2 semaphore(%arg11 : memref<!tpu.dma_semaphore, #tpu.memory_space<semaphore_mem>>) src(%dma_wait3A_50 : memref<128xf32, #tpu.memory_space<hbm>>) dst(%arg8 : memref<128xf32, #tpu.memory_space<vmem>>)
      %scan3A_51 = arith.constant 0 : i32
      %scan3A_52 = arith.constant 8 : i32
      %scan3A_53 = arith.addi %scan3A_51, %scan3A_52 : i32
      %scan3A_54 = arith.constant 1 : i32
      scf.for %scan3A_56 = %scan3A_51 to %scan3A_53 step %scan3A_54  : i32 {
        %mul3A_57 = arith.constant 16 : i32
        %mul3A_58 = arith.muli %scan3A_56, %mul3A_57 : i32
        %add3A_59 = arith.constant 0 : i32
        %add3A_60 = arith.addi %add3A_59, %mul3A_58 : i32
        %get3A = arith.index_cast %add3A_60 : i32 to index
        %get3A_61 = tpu.vector_load %arg8[%get3A] {strides = array<i32>} : memref<128xf32, #tpu.memory_space<vmem>>, vector<16xf32>,
        %broadcast_in_dim3A = arith.constant 0 : i32
        %broadcast_in_dim3A_62 = vector.broadcast %broadcast_in_dim3A : i32 to vector<16xi32>
        %lt3A = arith.constant 0 : i32
        %lt3A_63 = vector.broadcast %lt3A : i32 to vector<16xi32>
        %lt3A_64 = arith.cmpi slt, %broadcast_in_dim3A_62, %lt3A_63 : vector<16xi32>
        %add3A_65 = arith.constant 16 : i32
        %add3A_66 = vector.broadcast %add3A_65 : i32 to vector<16xi32>
        %add3A_67 = arith.addi %broadcast_in_dim3A_62, %add3A_66 : vector<16xi32>
        %select_n3A = arith.select %lt3A_64, %add3A_67, %broadcast_in_dim3A_62 : vector<16xi1>, vector<16xi32>
        %broadcast_in_dim3A_68 = vector.shape_cast %select_n3A : vector<16xi32> to vector<16x1xi32>
        %gather3A = vector.shape_cast %broadcast_in_dim3A_68 : vector<16x1xi32> to vector<16xi32>
        %gather3A_69 = tpu.dynamic_gather %get3A_61[%gather3A] in [0] : vector<16xf32>, vector<16xi32> -> vector<16xf32>
        %add3A_70 = arith.constant 0 : i32
        %add3A_71 = arith.addi %add3A_60, %add3A_70 : i32
        %get3A_72 = arith.index_cast %add3A_71 : i32 to index
        %get3A_73 = arith.constant 0 : index
        %get3A_74 = tpu.vector_load %arg9[%get3A_72, %get3A_73] {strides = array<i32>} : memref<128x128xf32, #tpu.memory_space<vmem>>, vector<16xf32>,
        %mul3A_75 = arith.mulf %get3A_74, %gather3A_69 : vector<16xf32>
        %add3A_76 = arith.constant 0 : i32
        %add3A_77 = arith.addi %add3A_60, %add3A_76 : i32
        %swap3A = arith.index_cast %add3A_77 : i32 to index
        %swap3A_78 = arith.constant 0 : index
        %swap3A_79 = tpu.vector_load %arg9[%swap3A, %swap3A_78] {strides = array<i32>} : memref<128x128xf32, #tpu.memory_space<vmem>>, vector<16xf32>,
        tpu.vector_store %arg9[%swap3A, %swap3A_78], %mul3A_75 {strides = array<i32>} : memref<128x128xf32, #tpu.memory_space<vmem>>, vector<16xf32>,
        %add3A_80 = arith.constant 0 : i32
        %add3A_81 = arith.addi %add3A_60, %add3A_80 : i32
        %get3A_82 = arith.index_cast %add3A_81 : i32 to index
        %get3A_83 = arith.constant 16 : index
        %get3A_84 = tpu.vector_load %arg9[%get3A_82, %get3A_83] {strides = array<i32>} : memref<128x128xf32, #tpu.memory_space<vmem>>, vector<16xf32>,
        %mul3A_85 = arith.mulf %get3A_84, %gather3A_69 : vector<16xf32>
        %add3A_86 = arith.constant 0 : i32
        %add3A_87 = arith.addi %add3A_60, %add3A_86 : i32
        %swap3A_88 = arith.index_cast %add3A_87 : i32 to index
        %swap3A_89 = arith.constant 16 : index
        %swap3A_90 = tpu.vector_load %arg9[%swap3A_88, %swap3A_89] {strides = array<i32>} : memref<128x128xf32, #tpu.memory_space<vmem>>, vector<16xf32>,
        tpu.vector_store %arg9[%swap3A_88, %swap3A_89], %mul3A_85 {strides = array<i32>} : memref<128x128xf32, #tpu.memory_space<vmem>>, vector<16xf32>,
        %add3A_91 = arith.constant 0 : i32
        %add3A_92 = arith.addi %add3A_60, %add3A_91 : i32
        %get3A_93 = arith.index_cast %add3A_92 : i32 to index
        %get3A_94 = arith.constant 32 : index
        %get3A_95 = tpu.vector_load %arg9[%get3A_93, %get3A_94] {strides = array<i32>} : memref<128x128xf32, #tpu.memory_space<vmem>>, vector<16xf32>,
        %mul3A_96 = arith.mulf %get3A_95, %gather3A_69 : vector<16xf32>
        %add3A_97 = arith.constant 0 : i32
        %add3A_98 = arith.addi %add3A_60, %add3A_97 : i32
        %swap3A_99 = arith.index_cast %add3A_98 : i32 to index
        %swap3A_100 = arith.constant 32 : index
        %swap3A_101 = tpu.vector_load %arg9[%swap3A_99, %swap3A_100] {strides = array<i32>} : memref<128x128xf32, #tpu.memory_space<vmem>>, vector<16xf32>,
        tpu.vector_store %arg9[%swap3A_99, %swap3A_100], %mul3A_96 {strides = array<i32>} : memref<128x128xf32, #tpu.memory_space<vmem>>, vector<16xf32>,
        %add3A_102 = arith.constant 0 : i32
        %add3A_103 = arith.addi %add3A_60, %add3A_102 : i32
        %get3A_104 = arith.index_cast %add3A_103 : i32 to index
        %get3A_105 = arith.constant 48 : index
        %get3A_106 = tpu.vector_load %arg9[%get3A_104, %get3A_105] {strides = array<i32>} : memref<128x128xf32, #tpu.memory_space<vmem>>, vector<16xf32>,
        %mul3A_107 = arith.mulf %get3A_106, %gather3A_69 : vector<16xf32>
        %add3A_108 = arith.constant 0 : i32
        %add3A_109 = arith.addi %add3A_60, %add3A_108 : i32
        %swap3A_110 = arith.index_cast %add3A_109 : i32 to index
        %swap3A_111 = arith.constant 48 : index
        %swap3A_112 = tpu.vector_load %arg9[%swap3A_110, %swap3A_111] {strides = array<i32>} : memref<128x128xf32, #tpu.memory_space<vmem>>, vector<16xf32>,
        tpu.vector_store %arg9[%swap3A_110, %swap3A_111], %mul3A_107 {strides = array<i32>} : memref<128x128xf32, #tpu.memory_space<vmem>>, vector<16xf32>,
        %add3A_113 = arith.constant 0 : i32
        %add3A_114 = arith.addi %add3A_60, %add3A_113 : i32
        %get3A_115 = arith.index_cast %add3A_114 : i32 to index
        %get3A_116 = arith.constant 64 : index
        %get3A_117 = tpu.vector_load %arg9[%get3A_115, %get3A_116] {strides = array<i32>} : memref<128x128xf32, #tpu.memory_space<vmem>>, vector<16xf32>,
        %mul3A_118 = arith.mulf %get3A_117, %gather3A_69 : vector<16xf32>
        %add3A_119 = arith.constant 0 : i32
        %add3A_120 = arith.addi %add3A_60, %add3A_119 : i32
        %swap3A_121 = arith.index_cast %add3A_120 : i32 to index
        %swap3A_122 = arith.constant 64 : index
        %swap3A_123 = tpu.vector_load %arg9[%swap3A_121, %swap3A_122] {strides = array<i32>} : memref<128x128xf32, #tpu.memory_space<vmem>>, vector<16xf32>,
        tpu.vector_store %arg9[%swap3A_121, %swap3A_122], %mul3A_118 {strides = array<i32>} : memref<128x128xf32, #tpu.memory_space<vmem>>, vector<16xf32>,
        %add3A_124 = arith.constant 0 : i32
        %add3A_125 = arith.addi %add3A_60, %add3A_124 : i32
        %get3A_126 = arith.index_cast %add3A_125 : i32 to index
        %get3A_127 = arith.constant 80 : index
        %get3A_128 = tpu.vector_load %arg9[%get3A_126, %get3A_127] {strides = array<i32>} : memref<128x128xf32, #tpu.memory_space<vmem>>, vector<16xf32>,
        %mul3A_129 = arith.mulf %get3A_128, %gather3A_69 : vector<16xf32>
        %add3A_130 = arith.constant 0 : i32
        %add3A_131 = arith.addi %add3A_60, %add3A_130 : i32
        %swap3A_132 = arith.index_cast %add3A_131 : i32 to index
        %swap3A_133 = arith.constant 80 : index
        %swap3A_134 = tpu.vector_load %arg9[%swap3A_132, %swap3A_133] {strides = array<i32>} : memref<128x128xf32, #tpu.memory_space<vmem>>, vector<16xf32>,
        tpu.vector_store %arg9[%swap3A_132, %swap3A_133], %mul3A_129 {strides = array<i32>} : memref<128x128xf32, #tpu.memory_space<vmem>>, vector<16xf32>,
        %add3A_135 = arith.constant 0 : i32
        %add3A_136 = arith.addi %add3A_60, %add3A_135 : i32
        %get3A_137 = arith.index_cast %add3A_136 : i32 to index
        %get3A_138 = arith.constant 96 : index
        %get3A_139 = tpu.vector_load %arg9[%get3A_137, %get3A_138] {strides = array<i32>} : memref<128x128xf32, #tpu.memory_space<vmem>>, vector<16xf32>,
        %mul3A_140 = arith.mulf %get3A_139, %gather3A_69 : vector<16xf32>
        %add3A_141 = arith.constant 0 : i32
        %add3A_142 = arith.addi %add3A_60, %add3A_141 : i32
        %swap3A_143 = arith.index_cast %add3A_142 : i32 to index
        %swap3A_144 = arith.constant 96 : index
        %swap3A_145 = tpu.vector_load %arg9[%swap3A_143, %swap3A_144] {strides = array<i32>} : memref<128x128xf32, #tpu.memory_space<vmem>>, vector<16xf32>,
        tpu.vector_store %arg9[%swap3A_143, %swap3A_144], %mul3A_140 {strides = array<i32>} : memref<128x128xf32, #tpu.memory_space<vmem>>, vector<16xf32>,
        %add3A_146 = arith.constant 0 : i32
        %add3A_147 = arith.addi %add3A_60, %add3A_146 : i32
        %get3A_148 = arith.index_cast %add3A_147 : i32 to index
        %get3A_149 = arith.constant 112 : index
        %get3A_150 = tpu.vector_load %arg9[%get3A_148, %get3A_149] {strides = array<i32>} : memref<128x128xf32, #tpu.memory_space<vmem>>, vector<16xf32>,
        %mul3A_151 = arith.mulf %get3A_150, %gather3A_69 : vector<16xf32>
        %add3A_152 = arith.constant 0 : i32
        %add3A_153 = arith.addi %add3A_60, %add3A_152 : i32
        %swap3A_154 = arith.index_cast %add3A_153 : i32 to index
        %swap3A_155 = arith.constant 112 : index
        %swap3A_156 = tpu.vector_load %arg9[%swap3A_154, %swap3A_155] {strides = array<i32>} : memref<128x128xf32, #tpu.memory_space<vmem>>, vector<16xf32>,
        tpu.vector_store %arg9[%swap3A_154, %swap3A_155], %mul3A_151 {strides = array<i32>} : memref<128x128xf32, #tpu.memory_space<vmem>>, vector<16xf32>,
        %broadcast_in_dim3A_157 = arith.constant 1 : i32
        %broadcast_in_dim3A_158 = vector.broadcast %broadcast_in_dim3A_157 : i32 to vector<16xi32>
        %lt3A_159 = arith.constant 0 : i32
        %lt3A_160 = vector.broadcast %lt3A_159 : i32 to vector<16xi32>
        %lt3A_161 = arith.cmpi slt, %broadcast_in_dim3A_158, %lt3A_160 : vector<16xi32>
        %add3A_162 = arith.constant 16 : i32
        %add3A_163 = vector.broadcast %add3A_162 : i32 to vector<16xi32>
        %add3A_164 = arith.addi %broadcast_in_dim3A_158, %add3A_163 : vector<16xi32>
        %select_n3A_165 = arith.select %lt3A_161, %add3A_164, %broadcast_in_dim3A_158 : vector<16xi1>, vector<16xi32>
        %broadcast_in_dim3A_166 = vector.shape_cast %select_n3A_165 : vector<16xi32> to vector<16x1xi32>
        %gather3A_167 = vector.shape_cast %broadcast_in_dim3A_166 : vector<16x1xi32> to vector<16xi32>
        %gather3A_168 = tpu.dynamic_gather %get3A_61[%gather3A_167] in [0] : vector<16xf32>, vector<16xi32> -> vector<16xf32>
        %add3A_169 = arith.constant 1 : i32
        %add3A_170 = arith.addi %add3A_60, %add3A_169 : i32
        %get3A_171 = arith.index_cast %add3A_170 : i32 to index
        %get3A_172 = arith.constant 0 : index
        %get3A_173 = tpu.vector_load %arg9[%get3A_171, %get3A_172] {strides = array<i32>} : memref<128x128xf32, #tpu.memory_space<vmem>>, vector<16xf32>,
        %mul3A_174 = arith.mulf %get3A_173, %gather3A_168 : vector<16xf32>
        %add3A_175 = arith.constant 1 : i32
        %add3A_176 = arith.addi %add3A_60, %add3A_175 : i32
        %swap3A_177 = arith.index_cast %add3A_176 : i32 to index
        %swap3A_178 = arith.constant 0 : index
        %swap3A_179 = tpu.vector_load %arg9[%swap3A_177, %swap3A_178] {strides = array<i32>} : memref<128x128xf32, #tpu.memory_space<vmem>>, vector<16xf32>,
        tpu.vector_store %arg9[%swap3A_177, %swap3A_178], %mul3A_174 {strides = array<i32>} : memref<128x128xf32, #tpu.memory_space<vmem>>, vector<16xf32>,
        %add3A_180 = arith.constant 1 : i32
        %add3A_181 = arith.addi %add3A_60, %add3A_180 : i32
        %get3A_182 = arith.index_cast %add3A_181 : i32 to index
        %get3A_183 = arith.constant 16 : index
        %get3A_184 = tpu.vector_load %arg9[%get3A_182, %get3A_183] {strides = array<i32>} : memref<128x128xf32, #tpu.memory_space<vmem>>, vector<16xf32>,
        %mul3A_185 = arith.mulf %get3A_184, %gather3A_168 : vector<16xf32>
        %add3A_186 = arith.constant 1 : i32
        %add3A_187 = arith.addi %add3A_60, %add3A_186 : i32
        %swap3A_188 = arith.index_cast %add3A_187 : i32 to index
        %swap3A_189 = arith.constant 16 : index
        %swap3A_190 = tpu.vector_load %arg9[%swap3A_188, %swap3A_189] {strides = array<i32>} : memref<128x128xf32, #tpu.memory_space<vmem>>, vector<16xf32>,
        tpu.vector_store %arg9[%swap3A_188, %swap3A_189], %mul3A_185 {strides = array<i32>} : memref<128x128xf32, #tpu.memory_space<vmem>>, vector<16xf32>,
        %add3A_191 = arith.constant 1 : i32
        %add3A_192 = arith.addi %add3A_60, %add3A_191 : i32
        %get3A_193 = arith.index_cast %add3A_192 : i32 to index
        %get3A_194 = arith.constant 32 : index
        %get3A_195 = tpu.vector_load %arg9[%get3A_193, %get3A_194] {strides = array<i32>} : memref<128x128xf32, #tpu.memory_space<vmem>>, vector<16xf32>,
        %mul3A_196 = arith.mulf %get3A_195, %gather3A_168 : vector<16xf32>
        %add3A_197 = arith.constant 1 : i32
        %add3A_198 = arith.addi %add3A_60, %add3A_197 : i32
        %swap3A_199 = arith.index_cast %add3A_198 : i32 to index
        %swap3A_200 = arith.constant 32 : index
        %swap3A_201 = tpu.vector_load %arg9[%swap3A_199, %swap3A_200] {strides = array<i32>} : memref<128x128xf32, #tpu.memory_space<vmem>>, vector<16xf32>,
        tpu.vector_store %arg9[%swap3A_199, %swap3A_200], %mul3A_196 {strides = array<i32>} : memref<128x128xf32, #tpu.memory_space<vmem>>, vector<16xf32>,
        %add3A_202 = arith.constant 1 : i32
        %add3A_203 = arith.addi %add3A_60, %add3A_202 : i32
        %get3A_204 = arith.index_cast %add3A_203 : i32 to index
        %get3A_205 = arith.constant 48 : index
        %get3A_206 = tpu.vector_load %arg9[%get3A_204, %get3A_205] {strides = array<i32>} : memref<128x128xf32, #tpu.memory_space<vmem>>, vector<16xf32>,
        %mul3A_207 = arith.mulf %get3A_206, %gather3A_168 : vector<16xf32>
        %add3A_208 = arith.constant 1 : i32
        %add3A_209 = arith.addi %add3A_60, %add3A_208 : i32
        %swap3A_210 = arith.index_cast %add3A_209 : i32 to index
        %swap3A_211 = arith.constant 48 : index
        %swap3A_212 = tpu.vector_load %arg9[%swap3A_210, %swap3A_211] {strides = array<i32>} : memref<128x128xf32, #tpu.memory_space<vmem>>, vector<16xf32>,
        tpu.vector_store %arg9[%swap3A_210, %swap3A_211], %mul3A_207 {strides = array<i32>} : memref<128x128xf32, #tpu.memory_space<vmem>>, vector<16xf32>,
        %add3A_213 = arith.constant 1 : i32
        %add3A_214 = arith.addi %add3A_60, %add3A_213 : i32
        %get3A_215 = arith.index_cast %add3A_214 : i32 to index
        %get3A_216 = arith.constant 64 : index
        %get3A_217 = tpu.vector_load %arg9[%get3A_215, %get3A_216] {strides = array<i32>} : memref<128x128xf32, #tpu.memory_space<vmem>>, vector<16xf32>,
        %mul3A_218 = arith.mulf %get3A_217, %gather3A_168 : vector<16xf32>
        %add3A_219 = arith.constant 1 : i32
        %add3A_220 = arith.addi %add3A_60, %add3A_219 : i32
        %swap3A_221 = arith.index_cast %add3A_220 : i32 to index
        %swap3A_222 = arith.constant 64 : index
        %swap3A_223 = tpu.vector_load %arg9[%swap3A_221, %swap3A_222] {strides = array<i32>} : memref<128x128xf32, #tpu.memory_space<vmem>>, vector<16xf32>,
        tpu.vector_store %arg9[%swap3A_221, %swap3A_222], %mul3A_218 {strides = array<i32>} : memref<128x128xf32, #tpu.memory_space<vmem>>, vector<16xf32>,
        %add3A_224 = arith.constant 1 : i32
        %add3A_225 = arith.addi %add3A_60, %add3A_224 : i32
        %get3A_226 = arith.index_cast %add3A_225 : i32 to index
        %get3A_227 = arith.constant 80 : index
        %get3A_228 = tpu.vector_load %arg9[%get3A_226, %get3A_227] {strides = array<i32>} : memref<128x128xf32, #tpu.memory_space<vmem>>, vector<16xf32>,
        %mul3A_229 = arith.mulf %get3A_228, %gather3A_168 : vector<16xf32>
        %add3A_230 = arith.constant 1 : i32
        %add3A_231 = arith.addi %add3A_60, %add3A_230 : i32
        %swap3A_232 = arith.index_cast %add3A_231 : i32 to index
        %swap3A_233 = arith.constant 80 : index
        %swap3A_234 = tpu.vector_load %arg9[%swap3A_232, %swap3A_233] {strides = array<i32>} : memref<128x128xf32, #tpu.memory_space<vmem>>, vector<16xf32>,
        tpu.vector_store %arg9[%swap3A_232, %swap3A_233], %mul3A_229 {strides = array<i32>} : memref<128x128xf32, #tpu.memory_space<vmem>>, vector<16xf32>,
        %add3A_235 = arith.constant 1 : i32
        %add3A_236 = arith.addi %add3A_60, %add3A_235 : i32
        %get3A_237 = arith.index_cast %add3A_236 : i32 to index
        %get3A_238 = arith.constant 96 : index
        %get3A_239 = tpu.vector_load %arg9[%get3A_237, %get3A_238] {strides = array<i32>} : memref<128x128xf32, #tpu.memory_space<vmem>>, vector<16xf32>,
        %mul3A_240 = arith.mulf %get3A_239, %gather3A_168 : vector<16xf32>
        %add3A_241 = arith.constant 1 : i32
        %add3A_242 = arith.addi %add3A_60, %add3A_241 : i32
        %swap3A_243 = arith.index_cast %add3A_242 : i32 to index
        %swap3A_244 = arith.constant 96 : index
        %swap3A_245 = tpu.vector_load %arg9[%swap3A_243, %swap3A_244] {strides = array<i32>} : memref<128x128xf32, #tpu.memory_space<vmem>>, vector<16xf32>,
        tpu.vector_store %arg9[%swap3A_243, %swap3A_244], %mul3A_240 {strides = array<i32>} : memref<128x128xf32, #tpu.memory_space<vmem>>, vector<16xf32>,
        %add3A_246 = arith.constant 1 : i32
        %add3A_247 = arith.addi %add3A_60, %add3A_246 : i32
        %get3A_248 = arith.index_cast %add3A_247 : i32 to index
        %get3A_249 = arith.constant 112 : index
        %get3A_250 = tpu.vector_load %arg9[%get3A_248, %get3A_249] {strides = array<i32>} : memref<128x128xf32, #tpu.memory_space<vmem>>, vector<16xf32>,
        %mul3A_251 = arith.mulf %get3A_250, %gather3A_168 : vector<16xf32>
        %add3A_252 = arith.constant 1 : i32
        %add3A_253 = arith.addi %add3A_60, %add3A_252 : i32
        %swap3A_254 = arith.index_cast %add3A_253 : i32 to index
        %swap3A_255 = arith.constant 112 : index
        %swap3A_256 = tpu.vector_load %arg9[%swap3A_254, %swap3A_255] {strides = array<i32>} : memref<128x128xf32, #tpu.memory_space<vmem>>, vector<16xf32>,
        tpu.vector_store %arg9[%swap3A_254, %swap3A_255], %mul3A_251 {strides = array<i32>} : memref<128x128xf32, #tpu.memory_space<vmem>>, vector<16xf32>,
        %broadcast_in_dim3A_257 = arith.constant 2 : i32
        %broadcast_in_dim3A_258 = vector.broadcast %broadcast_in_dim3A_257 : i32 to vector<16xi32>
        %lt3A_259 = arith.constant 0 : i32
        %lt3A_260 = vector.broadcast %lt3A_259 : i32 to vector<16xi32>
        %lt3A_261 = arith.cmpi slt, %broadcast_in_dim3A_258, %lt3A_260 : vector<16xi32>
        %add3A_262 = arith.constant 16 : i32
        %add3A_263 = vector.broadcast %add3A_262 : i32 to vector<16xi32>
        %add3A_264 = arith.addi %broadcast_in_dim3A_258, %add3A_263 : vector<16xi32>
        %select_n3A_265 = arith.select %lt3A_261, %add3A_264, %broadcast_in_dim3A_258 : vector<16xi1>, vector<16xi32>
        %broadcast_in_dim3A_266 = vector.shape_cast %select_n3A_265 : vector<16xi32> to vector<16x1xi32>
        %gather3A_267 = vector.shape_cast %broadcast_in_dim3A_266 : vector<16x1xi32> to vector<16xi32>
        %gather3A_268 = tpu.dynamic_gather %get3A_61[%gather3A_267] in [0] : vector<16xf32>, vector<16xi32> -> vector<16xf32>
        %add3A_269 = arith.constant 2 : i32
        %add3A_270 = arith.addi %add3A_60, %add3A_269 : i32
        %get3A_271 = arith.index_cast %add3A_270 : i32 to index
        %get3A_272 = arith.constant 0 : index
        %get3A_273 = tpu.vector_load %arg9[%get3A_271, %get3A_272] {strides = array<i32>} : memref<128x128xf32, #tpu.memory_space<vmem>>, vector<16xf32>,
        %mul3A_274 = arith.mulf %get3A_273, %gather3A_268 : vector<16xf32>
        %add3A_275 = arith.constant 2 : i32
        %add3A_276 = arith.addi %add3A_60, %add3A_275 : i32
        %swap3A_277 = arith.index_cast %add3A_276 : i32 to index
        %swap3A_278 = arith.constant 0 : index
        %swap3A_279 = tpu.vector_load %arg9[%swap3A_277, %swap3A_278] {strides = array<i32>} : memref<128x128xf32, #tpu.memory_space<vmem>>, vector<16xf32>,
        tpu.vector_store %arg9[%swap3A_277, %swap3A_278], %mul3A_274 {strides = array<i32>} : memref<128x128xf32, #tpu.memory_space<vmem>>, vector<16xf32>,
        %add3A_280 = arith.constant 2 : i32
        %add3A_281 = arith.addi %add3A_60, %add3A_280 : i32
        %get3A_282 = arith.index_cast %add3A_281 : i32 to index
        %get3A_283 = arith.constant 16 : index
        %get3A_284 = tpu.vector_load %arg9[%get3A_282, %get3A_283] {strides = array<i32>} : memref<128x128xf32, #tpu.memory_space<vmem>>, vector<16xf32>,
        %mul3A_285 = arith.mulf %get3A_284, %gather3A_268 : vector<16xf32>
        %add3A_286 = arith.constant 2 : i32
        %add3A_287 = arith.addi %add3A_60, %add3A_286 : i32
        %swap3A_288 = arith.index_cast %add3A_287 : i32 to index
        %swap3A_289 = arith.constant 16 : index
        %swap3A_290 = tpu.vector_load %arg9[%swap3A_288, %swap3A_289] {strides = array<i32>} : memref<128x128xf32, #tpu.memory_space<vmem>>, vector<16xf32>,
        tpu.vector_store %arg9[%swap3A_288, %swap3A_289], %mul3A_285 {strides = array<i32>} : memref<128x128xf32, #tpu.memory_space<vmem>>, vector<16xf32>,
        %add3A_291 = arith.constant 2 : i32
        %add3A_292 = arith.addi %add3A_60, %add3A_291 : i32
        %get3A_293 = arith.index_cast %add3A_292 : i32 to index
        %get3A_294 = arith.constant 32 : index
        %get3A_295 = tpu.vector_load %arg9[%get3A_293, %get3A_294] {strides = array<i32>} : memref<128x128xf32, #tpu.memory_space<vmem>>, vector<16xf32>,
        %mul3A_296 = arith.mulf %get3A_295, %gather3A_268 : vector<16xf32>
        %add3A_297 = arith.constant 2 : i32
        %add3A_298 = arith.addi %add3A_60, %add3A_297 : i32
        %swap3A_299 = arith.index_cast %add3A_298 : i32 to index
        %swap3A_300 = arith.constant 32 : index
        %swap3A_301 = tpu.vector_load %arg9[%swap3A_299, %swap3A_300] {strides = array<i32>} : memref<128x128xf32, #tpu.memory_space<vmem>>, vector<16xf32>,
        tpu.vector_store %arg9[%swap3A_299, %swap3A_300], %mul3A_296 {strides = array<i32>} : memref<128x128xf32, #tpu.memory_space<vmem>>, vector<16xf32>,
        %add3A_302 = arith.constant 2 : i32
        %add3A_303 = arith.addi %add3A_60, %add3A_302 : i32
        %get3A_304 = arith.index_cast %add3A_303 : i32 to index
        %get3A_305 = arith.constant 48 : index
        %get3A_306 = tpu.vector_load %arg9[%get3A_304, %get3A_305] {strides = array<i32>} : memref<128x128xf32, #tpu.memory_space<vmem>>, vector<16xf32>,
        %mul3A_307 = arith.mulf %get3A_306, %gather3A_268 : vector<16xf32>
        %add3A_308 = arith.constant 2 : i32
        %add3A_309 = arith.addi %add3A_60, %add3A_308 : i32
        %swap3A_310 = arith.index_cast %add3A_309 : i32 to index
        %swap3A_311 = arith.constant 48 : index
        %swap3A_312 = tpu.vector_load %arg9[%swap3A_310, %swap3A_311] {strides = array<i32>} : memref<128x128xf32, #tpu.memory_space<vmem>>, vector<16xf32>,
        tpu.vector_store %arg9[%swap3A_310, %swap3A_311], %mul3A_307 {strides = array<i32>} : memref<128x128xf32, #tpu.memory_space<vmem>>, vector<16xf32>,
        %add3A_313 = arith.constant 2 : i32
        %add3A_314 = arith.addi %add3A_60, %add3A_313 : i32
        %get3A_315 = arith.index_cast %add3A_314 : i32 to index
        %get3A_316 = arith.constant 64 : index
        %get3A_317 = tpu.vector_load %arg9[%get3A_315, %get3A_316] {strides = array<i32>} : memref<128x128xf32, #tpu.memory_space<vmem>>, vector<16xf32>,
        %mul3A_318 = arith.mulf %get3A_317, %gather3A_268 : vector<16xf32>
        %add3A_319 = arith.constant 2 : i32
        %add3A_320 = arith.addi %add3A_60, %add3A_319 : i32
        %swap3A_321 = arith.index_cast %add3A_320 : i32 to index
        %swap3A_322 = arith.constant 64 : index
        %swap3A_323 = tpu.vector_load %arg9[%swap3A_321, %swap3A_322] {strides = array<i32>} : memref<128x128xf32, #tpu.memory_space<vmem>>, vector<16xf32>,
        tpu.vector_store %arg9[%swap3A_321, %swap3A_322], %mul3A_318 {strides = array<i32>} : memref<128x128xf32, #tpu.memory_space<vmem>>, vector<16xf32>,
        %add3A_324 = arith.constant 2 : i32
        %add3A_325 = arith.addi %add3A_60, %add3A_324 : i32
        %get3A_326 = arith.index_cast %add3A_325 : i32 to index
        %get3A_327 = arith.constant 80 : index
        %get3A_328 = tpu.vector_load %arg9[%get3A_326, %get3A_327] {strides = array<i32>} : memref<128x128xf32, #tpu.memory_space<vmem>>, vector<16xf32>,
        %mul3A_329 = arith.mulf %get3A_328, %gather3A_268 : vector<16xf32>
        %add3A_330 = arith.constant 2 : i32
        %add3A_331 = arith.addi %add3A_60, %add3A_330 : i32
        %swap3A_332 = arith.index_cast %add3A_331 : i32 to index
        %swap3A_333 = arith.constant 80 : index
        %swap3A_334 = tpu.vector_load %arg9[%swap3A_332, %swap3A_333] {strides = array<i32>} : memref<128x128xf32, #tpu.memory_space<vmem>>, vector<16xf32>,
        tpu.vector_store %arg9[%swap3A_332, %swap3A_333], %mul3A_329 {strides = array<i32>} : memref<128x128xf32, #tpu.memory_space<vmem>>, vector<16xf32>,
        %add3A_335 = arith.constant 2 : i32
        %add3A_336 = arith.addi %add3A_60, %add3A_335 : i32
        %get3A_337 = arith.index_cast %add3A_336 : i32 to index
        %get3A_338 = arith.constant 96 : index
        %get3A_339 = tpu.vector_load %arg9[%get3A_337, %get3A_338] {strides = array<i32>} : memref<128x128xf32, #tpu.memory_space<vmem>>, vector<16xf32>,
        %mul3A_340 = arith.mulf %get3A_339, %gather3A_268 : vector<16xf32>
        %add3A_341 = arith.constant 2 : i32
        %add3A_342 = arith.addi %add3A_60, %add3A_341 : i32
        %swap3A_343 = arith.index_cast %add3A_342 : i32 to index
        %swap3A_344 = arith.constant 96 : index
        %swap3A_345 = tpu.vector_load %arg9[%swap3A_343, %swap3A_344] {strides = array<i32>} : memref<128x128xf32, #tpu.memory_space<vmem>>, vector<16xf32>,
        tpu.vector_store %arg9[%swap3A_343, %swap3A_344], %mul3A_340 {strides = array<i32>} : memref<128x128xf32, #tpu.memory_space<vmem>>, vector<16xf32>,
        %add3A_346 = arith.constant 2 : i32
        %add3A_347 = arith.addi %add3A_60, %add3A_346 : i32
        %get3A_348 = arith.index_cast %add3A_347 : i32 to index
        %get3A_349 = arith.constant 112 : index
        %get3A_350 = tpu.vector_load %arg9[%get3A_348, %get3A_349] {strides = array<i32>} : memref<128x128xf32, #tpu.memory_space<vmem>>, vector<16xf32>,
        %mul3A_351 = arith.mulf %get3A_350, %gather3A_268 : vector<16xf32>
        %add3A_352 = arith.constant 2 : i32
        %add3A_353 = arith.addi %add3A_60, %add3A_352 : i32
        %swap3A_354 = arith.index_cast %add3A_353 : i32 to index
        %swap3A_355 = arith.constant 112 : index
        %swap3A_356 = tpu.vector_load %arg9[%swap3A_354, %swap3A_355] {strides = array<i32>} : memref<128x128xf32, #tpu.memory_space<vmem>>, vector<16xf32>,
        tpu.vector_store %arg9[%swap3A_354, %swap3A_355], %mul3A_351 {strides = array<i32>} : memref<128x128xf32, #tpu.memory_space<vmem>>, vector<16xf32>,
        %broadcast_in_dim3A_357 = arith.constant 3 : i32
        %broadcast_in_dim3A_358 = vector.broadcast %broadcast_in_dim3A_357 : i32 to vector<16xi32>
        %lt3A_359 = arith.constant 0 : i32
        %lt3A_360 = vector.broadcast %lt3A_359 : i32 to vector<16xi32>
        %lt3A_361 = arith.cmpi slt, %broadcast_in_dim3A_358, %lt3A_360 : vector<16xi32>
        %add3A_362 = arith.constant 16 : i32
        %add3A_363 = vector.broadcast %add3A_362 : i32 to vector<16xi32>
        %add3A_364 = arith.addi %broadcast_in_dim3A_358, %add3A_363 : vector<16xi32>
        %select_n3A_365 = arith.select %lt3A_361, %add3A_364, %broadcast_in_dim3A_358 : vector<16xi1>, vector<16xi32>
        %broadcast_in_dim3A_366 = vector.shape_cast %select_n3A_365 : vector<16xi32> to vector<16x1xi32>
        %gather3A_367 = vector.shape_cast %broadcast_in_dim3A_366 : vector<16x1xi32> to vector<16xi32>
        %gather3A_368 = tpu.dynamic_gather %get3A_61[%gather3A_367] in [0] : vector<16xf32>, vector<16xi32> -> vector<16xf32>
        %add3A_369 = arith.constant 3 : i32
        %add3A_370 = arith.addi %add3A_60, %add3A_369 : i32
        %get3A_371 = arith.index_cast %add3A_370 : i32 to index
        %get3A_372 = arith.constant 0 : index
        %get3A_373 = tpu.vector_load %arg9[%get3A_371, %get3A_372] {strides = array<i32>} : memref<128x128xf32, #tpu.memory_space<vmem>>, vector<16xf32>,
        %mul3A_374 = arith.mulf %get3A_373, %gather3A_368 : vector<16xf32>
        %add3A_375 = arith.constant 3 : i32
        %add3A_376 = arith.addi %add3A_60, %add3A_375 : i32
        %swap3A_377 = arith.index_cast %add3A_376 : i32 to index
        %swap3A_378 = arith.constant 0 : index
        %swap3A_379 = tpu.vector_load %arg9[%swap3A_377, %swap3A_378] {strides = array<i32>} : memref<128x128xf32, #tpu.memory_space<vmem>>, vector<16xf32>,
        tpu.vector_store %arg9[%swap3A_377, %swap3A_378], %mul3A_374 {strides = array<i32>} : memref<128x128xf32, #tpu.memory_space<vmem>>, vector<16xf32>,
        %add3A_380 = arith.constant 3 : i32
        %add3A_381 = arith.addi %add3A_60, %add3A_380 : i32
        %get3A_382 = arith.index_cast %add3A_381 : i32 to index
        %get3A_383 = arith.constant 16 : index
        %get3A_384 = tpu.vector_load %arg9[%get3A_382, %get3A_383] {strides = array<i32>} : memref<128x128xf32, #tpu.memory_space<vmem>>, vector<16xf32>,
        %mul3A_385 = arith.mulf %get3A_384, %gather3A_368 : vector<16xf32>
        %add3A_386 = arith.constant 3 : i32
        %add3A_387 = arith.addi %add3A_60, %add3A_386 : i32
        %swap3A_388 = arith.index_cast %add3A_387 : i32 to index
        %swap3A_389 = arith.constant 16 : index
        %swap3A_390 = tpu.vector_load %arg9[%swap3A_388, %swap3A_389] {strides = array<i32>} : memref<128x128xf32, #tpu.memory_space<vmem>>, vector<16xf32>,
        tpu.vector_store %arg9[%swap3A_388, %swap3A_389], %mul3A_385 {strides = array<i32>} : memref<128x128xf32, #tpu.memory_space<vmem>>, vector<16xf32>,
        %add3A_391 = arith.constant 3 : i32
        %add3A_392 = arith.addi %add3A_60, %add3A_391 : i32
        %get3A_393 = arith.index_cast %add3A_392 : i32 to index
        %get3A_394 = arith.constant 32 : index
        %get3A_395 = tpu.vector_load %arg9[%get3A_393, %get3A_394] {strides = array<i32>} : memref<128x128xf32, #tpu.memory_space<vmem>>, vector<16xf32>,
        %mul3A_396 = arith.mulf %get3A_395, %gather3A_368 : vector<16xf32>
        %add3A_397 = arith.constant 3 : i32
        %add3A_398 = arith.addi %add3A_60, %add3A_397 : i32
        %swap3A_399 = arith.index_cast %add3A_398 : i32 to index
        %swap3A_400 = arith.constant 32 : index
        %swap3A_401 = tpu.vector_load %arg9[%swap3A_399, %swap3A_400] {strides = array<i32>} : memref<128x128xf32, #tpu.memory_space<vmem>>, vector<16xf32>,
        tpu.vector_store %arg9[%swap3A_399, %swap3A_400], %mul3A_396 {strides = array<i32>} : memref<128x128xf32, #tpu.memory_space<vmem>>, vector<16xf32>,
        %add3A_402 = arith.constant 3 : i32
        %add3A_403 = arith.addi %add3A_60, %add3A_402 : i32
        %get3A_404 = arith.index_cast %add3A_403 : i32 to index
        %get3A_405 = arith.constant 48 : index
        %get3A_406 = tpu.vector_load %arg9[%get3A_404, %get3A_405] {strides = array<i32>} : memref<128x128xf32, #tpu.memory_space<vmem>>, vector<16xf32>,
        %mul3A_407 = arith.mulf %get3A_406, %gather3A_368 : vector<16xf32>
        %add3A_408 = arith.constant 3 : i32
        %add3A_409 = arith.addi %add3A_60, %add3A_408 : i32
        %swap3A_410 = arith.index_cast %add3A_409 : i32 to index
        %swap3A_411 = arith.constant 48 : index
        %swap3A_412 = tpu.vector_load %arg9[%swap3A_410, %swap3A_411] {strides = array<i32>} : memref<128x128xf32, #tpu.memory_space<vmem>>, vector<16xf32>,
        tpu.vector_store %arg9[%swap3A_410, %swap3A_411], %mul3A_407 {strides = array<i32>} : memref<128x128xf32, #tpu.memory_space<vmem>>, vector<16xf32>,
        %add3A_413 = arith.constant 3 : i32
        %add3A_414 = arith.addi %add3A_60, %add3A_413 : i32
        %get3A_415 = arith.index_cast %add3A_414 : i32 to index
        %get3A_416 = arith.constant 64 : index
        %get3A_417 = tpu.vector_load %arg9[%get3A_415, %get3A_416] {strides = array<i32>} : memref<128x128xf32, #tpu.memory_space<vmem>>, vector<16xf32>,
        %mul3A_418 = arith.mulf %get3A_417, %gather3A_368 : vector<16xf32>
        %add3A_419 = arith.constant 3 : i32
        %add3A_420 = arith.addi %add3A_60, %add3A_419 : i32
        %swap3A_421 = arith.index_cast %add3A_420 : i32 to index
        %swap3A_422 = arith.constant 64 : index
        %swap3A_423 = tpu.vector_load %arg9[%swap3A_421, %swap3A_422] {strides = array<i32>} : memref<128x128xf32, #tpu.memory_space<vmem>>, vector<16xf32>,
        tpu.vector_store %arg9[%swap3A_421, %swap3A_422], %mul3A_418 {strides = array<i32>} : memref<128x128xf32, #tpu.memory_space<vmem>>, vector<16xf32>,
        %add3A_424 = arith.constant 3 : i32
        %add3A_425 = arith.addi %add3A_60, %add3A_424 : i32
        %get3A_426 = arith.index_cast %add3A_425 : i32 to index
        %get3A_427 = arith.constant 80 : index
        %get3A_428 = tpu.vector_load %arg9[%get3A_426, %get3A_427] {strides = array<i32>} : memref<128x128xf32, #tpu.memory_space<vmem>>, vector<16xf32>,
        %mul3A_429 = arith.mulf %get3A_428, %gather3A_368 : vector<16xf32>
        %add3A_430 = arith.constant 3 : i32
        %add3A_431 = arith.addi %add3A_60, %add3A_430 : i32
        %swap3A_432 = arith.index_cast %add3A_431 : i32 to index
        %swap3A_433 = arith.constant 80 : index
        %swap3A_434 = tpu.vector_load %arg9[%swap3A_432, %swap3A_433] {strides = array<i32>} : memref<128x128xf32, #tpu.memory_space<vmem>>, vector<16xf32>,
        tpu.vector_store %arg9[%swap3A_432, %swap3A_433], %mul3A_429 {strides = array<i32>} : memref<128x128xf32, #tpu.memory_space<vmem>>, vector<16xf32>,
        %add3A_435 = arith.constant 3 : i32
        %add3A_436 = arith.addi %add3A_60, %add3A_435 : i32
        %get3A_437 = arith.index_cast %add3A_436 : i32 to index
        %get3A_438 = arith.constant 96 : index
        %get3A_439 = tpu.vector_load %arg9[%get3A_437, %get3A_438] {strides = array<i32>} : memref<128x128xf32, #tpu.memory_space<vmem>>, vector<16xf32>,
        %mul3A_440 = arith.mulf %get3A_439, %gather3A_368 : vector<16xf32>
        %add3A_441 = arith.constant 3 : i32
        %add3A_442 = arith.addi %add3A_60, %add3A_441 : i32
        %swap3A_443 = arith.index_cast %add3A_442 : i32 to index
        %swap3A_444 = arith.constant 96 : index
        %swap3A_445 = tpu.vector_load %arg9[%swap3A_443, %swap3A_444] {strides = array<i32>} : memref<128x128xf32, #tpu.memory_space<vmem>>, vector<16xf32>,
        tpu.vector_store %arg9[%swap3A_443, %swap3A_444], %mul3A_440 {strides = array<i32>} : memref<128x128xf32, #tpu.memory_space<vmem>>, vector<16xf32>,
        %add3A_446 = arith.constant 3 : i32
        %add3A_447 = arith.addi %add3A_60, %add3A_446 : i32
        %get3A_448 = arith.index_cast %add3A_447 : i32 to index
        %get3A_449 = arith.constant 112 : index
        %get3A_450 = tpu.vector_load %arg9[%get3A_448, %get3A_449] {strides = array<i32>} : memref<128x128xf32, #tpu.memory_space<vmem>>, vector<16xf32>,
        %mul3A_451 = arith.mulf %get3A_450, %gather3A_368 : vector<16xf32>
        %add3A_452 = arith.constant 3 : i32
        %add3A_453 = arith.addi %add3A_60, %add3A_452 : i32
        %swap3A_454 = arith.index_cast %add3A_453 : i32 to index
        %swap3A_455 = arith.constant 112 : index
        %swap3A_456 = tpu.vector_load %arg9[%swap3A_454, %swap3A_455] {strides = array<i32>} : memref<128x128xf32, #tpu.memory_space<vmem>>, vector<16xf32>,
        tpu.vector_store %arg9[%swap3A_454, %swap3A_455], %mul3A_451 {strides = array<i32>} : memref<128x128xf32, #tpu.memory_space<vmem>>, vector<16xf32>,
        %broadcast_in_dim3A_457 = arith.constant 4 : i32
        %broadcast_in_dim3A_458 = vector.broadcast %broadcast_in_dim3A_457 : i32 to vector<16xi32>
        %lt3A_459 = arith.constant 0 : i32
        %lt3A_460 = vector.broadcast %lt3A_459 : i32 to vector<16xi32>
        %lt3A_461 = arith.cmpi slt, %broadcast_in_dim3A_458, %lt3A_460 : vector<16xi32>
        %add3A_462 = arith.constant 16 : i32
        %add3A_463 = vector.broadcast %add3A_462 : i32 to vector<16xi32>
        %add3A_464 = arith.addi %broadcast_in_dim3A_458, %add3A_463 : vector<16xi32>
        %select_n3A_465 = arith.select %lt3A_461, %add3A_464, %broadcast_in_dim3A_458 : vector<16xi1>, vector<16xi32>
        %broadcast_in_dim3A_466 = vector.shape_cast %select_n3A_465 : vector<16xi32> to vector<16x1xi32>
        %gather3A_467 = vector.shape_cast %broadcast_in_dim3A_466 : vector<16x1xi32> to vector<16xi32>
        %gather3A_468 = tpu.dynamic_gather %get3A_61[%gather3A_467] in [0] : vector<16xf32>, vector<16xi32> -> vector<16xf32>
        %add3A_469 = arith.constant 4 : i32
        %add3A_470 = arith.addi %add3A_60, %add3A_469 : i32
        %get3A_471 = arith.index_cast %add3A_470 : i32 to index
        %get3A_472 = arith.constant 0 : index
        %get3A_473 = tpu.vector_load %arg9[%get3A_471, %get3A_472] {strides = array<i32>} : memref<128x128xf32, #tpu.memory_space<vmem>>, vector<16xf32>,
        %mul3A_474 = arith.mulf %get3A_473, %gather3A_468 : vector<16xf32>
        %add3A_475 = arith.constant 4 : i32
        %add3A_476 = arith.addi %add3A_60, %add3A_475 : i32
        %swap3A_477 = arith.index_cast %add3A_476 : i32 to index
        %swap3A_478 = arith.constant 0 : index
        %swap3A_479 = tpu.vector_load %arg9[%swap3A_477, %swap3A_478] {strides = array<i32>} : memref<128x128xf32, #tpu.memory_space<vmem>>, vector<16xf32>,
        tpu.vector_store %arg9[%swap3A_477, %swap3A_478], %mul3A_474 {strides = array<i32>} : memref<128x128xf32, #tpu.memory_space<vmem>>, vector<16xf32>,
        %add3A_480 = arith.constant 4 : i32
        %add3A_481 = arith.addi %add3A_60, %add3A_480 : i32
        %get3A_482 = arith.index_cast %add3A_481 : i32 to index
        %get3A_483 = arith.constant 16 : index
        %get3A_484 = tpu.vector_load %arg9[%get3A_482, %get3A_483] {strides = array<i32>} : memref<128x128xf32, #tpu.memory_space<vmem>>, vector<16xf32>,
        %mul3A_485 = arith.mulf %get3A_484, %gather3A_468 : vector<16xf32>
        %add3A_486 = arith.constant 4 : i32
        %add3A_487 = arith.addi %add3A_60, %add3A_486 : i32
        %swap3A_488 = arith.index_cast %add3A_487 : i32 to index
        %swap3A_489 = arith.constant 16 : index
        %swap3A_490 = tpu.vector_load %arg9[%swap3A_488, %swap3A_489] {strides = array<i32>} : memref<128x128xf32, #tpu.memory_space<vmem>>, vector<16xf32>,
        tpu.vector_store %arg9[%swap3A_488, %swap3A_489], %mul3A_485 {strides = array<i32>} : memref<128x128xf32, #tpu.memory_space<vmem>>, vector<16xf32>,
        %add3A_491 = arith.constant 4 : i32
        %add3A_492 = arith.addi %add3A_60, %add3A_491 : i32
        %get3A_493 = arith.index_cast %add3A_492 : i32 to index
        %get3A_494 = arith.constant 32 : index
        %get3A_495 = tpu.vector_load %arg9[%get3A_493, %get3A_494] {strides = array<i32>} : memref<128x128xf32, #tpu.memory_space<vmem>>, vector<16xf32>,
        %mul3A_496 = arith.mulf %get3A_495, %gather3A_468 : vector<16xf32>
        %add3A_497 = arith.constant 4 : i32
        %add3A_498 = arith.addi %add3A_60, %add3A_497 : i32
        %swap3A_499 = arith.index_cast %add3A_498 : i32 to index
        %swap3A_500 = arith.constant 32 : index
        %swap3A_501 = tpu.vector_load %arg9[%swap3A_499, %swap3A_500] {strides = array<i32>} : memref<128x128xf32, #tpu.memory_space<vmem>>, vector<16xf32>,
        tpu.vector_store %arg9[%swap3A_499, %swap3A_500], %mul3A_496 {strides = array<i32>} : memref<128x128xf32, #tpu.memory_space<vmem>>, vector<16xf32>,
        %add3A_502 = arith.constant 4 : i32
        %add3A_503 = arith.addi %add3A_60, %add3A_502 : i32
        %get3A_504 = arith.index_cast %add3A_503 : i32 to index
        %get3A_505 = arith.constant 48 : index
        %get3A_506 = tpu.vector_load %arg9[%get3A_504, %get3A_505] {strides = array<i32>} : memref<128x128xf32, #tpu.memory_space<vmem>>, vector<16xf32>,
        %mul3A_507 = arith.mulf %get3A_506, %gather3A_468 : vector<16xf32>
        %add3A_508 = arith.constant 4 : i32
        %add3A_509 = arith.addi %add3A_60, %add3A_508 : i32
        %swap3A_510 = arith.index_cast %add3A_509 : i32 to index
        %swap3A_511 = arith.constant 48 : index
        %swap3A_512 = tpu.vector_load %arg9[%swap3A_510, %swap3A_511] {strides = array<i32>} : memref<128x128xf32, #tpu.memory_space<vmem>>, vector<16xf32>,
        tpu.vector_store %arg9[%swap3A_510, %swap3A_511], %mul3A_507 {strides = array<i32>} : memref<128x128xf32, #tpu.memory_space<vmem>>, vector<16xf32>,
        %add3A_513 = arith.constant 4 : i32
        %add3A_514 = arith.addi %add3A_60, %add3A_513 : i32
        %get3A_515 = arith.index_cast %add3A_514 : i32 to index
        %get3A_516 = arith.constant 64 : index
        %get3A_517 = tpu.vector_load %arg9[%get3A_515, %get3A_516] {strides = array<i32>} : memref<128x128xf32, #tpu.memory_space<vmem>>, vector<16xf32>,
        %mul3A_518 = arith.mulf %get3A_517, %gather3A_468 : vector<16xf32>
        %add3A_519 = arith.constant 4 : i32
        %add3A_520 = arith.addi %add3A_60, %add3A_519 : i32
        %swap3A_521 = arith.index_cast %add3A_520 : i32 to index
        %swap3A_522 = arith.constant 64 : index
        %swap3A_523 = tpu.vector_load %arg9[%swap3A_521, %swap3A_522] {strides = array<i32>} : memref<128x128xf32, #tpu.memory_space<vmem>>, vector<16xf32>,
        tpu.vector_store %arg9[%swap3A_521, %swap3A_522], %mul3A_518 {strides = array<i32>} : memref<128x128xf32, #tpu.memory_space<vmem>>, vector<16xf32>,
        %add3A_524 = arith.constant 4 : i32
        %add3A_525 = arith.addi %add3A_60, %add3A_524 : i32
        %get3A_526 = arith.index_cast %add3A_525 : i32 to index
        %get3A_527 = arith.constant 80 : index
        %get3A_528 = tpu.vector_load %arg9[%get3A_526, %get3A_527] {strides = array<i32>} : memref<128x128xf32, #tpu.memory_space<vmem>>, vector<16xf32>,
        %mul3A_529 = arith.mulf %get3A_528, %gather3A_468 : vector<16xf32>
        %add3A_530 = arith.constant 4 : i32
        %add3A_531 = arith.addi %add3A_60, %add3A_530 : i32
        %swap3A_532 = arith.index_cast %add3A_531 : i32 to index
        %swap3A_533 = arith.constant 80 : index
        %swap3A_534 = tpu.vector_load %arg9[%swap3A_532, %swap3A_533] {strides = array<i32>} : memref<128x128xf32, #tpu.memory_space<vmem>>, vector<16xf32>,
        tpu.vector_store %arg9[%swap3A_532, %swap3A_533], %mul3A_529 {strides = array<i32>} : memref<128x128xf32, #tpu.memory_space<vmem>>, vector<16xf32>,
        %add3A_535 = arith.constant 4 : i32
        %add3A_536 = arith.addi %add3A_60, %add3A_535 : i32
        %get3A_537 = arith.index_cast %add3A_536 : i32 to index
        %get3A_538 = arith.constant 96 : index
        %get3A_539 = tpu.vector_load %arg9[%get3A_537, %get3A_538] {strides = array<i32>} : memref<128x128xf32, #tpu.memory_space<vmem>>, vector<16xf32>,
        %mul3A_540 = arith.mulf %get3A_539, %gather3A_468 : vector<16xf32>
        %add3A_541 = arith.constant 4 : i32
        %add3A_542 = arith.addi %add3A_60, %add3A_541 : i32
        %swap3A_543 = arith.index_cast %add3A_542 : i32 to index
        %swap3A_544 = arith.constant 96 : index
        %swap3A_545 = tpu.vector_load %arg9[%swap3A_543, %swap3A_544] {strides = array<i32>} : memref<128x128xf32, #tpu.memory_space<vmem>>, vector<16xf32>,
        tpu.vector_store %arg9[%swap3A_543, %swap3A_544], %mul3A_540 {strides = array<i32>} : memref<128x128xf32, #tpu.memory_space<vmem>>, vector<16xf32>,
        %add3A_546 = arith.constant 4 : i32
        %add3A_547 = arith.addi %add3A_60, %add3A_546 : i32
        %get3A_548 = arith.index_cast %add3A_547 : i32 to index
        %get3A_549 = arith.constant 112 : index
        %get3A_550 = tpu.vector_load %arg9[%get3A_548, %get3A_549] {strides = array<i32>} : memref<128x128xf32, #tpu.memory_space<vmem>>, vector<16xf32>,
        %mul3A_551 = arith.mulf %get3A_550, %gather3A_468 : vector<16xf32>
        %add3A_552 = arith.constant 4 : i32
        %add3A_553 = arith.addi %add3A_60, %add3A_552 : i32
        %swap3A_554 = arith.index_cast %add3A_553 : i32 to index
        %swap3A_555 = arith.constant 112 : index
        %swap3A_556 = tpu.vector_load %arg9[%swap3A_554, %swap3A_555] {strides = array<i32>} : memref<128x128xf32, #tpu.memory_space<vmem>>, vector<16xf32>,
        tpu.vector_store %arg9[%swap3A_554, %swap3A_555], %mul3A_551 {strides = array<i32>} : memref<128x128xf32, #tpu.memory_space<vmem>>, vector<16xf32>,
        %broadcast_in_dim3A_557 = arith.constant 5 : i32
        %broadcast_in_dim3A_558 = vector.broadcast %broadcast_in_dim3A_557 : i32 to vector<16xi32>
        %lt3A_559 = arith.constant 0 : i32
        %lt3A_560 = vector.broadcast %lt3A_559 : i32 to vector<16xi32>
        %lt3A_561 = arith.cmpi slt, %broadcast_in_dim3A_558, %lt3A_560 : vector<16xi32>
        %add3A_562 = arith.constant 16 : i32
        %add3A_563 = vector.broadcast %add3A_562 : i32 to vector<16xi32>
        %add3A_564 = arith.addi %broadcast_in_dim3A_558, %add3A_563 : vector<16xi32>
        %select_n3A_565 = arith.select %lt3A_561, %add3A_564, %broadcast_in_dim3A_558 : vector<16xi1>, vector<16xi32>
        %broadcast_in_dim3A_566 = vector.shape_cast %select_n3A_565 : vector<16xi32> to vector<16x1xi32>
        %gather3A_567 = vector.shape_cast %broadcast_in_dim3A_566 : vector<16x1xi32> to vector<16xi32>
        %gather3A_568 = tpu.dynamic_gather %get3A_61[%gather3A_567] in [0] : vector<16xf32>, vector<16xi32> -> vector<16xf32>
        %add3A_569 = arith.constant 5 : i32
        %add3A_570 = arith.addi %add3A_60, %add3A_569 : i32
        %get3A_571 = arith.index_cast %add3A_570 : i32 to index
        %get3A_572 = arith.constant 0 : index
        %get3A_573 = tpu.vector_load %arg9[%get3A_571, %get3A_572] {strides = array<i32>} : memref<128x128xf32, #tpu.memory_space<vmem>>, vector<16xf32>,
        %mul3A_574 = arith.mulf %get3A_573, %gather3A_568 : vector<16xf32>
        %add3A_575 = arith.constant 5 : i32
        %add3A_576 = arith.addi %add3A_60, %add3A_575 : i32
        %swap3A_577 = arith.index_cast %add3A_576 : i32 to index
        %swap3A_578 = arith.constant 0 : index
        %swap3A_579 = tpu.vector_load %arg9[%swap3A_577, %swap3A_578] {strides = array<i32>} : memref<128x128xf32, #tpu.memory_space<vmem>>, vector<16xf32>,
        tpu.vector_store %arg9[%swap3A_577, %swap3A_578], %mul3A_574 {strides = array<i32>} : memref<128x128xf32, #tpu.memory_space<vmem>>, vector<16xf32>,
        %add3A_580 = arith.constant 5 : i32
        %add3A_581 = arith.addi %add3A_60, %add3A_580 : i32
        %get3A_582 = arith.index_cast %add3A_581 : i32 to index
        %get3A_583 = arith.constant 16 : index
        %get3A_584 = tpu.vector_load %arg9[%get3A_582, %get3A_583] {strides = array<i32>} : memref<128x128xf32, #tpu.memory_space<vmem>>, vector<16xf32>,
        %mul3A_585 = arith.mulf %get3A_584, %gather3A_568 : vector<16xf32>
        %add3A_586 = arith.constant 5 : i32
        %add3A_587 = arith.addi %add3A_60, %add3A_586 : i32
        %swap3A_588 = arith.index_cast %add3A_587 : i32 to index
        %swap3A_589 = arith.constant 16 : index
        %swap3A_590 = tpu.vector_load %arg9[%swap3A_588, %swap3A_589] {strides = array<i32>} : memref<128x128xf32, #tpu.memory_space<vmem>>, vector<16xf32>,
        tpu.vector_store %arg9[%swap3A_588, %swap3A_589], %mul3A_585 {strides = array<i32>} : memref<128x128xf32, #tpu.memory_space<vmem>>, vector<16xf32>,
        %add3A_591 = arith.constant 5 : i32
        %add3A_592 = arith.addi %add3A_60, %add3A_591 : i32
        %get3A_593 = arith.index_cast %add3A_592 : i32 to index
        %get3A_594 = arith.constant 32 : index
        %get3A_595 = tpu.vector_load %arg9[%get3A_593, %get3A_594] {strides = array<i32>} : memref<128x128xf32, #tpu.memory_space<vmem>>, vector<16xf32>,
        %mul3A_596 = arith.mulf %get3A_595, %gather3A_568 : vector<16xf32>
        %add3A_597 = arith.constant 5 : i32
        %add3A_598 = arith.addi %add3A_60, %add3A_597 : i32
        %swap3A_599 = arith.index_cast %add3A_598 : i32 to index
        %swap3A_600 = arith.constant 32 : index
        %swap3A_601 = tpu.vector_load %arg9[%swap3A_599, %swap3A_600] {strides = array<i32>} : memref<128x128xf32, #tpu.memory_space<vmem>>, vector<16xf32>,
        tpu.vector_store %arg9[%swap3A_599, %swap3A_600], %mul3A_596 {strides = array<i32>} : memref<128x128xf32, #tpu.memory_space<vmem>>, vector<16xf32>,
        %add3A_602 = arith.constant 5 : i32
        %add3A_603 = arith.addi %add3A_60, %add3A_602 : i32
        %get3A_604 = arith.index_cast %add3A_603 : i32 to index
        %get3A_605 = arith.constant 48 : index
        %get3A_606 = tpu.vector_load %arg9[%get3A_604, %get3A_605] {strides = array<i32>} : memref<128x128xf32, #tpu.memory_space<vmem>>, vector<16xf32>,
        %mul3A_607 = arith.mulf %get3A_606, %gather3A_568 : vector<16xf32>
        %add3A_608 = arith.constant 5 : i32
        %add3A_609 = arith.addi %add3A_60, %add3A_608 : i32
        %swap3A_610 = arith.index_cast %add3A_609 : i32 to index
        %swap3A_611 = arith.constant 48 : index
        %swap3A_612 = tpu.vector_load %arg9[%swap3A_610, %swap3A_611] {strides = array<i32>} : memref<128x128xf32, #tpu.memory_space<vmem>>, vector<16xf32>,
        tpu.vector_store %arg9[%swap3A_610, %swap3A_611], %mul3A_607 {strides = array<i32>} : memref<128x128xf32, #tpu.memory_space<vmem>>, vector<16xf32>,
        %add3A_613 = arith.constant 5 : i32
        %add3A_614 = arith.addi %add3A_60, %add3A_613 : i32
        %get3A_615 = arith.index_cast %add3A_614 : i32 to index
        %get3A_616 = arith.constant 64 : index
        %get3A_617 = tpu.vector_load %arg9[%get3A_615, %get3A_616] {strides = array<i32>} : memref<128x128xf32, #tpu.memory_space<vmem>>, vector<16xf32>,
        %mul3A_618 = arith.mulf %get3A_617, %gather3A_568 : vector<16xf32>
        %add3A_619 = arith.constant 5 : i32
        %add3A_620 = arith.addi %add3A_60, %add3A_619 : i32
        %swap3A_621 = arith.index_cast %add3A_620 : i32 to index
        %swap3A_622 = arith.constant 64 : index
        %swap3A_623 = tpu.vector_load %arg9[%swap3A_621, %swap3A_622] {strides = array<i32>} : memref<128x128xf32, #tpu.memory_space<vmem>>, vector<16xf32>,
        tpu.vector_store %arg9[%swap3A_621, %swap3A_622], %mul3A_618 {strides = array<i32>} : memref<128x128xf32, #tpu.memory_space<vmem>>, vector<16xf32>,
        %add3A_624 = arith.constant 5 : i32
        %add3A_625 = arith.addi %add3A_60, %add3A_624 : i32
        %get3A_626 = arith.index_cast %add3A_625 : i32 to index
        %get3A_627 = arith.constant 80 : index
        %get3A_628 = tpu.vector_load %arg9[%get3A_626, %get3A_627] {strides = array<i32>} : memref<128x128xf32, #tpu.memory_space<vmem>>, vector<16xf32>,
        %mul3A_629 = arith.mulf %get3A_628, %gather3A_568 : vector<16xf32>
        %add3A_630 = arith.constant 5 : i32
        %add3A_631 = arith.addi %add3A_60, %add3A_630 : i32
        %swap3A_632 = arith.index_cast %add3A_631 : i32 to index
        %swap3A_633 = arith.constant 80 : index
        %swap3A_634 = tpu.vector_load %arg9[%swap3A_632, %swap3A_633] {strides = array<i32>} : memref<128x128xf32, #tpu.memory_space<vmem>>, vector<16xf32>,
        tpu.vector_store %arg9[%swap3A_632, %swap3A_633], %mul3A_629 {strides = array<i32>} : memref<128x128xf32, #tpu.memory_space<vmem>>, vector<16xf32>,
        %add3A_635 = arith.constant 5 : i32
        %add3A_636 = arith.addi %add3A_60, %add3A_635 : i32
        %get3A_637 = arith.index_cast %add3A_636 : i32 to index
        %get3A_638 = arith.constant 96 : index
        %get3A_639 = tpu.vector_load %arg9[%get3A_637, %get3A_638] {strides = array<i32>} : memref<128x128xf32, #tpu.memory_space<vmem>>, vector<16xf32>,
        %mul3A_640 = arith.mulf %get3A_639, %gather3A_568 : vector<16xf32>
        %add3A_641 = arith.constant 5 : i32
        %add3A_642 = arith.addi %add3A_60, %add3A_641 : i32
        %swap3A_643 = arith.index_cast %add3A_642 : i32 to index
        %swap3A_644 = arith.constant 96 : index
        %swap3A_645 = tpu.vector_load %arg9[%swap3A_643, %swap3A_644] {strides = array<i32>} : memref<128x128xf32, #tpu.memory_space<vmem>>, vector<16xf32>,
        tpu.vector_store %arg9[%swap3A_643, %swap3A_644], %mul3A_640 {strides = array<i32>} : memref<128x128xf32, #tpu.memory_space<vmem>>, vector<16xf32>,
        %add3A_646 = arith.constant 5 : i32
        %add3A_647 = arith.addi %add3A_60, %add3A_646 : i32
        %get3A_648 = arith.index_cast %add3A_647 : i32 to index
        %get3A_649 = arith.constant 112 : index
        %get3A_650 = tpu.vector_load %arg9[%get3A_648, %get3A_649] {strides = array<i32>} : memref<128x128xf32, #tpu.memory_space<vmem>>, vector<16xf32>,
        %mul3A_651 = arith.mulf %get3A_650, %gather3A_568 : vector<16xf32>
        %add3A_652 = arith.constant 5 : i32
        %add3A_653 = arith.addi %add3A_60, %add3A_652 : i32
        %swap3A_654 = arith.index_cast %add3A_653 : i32 to index
        %swap3A_655 = arith.constant 112 : index
        %swap3A_656 = tpu.vector_load %arg9[%swap3A_654, %swap3A_655] {strides = array<i32>} : memref<128x128xf32, #tpu.memory_space<vmem>>, vector<16xf32>,
        tpu.vector_store %arg9[%swap3A_654, %swap3A_655], %mul3A_651 {strides = array<i32>} : memref<128x128xf32, #tpu.memory_space<vmem>>, vector<16xf32>,
        %broadcast_in_dim3A_657 = arith.constant 6 : i32
        %broadcast_in_dim3A_658 = vector.broadcast %broadcast_in_dim3A_657 : i32 to vector<16xi32>
        %lt3A_659 = arith.constant 0 : i32
        %lt3A_660 = vector.broadcast %lt3A_659 : i32 to vector<16xi32>
        %lt3A_661 = arith.cmpi slt, %broadcast_in_dim3A_658, %lt3A_660 : vector<16xi32>
        %add3A_662 = arith.constant 16 : i32
        %add3A_663 = vector.broadcast %add3A_662 : i32 to vector<16xi32>
        %add3A_664 = arith.addi %broadcast_in_dim3A_658, %add3A_663 : vector<16xi32>
        %select_n3A_665 = arith.select %lt3A_661, %add3A_664, %broadcast_in_dim3A_658 : vector<16xi1>, vector<16xi32>
        %broadcast_in_dim3A_666 = vector.shape_cast %select_n3A_665 : vector<16xi32> to vector<16x1xi32>
        %gather3A_667 = vector.shape_cast %broadcast_in_dim3A_666 : vector<16x1xi32> to vector<16xi32>
        %gather3A_668 = tpu.dynamic_gather %get3A_61[%gather3A_667] in [0] : vector<16xf32>, vector<16xi32> -> vector<16xf32>
        %add3A_669 = arith.constant 6 : i32
        %add3A_670 = arith.addi %add3A_60, %add3A_669 : i32
        %get3A_671 = arith.index_cast %add3A_670 : i32 to index
        %get3A_672 = arith.constant 0 : index
        %get3A_673 = tpu.vector_load %arg9[%get3A_671, %get3A_672] {strides = array<i32>} : memref<128x128xf32, #tpu.memory_space<vmem>>, vector<16xf32>,
        %mul3A_674 = arith.mulf %get3A_673, %gather3A_668 : vector<16xf32>
        %add3A_675 = arith.constant 6 : i32
        %add3A_676 = arith.addi %add3A_60, %add3A_675 : i32
        %swap3A_677 = arith.index_cast %add3A_676 : i32 to index
        %swap3A_678 = arith.constant 0 : index
        %swap3A_679 = tpu.vector_load %arg9[%swap3A_677, %swap3A_678] {strides = array<i32>} : memref<128x128xf32, #tpu.memory_space<vmem>>, vector<16xf32>,
        tpu.vector_store %arg9[%swap3A_677, %swap3A_678], %mul3A_674 {strides = array<i32>} : memref<128x128xf32, #tpu.memory_space<vmem>>, vector<16xf32>,
        %add3A_680 = arith.constant 6 : i32
        %add3A_681 = arith.addi %add3A_60, %add3A_680 : i32
        %get3A_682 = arith.index_cast %add3A_681 : i32 to index
        %get3A_683 = arith.constant 16 : index
        %get3A_684 = tpu.vector_load %arg9[%get3A_682, %get3A_683] {strides = array<i32>} : memref<128x128xf32, #tpu.memory_space<vmem>>, vector<16xf32>,
        %mul3A_685 = arith.mulf %get3A_684, %gather3A_668 : vector<16xf32>
        %add3A_686 = arith.constant 6 : i32
        %add3A_687 = arith.addi %add3A_60, %add3A_686 : i32
        %swap3A_688 = arith.index_cast %add3A_687 : i32 to index
        %swap3A_689 = arith.constant 16 : index
        %swap3A_690 = tpu.vector_load %arg9[%swap3A_688, %swap3A_689] {strides = array<i32>} : memref<128x128xf32, #tpu.memory_space<vmem>>, vector<16xf32>,
        tpu.vector_store %arg9[%swap3A_688, %swap3A_689], %mul3A_685 {strides = array<i32>} : memref<128x128xf32, #tpu.memory_space<vmem>>, vector<16xf32>,
        %add3A_691 = arith.constant 6 : i32
        %add3A_692 = arith.addi %add3A_60, %add3A_691 : i32
        %get3A_693 = arith.index_cast %add3A_692 : i32 to index
        %get3A_694 = arith.constant 32 : index
        %get3A_695 = tpu.vector_load %arg9[%get3A_693, %get3A_694] {strides = array<i32>} : memref<128x128xf32, #tpu.memory_space<vmem>>, vector<16xf32>,
        %mul3A_696 = arith.mulf %get3A_695, %gather3A_668 : vector<16xf32>
        %add3A_697 = arith.constant 6 : i32
        %add3A_698 = arith.addi %add3A_60, %add3A_697 : i32
        %swap3A_699 = arith.index_cast %add3A_698 : i32 to index
        %swap3A_700 = arith.constant 32 : index
        %swap3A_701 = tpu.vector_load %arg9[%swap3A_699, %swap3A_700] {strides = array<i32>} : memref<128x128xf32, #tpu.memory_space<vmem>>, vector<16xf32>,
        tpu.vector_store %arg9[%swap3A_699, %swap3A_700], %mul3A_696 {strides = array<i32>} : memref<128x128xf32, #tpu.memory_space<vmem>>, vector<16xf32>,
        %add3A_702 = arith.constant 6 : i32
        %add3A_703 = arith.addi %add3A_60, %add3A_702 : i32
        %get3A_704 = arith.index_cast %add3A_703 : i32 to index
        %get3A_705 = arith.constant 48 : index
        %get3A_706 = tpu.vector_load %arg9[%get3A_704, %get3A_705] {strides = array<i32>} : memref<128x128xf32, #tpu.memory_space<vmem>>, vector<16xf32>,
        %mul3A_707 = arith.mulf %get3A_706, %gather3A_668 : vector<16xf32>
        %add3A_708 = arith.constant 6 : i32
        %add3A_709 = arith.addi %add3A_60, %add3A_708 : i32
        %swap3A_710 = arith.index_cast %add3A_709 : i32 to index
        %swap3A_711 = arith.constant 48 : index
        %swap3A_712 = tpu.vector_load %arg9[%swap3A_710, %swap3A_711] {strides = array<i32>} : memref<128x128xf32, #tpu.memory_space<vmem>>, vector<16xf32>,
        tpu.vector_store %arg9[%swap3A_710, %swap3A_711], %mul3A_707 {strides = array<i32>} : memref<128x128xf32, #tpu.memory_space<vmem>>, vector<16xf32>,
        %add3A_713 = arith.constant 6 : i32
        %add3A_714 = arith.addi %add3A_60, %add3A_713 : i32
        %get3A_715 = arith.index_cast %add3A_714 : i32 to index
        %get3A_716 = arith.constant 64 : index
        %get3A_717 = tpu.vector_load %arg9[%get3A_715, %get3A_716] {strides = array<i32>} : memref<128x128xf32, #tpu.memory_space<vmem>>, vector<16xf32>,
        %mul3A_718 = arith.mulf %get3A_717, %gather3A_668 : vector<16xf32>
        %add3A_719 = arith.constant 6 : i32
        %add3A_720 = arith.addi %add3A_60, %add3A_719 : i32
        %swap3A_721 = arith.index_cast %add3A_720 : i32 to index
        %swap3A_722 = arith.constant 64 : index
        %swap3A_723 = tpu.vector_load %arg9[%swap3A_721, %swap3A_722] {strides = array<i32>} : memref<128x128xf32, #tpu.memory_space<vmem>>, vector<16xf32>,
        tpu.vector_store %arg9[%swap3A_721, %swap3A_722], %mul3A_718 {strides = array<i32>} : memref<128x128xf32, #tpu.memory_space<vmem>>, vector<16xf32>,
        %add3A_724 = arith.constant 6 : i32
        %add3A_725 = arith.addi %add3A_60, %add3A_724 : i32
        %get3A_726 = arith.index_cast %add3A_725 : i32 to index
        %get3A_727 = arith.constant 80 : index
        %get3A_728 = tpu.vector_load %arg9[%get3A_726, %get3A_727] {strides = array<i32>} : memref<128x128xf32, #tpu.memory_space<vmem>>, vector<16xf32>,
        %mul3A_729 = arith.mulf %get3A_728, %gather3A_668 : vector<16xf32>
        %add3A_730 = arith.constant 6 : i32
        %add3A_731 = arith.addi %add3A_60, %add3A_730 : i32
        %swap3A_732 = arith.index_cast %add3A_731 : i32 to index
        %swap3A_733 = arith.constant 80 : index
        %swap3A_734 = tpu.vector_load %arg9[%swap3A_732, %swap3A_733] {strides = array<i32>} : memref<128x128xf32, #tpu.memory_space<vmem>>, vector<16xf32>,
        tpu.vector_store %arg9[%swap3A_732, %swap3A_733], %mul3A_729 {strides = array<i32>} : memref<128x128xf32, #tpu.memory_space<vmem>>, vector<16xf32>,
        %add3A_735 = arith.constant 6 : i32
        %add3A_736 = arith.addi %add3A_60, %add3A_735 : i32
        %get3A_737 = arith.index_cast %add3A_736 : i32 to index
        %get3A_738 = arith.constant 96 : index
        %get3A_739 = tpu.vector_load %arg9[%get3A_737, %get3A_738] {strides = array<i32>} : memref<128x128xf32, #tpu.memory_space<vmem>>, vector<16xf32>,
        %mul3A_740 = arith.mulf %get3A_739, %gather3A_668 : vector<16xf32>
        %add3A_741 = arith.constant 6 : i32
        %add3A_742 = arith.addi %add3A_60, %add3A_741 : i32
        %swap3A_743 = arith.index_cast %add3A_742 : i32 to index
        %swap3A_744 = arith.constant 96 : index
        %swap3A_745 = tpu.vector_load %arg9[%swap3A_743, %swap3A_744] {strides = array<i32>} : memref<128x128xf32, #tpu.memory_space<vmem>>, vector<16xf32>,
        tpu.vector_store %arg9[%swap3A_743, %swap3A_744], %mul3A_740 {strides = array<i32>} : memref<128x128xf32, #tpu.memory_space<vmem>>, vector<16xf32>,
        %add3A_746 = arith.constant 6 : i32
        %add3A_747 = arith.addi %add3A_60, %add3A_746 : i32
        %get3A_748 = arith.index_cast %add3A_747 : i32 to index
        %get3A_749 = arith.constant 112 : index
        %get3A_750 = tpu.vector_load %arg9[%get3A_748, %get3A_749] {strides = array<i32>} : memref<128x128xf32, #tpu.memory_space<vmem>>, vector<16xf32>,
        %mul3A_751 = arith.mulf %get3A_750, %gather3A_668 : vector<16xf32>
        %add3A_752 = arith.constant 6 : i32
        %add3A_753 = arith.addi %add3A_60, %add3A_752 : i32
        %swap3A_754 = arith.index_cast %add3A_753 : i32 to index
        %swap3A_755 = arith.constant 112 : index
        %swap3A_756 = tpu.vector_load %arg9[%swap3A_754, %swap3A_755] {strides = array<i32>} : memref<128x128xf32, #tpu.memory_space<vmem>>, vector<16xf32>,
        tpu.vector_store %arg9[%swap3A_754, %swap3A_755], %mul3A_751 {strides = array<i32>} : memref<128x128xf32, #tpu.memory_space<vmem>>, vector<16xf32>,
        %broadcast_in_dim3A_757 = arith.constant 7 : i32
        %broadcast_in_dim3A_758 = vector.broadcast %broadcast_in_dim3A_757 : i32 to vector<16xi32>
        %lt3A_759 = arith.constant 0 : i32
        %lt3A_760 = vector.broadcast %lt3A_759 : i32 to vector<16xi32>
        %lt3A_761 = arith.cmpi slt, %broadcast_in_dim3A_758, %lt3A_760 : vector<16xi32>
        %add3A_762 = arith.constant 16 : i32
        %add3A_763 = vector.broadcast %add3A_762 : i32 to vector<16xi32>
        %add3A_764 = arith.addi %broadcast_in_dim3A_758, %add3A_763 : vector<16xi32>
        %select_n3A_765 = arith.select %lt3A_761, %add3A_764, %broadcast_in_dim3A_758 : vector<16xi1>, vector<16xi32>
        %broadcast_in_dim3A_766 = vector.shape_cast %select_n3A_765 : vector<16xi32> to vector<16x1xi32>
        %gather3A_767 = vector.shape_cast %broadcast_in_dim3A_766 : vector<16x1xi32> to vector<16xi32>
        %gather3A_768 = tpu.dynamic_gather %get3A_61[%gather3A_767] in [0] : vector<16xf32>, vector<16xi32> -> vector<16xf32>
        %add3A_769 = arith.constant 7 : i32
        %add3A_770 = arith.addi %add3A_60, %add3A_769 : i32
        %get3A_771 = arith.index_cast %add3A_770 : i32 to index
        %get3A_772 = arith.constant 0 : index
        %get3A_773 = tpu.vector_load %arg9[%get3A_771, %get3A_772] {strides = array<i32>} : memref<128x128xf32, #tpu.memory_space<vmem>>, vector<16xf32>,
        %mul3A_774 = arith.mulf %get3A_773, %gather3A_768 : vector<16xf32>
        %add3A_775 = arith.constant 7 : i32
        %add3A_776 = arith.addi %add3A_60, %add3A_775 : i32
        %swap3A_777 = arith.index_cast %add3A_776 : i32 to index
        %swap3A_778 = arith.constant 0 : index
        %swap3A_779 = tpu.vector_load %arg9[%swap3A_777, %swap3A_778] {strides = array<i32>} : memref<128x128xf32, #tpu.memory_space<vmem>>, vector<16xf32>,
        tpu.vector_store %arg9[%swap3A_777, %swap3A_778], %mul3A_774 {strides = array<i32>} : memref<128x128xf32, #tpu.memory_space<vmem>>, vector<16xf32>,
        %add3A_780 = arith.constant 7 : i32
        %add3A_781 = arith.addi %add3A_60, %add3A_780 : i32
        %get3A_782 = arith.index_cast %add3A_781 : i32 to index
        %get3A_783 = arith.constant 16 : index
        %get3A_784 = tpu.vector_load %arg9[%get3A_782, %get3A_783] {strides = array<i32>} : memref<128x128xf32, #tpu.memory_space<vmem>>, vector<16xf32>,
        %mul3A_785 = arith.mulf %get3A_784, %gather3A_768 : vector<16xf32>
        %add3A_786 = arith.constant 7 : i32
        %add3A_787 = arith.addi %add3A_60, %add3A_786 : i32
        %swap3A_788 = arith.index_cast %add3A_787 : i32 to index
        %swap3A_789 = arith.constant 16 : index
        %swap3A_790 = tpu.vector_load %arg9[%swap3A_788, %swap3A_789] {strides = array<i32>} : memref<128x128xf32, #tpu.memory_space<vmem>>, vector<16xf32>,
        tpu.vector_store %arg9[%swap3A_788, %swap3A_789], %mul3A_785 {strides = array<i32>} : memref<128x128xf32, #tpu.memory_space<vmem>>, vector<16xf32>,
        %add3A_791 = arith.constant 7 : i32
        %add3A_792 = arith.addi %add3A_60, %add3A_791 : i32
        %get3A_793 = arith.index_cast %add3A_792 : i32 to index
        %get3A_794 = arith.constant 32 : index
        %get3A_795 = tpu.vector_load %arg9[%get3A_793, %get3A_794] {strides = array<i32>} : memref<128x128xf32, #tpu.memory_space<vmem>>, vector<16xf32>,
        %mul3A_796 = arith.mulf %get3A_795, %gather3A_768 : vector<16xf32>
        %add3A_797 = arith.constant 7 : i32
        %add3A_798 = arith.addi %add3A_60, %add3A_797 : i32
        %swap3A_799 = arith.index_cast %add3A_798 : i32 to index
        %swap3A_800 = arith.constant 32 : index
        %swap3A_801 = tpu.vector_load %arg9[%swap3A_799, %swap3A_800] {strides = array<i32>} : memref<128x128xf32, #tpu.memory_space<vmem>>, vector<16xf32>,
        tpu.vector_store %arg9[%swap3A_799, %swap3A_800], %mul3A_796 {strides = array<i32>} : memref<128x128xf32, #tpu.memory_space<vmem>>, vector<16xf32>,
        %add3A_802 = arith.constant 7 : i32
        %add3A_803 = arith.addi %add3A_60, %add3A_802 : i32
        %get3A_804 = arith.index_cast %add3A_803 : i32 to index
        %get3A_805 = arith.constant 48 : index
        %get3A_806 = tpu.vector_load %arg9[%get3A_804, %get3A_805] {strides = array<i32>} : memref<128x128xf32, #tpu.memory_space<vmem>>, vector<16xf32>,
        %mul3A_807 = arith.mulf %get3A_806, %gather3A_768 : vector<16xf32>
        %add3A_808 = arith.constant 7 : i32
        %add3A_809 = arith.addi %add3A_60, %add3A_808 : i32
        %swap3A_810 = arith.index_cast %add3A_809 : i32 to index
        %swap3A_811 = arith.constant 48 : index
        %swap3A_812 = tpu.vector_load %arg9[%swap3A_810, %swap3A_811] {strides = array<i32>} : memref<128x128xf32, #tpu.memory_space<vmem>>, vector<16xf32>,
        tpu.vector_store %arg9[%swap3A_810, %swap3A_811], %mul3A_807 {strides = array<i32>} : memref<128x128xf32, #tpu.memory_space<vmem>>, vector<16xf32>,
        %add3A_813 = arith.constant 7 : i32
        %add3A_814 = arith.addi %add3A_60, %add3A_813 : i32
        %get3A_815 = arith.index_cast %add3A_814 : i32 to index
        %get3A_816 = arith.constant 64 : index
        %get3A_817 = tpu.vector_load %arg9[%get3A_815, %get3A_816] {strides = array<i32>} : memref<128x128xf32, #tpu.memory_space<vmem>>, vector<16xf32>,
        %mul3A_818 = arith.mulf %get3A_817, %gather3A_768 : vector<16xf32>
        %add3A_819 = arith.constant 7 : i32
        %add3A_820 = arith.addi %add3A_60, %add3A_819 : i32
        %swap3A_821 = arith.index_cast %add3A_820 : i32 to index
        %swap3A_822 = arith.constant 64 : index
        %swap3A_823 = tpu.vector_load %arg9[%swap3A_821, %swap3A_822] {strides = array<i32>} : memref<128x128xf32, #tpu.memory_space<vmem>>, vector<16xf32>,
        tpu.vector_store %arg9[%swap3A_821, %swap3A_822], %mul3A_818 {strides = array<i32>} : memref<128x128xf32, #tpu.memory_space<vmem>>, vector<16xf32>,
        %add3A_824 = arith.constant 7 : i32
        %add3A_825 = arith.addi %add3A_60, %add3A_824 : i32
        %get3A_826 = arith.index_cast %add3A_825 : i32 to index
        %get3A_827 = arith.constant 80 : index
        %get3A_828 = tpu.vector_load %arg9[%get3A_826, %get3A_827] {strides = array<i32>} : memref<128x128xf32, #tpu.memory_space<vmem>>, vector<16xf32>,
        %mul3A_829 = arith.mulf %get3A_828, %gather3A_768 : vector<16xf32>
        %add3A_830 = arith.constant 7 : i32
        %add3A_831 = arith.addi %add3A_60, %add3A_830 : i32
        %swap3A_832 = arith.index_cast %add3A_831 : i32 to index
        %swap3A_833 = arith.constant 80 : index
        %swap3A_834 = tpu.vector_load %arg9[%swap3A_832, %swap3A_833] {strides = array<i32>} : memref<128x128xf32, #tpu.memory_space<vmem>>, vector<16xf32>,
        tpu.vector_store %arg9[%swap3A_832, %swap3A_833], %mul3A_829 {strides = array<i32>} : memref<128x128xf32, #tpu.memory_space<vmem>>, vector<16xf32>,
        %add3A_835 = arith.constant 7 : i32
        %add3A_836 = arith.addi %add3A_60, %add3A_835 : i32
        %get3A_837 = arith.index_cast %add3A_836 : i32 to index
        %get3A_838 = arith.constant 96 : index
        %get3A_839 = tpu.vector_load %arg9[%get3A_837, %get3A_838] {strides = array<i32>} : memref<128x128xf32, #tpu.memory_space<vmem>>, vector<16xf32>,
        %mul3A_840 = arith.mulf %get3A_839, %gather3A_768 : vector<16xf32>
        %add3A_841 = arith.constant 7 : i32
        %add3A_842 = arith.addi %add3A_60, %add3A_841 : i32
        %swap3A_843 = arith.index_cast %add3A_842 : i32 to index
        %swap3A_844 = arith.constant 96 : index
        %swap3A_845 = tpu.vector_load %arg9[%swap3A_843, %swap3A_844] {strides = array<i32>} : memref<128x128xf32, #tpu.memory_space<vmem>>, vector<16xf32>,
        tpu.vector_store %arg9[%swap3A_843, %swap3A_844], %mul3A_840 {strides = array<i32>} : memref<128x128xf32, #tpu.memory_space<vmem>>, vector<16xf32>,
        %add3A_846 = arith.constant 7 : i32
        %add3A_847 = arith.addi %add3A_60, %add3A_846 : i32
        %get3A_848 = arith.index_cast %add3A_847 : i32 to index
        %get3A_849 = arith.constant 112 : index
        %get3A_850 = tpu.vector_load %arg9[%get3A_848, %get3A_849] {strides = array<i32>} : memref<128x128xf32, #tpu.memory_space<vmem>>, vector<16xf32>,
        %mul3A_851 = arith.mulf %get3A_850, %gather3A_768 : vector<16xf32>
        %add3A_852 = arith.constant 7 : i32
        %add3A_853 = arith.addi %add3A_60, %add3A_852 : i32
        %swap3A_854 = arith.index_cast %add3A_853 : i32 to index
        %swap3A_855 = arith.constant 112 : index
        %swap3A_856 = tpu.vector_load %arg9[%swap3A_854, %swap3A_855] {strides = array<i32>} : memref<128x128xf32, #tpu.memory_space<vmem>>, vector<16xf32>,
        tpu.vector_store %arg9[%swap3A_854, %swap3A_855], %mul3A_851 {strides = array<i32>} : memref<128x128xf32, #tpu.memory_space<vmem>>, vector<16xf32>,
        %broadcast_in_dim3A_857 = arith.constant 8 : i32
        %broadcast_in_dim3A_858 = vector.broadcast %broadcast_in_dim3A_857 : i32 to vector<16xi32>
        %lt3A_859 = arith.constant 0 : i32
        %lt3A_860 = vector.broadcast %lt3A_859 : i32 to vector<16xi32>
        %lt3A_861 = arith.cmpi slt, %broadcast_in_dim3A_858, %lt3A_860 : vector<16xi32>
        %add3A_862 = arith.constant 16 : i32
        %add3A_863 = vector.broadcast %add3A_862 : i32 to vector<16xi32>
        %add3A_864 = arith.addi %broadcast_in_dim3A_858, %add3A_863 : vector<16xi32>
        %select_n3A_865 = arith.select %lt3A_861, %add3A_864, %broadcast_in_dim3A_858 : vector<16xi1>, vector<16xi32>
        %broadcast_in_dim3A_866 = vector.shape_cast %select_n3A_865 : vector<16xi32> to vector<16x1xi32>
        %gather3A_867 = vector.shape_cast %broadcast_in_dim3A_866 : vector<16x1xi32> to vector<16xi32>
        %gather3A_868 = tpu.dynamic_gather %get3A_61[%gather3A_867] in [0] : vector<16xf32>, vector<16xi32> -> vector<16xf32>
        %add3A_869 = arith.constant 8 : i32
        %add3A_870 = arith.addi %add3A_60, %add3A_869 : i32
        %get3A_871 = arith.index_cast %add3A_870 : i32 to index
        %get3A_872 = arith.constant 0 : index
        %get3A_873 = tpu.vector_load %arg9[%get3A_871, %get3A_872] {strides = array<i32>} : memref<128x128xf32, #tpu.memory_space<vmem>>, vector<16xf32>,
        %mul3A_874 = arith.mulf %get3A_873, %gather3A_868 : vector<16xf32>
        %add3A_875 = arith.constant 8 : i32
        %add3A_876 = arith.addi %add3A_60, %add3A_875 : i32
        %swap3A_877 = arith.index_cast %add3A_876 : i32 to index
        %swap3A_878 = arith.constant 0 : index
        %swap3A_879 = tpu.vector_load %arg9[%swap3A_877, %swap3A_878] {strides = array<i32>} : memref<128x128xf32, #tpu.memory_space<vmem>>, vector<16xf32>,
        tpu.vector_store %arg9[%swap3A_877, %swap3A_878], %mul3A_874 {strides = array<i32>} : memref<128x128xf32, #tpu.memory_space<vmem>>, vector<16xf32>,
        %add3A_880 = arith.constant 8 : i32
        %add3A_881 = arith.addi %add3A_60, %add3A_880 : i32
        %get3A_882 = arith.index_cast %add3A_881 : i32 to index
        %get3A_883 = arith.constant 16 : index
        %get3A_884 = tpu.vector_load %arg9[%get3A_882, %get3A_883] {strides = array<i32>} : memref<128x128xf32, #tpu.memory_space<vmem>>, vector<16xf32>,
        %mul3A_885 = arith.mulf %get3A_884, %gather3A_868 : vector<16xf32>
        %add3A_886 = arith.constant 8 : i32
        %add3A_887 = arith.addi %add3A_60, %add3A_886 : i32
        %swap3A_888 = arith.index_cast %add3A_887 : i32 to index
        %swap3A_889 = arith.constant 16 : index
        %swap3A_890 = tpu.vector_load %arg9[%swap3A_888, %swap3A_889] {strides = array<i32>} : memref<128x128xf32, #tpu.memory_space<vmem>>, vector<16xf32>,
        tpu.vector_store %arg9[%swap3A_888, %swap3A_889], %mul3A_885 {strides = array<i32>} : memref<128x128xf32, #tpu.memory_space<vmem>>, vector<16xf32>,
        %add3A_891 = arith.constant 8 : i32
        %add3A_892 = arith.addi %add3A_60, %add3A_891 : i32
        %get3A_893 = arith.index_cast %add3A_892 : i32 to index
        %get3A_894 = arith.constant 32 : index
        %get3A_895 = tpu.vector_load %arg9[%get3A_893, %get3A_894] {strides = array<i32>} : memref<128x128xf32, #tpu.memory_space<vmem>>, vector<16xf32>,
        %mul3A_896 = arith.mulf %get3A_895, %gather3A_868 : vector<16xf32>
        %add3A_897 = arith.constant 8 : i32
        %add3A_898 = arith.addi %add3A_60, %add3A_897 : i32
        %swap3A_899 = arith.index_cast %add3A_898 : i32 to index
        %swap3A_900 = arith.constant 32 : index
        %swap3A_901 = tpu.vector_load %arg9[%swap3A_899, %swap3A_900] {strides = array<i32>} : memref<128x128xf32, #tpu.memory_space<vmem>>, vector<16xf32>,
        tpu.vector_store %arg9[%swap3A_899, %swap3A_900], %mul3A_896 {strides = array<i32>} : memref<128x128xf32, #tpu.memory_space<vmem>>, vector<16xf32>,
        %add3A_902 = arith.constant 8 : i32
        %add3A_903 = arith.addi %add3A_60, %add3A_902 : i32
        %get3A_904 = arith.index_cast %add3A_903 : i32 to index
        %get3A_905 = arith.constant 48 : index
        %get3A_906 = tpu.vector_load %arg9[%get3A_904, %get3A_905] {strides = array<i32>} : memref<128x128xf32, #tpu.memory_space<vmem>>, vector<16xf32>,
        %mul3A_907 = arith.mulf %get3A_906, %gather3A_868 : vector<16xf32>
        %add3A_908 = arith.constant 8 : i32
        %add3A_909 = arith.addi %add3A_60, %add3A_908 : i32
        %swap3A_910 = arith.index_cast %add3A_909 : i32 to index
        %swap3A_911 = arith.constant 48 : index
        %swap3A_912 = tpu.vector_load %arg9[%swap3A_910, %swap3A_911] {strides = array<i32>} : memref<128x128xf32, #tpu.memory_space<vmem>>, vector<16xf32>,
        tpu.vector_store %arg9[%swap3A_910, %swap3A_911], %mul3A_907 {strides = array<i32>} : memref<128x128xf32, #tpu.memory_space<vmem>>, vector<16xf32>,
        %add3A_913 = arith.constant 8 : i32
        %add3A_914 = arith.addi %add3A_60, %add3A_913 : i32
        %get3A_915 = arith.index_cast %add3A_914 : i32 to index
        %get3A_916 = arith.constant 64 : index
        %get3A_917 = tpu.vector_load %arg9[%get3A_915, %get3A_916] {strides = array<i32>} : memref<128x128xf32, #tpu.memory_space<vmem>>, vector<16xf32>,
        %mul3A_918 = arith.mulf %get3A_917, %gather3A_868 : vector<16xf32>
        %add3A_919 = arith.constant 8 : i32
        %add3A_920 = arith.addi %add3A_60, %add3A_919 : i32
        %swap3A_921 = arith.index_cast %add3A_920 : i32 to index
        %swap3A_922 = arith.constant 64 : index
        %swap3A_923 = tpu.vector_load %arg9[%swap3A_921, %swap3A_922] {strides = array<i32>} : memref<128x128xf32, #tpu.memory_space<vmem>>, vector<16xf32>,
        tpu.vector_store %arg9[%swap3A_921, %swap3A_922], %mul3A_918 {strides = array<i32>} : memref<128x128xf32, #tpu.memory_space<vmem>>, vector<16xf32>,
        %add3A_924 = arith.constant 8 : i32
        %add3A_925 = arith.addi %add3A_60, %add3A_924 : i32
        %get3A_926 = arith.index_cast %add3A_925 : i32 to index
        %get3A_927 = arith.constant 80 : index
        %get3A_928 = tpu.vector_load %arg9[%get3A_926, %get3A_927] {strides = array<i32>} : memref<128x128xf32, #tpu.memory_space<vmem>>, vector<16xf32>,
        %mul3A_929 = arith.mulf %get3A_928, %gather3A_868 : vector<16xf32>
        %add3A_930 = arith.constant 8 : i32
        %add3A_931 = arith.addi %add3A_60, %add3A_930 : i32
        %swap3A_932 = arith.index_cast %add3A_931 : i32 to index
        %swap3A_933 = arith.constant 80 : index
        %swap3A_934 = tpu.vector_load %arg9[%swap3A_932, %swap3A_933] {strides = array<i32>} : memref<128x128xf32, #tpu.memory_space<vmem>>, vector<16xf32>,
        tpu.vector_store %arg9[%swap3A_932, %swap3A_933], %mul3A_929 {strides = array<i32>} : memref<128x128xf32, #tpu.memory_space<vmem>>, vector<16xf32>,
        %add3A_935 = arith.constant 8 : i32
        %add3A_936 = arith.addi %add3A_60, %add3A_935 : i32
        %get3A_937 = arith.index_cast %add3A_936 : i32 to index
        %get3A_938 = arith.constant 96 : index
        %get3A_939 = tpu.vector_load %arg9[%get3A_937, %get3A_938] {strides = array<i32>} : memref<128x128xf32, #tpu.memory_space<vmem>>, vector<16xf32>,
        %mul3A_940 = arith.mulf %get3A_939, %gather3A_868 : vector<16xf32>
        %add3A_941 = arith.constant 8 : i32
        %add3A_942 = arith.addi %add3A_60, %add3A_941 : i32
        %swap3A_943 = arith.index_cast %add3A_942 : i32 to index
        %swap3A_944 = arith.constant 96 : index
        %swap3A_945 = tpu.vector_load %arg9[%swap3A_943, %swap3A_944] {strides = array<i32>} : memref<128x128xf32, #tpu.memory_space<vmem>>, vector<16xf32>,
        tpu.vector_store %arg9[%swap3A_943, %swap3A_944], %mul3A_940 {strides = array<i32>} : memref<128x128xf32, #tpu.memory_space<vmem>>, vector<16xf32>,
        %add3A_946 = arith.constant 8 : i32
        %add3A_947 = arith.addi %add3A_60, %add3A_946 : i32
        %get3A_948 = arith.index_cast %add3A_947 : i32 to index
        %get3A_949 = arith.constant 112 : index
        %get3A_950 = tpu.vector_load %arg9[%get3A_948, %get3A_949] {strides = array<i32>} : memref<128x128xf32, #tpu.memory_space<vmem>>, vector<16xf32>,
        %mul3A_951 = arith.mulf %get3A_950, %gather3A_868 : vector<16xf32>
        %add3A_952 = arith.constant 8 : i32
        %add3A_953 = arith.addi %add3A_60, %add3A_952 : i32
        %swap3A_954 = arith.index_cast %add3A_953 : i32 to index
        %swap3A_955 = arith.constant 112 : index
        %swap3A_956 = tpu.vector_load %arg9[%swap3A_954, %swap3A_955] {strides = array<i32>} : memref<128x128xf32, #tpu.memory_space<vmem>>, vector<16xf32>,
        tpu.vector_store %arg9[%swap3A_954, %swap3A_955], %mul3A_951 {strides = array<i32>} : memref<128x128xf32, #tpu.memory_space<vmem>>, vector<16xf32>,
        %broadcast_in_dim3A_957 = arith.constant 9 : i32
        %broadcast_in_dim3A_958 = vector.broadcast %broadcast_in_dim3A_957 : i32 to vector<16xi32>
        %lt3A_959 = arith.constant 0 : i32
        %lt3A_960 = vector.broadcast %lt3A_959 : i32 to vector<16xi32>
        %lt3A_961 = arith.cmpi slt, %broadcast_in_dim3A_958, %lt3A_960 : vector<16xi32>
        %add3A_962 = arith.constant 16 : i32
        %add3A_963 = vector.broadcast %add3A_962 : i32 to vector<16xi32>
        %add3A_964 = arith.addi %broadcast_in_dim3A_958, %add3A_963 : vector<16xi32>
        %select_n3A_965 = arith.select %lt3A_961, %add3A_964, %broadcast_in_dim3A_958 : vector<16xi1>, vector<16xi32>
        %broadcast_in_dim3A_966 = vector.shape_cast %select_n3A_965 : vector<16xi32> to vector<16x1xi32>
        %gather3A_967 = vector.shape_cast %broadcast_in_dim3A_966 : vector<16x1xi32> to vector<16xi32>
        %gather3A_968 = tpu.dynamic_gather %get3A_61[%gather3A_967] in [0] : vector<16xf32>, vector<16xi32> -> vector<16xf32>
        %add3A_969 = arith.constant 9 : i32
        %add3A_970 = arith.addi %add3A_60, %add3A_969 : i32
        %get3A_971 = arith.index_cast %add3A_970 : i32 to index
        %get3A_972 = arith.constant 0 : index
        %get3A_973 = tpu.vector_load %arg9[%get3A_971, %get3A_972] {strides = array<i32>} : memref<128x128xf32, #tpu.memory_space<vmem>>, vector<16xf32>,
        %mul3A_974 = arith.mulf %get3A_973, %gather3A_968 : vector<16xf32>
        %add3A_975 = arith.constant 9 : i32
        %add3A_976 = arith.addi %add3A_60, %add3A_975 : i32
        %swap3A_977 = arith.index_cast %add3A_976 : i32 to index
        %swap3A_978 = arith.constant 0 : index
        %swap3A_979 = tpu.vector_load %arg9[%swap3A_977, %swap3A_978] {strides = array<i32>} : memref<128x128xf32, #tpu.memory_space<vmem>>, vector<16xf32>,
        tpu.vector_store %arg9[%swap3A_977, %swap3A_978], %mul3A_974 {strides = array<i32>} : memref<128x128xf32, #tpu.memory_space<vmem>>, vector<16xf32>,
        %add3A_980 = arith.constant 9 : i32
        %add3A_981 = arith.addi %add3A_60, %add3A_980 : i32
        %get3A_982 = arith.index_cast %add3A_981 : i32 to index
        %get3A_983 = arith.constant 16 : index
        %get3A_984 = tpu.vector_load %arg9[%get3A_982, %get3A_983] {strides = array<i32>} : memref<128x128xf32, #tpu.memory_space<vmem>>, vector<16xf32>,
        %mul3A_985 = arith.mulf %get3A_984, %gather3A_968 : vector<16xf32>
        %add3A_986 = arith.constant 9 : i32
        %add3A_987 = arith.addi %add3A_60, %add3A_986 : i32
        %swap3A_988 = arith.index_cast %add3A_987 : i32 to index
        %swap3A_989 = arith.constant 16 : index
        %swap3A_990 = tpu.vector_load %arg9[%swap3A_988, %swap3A_989] {strides = array<i32>} : memref<128x128xf32, #tpu.memory_space<vmem>>, vector<16xf32>,
        tpu.vector_store %arg9[%swap3A_988, %swap3A_989], %mul3A_985 {strides = array<i32>} : memref<128x128xf32, #tpu.memory_space<vmem>>, vector<16xf32>,
        %add3A_991 = arith.constant 9 : i32
        %add3A_992 = arith.addi %add3A_60, %add3A_991 : i32
        %get3A_993 = arith.index_cast %add3A_992 : i32 to index
        %get3A_994 = arith.constant 32 : index
        %get3A_995 = tpu.vector_load %arg9[%get3A_993, %get3A_994] {strides = array<i32>} : memref<128x128xf32, #tpu.memory_space<vmem>>, vector<16xf32>,
        %mul3A_996 = arith.mulf %get3A_995, %gather3A_968 : vector<16xf32>
        %add3A_997 = arith.constant 9 : i32
        %add3A_998 = arith.addi %add3A_60, %add3A_997 : i32
        %swap3A_999 = arith.index_cast %add3A_998 : i32 to index
        %swap3A_1000 = arith.constant 32 : index
        %swap3A_1001 = tpu.vector_load %arg9[%swap3A_999, %swap3A_1000] {strides = array<i32>} : memref<128x128xf32, #tpu.memory_space<vmem>>, vector<16xf32>,
        tpu.vector_store %arg9[%swap3A_999, %swap3A_1000], %mul3A_996 {strides = array<i32>} : memref<128x128xf32, #tpu.memory_space<vmem>>, vector<16xf32>,
        %add3A_1002 = arith.constant 9 : i32
        %add3A_1003 = arith.addi %add3A_60, %add3A_1002 : i32
        %get3A_1004 = arith.index_cast %add3A_1003 : i32 to index
        %get3A_1005 = arith.constant 48 : index
        %get3A_1006 = tpu.vector_load %arg9[%get3A_1004, %get3A_1005] {strides = array<i32>} : memref<128x128xf32, #tpu.memory_space<vmem>>, vector<16xf32>,
        %mul3A_1007 = arith.mulf %get3A_1006, %gather3A_968 : vector<16xf32>
        %add3A_1008 = arith.constant 9 : i32
        %add3A_1009 = arith.addi %add3A_60, %add3A_1008 : i32
        %swap3A_1010 = arith.index_cast %add3A_1009 : i32 to index
        %swap3A_1011 = arith.constant 48 : index
        %swap3A_1012 = tpu.vector_load %arg9[%swap3A_1010, %swap3A_1011] {strides = array<i32>} : memref<128x128xf32, #tpu.memory_space<vmem>>, vector<16xf32>,
        tpu.vector_store %arg9[%swap3A_1010, %swap3A_1011], %mul3A_1007 {strides = array<i32>} : memref<128x128xf32, #tpu.memory_space<vmem>>, vector<16xf32>,
        %add3A_1013 = arith.constant 9 : i32
        %add3A_1014 = arith.addi %add3A_60, %add3A_1013 : i32
        %get3A_1015 = arith.index_cast %add3A_1014 : i32 to index
        %get3A_1016 = arith.constant 64 : index
        %get3A_1017 = tpu.vector_load %arg9[%get3A_1015, %get3A_1016] {strides = array<i32>} : memref<128x128xf32, #tpu.memory_space<vmem>>, vector<16xf32>,
        %mul3A_1018 = arith.mulf %get3A_1017, %gather3A_968 : vector<16xf32>
        %add3A_1019 = arith.constant 9 : i32
        %add3A_1020 = arith.addi %add3A_60, %add3A_1019 : i32
        %swap3A_1021 = arith.index_cast %add3A_1020 : i32 to index
        %swap3A_1022 = arith.constant 64 : index
        %swap3A_1023 = tpu.vector_load %arg9[%swap3A_1021, %swap3A_1022] {strides = array<i32>} : memref<128x128xf32, #tpu.memory_space<vmem>>, vector<16xf32>,
        tpu.vector_store %arg9[%swap3A_1021, %swap3A_1022], %mul3A_1018 {strides = array<i32>} : memref<128x128xf32, #tpu.memory_space<vmem>>, vector<16xf32>,
        %add3A_1024 = arith.constant 9 : i32
        %add3A_1025 = arith.addi %add3A_60, %add3A_1024 : i32
        %get3A_1026 = arith.index_cast %add3A_1025 : i32 to index
        %get3A_1027 = arith.constant 80 : index
        %get3A_1028 = tpu.vector_load %arg9[%get3A_1026, %get3A_1027] {strides = array<i32>} : memref<128x128xf32, #tpu.memory_space<vmem>>, vector<16xf32>,
        %mul3A_1029 = arith.mulf %get3A_1028, %gather3A_968 : vector<16xf32>
        %add3A_1030 = arith.constant 9 : i32
        %add3A_1031 = arith.addi %add3A_60, %add3A_1030 : i32
        %swap3A_1032 = arith.index_cast %add3A_1031 : i32 to index
        %swap3A_1033 = arith.constant 80 : index
        %swap3A_1034 = tpu.vector_load %arg9[%swap3A_1032, %swap3A_1033] {strides = array<i32>} : memref<128x128xf32, #tpu.memory_space<vmem>>, vector<16xf32>,
        tpu.vector_store %arg9[%swap3A_1032, %swap3A_1033], %mul3A_1029 {strides = array<i32>} : memref<128x128xf32, #tpu.memory_space<vmem>>, vector<16xf32>,
        %add3A_1035 = arith.constant 9 : i32
        %add3A_1036 = arith.addi %add3A_60, %add3A_1035 : i32
        %get3A_1037 = arith.index_cast %add3A_1036 : i32 to index
        %get3A_1038 = arith.constant 96 : index
        %get3A_1039 = tpu.vector_load %arg9[%get3A_1037, %get3A_1038] {strides = array<i32>} : memref<128x128xf32, #tpu.memory_space<vmem>>, vector<16xf32>,
        %mul3A_1040 = arith.mulf %get3A_1039, %gather3A_968 : vector<16xf32>
        %add3A_1041 = arith.constant 9 : i32
        %add3A_1042 = arith.addi %add3A_60, %add3A_1041 : i32
        %swap3A_1043 = arith.index_cast %add3A_1042 : i32 to index
        %swap3A_1044 = arith.constant 96 : index
        %swap3A_1045 = tpu.vector_load %arg9[%swap3A_1043, %swap3A_1044] {strides = array<i32>} : memref<128x128xf32, #tpu.memory_space<vmem>>, vector<16xf32>,
        tpu.vector_store %arg9[%swap3A_1043, %swap3A_1044], %mul3A_1040 {strides = array<i32>} : memref<128x128xf32, #tpu.memory_space<vmem>>, vector<16xf32>,
        %add3A_1046 = arith.constant 9 : i32
        %add3A_1047 = arith.addi %add3A_60, %add3A_1046 : i32
        %get3A_1048 = arith.index_cast %add3A_1047 : i32 to index
        %get3A_1049 = arith.constant 112 : index
        %get3A_1050 = tpu.vector_load %arg9[%get3A_1048, %get3A_1049] {strides = array<i32>} : memref<128x128xf32, #tpu.memory_space<vmem>>, vector<16xf32>,
        %mul3A_1051 = arith.mulf %get3A_1050, %gather3A_968 : vector<16xf32>
        %add3A_1052 = arith.constant 9 : i32
        %add3A_1053 = arith.addi %add3A_60, %add3A_1052 : i32
        %swap3A_1054 = arith.index_cast %add3A_1053 : i32 to index
        %swap3A_1055 = arith.constant 112 : index
        %swap3A_1056 = tpu.vector_load %arg9[%swap3A_1054, %swap3A_1055] {strides = array<i32>} : memref<128x128xf32, #tpu.memory_space<vmem>>, vector<16xf32>,
        tpu.vector_store %arg9[%swap3A_1054, %swap3A_1055], %mul3A_1051 {strides = array<i32>} : memref<128x128xf32, #tpu.memory_space<vmem>>, vector<16xf32>,
        %broadcast_in_dim3A_1057 = arith.constant 10 : i32
        %broadcast_in_dim3A_1058 = vector.broadcast %broadcast_in_dim3A_1057 : i32 to vector<16xi32>
        %lt3A_1059 = arith.constant 0 : i32
        %lt3A_1060 = vector.broadcast %lt3A_1059 : i32 to vector<16xi32>
        %lt3A_1061 = arith.cmpi slt, %broadcast_in_dim3A_1058, %lt3A_1060 : vector<16xi32>
        %add3A_1062 = arith.constant 16 : i32
        %add3A_1063 = vector.broadcast %add3A_1062 : i32 to vector<16xi32>
        %add3A_1064 = arith.addi %broadcast_in_dim3A_1058, %add3A_1063 : vector<16xi32>
        %select_n3A_1065 = arith.select %lt3A_1061, %add3A_1064, %broadcast_in_dim3A_1058 : vector<16xi1>, vector<16xi32>
        %broadcast_in_dim3A_1066 = vector.shape_cast %select_n3A_1065 : vector<16xi32> to vector<16x1xi32>
        %gather3A_1067 = vector.shape_cast %broadcast_in_dim3A_1066 : vector<16x1xi32> to vector<16xi32>
        %gather3A_1068 = tpu.dynamic_gather %get3A_61[%gather3A_1067] in [0] : vector<16xf32>, vector<16xi32> -> vector<16xf32>
        %add3A_1069 = arith.constant 10 : i32
        %add3A_1070 = arith.addi %add3A_60, %add3A_1069 : i32
        %get3A_1071 = arith.index_cast %add3A_1070 : i32 to index
        %get3A_1072 = arith.constant 0 : index
        %get3A_1073 = tpu.vector_load %arg9[%get3A_1071, %get3A_1072] {strides = array<i32>} : memref<128x128xf32, #tpu.memory_space<vmem>>, vector<16xf32>,
        %mul3A_1074 = arith.mulf %get3A_1073, %gather3A_1068 : vector<16xf32>
        %add3A_1075 = arith.constant 10 : i32
        %add3A_1076 = arith.addi %add3A_60, %add3A_1075 : i32
        %swap3A_1077 = arith.index_cast %add3A_1076 : i32 to index
        %swap3A_1078 = arith.constant 0 : index
        %swap3A_1079 = tpu.vector_load %arg9[%swap3A_1077, %swap3A_1078] {strides = array<i32>} : memref<128x128xf32, #tpu.memory_space<vmem>>, vector<16xf32>,
        tpu.vector_store %arg9[%swap3A_1077, %swap3A_1078], %mul3A_1074 {strides = array<i32>} : memref<128x128xf32, #tpu.memory_space<vmem>>, vector<16xf32>,
        %add3A_1080 = arith.constant 10 : i32
        %add3A_1081 = arith.addi %add3A_60, %add3A_1080 : i32
        %get3A_1082 = arith.index_cast %add3A_1081 : i32 to index
        %get3A_1083 = arith.constant 16 : index
        %get3A_1084 = tpu.vector_load %arg9[%get3A_1082, %get3A_1083] {strides = array<i32>} : memref<128x128xf32, #tpu.memory_space<vmem>>, vector<16xf32>,
        %mul3A_1085 = arith.mulf %get3A_1084, %gather3A_1068 : vector<16xf32>
        %add3A_1086 = arith.constant 10 : i32
        %add3A_1087 = arith.addi %add3A_60, %add3A_1086 : i32
        %swap3A_1088 = arith.index_cast %add3A_1087 : i32 to index
        %swap3A_1089 = arith.constant 16 : index
        %swap3A_1090 = tpu.vector_load %arg9[%swap3A_1088, %swap3A_1089] {strides = array<i32>} : memref<128x128xf32, #tpu.memory_space<vmem>>, vector<16xf32>,
        tpu.vector_store %arg9[%swap3A_1088, %swap3A_1089], %mul3A_1085 {strides = array<i32>} : memref<128x128xf32, #tpu.memory_space<vmem>>, vector<16xf32>,
        %add3A_1091 = arith.constant 10 : i32
        %add3A_1092 = arith.addi %add3A_60, %add3A_1091 : i32
        %get3A_1093 = arith.index_cast %add3A_1092 : i32 to index
        %get3A_1094 = arith.constant 32 : index
        %get3A_1095 = tpu.vector_load %arg9[%get3A_1093, %get3A_1094] {strides = array<i32>} : memref<128x128xf32, #tpu.memory_space<vmem>>, vector<16xf32>,
        %mul3A_1096 = arith.mulf %get3A_1095, %gather3A_1068 : vector<16xf32>
        %add3A_1097 = arith.constant 10 : i32
        %add3A_1098 = arith.addi %add3A_60, %add3A_1097 : i32
        %swap3A_1099 = arith.index_cast %add3A_1098 : i32 to index
        %swap3A_1100 = arith.constant 32 : index
        %swap3A_1101 = tpu.vector_load %arg9[%swap3A_1099, %swap3A_1100] {strides = array<i32>} : memref<128x128xf32, #tpu.memory_space<vmem>>, vector<16xf32>,
        tpu.vector_store %arg9[%swap3A_1099, %swap3A_1100], %mul3A_1096 {strides = array<i32>} : memref<128x128xf32, #tpu.memory_space<vmem>>, vector<16xf32>,
        %add3A_1102 = arith.constant 10 : i32
        %add3A_1103 = arith.addi %add3A_60, %add3A_1102 : i32
        %get3A_1104 = arith.index_cast %add3A_1103 : i32 to index
        %get3A_1105 = arith.constant 48 : index
        %get3A_1106 = tpu.vector_load %arg9[%get3A_1104, %get3A_1105] {strides = array<i32>} : memref<128x128xf32, #tpu.memory_space<vmem>>, vector<16xf32>,
        %mul3A_1107 = arith.mulf %get3A_1106, %gather3A_1068 : vector<16xf32>
        %add3A_1108 = arith.constant 10 : i32
        %add3A_1109 = arith.addi %add3A_60, %add3A_1108 : i32
        %swap3A_1110 = arith.index_cast %add3A_1109 : i32 to index
        %swap3A_1111 = arith.constant 48 : index
        %swap3A_1112 = tpu.vector_load %arg9[%swap3A_1110, %swap3A_1111] {strides = array<i32>} : memref<128x128xf32, #tpu.memory_space<vmem>>, vector<16xf32>,
        tpu.vector_store %arg9[%swap3A_1110, %swap3A_1111], %mul3A_1107 {strides = array<i32>} : memref<128x128xf32, #tpu.memory_space<vmem>>, vector<16xf32>,
        %add3A_1113 = arith.constant 10 : i32
        %add3A_1114 = arith.addi %add3A_60, %add3A_1113 : i32
        %get3A_1115 = arith.index_cast %add3A_1114 : i32 to index
        %get3A_1116 = arith.constant 64 : index
        %get3A_1117 = tpu.vector_load %arg9[%get3A_1115, %get3A_1116] {strides = array<i32>} : memref<128x128xf32, #tpu.memory_space<vmem>>, vector<16xf32>,
        %mul3A_1118 = arith.mulf %get3A_1117, %gather3A_1068 : vector<16xf32>
        %add3A_1119 = arith.constant 10 : i32
        %add3A_1120 = arith.addi %add3A_60, %add3A_1119 : i32
        %swap3A_1121 = arith.index_cast %add3A_1120 : i32 to index
        %swap3A_1122 = arith.constant 64 : index
        %swap3A_1123 = tpu.vector_load %arg9[%swap3A_1121, %swap3A_1122] {strides = array<i32>} : memref<128x128xf32, #tpu.memory_space<vmem>>, vector<16xf32>,
        tpu.vector_store %arg9[%swap3A_1121, %swap3A_1122], %mul3A_1118 {strides = array<i32>} : memref<128x128xf32, #tpu.memory_space<vmem>>, vector<16xf32>,
        %add3A_1124 = arith.constant 10 : i32
        %add3A_1125 = arith.addi %add3A_60, %add3A_1124 : i32
        %get3A_1126 = arith.index_cast %add3A_1125 : i32 to index
        %get3A_1127 = arith.constant 80 : index
        %get3A_1128 = tpu.vector_load %arg9[%get3A_1126, %get3A_1127] {strides = array<i32>} : memref<128x128xf32, #tpu.memory_space<vmem>>, vector<16xf32>,
        %mul3A_1129 = arith.mulf %get3A_1128, %gather3A_1068 : vector<16xf32>
        %add3A_1130 = arith.constant 10 : i32
        %add3A_1131 = arith.addi %add3A_60, %add3A_1130 : i32
        %swap3A_1132 = arith.index_cast %add3A_1131 : i32 to index
        %swap3A_1133 = arith.constant 80 : index
        %swap3A_1134 = tpu.vector_load %arg9[%swap3A_1132, %swap3A_1133] {strides = array<i32>} : memref<128x128xf32, #tpu.memory_space<vmem>>, vector<16xf32>,
        tpu.vector_store %arg9[%swap3A_1132, %swap3A_1133], %mul3A_1129 {strides = array<i32>} : memref<128x128xf32, #tpu.memory_space<vmem>>, vector<16xf32>,
        %add3A_1135 = arith.constant 10 : i32
        %add3A_1136 = arith.addi %add3A_60, %add3A_1135 : i32
        %get3A_1137 = arith.index_cast %add3A_1136 : i32 to index
        %get3A_1138 = arith.constant 96 : index
        %get3A_1139 = tpu.vector_load %arg9[%get3A_1137, %get3A_1138] {strides = array<i32>} : memref<128x128xf32, #tpu.memory_space<vmem>>, vector<16xf32>,
        %mul3A_1140 = arith.mulf %get3A_1139, %gather3A_1068 : vector<16xf32>
        %add3A_1141 = arith.constant 10 : i32
        %add3A_1142 = arith.addi %add3A_60, %add3A_1141 : i32
        %swap3A_1143 = arith.index_cast %add3A_1142 : i32 to index
        %swap3A_1144 = arith.constant 96 : index
        %swap3A_1145 = tpu.vector_load %arg9[%swap3A_1143, %swap3A_1144] {strides = array<i32>} : memref<128x128xf32, #tpu.memory_space<vmem>>, vector<16xf32>,
        tpu.vector_store %arg9[%swap3A_1143, %swap3A_1144], %mul3A_1140 {strides = array<i32>} : memref<128x128xf32, #tpu.memory_space<vmem>>, vector<16xf32>,
        %add3A_1146 = arith.constant 10 : i32
        %add3A_1147 = arith.addi %add3A_60, %add3A_1146 : i32
        %get3A_1148 = arith.index_cast %add3A_1147 : i32 to index
        %get3A_1149 = arith.constant 112 : index
        %get3A_1150 = tpu.vector_load %arg9[%get3A_1148, %get3A_1149] {strides = array<i32>} : memref<128x128xf32, #tpu.memory_space<vmem>>, vector<16xf32>,
        %mul3A_1151 = arith.mulf %get3A_1150, %gather3A_1068 : vector<16xf32>
        %add3A_1152 = arith.constant 10 : i32
        %add3A_1153 = arith.addi %add3A_60, %add3A_1152 : i32
        %swap3A_1154 = arith.index_cast %add3A_1153 : i32 to index
        %swap3A_1155 = arith.constant 112 : index
        %swap3A_1156 = tpu.vector_load %arg9[%swap3A_1154, %swap3A_1155] {strides = array<i32>} : memref<128x128xf32, #tpu.memory_space<vmem>>, vector<16xf32>,
        tpu.vector_store %arg9[%swap3A_1154, %swap3A_1155], %mul3A_1151 {strides = array<i32>} : memref<128x128xf32, #tpu.memory_space<vmem>>, vector<16xf32>,
        %broadcast_in_dim3A_1157 = arith.constant 11 : i32
        %broadcast_in_dim3A_1158 = vector.broadcast %broadcast_in_dim3A_1157 : i32 to vector<16xi32>
        %lt3A_1159 = arith.constant 0 : i32
        %lt3A_1160 = vector.broadcast %lt3A_1159 : i32 to vector<16xi32>
        %lt3A_1161 = arith.cmpi slt, %broadcast_in_dim3A_1158, %lt3A_1160 : vector<16xi32>
        %add3A_1162 = arith.constant 16 : i32
        %add3A_1163 = vector.broadcast %add3A_1162 : i32 to vector<16xi32>
        %add3A_1164 = arith.addi %broadcast_in_dim3A_1158, %add3A_1163 : vector<16xi32>
        %select_n3A_1165 = arith.select %lt3A_1161, %add3A_1164, %broadcast_in_dim3A_1158 : vector<16xi1>, vector<16xi32>
        %broadcast_in_dim3A_1166 = vector.shape_cast %select_n3A_1165 : vector<16xi32> to vector<16x1xi32>
        %gather3A_1167 = vector.shape_cast %broadcast_in_dim3A_1166 : vector<16x1xi32> to vector<16xi32>
        %gather3A_1168 = tpu.dynamic_gather %get3A_61[%gather3A_1167] in [0] : vector<16xf32>, vector<16xi32> -> vector<16xf32>
        %add3A_1169 = arith.constant 11 : i32
        %add3A_1170 = arith.addi %add3A_60, %add3A_1169 : i32
        %get3A_1171 = arith.index_cast %add3A_1170 : i32 to index
        %get3A_1172 = arith.constant 0 : index
        %get3A_1173 = tpu.vector_load %arg9[%get3A_1171, %get3A_1172] {strides = array<i32>} : memref<128x128xf32, #tpu.memory_space<vmem>>, vector<16xf32>,
        %mul3A_1174 = arith.mulf %get3A_1173, %gather3A_1168 : vector<16xf32>
        %add3A_1175 = arith.constant 11 : i32
        %add3A_1176 = arith.addi %add3A_60, %add3A_1175 : i32
        %swap3A_1177 = arith.index_cast %add3A_1176 : i32 to index
        %swap3A_1178 = arith.constant 0 : index
        %swap3A_1179 = tpu.vector_load %arg9[%swap3A_1177, %swap3A_1178] {strides = array<i32>} : memref<128x128xf32, #tpu.memory_space<vmem>>, vector<16xf32>,
        tpu.vector_store %arg9[%swap3A_1177, %swap3A_1178], %mul3A_1174 {strides = array<i32>} : memref<128x128xf32, #tpu.memory_space<vmem>>, vector<16xf32>,
        %add3A_1180 = arith.constant 11 : i32
        %add3A_1181 = arith.addi %add3A_60, %add3A_1180 : i32
        %get3A_1182 = arith.index_cast %add3A_1181 : i32 to index
        %get3A_1183 = arith.constant 16 : index
        %get3A_1184 = tpu.vector_load %arg9[%get3A_1182, %get3A_1183] {strides = array<i32>} : memref<128x128xf32, #tpu.memory_space<vmem>>, vector<16xf32>,
        %mul3A_1185 = arith.mulf %get3A_1184, %gather3A_1168 : vector<16xf32>
        %add3A_1186 = arith.constant 11 : i32
        %add3A_1187 = arith.addi %add3A_60, %add3A_1186 : i32
        %swap3A_1188 = arith.index_cast %add3A_1187 : i32 to index
        %swap3A_1189 = arith.constant 16 : index
        %swap3A_1190 = tpu.vector_load %arg9[%swap3A_1188, %swap3A_1189] {strides = array<i32>} : memref<128x128xf32, #tpu.memory_space<vmem>>, vector<16xf32>,
        tpu.vector_store %arg9[%swap3A_1188, %swap3A_1189], %mul3A_1185 {strides = array<i32>} : memref<128x128xf32, #tpu.memory_space<vmem>>, vector<16xf32>,
        %add3A_1191 = arith.constant 11 : i32
        %add3A_1192 = arith.addi %add3A_60, %add3A_1191 : i32
        %get3A_1193 = arith.index_cast %add3A_1192 : i32 to index
        %get3A_1194 = arith.constant 32 : index
        %get3A_1195 = tpu.vector_load %arg9[%get3A_1193, %get3A_1194] {strides = array<i32>} : memref<128x128xf32, #tpu.memory_space<vmem>>, vector<16xf32>,
        %mul3A_1196 = arith.mulf %get3A_1195, %gather3A_1168 : vector<16xf32>
        %add3A_1197 = arith.constant 11 : i32
        %add3A_1198 = arith.addi %add3A_60, %add3A_1197 : i32
        %swap3A_1199 = arith.index_cast %add3A_1198 : i32 to index
        %swap3A_1200 = arith.constant 32 : index
        %swap3A_1201 = tpu.vector_load %arg9[%swap3A_1199, %swap3A_1200] {strides = array<i32>} : memref<128x128xf32, #tpu.memory_space<vmem>>, vector<16xf32>,
        tpu.vector_store %arg9[%swap3A_1199, %swap3A_1200], %mul3A_1196 {strides = array<i32>} : memref<128x128xf32, #tpu.memory_space<vmem>>, vector<16xf32>,
        %add3A_1202 = arith.constant 11 : i32
        %add3A_1203 = arith.addi %add3A_60, %add3A_1202 : i32
        %get3A_1204 = arith.index_cast %add3A_1203 : i32 to index
        %get3A_1205 = arith.constant 48 : index
        %get3A_1206 = tpu.vector_load %arg9[%get3A_1204, %get3A_1205] {strides = array<i32>} : memref<128x128xf32, #tpu.memory_space<vmem>>, vector<16xf32>,
        %mul3A_1207 = arith.mulf %get3A_1206, %gather3A_1168 : vector<16xf32>
        %add3A_1208 = arith.constant 11 : i32
        %add3A_1209 = arith.addi %add3A_60, %add3A_1208 : i32
        %swap3A_1210 = arith.index_cast %add3A_1209 : i32 to index
        %swap3A_1211 = arith.constant 48 : index
        %swap3A_1212 = tpu.vector_load %arg9[%swap3A_1210, %swap3A_1211] {strides = array<i32>} : memref<128x128xf32, #tpu.memory_space<vmem>>, vector<16xf32>,
        tpu.vector_store %arg9[%swap3A_1210, %swap3A_1211], %mul3A_1207 {strides = array<i32>} : memref<128x128xf32, #tpu.memory_space<vmem>>, vector<16xf32>,
        %add3A_1213 = arith.constant 11 : i32
        %add3A_1214 = arith.addi %add3A_60, %add3A_1213 : i32
        %get3A_1215 = arith.index_cast %add3A_1214 : i32 to index
        %get3A_1216 = arith.constant 64 : index
        %get3A_1217 = tpu.vector_load %arg9[%get3A_1215, %get3A_1216] {strides = array<i32>} : memref<128x128xf32, #tpu.memory_space<vmem>>, vector<16xf32>,
        %mul3A_1218 = arith.mulf %get3A_1217, %gather3A_1168 : vector<16xf32>
        %add3A_1219 = arith.constant 11 : i32
        %add3A_1220 = arith.addi %add3A_60, %add3A_1219 : i32
        %swap3A_1221 = arith.index_cast %add3A_1220 : i32 to index
        %swap3A_1222 = arith.constant 64 : index
        %swap3A_1223 = tpu.vector_load %arg9[%swap3A_1221, %swap3A_1222] {strides = array<i32>} : memref<128x128xf32, #tpu.memory_space<vmem>>, vector<16xf32>,
        tpu.vector_store %arg9[%swap3A_1221, %swap3A_1222], %mul3A_1218 {strides = array<i32>} : memref<128x128xf32, #tpu.memory_space<vmem>>, vector<16xf32>,
        %add3A_1224 = arith.constant 11 : i32
        %add3A_1225 = arith.addi %add3A_60, %add3A_1224 : i32
        %get3A_1226 = arith.index_cast %add3A_1225 : i32 to index
        %get3A_1227 = arith.constant 80 : index
        %get3A_1228 = tpu.vector_load %arg9[%get3A_1226, %get3A_1227] {strides = array<i32>} : memref<128x128xf32, #tpu.memory_space<vmem>>, vector<16xf32>,
        %mul3A_1229 = arith.mulf %get3A_1228, %gather3A_1168 : vector<16xf32>
        %add3A_1230 = arith.constant 11 : i32
        %add3A_1231 = arith.addi %add3A_60, %add3A_1230 : i32
        %swap3A_1232 = arith.index_cast %add3A_1231 : i32 to index
        %swap3A_1233 = arith.constant 80 : index
        %swap3A_1234 = tpu.vector_load %arg9[%swap3A_1232, %swap3A_1233] {strides = array<i32>} : memref<128x128xf32, #tpu.memory_space<vmem>>, vector<16xf32>,
        tpu.vector_store %arg9[%swap3A_1232, %swap3A_1233], %mul3A_1229 {strides = array<i32>} : memref<128x128xf32, #tpu.memory_space<vmem>>, vector<16xf32>,
        %add3A_1235 = arith.constant 11 : i32
        %add3A_1236 = arith.addi %add3A_60, %add3A_1235 : i32
        %get3A_1237 = arith.index_cast %add3A_1236 : i32 to index
        %get3A_1238 = arith.constant 96 : index
        %get3A_1239 = tpu.vector_load %arg9[%get3A_1237, %get3A_1238] {strides = array<i32>} : memref<128x128xf32, #tpu.memory_space<vmem>>, vector<16xf32>,
        %mul3A_1240 = arith.mulf %get3A_1239, %gather3A_1168 : vector<16xf32>
        %add3A_1241 = arith.constant 11 : i32
        %add3A_1242 = arith.addi %add3A_60, %add3A_1241 : i32
        %swap3A_1243 = arith.index_cast %add3A_1242 : i32 to index
        %swap3A_1244 = arith.constant 96 : index
        %swap3A_1245 = tpu.vector_load %arg9[%swap3A_1243, %swap3A_1244] {strides = array<i32>} : memref<128x128xf32, #tpu.memory_space<vmem>>, vector<16xf32>,
        tpu.vector_store %arg9[%swap3A_1243, %swap3A_1244], %mul3A_1240 {strides = array<i32>} : memref<128x128xf32, #tpu.memory_space<vmem>>, vector<16xf32>,
        %add3A_1246 = arith.constant 11 : i32
        %add3A_1247 = arith.addi %add3A_60, %add3A_1246 : i32
        %get3A_1248 = arith.index_cast %add3A_1247 : i32 to index
        %get3A_1249 = arith.constant 112 : index
        %get3A_1250 = tpu.vector_load %arg9[%get3A_1248, %get3A_1249] {strides = array<i32>} : memref<128x128xf32, #tpu.memory_space<vmem>>, vector<16xf32>,
        %mul3A_1251 = arith.mulf %get3A_1250, %gather3A_1168 : vector<16xf32>
        %add3A_1252 = arith.constant 11 : i32
        %add3A_1253 = arith.addi %add3A_60, %add3A_1252 : i32
        %swap3A_1254 = arith.index_cast %add3A_1253 : i32 to index
        %swap3A_1255 = arith.constant 112 : index
        %swap3A_1256 = tpu.vector_load %arg9[%swap3A_1254, %swap3A_1255] {strides = array<i32>} : memref<128x128xf32, #tpu.memory_space<vmem>>, vector<16xf32>,
        tpu.vector_store %arg9[%swap3A_1254, %swap3A_1255], %mul3A_1251 {strides = array<i32>} : memref<128x128xf32, #tpu.memory_space<vmem>>, vector<16xf32>,
        %broadcast_in_dim3A_1257 = arith.constant 12 : i32
        %broadcast_in_dim3A_1258 = vector.broadcast %broadcast_in_dim3A_1257 : i32 to vector<16xi32>
        %lt3A_1259 = arith.constant 0 : i32
        %lt3A_1260 = vector.broadcast %lt3A_1259 : i32 to vector<16xi32>
        %lt3A_1261 = arith.cmpi slt, %broadcast_in_dim3A_1258, %lt3A_1260 : vector<16xi32>
        %add3A_1262 = arith.constant 16 : i32
        %add3A_1263 = vector.broadcast %add3A_1262 : i32 to vector<16xi32>
        %add3A_1264 = arith.addi %broadcast_in_dim3A_1258, %add3A_1263 : vector<16xi32>
        %select_n3A_1265 = arith.select %lt3A_1261, %add3A_1264, %broadcast_in_dim3A_1258 : vector<16xi1>, vector<16xi32>
        %broadcast_in_dim3A_1266 = vector.shape_cast %select_n3A_1265 : vector<16xi32> to vector<16x1xi32>
        %gather3A_1267 = vector.shape_cast %broadcast_in_dim3A_1266 : vector<16x1xi32> to vector<16xi32>
        %gather3A_1268 = tpu.dynamic_gather %get3A_61[%gather3A_1267] in [0] : vector<16xf32>, vector<16xi32> -> vector<16xf32>
        %add3A_1269 = arith.constant 12 : i32
        %add3A_1270 = arith.addi %add3A_60, %add3A_1269 : i32
        %get3A_1271 = arith.index_cast %add3A_1270 : i32 to index
        %get3A_1272 = arith.constant 0 : index
        %get3A_1273 = tpu.vector_load %arg9[%get3A_1271, %get3A_1272] {strides = array<i32>} : memref<128x128xf32, #tpu.memory_space<vmem>>, vector<16xf32>,
        %mul3A_1274 = arith.mulf %get3A_1273, %gather3A_1268 : vector<16xf32>
        %add3A_1275 = arith.constant 12 : i32
        %add3A_1276 = arith.addi %add3A_60, %add3A_1275 : i32
        %swap3A_1277 = arith.index_cast %add3A_1276 : i32 to index
        %swap3A_1278 = arith.constant 0 : index
        %swap3A_1279 = tpu.vector_load %arg9[%swap3A_1277, %swap3A_1278] {strides = array<i32>} : memref<128x128xf32, #tpu.memory_space<vmem>>, vector<16xf32>,
        tpu.vector_store %arg9[%swap3A_1277, %swap3A_1278], %mul3A_1274 {strides = array<i32>} : memref<128x128xf32, #tpu.memory_space<vmem>>, vector<16xf32>,
        %add3A_1280 = arith.constant 12 : i32
        %add3A_1281 = arith.addi %add3A_60, %add3A_1280 : i32
        %get3A_1282 = arith.index_cast %add3A_1281 : i32 to index
        %get3A_1283 = arith.constant 16 : index
        %get3A_1284 = tpu.vector_load %arg9[%get3A_1282, %get3A_1283] {strides = array<i32>} : memref<128x128xf32, #tpu.memory_space<vmem>>, vector<16xf32>,
        %mul3A_1285 = arith.mulf %get3A_1284, %gather3A_1268 : vector<16xf32>
        %add3A_1286 = arith.constant 12 : i32
        %add3A_1287 = arith.addi %add3A_60, %add3A_1286 : i32
        %swap3A_1288 = arith.index_cast %add3A_1287 : i32 to index
        %swap3A_1289 = arith.constant 16 : index
        %swap3A_1290 = tpu.vector_load %arg9[%swap3A_1288, %swap3A_1289] {strides = array<i32>} : memref<128x128xf32, #tpu.memory_space<vmem>>, vector<16xf32>,
        tpu.vector_store %arg9[%swap3A_1288, %swap3A_1289], %mul3A_1285 {strides = array<i32>} : memref<128x128xf32, #tpu.memory_space<vmem>>, vector<16xf32>,
        %add3A_1291 = arith.constant 12 : i32
        %add3A_1292 = arith.addi %add3A_60, %add3A_1291 : i32
        %get3A_1293 = arith.index_cast %add3A_1292 : i32 to index
        %get3A_1294 = arith.constant 32 : index
        %get3A_1295 = tpu.vector_load %arg9[%get3A_1293, %get3A_1294] {strides = array<i32>} : memref<128x128xf32, #tpu.memory_space<vmem>>, vector<16xf32>,
        %mul3A_1296 = arith.mulf %get3A_1295, %gather3A_1268 : vector<16xf32>
        %add3A_1297 = arith.constant 12 : i32
        %add3A_1298 = arith.addi %add3A_60, %add3A_1297 : i32
        %swap3A_1299 = arith.index_cast %add3A_1298 : i32 to index
        %swap3A_1300 = arith.constant 32 : index
        %swap3A_1301 = tpu.vector_load %arg9[%swap3A_1299, %swap3A_1300] {strides = array<i32>} : memref<128x128xf32, #tpu.memory_space<vmem>>, vector<16xf32>,
        tpu.vector_store %arg9[%swap3A_1299, %swap3A_1300], %mul3A_1296 {strides = array<i32>} : memref<128x128xf32, #tpu.memory_space<vmem>>, vector<16xf32>,
        %add3A_1302 = arith.constant 12 : i32
        %add3A_1303 = arith.addi %add3A_60, %add3A_1302 : i32
        %get3A_1304 = arith.index_cast %add3A_1303 : i32 to index
        %get3A_1305 = arith.constant 48 : index
        %get3A_1306 = tpu.vector_load %arg9[%get3A_1304, %get3A_1305] {strides = array<i32>} : memref<128x128xf32, #tpu.memory_space<vmem>>, vector<16xf32>,
        %mul3A_1307 = arith.mulf %get3A_1306, %gather3A_1268 : vector<16xf32>
        %add3A_1308 = arith.constant 12 : i32
        %add3A_1309 = arith.addi %add3A_60, %add3A_1308 : i32
        %swap3A_1310 = arith.index_cast %add3A_1309 : i32 to index
        %swap3A_1311 = arith.constant 48 : index
        %swap3A_1312 = tpu.vector_load %arg9[%swap3A_1310, %swap3A_1311] {strides = array<i32>} : memref<128x128xf32, #tpu.memory_space<vmem>>, vector<16xf32>,
        tpu.vector_store %arg9[%swap3A_1310, %swap3A_1311], %mul3A_1307 {strides = array<i32>} : memref<128x128xf32, #tpu.memory_space<vmem>>, vector<16xf32>,
        %add3A_1313 = arith.constant 12 : i32
        %add3A_1314 = arith.addi %add3A_60, %add3A_1313 : i32
        %get3A_1315 = arith.index_cast %add3A_1314 : i32 to index
        %get3A_1316 = arith.constant 64 : index
        %get3A_1317 = tpu.vector_load %arg9[%get3A_1315, %get3A_1316] {strides = array<i32>} : memref<128x128xf32, #tpu.memory_space<vmem>>, vector<16xf32>,
        %mul3A_1318 = arith.mulf %get3A_1317, %gather3A_1268 : vector<16xf32>
        %add3A_1319 = arith.constant 12 : i32
        %add3A_1320 = arith.addi %add3A_60, %add3A_1319 : i32
        %swap3A_1321 = arith.index_cast %add3A_1320 : i32 to index
        %swap3A_1322 = arith.constant 64 : index
        %swap3A_1323 = tpu.vector_load %arg9[%swap3A_1321, %swap3A_1322] {strides = array<i32>} : memref<128x128xf32, #tpu.memory_space<vmem>>, vector<16xf32>,
        tpu.vector_store %arg9[%swap3A_1321, %swap3A_1322], %mul3A_1318 {strides = array<i32>} : memref<128x128xf32, #tpu.memory_space<vmem>>, vector<16xf32>,
        %add3A_1324 = arith.constant 12 : i32
        %add3A_1325 = arith.addi %add3A_60, %add3A_1324 : i32
        %get3A_1326 = arith.index_cast %add3A_1325 : i32 to index
        %get3A_1327 = arith.constant 80 : index
        %get3A_1328 = tpu.vector_load %arg9[%get3A_1326, %get3A_1327] {strides = array<i32>} : memref<128x128xf32, #tpu.memory_space<vmem>>, vector<16xf32>,
        %mul3A_1329 = arith.mulf %get3A_1328, %gather3A_1268 : vector<16xf32>
        %add3A_1330 = arith.constant 12 : i32
        %add3A_1331 = arith.addi %add3A_60, %add3A_1330 : i32
        %swap3A_1332 = arith.index_cast %add3A_1331 : i32 to index
        %swap3A_1333 = arith.constant 80 : index
        %swap3A_1334 = tpu.vector_load %arg9[%swap3A_1332, %swap3A_1333] {strides = array<i32>} : memref<128x128xf32, #tpu.memory_space<vmem>>, vector<16xf32>,
        tpu.vector_store %arg9[%swap3A_1332, %swap3A_1333], %mul3A_1329 {strides = array<i32>} : memref<128x128xf32, #tpu.memory_space<vmem>>, vector<16xf32>,
        %add3A_1335 = arith.constant 12 : i32
        %add3A_1336 = arith.addi %add3A_60, %add3A_1335 : i32
        %get3A_1337 = arith.index_cast %add3A_1336 : i32 to index
        %get3A_1338 = arith.constant 96 : index
        %get3A_1339 = tpu.vector_load %arg9[%get3A_1337, %get3A_1338] {strides = array<i32>} : memref<128x128xf32, #tpu.memory_space<vmem>>, vector<16xf32>,
        %mul3A_1340 = arith.mulf %get3A_1339, %gather3A_1268 : vector<16xf32>
        %add3A_1341 = arith.constant 12 : i32
        %add3A_1342 = arith.addi %add3A_60, %add3A_1341 : i32
        %swap3A_1343 = arith.index_cast %add3A_1342 : i32 to index
        %swap3A_1344 = arith.constant 96 : index
        %swap3A_1345 = tpu.vector_load %arg9[%swap3A_1343, %swap3A_1344] {strides = array<i32>} : memref<128x128xf32, #tpu.memory_space<vmem>>, vector<16xf32>,
        tpu.vector_store %arg9[%swap3A_1343, %swap3A_1344], %mul3A_1340 {strides = array<i32>} : memref<128x128xf32, #tpu.memory_space<vmem>>, vector<16xf32>,
        %add3A_1346 = arith.constant 12 : i32
        %add3A_1347 = arith.addi %add3A_60, %add3A_1346 : i32
        %get3A_1348 = arith.index_cast %add3A_1347 : i32 to index
        %get3A_1349 = arith.constant 112 : index
        %get3A_1350 = tpu.vector_load %arg9[%get3A_1348, %get3A_1349] {strides = array<i32>} : memref<128x128xf32, #tpu.memory_space<vmem>>, vector<16xf32>,
        %mul3A_1351 = arith.mulf %get3A_1350, %gather3A_1268 : vector<16xf32>
        %add3A_1352 = arith.constant 12 : i32
        %add3A_1353 = arith.addi %add3A_60, %add3A_1352 : i32
        %swap3A_1354 = arith.index_cast %add3A_1353 : i32 to index
        %swap3A_1355 = arith.constant 112 : index
        %swap3A_1356 = tpu.vector_load %arg9[%swap3A_1354, %swap3A_1355] {strides = array<i32>} : memref<128x128xf32, #tpu.memory_space<vmem>>, vector<16xf32>,
        tpu.vector_store %arg9[%swap3A_1354, %swap3A_1355], %mul3A_1351 {strides = array<i32>} : memref<128x128xf32, #tpu.memory_space<vmem>>, vector<16xf32>,
        %broadcast_in_dim3A_1357 = arith.constant 13 : i32
        %broadcast_in_dim3A_1358 = vector.broadcast %broadcast_in_dim3A_1357 : i32 to vector<16xi32>
        %lt3A_1359 = arith.constant 0 : i32
        %lt3A_1360 = vector.broadcast %lt3A_1359 : i32 to vector<16xi32>
        %lt3A_1361 = arith.cmpi slt, %broadcast_in_dim3A_1358, %lt3A_1360 : vector<16xi32>
        %add3A_1362 = arith.constant 16 : i32
        %add3A_1363 = vector.broadcast %add3A_1362 : i32 to vector<16xi32>
        %add3A_1364 = arith.addi %broadcast_in_dim3A_1358, %add3A_1363 : vector<16xi32>
        %select_n3A_1365 = arith.select %lt3A_1361, %add3A_1364, %broadcast_in_dim3A_1358 : vector<16xi1>, vector<16xi32>
        %broadcast_in_dim3A_1366 = vector.shape_cast %select_n3A_1365 : vector<16xi32> to vector<16x1xi32>
        %gather3A_1367 = vector.shape_cast %broadcast_in_dim3A_1366 : vector<16x1xi32> to vector<16xi32>
        %gather3A_1368 = tpu.dynamic_gather %get3A_61[%gather3A_1367] in [0] : vector<16xf32>, vector<16xi32> -> vector<16xf32>
        %add3A_1369 = arith.constant 13 : i32
        %add3A_1370 = arith.addi %add3A_60, %add3A_1369 : i32
        %get3A_1371 = arith.index_cast %add3A_1370 : i32 to index
        %get3A_1372 = arith.constant 0 : index
        %get3A_1373 = tpu.vector_load %arg9[%get3A_1371, %get3A_1372] {strides = array<i32>} : memref<128x128xf32, #tpu.memory_space<vmem>>, vector<16xf32>,
        %mul3A_1374 = arith.mulf %get3A_1373, %gather3A_1368 : vector<16xf32>
        %add3A_1375 = arith.constant 13 : i32
        %add3A_1376 = arith.addi %add3A_60, %add3A_1375 : i32
        %swap3A_1377 = arith.index_cast %add3A_1376 : i32 to index
        %swap3A_1378 = arith.constant 0 : index
        %swap3A_1379 = tpu.vector_load %arg9[%swap3A_1377, %swap3A_1378] {strides = array<i32>} : memref<128x128xf32, #tpu.memory_space<vmem>>, vector<16xf32>,
        tpu.vector_store %arg9[%swap3A_1377, %swap3A_1378], %mul3A_1374 {strides = array<i32>} : memref<128x128xf32, #tpu.memory_space<vmem>>, vector<16xf32>,
        %add3A_1380 = arith.constant 13 : i32
        %add3A_1381 = arith.addi %add3A_60, %add3A_1380 : i32
        %get3A_1382 = arith.index_cast %add3A_1381 : i32 to index
        %get3A_1383 = arith.constant 16 : index
        %get3A_1384 = tpu.vector_load %arg9[%get3A_1382, %get3A_1383] {strides = array<i32>} : memref<128x128xf32, #tpu.memory_space<vmem>>, vector<16xf32>,
        %mul3A_1385 = arith.mulf %get3A_1384, %gather3A_1368 : vector<16xf32>
        %add3A_1386 = arith.constant 13 : i32
        %add3A_1387 = arith.addi %add3A_60, %add3A_1386 : i32
        %swap3A_1388 = arith.index_cast %add3A_1387 : i32 to index
        %swap3A_1389 = arith.constant 16 : index
        %swap3A_1390 = tpu.vector_load %arg9[%swap3A_1388, %swap3A_1389] {strides = array<i32>} : memref<128x128xf32, #tpu.memory_space<vmem>>, vector<16xf32>,
        tpu.vector_store %arg9[%swap3A_1388, %swap3A_1389], %mul3A_1385 {strides = array<i32>} : memref<128x128xf32, #tpu.memory_space<vmem>>, vector<16xf32>,
        %add3A_1391 = arith.constant 13 : i32
        %add3A_1392 = arith.addi %add3A_60, %add3A_1391 : i32
        %get3A_1393 = arith.index_cast %add3A_1392 : i32 to index
        %get3A_1394 = arith.constant 32 : index
        %get3A_1395 = tpu.vector_load %arg9[%get3A_1393, %get3A_1394] {strides = array<i32>} : memref<128x128xf32, #tpu.memory_space<vmem>>, vector<16xf32>,
        %mul3A_1396 = arith.mulf %get3A_1395, %gather3A_1368 : vector<16xf32>
        %add3A_1397 = arith.constant 13 : i32
        %add3A_1398 = arith.addi %add3A_60, %add3A_1397 : i32
        %swap3A_1399 = arith.index_cast %add3A_1398 : i32 to index
        %swap3A_1400 = arith.constant 32 : index
        %swap3A_1401 = tpu.vector_load %arg9[%swap3A_1399, %swap3A_1400] {strides = array<i32>} : memref<128x128xf32, #tpu.memory_space<vmem>>, vector<16xf32>,
        tpu.vector_store %arg9[%swap3A_1399, %swap3A_1400], %mul3A_1396 {strides = array<i32>} : memref<128x128xf32, #tpu.memory_space<vmem>>, vector<16xf32>,
        %add3A_1402 = arith.constant 13 : i32
        %add3A_1403 = arith.addi %add3A_60, %add3A_1402 : i32
        %get3A_1404 = arith.index_cast %add3A_1403 : i32 to index
        %get3A_1405 = arith.constant 48 : index
        %get3A_1406 = tpu.vector_load %arg9[%get3A_1404, %get3A_1405] {strides = array<i32>} : memref<128x128xf32, #tpu.memory_space<vmem>>, vector<16xf32>,
        %mul3A_1407 = arith.mulf %get3A_1406, %gather3A_1368 : vector<16xf32>
        %add3A_1408 = arith.constant 13 : i32
        %add3A_1409 = arith.addi %add3A_60, %add3A_1408 : i32
        %swap3A_1410 = arith.index_cast %add3A_1409 : i32 to index
        %swap3A_1411 = arith.constant 48 : index
        %swap3A_1412 = tpu.vector_load %arg9[%swap3A_1410, %swap3A_1411] {strides = array<i32>} : memref<128x128xf32, #tpu.memory_space<vmem>>, vector<16xf32>,
        tpu.vector_store %arg9[%swap3A_1410, %swap3A_1411], %mul3A_1407 {strides = array<i32>} : memref<128x128xf32, #tpu.memory_space<vmem>>, vector<16xf32>,
        %add3A_1413 = arith.constant 13 : i32
        %add3A_1414 = arith.addi %add3A_60, %add3A_1413 : i32
        %get3A_1415 = arith.index_cast %add3A_1414 : i32 to index
        %get3A_1416 = arith.constant 64 : index
        %get3A_1417 = tpu.vector_load %arg9[%get3A_1415, %get3A_1416] {strides = array<i32>} : memref<128x128xf32, #tpu.memory_space<vmem>>, vector<16xf32>,
        %mul3A_1418 = arith.mulf %get3A_1417, %gather3A_1368 : vector<16xf32>
        %add3A_1419 = arith.constant 13 : i32
        %add3A_1420 = arith.addi %add3A_60, %add3A_1419 : i32
        %swap3A_1421 = arith.index_cast %add3A_1420 : i32 to index
        %swap3A_1422 = arith.constant 64 : index
        %swap3A_1423 = tpu.vector_load %arg9[%swap3A_1421, %swap3A_1422] {strides = array<i32>} : memref<128x128xf32, #tpu.memory_space<vmem>>, vector<16xf32>,
        tpu.vector_store %arg9[%swap3A_1421, %swap3A_1422], %mul3A_1418 {strides = array<i32>} : memref<128x128xf32, #tpu.memory_space<vmem>>, vector<16xf32>,
        %add3A_1424 = arith.constant 13 : i32
        %add3A_1425 = arith.addi %add3A_60, %add3A_1424 : i32
        %get3A_1426 = arith.index_cast %add3A_1425 : i32 to index
        %get3A_1427 = arith.constant 80 : index
        %get3A_1428 = tpu.vector_load %arg9[%get3A_1426, %get3A_1427] {strides = array<i32>} : memref<128x128xf32, #tpu.memory_space<vmem>>, vector<16xf32>,
        %mul3A_1429 = arith.mulf %get3A_1428, %gather3A_1368 : vector<16xf32>
        %add3A_1430 = arith.constant 13 : i32
        %add3A_1431 = arith.addi %add3A_60, %add3A_1430 : i32
        %swap3A_1432 = arith.index_cast %add3A_1431 : i32 to index
        %swap3A_1433 = arith.constant 80 : index
        %swap3A_1434 = tpu.vector_load %arg9[%swap3A_1432, %swap3A_1433] {strides = array<i32>} : memref<128x128xf32, #tpu.memory_space<vmem>>, vector<16xf32>,
        tpu.vector_store %arg9[%swap3A_1432, %swap3A_1433], %mul3A_1429 {strides = array<i32>} : memref<128x128xf32, #tpu.memory_space<vmem>>, vector<16xf32>,
        %add3A_1435 = arith.constant 13 : i32
        %add3A_1436 = arith.addi %add3A_60, %add3A_1435 : i32
        %get3A_1437 = arith.index_cast %add3A_1436 : i32 to index
        %get3A_1438 = arith.constant 96 : index
        %get3A_1439 = tpu.vector_load %arg9[%get3A_1437, %get3A_1438] {strides = array<i32>} : memref<128x128xf32, #tpu.memory_space<vmem>>, vector<16xf32>,
        %mul3A_1440 = arith.mulf %get3A_1439, %gather3A_1368 : vector<16xf32>
        %add3A_1441 = arith.constant 13 : i32
        %add3A_1442 = arith.addi %add3A_60, %add3A_1441 : i32
        %swap3A_1443 = arith.index_cast %add3A_1442 : i32 to index
        %swap3A_1444 = arith.constant 96 : index
        %swap3A_1445 = tpu.vector_load %arg9[%swap3A_1443, %swap3A_1444] {strides = array<i32>} : memref<128x128xf32, #tpu.memory_space<vmem>>, vector<16xf32>,
        tpu.vector_store %arg9[%swap3A_1443, %swap3A_1444], %mul3A_1440 {strides = array<i32>} : memref<128x128xf32, #tpu.memory_space<vmem>>, vector<16xf32>,
        %add3A_1446 = arith.constant 13 : i32
        %add3A_1447 = arith.addi %add3A_60, %add3A_1446 : i32
        %get3A_1448 = arith.index_cast %add3A_1447 : i32 to index
        %get3A_1449 = arith.constant 112 : index
        %get3A_1450 = tpu.vector_load %arg9[%get3A_1448, %get3A_1449] {strides = array<i32>} : memref<128x128xf32, #tpu.memory_space<vmem>>, vector<16xf32>,
        %mul3A_1451 = arith.mulf %get3A_1450, %gather3A_1368 : vector<16xf32>
        %add3A_1452 = arith.constant 13 : i32
        %add3A_1453 = arith.addi %add3A_60, %add3A_1452 : i32
        %swap3A_1454 = arith.index_cast %add3A_1453 : i32 to index
        %swap3A_1455 = arith.constant 112 : index
        %swap3A_1456 = tpu.vector_load %arg9[%swap3A_1454, %swap3A_1455] {strides = array<i32>} : memref<128x128xf32, #tpu.memory_space<vmem>>, vector<16xf32>,
        tpu.vector_store %arg9[%swap3A_1454, %swap3A_1455], %mul3A_1451 {strides = array<i32>} : memref<128x128xf32, #tpu.memory_space<vmem>>, vector<16xf32>,
        %broadcast_in_dim3A_1457 = arith.constant 14 : i32
        %broadcast_in_dim3A_1458 = vector.broadcast %broadcast_in_dim3A_1457 : i32 to vector<16xi32>
        %lt3A_1459 = arith.constant 0 : i32
        %lt3A_1460 = vector.broadcast %lt3A_1459 : i32 to vector<16xi32>
        %lt3A_1461 = arith.cmpi slt, %broadcast_in_dim3A_1458, %lt3A_1460 : vector<16xi32>
        %add3A_1462 = arith.constant 16 : i32
        %add3A_1463 = vector.broadcast %add3A_1462 : i32 to vector<16xi32>
        %add3A_1464 = arith.addi %broadcast_in_dim3A_1458, %add3A_1463 : vector<16xi32>
        %select_n3A_1465 = arith.select %lt3A_1461, %add3A_1464, %broadcast_in_dim3A_1458 : vector<16xi1>, vector<16xi32>
        %broadcast_in_dim3A_1466 = vector.shape_cast %select_n3A_1465 : vector<16xi32> to vector<16x1xi32>
        %gather3A_1467 = vector.shape_cast %broadcast_in_dim3A_1466 : vector<16x1xi32> to vector<16xi32>
        %gather3A_1468 = tpu.dynamic_gather %get3A_61[%gather3A_1467] in [0] : vector<16xf32>, vector<16xi32> -> vector<16xf32>
        %add3A_1469 = arith.constant 14 : i32
        %add3A_1470 = arith.addi %add3A_60, %add3A_1469 : i32
        %get3A_1471 = arith.index_cast %add3A_1470 : i32 to index
        %get3A_1472 = arith.constant 0 : index
        %get3A_1473 = tpu.vector_load %arg9[%get3A_1471, %get3A_1472] {strides = array<i32>} : memref<128x128xf32, #tpu.memory_space<vmem>>, vector<16xf32>,
        %mul3A_1474 = arith.mulf %get3A_1473, %gather3A_1468 : vector<16xf32>
        %add3A_1475 = arith.constant 14 : i32
        %add3A_1476 = arith.addi %add3A_60, %add3A_1475 : i32
        %swap3A_1477 = arith.index_cast %add3A_1476 : i32 to index
        %swap3A_1478 = arith.constant 0 : index
        %swap3A_1479 = tpu.vector_load %arg9[%swap3A_1477, %swap3A_1478] {strides = array<i32>} : memref<128x128xf32, #tpu.memory_space<vmem>>, vector<16xf32>,
        tpu.vector_store %arg9[%swap3A_1477, %swap3A_1478], %mul3A_1474 {strides = array<i32>} : memref<128x128xf32, #tpu.memory_space<vmem>>, vector<16xf32>,
        %add3A_1480 = arith.constant 14 : i32
        %add3A_1481 = arith.addi %add3A_60, %add3A_1480 : i32
        %get3A_1482 = arith.index_cast %add3A_1481 : i32 to index
        %get3A_1483 = arith.constant 16 : index
        %get3A_1484 = tpu.vector_load %arg9[%get3A_1482, %get3A_1483] {strides = array<i32>} : memref<128x128xf32, #tpu.memory_space<vmem>>, vector<16xf32>,
        %mul3A_1485 = arith.mulf %get3A_1484, %gather3A_1468 : vector<16xf32>
        %add3A_1486 = arith.constant 14 : i32
        %add3A_1487 = arith.addi %add3A_60, %add3A_1486 : i32
        %swap3A_1488 = arith.index_cast %add3A_1487 : i32 to index
        %swap3A_1489 = arith.constant 16 : index
        %swap3A_1490 = tpu.vector_load %arg9[%swap3A_1488, %swap3A_1489] {strides = array<i32>} : memref<128x128xf32, #tpu.memory_space<vmem>>, vector<16xf32>,
        tpu.vector_store %arg9[%swap3A_1488, %swap3A_1489], %mul3A_1485 {strides = array<i32>} : memref<128x128xf32, #tpu.memory_space<vmem>>, vector<16xf32>,
        %add3A_1491 = arith.constant 14 : i32
        %add3A_1492 = arith.addi %add3A_60, %add3A_1491 : i32
        %get3A_1493 = arith.index_cast %add3A_1492 : i32 to index
        %get3A_1494 = arith.constant 32 : index
        %get3A_1495 = tpu.vector_load %arg9[%get3A_1493, %get3A_1494] {strides = array<i32>} : memref<128x128xf32, #tpu.memory_space<vmem>>, vector<16xf32>,
        %mul3A_1496 = arith.mulf %get3A_1495, %gather3A_1468 : vector<16xf32>
        %add3A_1497 = arith.constant 14 : i32
        %add3A_1498 = arith.addi %add3A_60, %add3A_1497 : i32
        %swap3A_1499 = arith.index_cast %add3A_1498 : i32 to index
        %swap3A_1500 = arith.constant 32 : index
        %swap3A_1501 = tpu.vector_load %arg9[%swap3A_1499, %swap3A_1500] {strides = array<i32>} : memref<128x128xf32, #tpu.memory_space<vmem>>, vector<16xf32>,
        tpu.vector_store %arg9[%swap3A_1499, %swap3A_1500], %mul3A_1496 {strides = array<i32>} : memref<128x128xf32, #tpu.memory_space<vmem>>, vector<16xf32>,
        %add3A_1502 = arith.constant 14 : i32
        %add3A_1503 = arith.addi %add3A_60, %add3A_1502 : i32
        %get3A_1504 = arith.index_cast %add3A_1503 : i32 to index
        %get3A_1505 = arith.constant 48 : index
        %get3A_1506 = tpu.vector_load %arg9[%get3A_1504, %get3A_1505] {strides = array<i32>} : memref<128x128xf32, #tpu.memory_space<vmem>>, vector<16xf32>,
        %mul3A_1507 = arith.mulf %get3A_1506, %gather3A_1468 : vector<16xf32>
        %add3A_1508 = arith.constant 14 : i32
        %add3A_1509 = arith.addi %add3A_60, %add3A_1508 : i32
        %swap3A_1510 = arith.index_cast %add3A_1509 : i32 to index
        %swap3A_1511 = arith.constant 48 : index
        %swap3A_1512 = tpu.vector_load %arg9[%swap3A_1510, %swap3A_1511] {strides = array<i32>} : memref<128x128xf32, #tpu.memory_space<vmem>>, vector<16xf32>,
        tpu.vector_store %arg9[%swap3A_1510, %swap3A_1511], %mul3A_1507 {strides = array<i32>} : memref<128x128xf32, #tpu.memory_space<vmem>>, vector<16xf32>,
        %add3A_1513 = arith.constant 14 : i32
        %add3A_1514 = arith.addi %add3A_60, %add3A_1513 : i32
        %get3A_1515 = arith.index_cast %add3A_1514 : i32 to index
        %get3A_1516 = arith.constant 64 : index
        %get3A_1517 = tpu.vector_load %arg9[%get3A_1515, %get3A_1516] {strides = array<i32>} : memref<128x128xf32, #tpu.memory_space<vmem>>, vector<16xf32>,
        %mul3A_1518 = arith.mulf %get3A_1517, %gather3A_1468 : vector<16xf32>
        %add3A_1519 = arith.constant 14 : i32
        %add3A_1520 = arith.addi %add3A_60, %add3A_1519 : i32
        %swap3A_1521 = arith.index_cast %add3A_1520 : i32 to index
        %swap3A_1522 = arith.constant 64 : index
        %swap3A_1523 = tpu.vector_load %arg9[%swap3A_1521, %swap3A_1522] {strides = array<i32>} : memref<128x128xf32, #tpu.memory_space<vmem>>, vector<16xf32>,
        tpu.vector_store %arg9[%swap3A_1521, %swap3A_1522], %mul3A_1518 {strides = array<i32>} : memref<128x128xf32, #tpu.memory_space<vmem>>, vector<16xf32>,
        %add3A_1524 = arith.constant 14 : i32
        %add3A_1525 = arith.addi %add3A_60, %add3A_1524 : i32
        %get3A_1526 = arith.index_cast %add3A_1525 : i32 to index
        %get3A_1527 = arith.constant 80 : index
        %get3A_1528 = tpu.vector_load %arg9[%get3A_1526, %get3A_1527] {strides = array<i32>} : memref<128x128xf32, #tpu.memory_space<vmem>>, vector<16xf32>,
        %mul3A_1529 = arith.mulf %get3A_1528, %gather3A_1468 : vector<16xf32>
        %add3A_1530 = arith.constant 14 : i32
        %add3A_1531 = arith.addi %add3A_60, %add3A_1530 : i32
        %swap3A_1532 = arith.index_cast %add3A_1531 : i32 to index
        %swap3A_1533 = arith.constant 80 : index
        %swap3A_1534 = tpu.vector_load %arg9[%swap3A_1532, %swap3A_1533] {strides = array<i32>} : memref<128x128xf32, #tpu.memory_space<vmem>>, vector<16xf32>,
        tpu.vector_store %arg9[%swap3A_1532, %swap3A_1533], %mul3A_1529 {strides = array<i32>} : memref<128x128xf32, #tpu.memory_space<vmem>>, vector<16xf32>,
        %add3A_1535 = arith.constant 14 : i32
        %add3A_1536 = arith.addi %add3A_60, %add3A_1535 : i32
        %get3A_1537 = arith.index_cast %add3A_1536 : i32 to index
        %get3A_1538 = arith.constant 96 : index
        %get3A_1539 = tpu.vector_load %arg9[%get3A_1537, %get3A_1538] {strides = array<i32>} : memref<128x128xf32, #tpu.memory_space<vmem>>, vector<16xf32>,
        %mul3A_1540 = arith.mulf %get3A_1539, %gather3A_1468 : vector<16xf32>
        %add3A_1541 = arith.constant 14 : i32
        %add3A_1542 = arith.addi %add3A_60, %add3A_1541 : i32
        %swap3A_1543 = arith.index_cast %add3A_1542 : i32 to index
        %swap3A_1544 = arith.constant 96 : index
        %swap3A_1545 = tpu.vector_load %arg9[%swap3A_1543, %swap3A_1544] {strides = array<i32>} : memref<128x128xf32, #tpu.memory_space<vmem>>, vector<16xf32>,
        tpu.vector_store %arg9[%swap3A_1543, %swap3A_1544], %mul3A_1540 {strides = array<i32>} : memref<128x128xf32, #tpu.memory_space<vmem>>, vector<16xf32>,
        %add3A_1546 = arith.constant 14 : i32
        %add3A_1547 = arith.addi %add3A_60, %add3A_1546 : i32
        %get3A_1548 = arith.index_cast %add3A_1547 : i32 to index
        %get3A_1549 = arith.constant 112 : index
        %get3A_1550 = tpu.vector_load %arg9[%get3A_1548, %get3A_1549] {strides = array<i32>} : memref<128x128xf32, #tpu.memory_space<vmem>>, vector<16xf32>,
        %mul3A_1551 = arith.mulf %get3A_1550, %gather3A_1468 : vector<16xf32>
        %add3A_1552 = arith.constant 14 : i32
        %add3A_1553 = arith.addi %add3A_60, %add3A_1552 : i32
        %swap3A_1554 = arith.index_cast %add3A_1553 : i32 to index
        %swap3A_1555 = arith.constant 112 : index
        %swap3A_1556 = tpu.vector_load %arg9[%swap3A_1554, %swap3A_1555] {strides = array<i32>} : memref<128x128xf32, #tpu.memory_space<vmem>>, vector<16xf32>,
        tpu.vector_store %arg9[%swap3A_1554, %swap3A_1555], %mul3A_1551 {strides = array<i32>} : memref<128x128xf32, #tpu.memory_space<vmem>>, vector<16xf32>,
        %broadcast_in_dim3A_1557 = arith.constant 15 : i32
        %broadcast_in_dim3A_1558 = vector.broadcast %broadcast_in_dim3A_1557 : i32 to vector<16xi32>
        %lt3A_1559 = arith.constant 0 : i32
        %lt3A_1560 = vector.broadcast %lt3A_1559 : i32 to vector<16xi32>
        %lt3A_1561 = arith.cmpi slt, %broadcast_in_dim3A_1558, %lt3A_1560 : vector<16xi32>
        %add3A_1562 = arith.constant 16 : i32
        %add3A_1563 = vector.broadcast %add3A_1562 : i32 to vector<16xi32>
        %add3A_1564 = arith.addi %broadcast_in_dim3A_1558, %add3A_1563 : vector<16xi32>
        %select_n3A_1565 = arith.select %lt3A_1561, %add3A_1564, %broadcast_in_dim3A_1558 : vector<16xi1>, vector<16xi32>
        %broadcast_in_dim3A_1566 = vector.shape_cast %select_n3A_1565 : vector<16xi32> to vector<16x1xi32>
        %gather3A_1567 = vector.shape_cast %broadcast_in_dim3A_1566 : vector<16x1xi32> to vector<16xi32>
        %gather3A_1568 = tpu.dynamic_gather %get3A_61[%gather3A_1567] in [0] : vector<16xf32>, vector<16xi32> -> vector<16xf32>
        %add3A_1569 = arith.constant 15 : i32
        %add3A_1570 = arith.addi %add3A_60, %add3A_1569 : i32
        %get3A_1571 = arith.index_cast %add3A_1570 : i32 to index
        %get3A_1572 = arith.constant 0 : index
        %get3A_1573 = tpu.vector_load %arg9[%get3A_1571, %get3A_1572] {strides = array<i32>} : memref<128x128xf32, #tpu.memory_space<vmem>>, vector<16xf32>,
        %mul3A_1574 = arith.mulf %get3A_1573, %gather3A_1568 : vector<16xf32>
        %add3A_1575 = arith.constant 15 : i32
        %add3A_1576 = arith.addi %add3A_60, %add3A_1575 : i32
        %swap3A_1577 = arith.index_cast %add3A_1576 : i32 to index
        %swap3A_1578 = arith.constant 0 : index
        %swap3A_1579 = tpu.vector_load %arg9[%swap3A_1577, %swap3A_1578] {strides = array<i32>} : memref<128x128xf32, #tpu.memory_space<vmem>>, vector<16xf32>,
        tpu.vector_store %arg9[%swap3A_1577, %swap3A_1578], %mul3A_1574 {strides = array<i32>} : memref<128x128xf32, #tpu.memory_space<vmem>>, vector<16xf32>,
        %add3A_1580 = arith.constant 15 : i32
        %add3A_1581 = arith.addi %add3A_60, %add3A_1580 : i32
        %get3A_1582 = arith.index_cast %add3A_1581 : i32 to index
        %get3A_1583 = arith.constant 16 : index
        %get3A_1584 = tpu.vector_load %arg9[%get3A_1582, %get3A_1583] {strides = array<i32>} : memref<128x128xf32, #tpu.memory_space<vmem>>, vector<16xf32>,
        %mul3A_1585 = arith.mulf %get3A_1584, %gather3A_1568 : vector<16xf32>
        %add3A_1586 = arith.constant 15 : i32
        %add3A_1587 = arith.addi %add3A_60, %add3A_1586 : i32
        %swap3A_1588 = arith.index_cast %add3A_1587 : i32 to index
        %swap3A_1589 = arith.constant 16 : index
        %swap3A_1590 = tpu.vector_load %arg9[%swap3A_1588, %swap3A_1589] {strides = array<i32>} : memref<128x128xf32, #tpu.memory_space<vmem>>, vector<16xf32>,
        tpu.vector_store %arg9[%swap3A_1588, %swap3A_1589], %mul3A_1585 {strides = array<i32>} : memref<128x128xf32, #tpu.memory_space<vmem>>, vector<16xf32>,
        %add3A_1591 = arith.constant 15 : i32
        %add3A_1592 = arith.addi %add3A_60, %add3A_1591 : i32
        %get3A_1593 = arith.index_cast %add3A_1592 : i32 to index
        %get3A_1594 = arith.constant 32 : index
        %get3A_1595 = tpu.vector_load %arg9[%get3A_1593, %get3A_1594] {strides = array<i32>} : memref<128x128xf32, #tpu.memory_space<vmem>>, vector<16xf32>,
        %mul3A_1596 = arith.mulf %get3A_1595, %gather3A_1568 : vector<16xf32>
        %add3A_1597 = arith.constant 15 : i32
        %add3A_1598 = arith.addi %add3A_60, %add3A_1597 : i32
        %swap3A_1599 = arith.index_cast %add3A_1598 : i32 to index
        %swap3A_1600 = arith.constant 32 : index
        %swap3A_1601 = tpu.vector_load %arg9[%swap3A_1599, %swap3A_1600] {strides = array<i32>} : memref<128x128xf32, #tpu.memory_space<vmem>>, vector<16xf32>,
        tpu.vector_store %arg9[%swap3A_1599, %swap3A_1600], %mul3A_1596 {strides = array<i32>} : memref<128x128xf32, #tpu.memory_space<vmem>>, vector<16xf32>,
        %add3A_1602 = arith.constant 15 : i32
        %add3A_1603 = arith.addi %add3A_60, %add3A_1602 : i32
        %get3A_1604 = arith.index_cast %add3A_1603 : i32 to index
        %get3A_1605 = arith.constant 48 : index
        %get3A_1606 = tpu.vector_load %arg9[%get3A_1604, %get3A_1605] {strides = array<i32>} : memref<128x128xf32, #tpu.memory_space<vmem>>, vector<16xf32>,
        %mul3A_1607 = arith.mulf %get3A_1606, %gather3A_1568 : vector<16xf32>
        %add3A_1608 = arith.constant 15 : i32
        %add3A_1609 = arith.addi %add3A_60, %add3A_1608 : i32
        %swap3A_1610 = arith.index_cast %add3A_1609 : i32 to index
        %swap3A_1611 = arith.constant 48 : index
        %swap3A_1612 = tpu.vector_load %arg9[%swap3A_1610, %swap3A_1611] {strides = array<i32>} : memref<128x128xf32, #tpu.memory_space<vmem>>, vector<16xf32>,
        tpu.vector_store %arg9[%swap3A_1610, %swap3A_1611], %mul3A_1607 {strides = array<i32>} : memref<128x128xf32, #tpu.memory_space<vmem>>, vector<16xf32>,
        %add3A_1613 = arith.constant 15 : i32
        %add3A_1614 = arith.addi %add3A_60, %add3A_1613 : i32
        %get3A_1615 = arith.index_cast %add3A_1614 : i32 to index
        %get3A_1616 = arith.constant 64 : index
        %get3A_1617 = tpu.vector_load %arg9[%get3A_1615, %get3A_1616] {strides = array<i32>} : memref<128x128xf32, #tpu.memory_space<vmem>>, vector<16xf32>,
        %mul3A_1618 = arith.mulf %get3A_1617, %gather3A_1568 : vector<16xf32>
        %add3A_1619 = arith.constant 15 : i32
        %add3A_1620 = arith.addi %add3A_60, %add3A_1619 : i32
        %swap3A_1621 = arith.index_cast %add3A_1620 : i32 to index
        %swap3A_1622 = arith.constant 64 : index
        %swap3A_1623 = tpu.vector_load %arg9[%swap3A_1621, %swap3A_1622] {strides = array<i32>} : memref<128x128xf32, #tpu.memory_space<vmem>>, vector<16xf32>,
        tpu.vector_store %arg9[%swap3A_1621, %swap3A_1622], %mul3A_1618 {strides = array<i32>} : memref<128x128xf32, #tpu.memory_space<vmem>>, vector<16xf32>,
        %add3A_1624 = arith.constant 15 : i32
        %add3A_1625 = arith.addi %add3A_60, %add3A_1624 : i32
        %get3A_1626 = arith.index_cast %add3A_1625 : i32 to index
        %get3A_1627 = arith.constant 80 : index
        %get3A_1628 = tpu.vector_load %arg9[%get3A_1626, %get3A_1627] {strides = array<i32>} : memref<128x128xf32, #tpu.memory_space<vmem>>, vector<16xf32>,
        %mul3A_1629 = arith.mulf %get3A_1628, %gather3A_1568 : vector<16xf32>
        %add3A_1630 = arith.constant 15 : i32
        %add3A_1631 = arith.addi %add3A_60, %add3A_1630 : i32
        %swap3A_1632 = arith.index_cast %add3A_1631 : i32 to index
        %swap3A_1633 = arith.constant 80 : index
        %swap3A_1634 = tpu.vector_load %arg9[%swap3A_1632, %swap3A_1633] {strides = array<i32>} : memref<128x128xf32, #tpu.memory_space<vmem>>, vector<16xf32>,
        tpu.vector_store %arg9[%swap3A_1632, %swap3A_1633], %mul3A_1629 {strides = array<i32>} : memref<128x128xf32, #tpu.memory_space<vmem>>, vector<16xf32>,
        %add3A_1635 = arith.constant 15 : i32
        %add3A_1636 = arith.addi %add3A_60, %add3A_1635 : i32
        %get3A_1637 = arith.index_cast %add3A_1636 : i32 to index
        %get3A_1638 = arith.constant 96 : index
        %get3A_1639 = tpu.vector_load %arg9[%get3A_1637, %get3A_1638] {strides = array<i32>} : memref<128x128xf32, #tpu.memory_space<vmem>>, vector<16xf32>,
        %mul3A_1640 = arith.mulf %get3A_1639, %gather3A_1568 : vector<16xf32>
        %add3A_1641 = arith.constant 15 : i32
        %add3A_1642 = arith.addi %add3A_60, %add3A_1641 : i32
        %swap3A_1643 = arith.index_cast %add3A_1642 : i32 to index
        %swap3A_1644 = arith.constant 96 : index
        %swap3A_1645 = tpu.vector_load %arg9[%swap3A_1643, %swap3A_1644] {strides = array<i32>} : memref<128x128xf32, #tpu.memory_space<vmem>>, vector<16xf32>,
        tpu.vector_store %arg9[%swap3A_1643, %swap3A_1644], %mul3A_1640 {strides = array<i32>} : memref<128x128xf32, #tpu.memory_space<vmem>>, vector<16xf32>,
        %add3A_1646 = arith.constant 15 : i32
        %add3A_1647 = arith.addi %add3A_60, %add3A_1646 : i32
        %get3A_1648 = arith.index_cast %add3A_1647 : i32 to index
        %get3A_1649 = arith.constant 112 : index
        %get3A_1650 = tpu.vector_load %arg9[%get3A_1648, %get3A_1649] {strides = array<i32>} : memref<128x128xf32, #tpu.memory_space<vmem>>, vector<16xf32>,
        %mul3A_1651 = arith.mulf %get3A_1650, %gather3A_1568 : vector<16xf32>
        %add3A_1652 = arith.constant 15 : i32
        %add3A_1653 = arith.addi %add3A_60, %add3A_1652 : i32
        %swap3A_1654 = arith.index_cast %add3A_1653 : i32 to index
        %swap3A_1655 = arith.constant 112 : index
        %swap3A_1656 = tpu.vector_load %arg9[%swap3A_1654, %swap3A_1655] {strides = array<i32>} : memref<128x128xf32, #tpu.memory_space<vmem>>, vector<16xf32>,
        tpu.vector_store %arg9[%swap3A_1654, %swap3A_1655], %mul3A_1651 {strides = array<i32>} : memref<128x128xf32, #tpu.memory_space<vmem>>, vector<16xf32>,
      }
      %scan3A_55 = arith.constant 8 : i32
      "tpu.region"() ({
        %run_scoped3A_56 = tpu.sem_alloc : memref<!tpu.dma_semaphore, #tpu.memory_space<semaphore_mem>>
        %dma_start3A_57 = arith.constant 0 : i32
        %dma_start3A_58 = tpu.memref_slice %arg7[%add3A_40, %dma_start3A_57] : memref<79x128xi32, #tpu.memory_space<vmem>> -> memref<1x128xi32, #tpu.memory_space<vmem>>
        %dma_start3A_59 = tpu.memref_squeeze %dma_start3A_58 : memref<1x128xi32, #tpu.memory_space<vmem>> -> memref<128xi32, #tpu.memory_space<vmem>>
        %dma_start3A_60 = arith.constant 0 : i32
        %dma_start3A_61 = arith.constant 0 : i32
        %dma_start3A_62 = tpu.memref_slice %arg10[%dma_start3A_60, %dma_start3A_61] : memref<10240x128xf32, #tpu.memory_space<vmem_shared>> -> memref<10240x128xf32, #tpu.memory_space<vmem_shared>>
        tpu.enqueue_indirect_dma source(%arg9 : memref<128x128xf32, #tpu.memory_space<vmem>>) target(%dma_start3A_62 : memref<10240x128xf32, #tpu.memory_space<vmem_shared>>) offsets(%dma_start3A_59 : memref<128xi32, #tpu.memory_space<vmem>>) semaphore(%run_scoped3A_56 : memref<!tpu.dma_semaphore, #tpu.memory_space<semaphore_mem>>) {add = true}
        %dma_wait3A_63 = arith.constant 0 : i32
        %dma_wait3A_64 = tpu.memref_slice %arg7[%add3A_40, %dma_wait3A_63] : memref<79x128xi32, #tpu.memory_space<vmem>> -> memref<1x128xi32, #tpu.memory_space<vmem>>
        %dma_wait3A_65 = tpu.memref_squeeze %dma_wait3A_64 : memref<1x128xi32, #tpu.memory_space<vmem>> -> memref<128xi32, #tpu.memory_space<vmem>>
        %dma_wait3A_66 = arith.constant 0 : i32
        %dma_wait3A_67 = arith.constant 0 : i32
        %dma_wait3A_68 = tpu.memref_slice %arg10[%dma_wait3A_66, %dma_wait3A_67] : memref<10240x128xf32, #tpu.memory_space<vmem_shared>> -> memref<10240x128xf32, #tpu.memory_space<vmem_shared>>
        tpu.wait_indirect_dma semaphore(%run_scoped3A_56 : memref<!tpu.dma_semaphore, #tpu.memory_space<semaphore_mem>>) src(%arg9 : memref<128x128xf32, #tpu.memory_space<vmem>>) dst(%dma_wait3A_68 : memref<10240x128xf32, #tpu.memory_space<vmem_shared>>)
        tpu.yield
      }) : () -> ()
    }
    %scan3A_30 = arith.constant 79 : i32
    %barrier3A_31 = arith.constant 0 : index
    tpu.barrier barrier_id(%barrier3A_31)
    %mul3A_32 = arith.constant 640 : i32
    %mul3A_33 = arith.muli %arg1, %mul3A_32 : i32
    %mul3A_34 = arith.constant 640 : i32
    %mul3A_35 = arith.muli %arg1, %mul3A_34 : i32
    "tpu.region"() ({
      %run_scoped3A_36 = tpu.sem_alloc : memref<!tpu.dma_semaphore, #tpu.memory_space<semaphore_mem>>
      %dma_start3A = arith.constant 0 : i32
      %dma_start3A_37 = tpu.memref_slice %arg5[%arg0, %mul3A_35, %dma_start3A] : memref<2x10240x128xf32, #tpu.memory_space<hbm>> -> memref<1x640x128xf32, #tpu.memory_space<hbm>>
      %dma_start3A_38 = tpu.memref_squeeze %dma_start3A_37 : memref<1x640x128xf32, #tpu.memory_space<hbm>> -> memref<640x128xf32, #tpu.memory_space<hbm>>
      %dma_start3A_39 = arith.constant 0 : i32
      %dma_start3A_40 = tpu.memref_slice %arg10[%mul3A_33, %dma_start3A_39] : memref<10240x128xf32, #tpu.memory_space<vmem_shared>> -> memref<640x128xf32, #tpu.memory_space<vmem_shared>>
      tpu.enqueue_dma source(%dma_start3A_40 : memref<640x128xf32, #tpu.memory_space<vmem_shared>>) target(%dma_start3A_38 : memref<640x128xf32, #tpu.memory_space<hbm>>) target_semaphore(%run_scoped3A_36 : memref<!tpu.dma_semaphore, #tpu.memory_space<semaphore_mem>>)
      %dma_wait3A = arith.constant 0 : i32
      %dma_wait3A_41 = tpu.memref_slice %arg5[%arg0, %mul3A_35, %dma_wait3A] : memref<2x10240x128xf32, #tpu.memory_space<hbm>> -> memref<1x640x128xf32, #tpu.memory_space<hbm>>
      %dma_wait3A_42 = tpu.memref_squeeze %dma_wait3A_41 : memref<1x640x128xf32, #tpu.memory_space<hbm>> -> memref<640x128xf32, #tpu.memory_space<hbm>>
      %dma_wait3A_43 = arith.constant 0 : i32
      %dma_wait3A_44 = tpu.memref_slice %arg10[%mul3A_33, %dma_wait3A_43] : memref<10240x128xf32, #tpu.memory_space<vmem_shared>> -> memref<640x128xf32, #tpu.memory_space<vmem_shared>>
      tpu.wait_dma2 semaphore(%run_scoped3A_36 : memref<!tpu.dma_semaphore, #tpu.memory_space<semaphore_mem>>) src(%dma_wait3A_44 : memref<640x128xf32, #tpu.memory_space<vmem_shared>>) dst(%dma_wait3A_42 : memref<640x128xf32, #tpu.memory_space<hbm>>)
      tpu.yield
    }) : () -> ()
    return
  }
}

#map = affine_map<(d0, d1) -> (0, 0, 0, 0)>
#map1 = affine_map<(d0, d1) -> (0, 0, 0)>
#map2 = affine_map<(d0, d1) -> (0)>
module attributes {stable_mosaic.version = 14 : i64} {
  func.func @_deg_kernel(%arg0: i32, %arg1: i32, %arg2: memref<2x32x79x128xi32, #tpu.memory_space<hbm>>, %arg3: memref<32x79x128xf32, #tpu.memory_space<hbm>>, %arg4: memref<320000xf32, #tpu.memory_space<hbm>>, %arg5: memref<79x128xi32, #tpu.memory_space<vmem>>, %arg6: memref<79x128xf32, #tpu.memory_space<vmem>>, %arg7: memref<10000xf32, #tpu.memory_space<vmem>>) attributes {dimension_semantics = [#tpu.dimension_semantics<core_parallel>, #tpu.dimension_semantics<subcore_parallel>], iteration_bounds = array<i64: 2, 16>, scalar_prefetch = 0 : i64, scratch_operands = 3 : i64, tpu.core_type = #tpu.core_type<sc_vector_subcore>, window_params = [{transform_indices = #map}, {transform_indices = #map1}, {transform_indices = #map2}]} {
    %mul3A = arith.constant 16 : i32
    %mul3A_0 = arith.muli %arg0, %mul3A : i32
    %add3A = arith.addi %mul3A_0, %arg1 : i32
    %run_scoped3A = arith.constant 1 : i32
    "tpu.region"() ({
      %run_scoped3A_12 = tpu.sem_alloc : memref<!tpu.dma_semaphore, #tpu.memory_space<semaphore_mem>>
      %dma_start3A = arith.constant 0 : i32
      %dma_start3A_13 = arith.constant 0 : i32
      %dma_start3A_14 = tpu.memref_slice %arg2[%run_scoped3A, %add3A, %dma_start3A, %dma_start3A_13] : memref<2x32x79x128xi32, #tpu.memory_space<hbm>> -> memref<1x1x79x128xi32, #tpu.memory_space<hbm>>
      %dma_start3A_15 = tpu.memref_squeeze %dma_start3A_14 : memref<1x1x79x128xi32, #tpu.memory_space<hbm>> -> memref<79x128xi32, #tpu.memory_space<hbm>>
      %dma_start3A_16 = arith.constant 0 : i32
      %dma_start3A_17 = arith.constant 0 : i32
      %dma_start3A_18 = tpu.memref_slice %arg2[%run_scoped3A, %add3A, %dma_start3A_16, %dma_start3A_17] : memref<2x32x79x128xi32, #tpu.memory_space<hbm>> -> memref<1x1x79x128xi32, #tpu.memory_space<hbm>>
      %dma_start3A_19 = tpu.memref_squeeze %dma_start3A_18 : memref<1x1x79x128xi32, #tpu.memory_space<hbm>> -> memref<79x128xi32, #tpu.memory_space<hbm>>
      tpu.enqueue_dma source(%dma_start3A_19 : memref<79x128xi32, #tpu.memory_space<hbm>>) target(%arg5 : memref<79x128xi32, #tpu.memory_space<vmem>>) target_semaphore(%run_scoped3A_12 : memref<!tpu.dma_semaphore, #tpu.memory_space<semaphore_mem>>)
      %dma_wait3A = arith.constant 0 : i32
      %dma_wait3A_20 = arith.constant 0 : i32
      %dma_wait3A_21 = tpu.memref_slice %arg2[%run_scoped3A, %add3A, %dma_wait3A, %dma_wait3A_20] : memref<2x32x79x128xi32, #tpu.memory_space<hbm>> -> memref<1x1x79x128xi32, #tpu.memory_space<hbm>>
      %dma_wait3A_22 = tpu.memref_squeeze %dma_wait3A_21 : memref<1x1x79x128xi32, #tpu.memory_space<hbm>> -> memref<79x128xi32, #tpu.memory_space<hbm>>
      %dma_wait3A_23 = arith.constant 0 : i32
      %dma_wait3A_24 = arith.constant 0 : i32
      %dma_wait3A_25 = tpu.memref_slice %arg2[%run_scoped3A, %add3A, %dma_wait3A_23, %dma_wait3A_24] : memref<2x32x79x128xi32, #tpu.memory_space<hbm>> -> memref<1x1x79x128xi32, #tpu.memory_space<hbm>>
      %dma_wait3A_26 = tpu.memref_squeeze %dma_wait3A_25 : memref<1x1x79x128xi32, #tpu.memory_space<hbm>> -> memref<79x128xi32, #tpu.memory_space<hbm>>
      tpu.wait_dma2 semaphore(%run_scoped3A_12 : memref<!tpu.dma_semaphore, #tpu.memory_space<semaphore_mem>>) src(%dma_wait3A_26 : memref<79x128xi32, #tpu.memory_space<hbm>>) dst(%arg5 : memref<79x128xi32, #tpu.memory_space<vmem>>)
      tpu.yield
    }) : () -> ()
    "tpu.region"() ({
      %run_scoped3A_12 = tpu.sem_alloc : memref<!tpu.dma_semaphore, #tpu.memory_space<semaphore_mem>>
      %dma_start3A = arith.constant 0 : i32
      %dma_start3A_13 = arith.constant 0 : i32
      %dma_start3A_14 = tpu.memref_slice %arg3[%add3A, %dma_start3A, %dma_start3A_13] : memref<32x79x128xf32, #tpu.memory_space<hbm>> -> memref<1x79x128xf32, #tpu.memory_space<hbm>>
      %dma_start3A_15 = tpu.memref_squeeze %dma_start3A_14 : memref<1x79x128xf32, #tpu.memory_space<hbm>> -> memref<79x128xf32, #tpu.memory_space<hbm>>
      %dma_start3A_16 = arith.constant 0 : i32
      %dma_start3A_17 = arith.constant 0 : i32
      %dma_start3A_18 = tpu.memref_slice %arg3[%add3A, %dma_start3A_16, %dma_start3A_17] : memref<32x79x128xf32, #tpu.memory_space<hbm>> -> memref<1x79x128xf32, #tpu.memory_space<hbm>>
      %dma_start3A_19 = tpu.memref_squeeze %dma_start3A_18 : memref<1x79x128xf32, #tpu.memory_space<hbm>> -> memref<79x128xf32, #tpu.memory_space<hbm>>
      tpu.enqueue_dma source(%dma_start3A_19 : memref<79x128xf32, #tpu.memory_space<hbm>>) target(%arg6 : memref<79x128xf32, #tpu.memory_space<vmem>>) target_semaphore(%run_scoped3A_12 : memref<!tpu.dma_semaphore, #tpu.memory_space<semaphore_mem>>)
      %dma_wait3A = arith.constant 0 : i32
      %dma_wait3A_20 = arith.constant 0 : i32
      %dma_wait3A_21 = tpu.memref_slice %arg3[%add3A, %dma_wait3A, %dma_wait3A_20] : memref<32x79x128xf32, #tpu.memory_space<hbm>> -> memref<1x79x128xf32, #tpu.memory_space<hbm>>
      %dma_wait3A_22 = tpu.memref_squeeze %dma_wait3A_21 : memref<1x79x128xf32, #tpu.memory_space<hbm>> -> memref<79x128xf32, #tpu.memory_space<hbm>>
      %dma_wait3A_23 = arith.constant 0 : i32
      %dma_wait3A_24 = arith.constant 0 : i32
      %dma_wait3A_25 = tpu.memref_slice %arg3[%add3A, %dma_wait3A_23, %dma_wait3A_24] : memref<32x79x128xf32, #tpu.memory_space<hbm>> -> memref<1x79x128xf32, #tpu.memory_space<hbm>>
      %dma_wait3A_26 = tpu.memref_squeeze %dma_wait3A_25 : memref<1x79x128xf32, #tpu.memory_space<hbm>> -> memref<79x128xf32, #tpu.memory_space<hbm>>
      tpu.wait_dma2 semaphore(%run_scoped3A_12 : memref<!tpu.dma_semaphore, #tpu.memory_space<semaphore_mem>>) src(%dma_wait3A_26 : memref<79x128xf32, #tpu.memory_space<hbm>>) dst(%arg6 : memref<79x128xf32, #tpu.memory_space<vmem>>)
      tpu.yield
    }) : () -> ()
    %scan3A = arith.constant 0 : i32
    %scan3A_1 = arith.constant 625 : i32
    %scan3A_2 = arith.addi %scan3A, %scan3A_1 : i32
    %scan3A_3 = arith.constant 1 : i32
    scf.for %scan3A_12 = %scan3A to %scan3A_2 step %scan3A_3  : i32 {
      %mul3A_13 = arith.constant 16 : i32
      %mul3A_14 = arith.muli %scan3A_12, %mul3A_13 : i32
      %add3A_15 = arith.constant 0 : i32
      %add3A_16 = arith.addi %add3A_15, %mul3A_14 : i32
      %broadcast_in_dim3A = arith.constant 0.000000e+00 : f32
      %broadcast_in_dim3A_17 = vector.broadcast %broadcast_in_dim3A : f32 to vector<16xf32>
      %swap3A = arith.index_cast %add3A_16 : i32 to index
      %swap3A_18 = tpu.vector_load %arg7[%swap3A] {strides = array<i32>} : memref<10000xf32, #tpu.memory_space<vmem>>, vector<16xf32>,
      tpu.vector_store %arg7[%swap3A], %broadcast_in_dim3A_17 {strides = array<i32>} : memref<10000xf32, #tpu.memory_space<vmem>>, vector<16xf32>,
    }
    %scan3A_4 = arith.constant 625 : i32
    %scan3A_5 = arith.constant 0 : i32
    %scan3A_6 = arith.constant 79 : i32
    %scan3A_7 = arith.addi %scan3A_5, %scan3A_6 : i32
    %scan3A_8 = arith.constant 1 : i32
    scf.for %scan3A_12 = %scan3A_5 to %scan3A_7 step %scan3A_8  : i32 {
      %mul3A_13 = arith.constant 1 : i32
      %mul3A_14 = arith.muli %scan3A_12, %mul3A_13 : i32
      %add3A_15 = arith.constant 0 : i32
      %add3A_16 = arith.addi %add3A_15, %mul3A_14 : i32
      %scan3A_17 = arith.constant 0 : i32
      %scan3A_18 = arith.constant 8 : i32
      %scan3A_19 = arith.addi %scan3A_17, %scan3A_18 : i32
      %scan3A_20 = arith.constant 1 : i32
      scf.for %scan3A_22 = %scan3A_17 to %scan3A_19 step %scan3A_20  : i32 {
        %mul3A_23 = arith.constant 16 : i32
        %mul3A_24 = arith.muli %scan3A_22, %mul3A_23 : i32
        %add3A_25 = arith.constant 0 : i32
        %add3A_26 = arith.addi %add3A_25, %mul3A_24 : i32
        %get3A = arith.index_cast %add3A_16 : i32 to index
        %get3A_27 = arith.index_cast %add3A_26 : i32 to index
        %get3A_28 = tpu.vector_load %arg5[%get3A, %get3A_27] {strides = array<i32>} : memref<79x128xi32, #tpu.memory_space<vmem>>, vector<16xi32>,
        %get3A_29 = arith.index_cast %add3A_16 : i32 to index
        %get3A_30 = arith.index_cast %add3A_26 : i32 to index
        %get3A_31 = tpu.vector_load %arg6[%get3A_29, %get3A_30] {strides = array<i32>} : memref<79x128xf32, #tpu.memory_space<vmem>>, vector<16xf32>,
        tpu.vector_store_idx %arg7[%get3A_28], %get3A_31 {add = true} : memref<10000xf32, #tpu.memory_space<vmem>>[vector<16xi32>], vector<16xf32>,
      }
      %scan3A_21 = arith.constant 8 : i32
    }
    %scan3A_9 = arith.constant 79 : i32
    %mul3A_10 = arith.constant 10000 : i32
    %mul3A_11 = arith.muli %add3A, %mul3A_10 : i32
    "tpu.region"() ({
      %run_scoped3A_12 = tpu.sem_alloc : memref<!tpu.dma_semaphore, #tpu.memory_space<semaphore_mem>>
      %dma_start3A = tpu.memref_slice %arg4[%mul3A_11] : memref<320000xf32, #tpu.memory_space<hbm>> -> memref<10000xf32, #tpu.memory_space<hbm>>
      %dma_start3A_13 = tpu.memref_slice %arg4[%mul3A_11] : memref<320000xf32, #tpu.memory_space<hbm>> -> memref<10000xf32, #tpu.memory_space<hbm>>
      tpu.enqueue_dma source(%arg7 : memref<10000xf32, #tpu.memory_space<vmem>>) target(%dma_start3A_13 : memref<10000xf32, #tpu.memory_space<hbm>>) target_semaphore(%run_scoped3A_12 : memref<!tpu.dma_semaphore, #tpu.memory_space<semaphore_mem>>)
      %dma_wait3A = tpu.memref_slice %arg4[%mul3A_11] : memref<320000xf32, #tpu.memory_space<hbm>> -> memref<10000xf32, #tpu.memory_space<hbm>>
      %dma_wait3A_14 = tpu.memref_slice %arg4[%mul3A_11] : memref<320000xf32, #tpu.memory_space<hbm>> -> memref<10000xf32, #tpu.memory_space<hbm>>
      tpu.wait_dma2 semaphore(%run_scoped3A_12 : memref<!tpu.dma_semaphore, #tpu.memory_space<semaphore_mem>>) src(%arg7 : memref<10000xf32, #tpu.memory_space<vmem>>) dst(%dma_wait3A_14 : memref<10000xf32, #tpu.memory_space<hbm>>)
      tpu.yield
    }) : () -> ()
    return
  }
}

#map = affine_map<(d0, d1) -> (0, 0)>
#map1 = affine_map<(d0, d1) -> (0, 0, 0, 0)>
#map2 = affine_map<(d0, d1) -> (0, 0, 0)>
module attributes {stable_mosaic.version = 14 : i64} {
  func.func @_agg_kernel(%arg0: i32, %arg1: i32, %arg2: memref<10000x128xf32, #tpu.memory_space<hbm>>, %arg3: memref<2x32x79x128xi32, #tpu.memory_space<hbm>>, %arg4: memref<32x79x128xf32, #tpu.memory_space<hbm>>, %arg5: memref<2x10240x128xf32, #tpu.memory_space<hbm>>, %arg6: memref<79x128xi32, #tpu.memory_space<vmem>>, %arg7: memref<79x128xi32, #tpu.memory_space<vmem>>, %arg8: memref<128xf32, #tpu.memory_space<vmem>>, %arg9: memref<128x128xf32, #tpu.memory_space<vmem>>, %arg10: memref<10240x128xf32, #tpu.memory_space<vmem_shared>>, %arg11: memref<!tpu.dma_semaphore, #tpu.memory_space<semaphore_mem>>) attributes {dimension_semantics = [#tpu.dimension_semantics<core_parallel>, #tpu.dimension_semantics<subcore_parallel>], iteration_bounds = array<i64: 2, 16>, scalar_prefetch = 0 : i64, scratch_operands = 6 : i64, tpu.core_type = #tpu.core_type<sc_vector_subcore>, window_params = [{transform_indices = #map}, {transform_indices = #map1}, {transform_indices = #map2}, {transform_indices = #map2}]} {
    %mul3A = arith.constant 16 : i32
    %mul3A_0 = arith.muli %arg0, %mul3A : i32
    %add3A = arith.addi %mul3A_0, %arg1 : i32
    %run_scoped3A = arith.constant 0 : i32
    "tpu.region"() ({
      %run_scoped3A_36 = tpu.sem_alloc : memref<!tpu.dma_semaphore, #tpu.memory_space<semaphore_mem>>
      %dma_start3A = arith.constant 0 : i32
      %dma_start3A_37 = arith.constant 0 : i32
      %dma_start3A_38 = tpu.memref_slice %arg3[%run_scoped3A, %add3A, %dma_start3A, %dma_start3A_37] : memref<2x32x79x128xi32, #tpu.memory_space<hbm>> -> memref<1x1x79x128xi32, #tpu.memory_space<hbm>>
      %dma_start3A_39 = tpu.memref_squeeze %dma_start3A_38 : memref<1x1x79x128xi32, #tpu.memory_space<hbm>> -> memref<79x128xi32, #tpu.memory_space<hbm>>
      %dma_start3A_40 = arith.constant 0 : i32
      %dma_start3A_41 = arith.constant 0 : i32
      %dma_start3A_42 = tpu.memref_slice %arg3[%run_scoped3A, %add3A, %dma_start3A_40, %dma_start3A_41] : memref<2x32x79x128xi32, #tpu.memory_space<hbm>> -> memref<1x1x79x128xi32, #tpu.memory_space<hbm>>
      %dma_start3A_43 = tpu.memref_squeeze %dma_start3A_42 : memref<1x1x79x128xi32, #tpu.memory_space<hbm>> -> memref<79x128xi32, #tpu.memory_space<hbm>>
      tpu.enqueue_dma source(%dma_start3A_43 : memref<79x128xi32, #tpu.memory_space<hbm>>) target(%arg6 : memref<79x128xi32, #tpu.memory_space<vmem>>) target_semaphore(%run_scoped3A_36 : memref<!tpu.dma_semaphore, #tpu.memory_space<semaphore_mem>>)
      %dma_wait3A = arith.constant 0 : i32
      %dma_wait3A_44 = arith.constant 0 : i32
      %dma_wait3A_45 = tpu.memref_slice %arg3[%run_scoped3A, %add3A, %dma_wait3A, %dma_wait3A_44] : memref<2x32x79x128xi32, #tpu.memory_space<hbm>> -> memref<1x1x79x128xi32, #tpu.memory_space<hbm>>
      %dma_wait3A_46 = tpu.memref_squeeze %dma_wait3A_45 : memref<1x1x79x128xi32, #tpu.memory_space<hbm>> -> memref<79x128xi32, #tpu.memory_space<hbm>>
      %dma_wait3A_47 = arith.constant 0 : i32
      %dma_wait3A_48 = arith.constant 0 : i32
      %dma_wait3A_49 = tpu.memref_slice %arg3[%run_scoped3A, %add3A, %dma_wait3A_47, %dma_wait3A_48] : memref<2x32x79x128xi32, #tpu.memory_space<hbm>> -> memref<1x1x79x128xi32, #tpu.memory_space<hbm>>
      %dma_wait3A_50 = tpu.memref_squeeze %dma_wait3A_49 : memref<1x1x79x128xi32, #tpu.memory_space<hbm>> -> memref<79x128xi32, #tpu.memory_space<hbm>>
      tpu.wait_dma2 semaphore(%run_scoped3A_36 : memref<!tpu.dma_semaphore, #tpu.memory_space<semaphore_mem>>) src(%dma_wait3A_50 : memref<79x128xi32, #tpu.memory_space<hbm>>) dst(%arg6 : memref<79x128xi32, #tpu.memory_space<vmem>>)
      tpu.yield
    }) : () -> ()
    %run_scoped3A_1 = arith.constant 1 : i32
    "tpu.region"() ({
      %run_scoped3A_36 = tpu.sem_alloc : memref<!tpu.dma_semaphore, #tpu.memory_space<semaphore_mem>>
      %dma_start3A = arith.constant 0 : i32
      %dma_start3A_37 = arith.constant 0 : i32
      %dma_start3A_38 = tpu.memref_slice %arg3[%run_scoped3A_1, %add3A, %dma_start3A, %dma_start3A_37] : memref<2x32x79x128xi32, #tpu.memory_space<hbm>> -> memref<1x1x79x128xi32, #tpu.memory_space<hbm>>
      %dma_start3A_39 = tpu.memref_squeeze %dma_start3A_38 : memref<1x1x79x128xi32, #tpu.memory_space<hbm>> -> memref<79x128xi32, #tpu.memory_space<hbm>>
      %dma_start3A_40 = arith.constant 0 : i32
      %dma_start3A_41 = arith.constant 0 : i32
      %dma_start3A_42 = tpu.memref_slice %arg3[%run_scoped3A_1, %add3A, %dma_start3A_40, %dma_start3A_41] : memref<2x32x79x128xi32, #tpu.memory_space<hbm>> -> memref<1x1x79x128xi32, #tpu.memory_space<hbm>>
      %dma_start3A_43 = tpu.memref_squeeze %dma_start3A_42 : memref<1x1x79x128xi32, #tpu.memory_space<hbm>> -> memref<79x128xi32, #tpu.memory_space<hbm>>
      tpu.enqueue_dma source(%dma_start3A_43 : memref<79x128xi32, #tpu.memory_space<hbm>>) target(%arg7 : memref<79x128xi32, #tpu.memory_space<vmem>>) target_semaphore(%run_scoped3A_36 : memref<!tpu.dma_semaphore, #tpu.memory_space<semaphore_mem>>)
      %dma_wait3A = arith.constant 0 : i32
      %dma_wait3A_44 = arith.constant 0 : i32
      %dma_wait3A_45 = tpu.memref_slice %arg3[%run_scoped3A_1, %add3A, %dma_wait3A, %dma_wait3A_44] : memref<2x32x79x128xi32, #tpu.memory_space<hbm>> -> memref<1x1x79x128xi32, #tpu.memory_space<hbm>>
      %dma_wait3A_46 = tpu.memref_squeeze %dma_wait3A_45 : memref<1x1x79x128xi32, #tpu.memory_space<hbm>> -> memref<79x128xi32, #tpu.memory_space<hbm>>
      %dma_wait3A_47 = arith.constant 0 : i32
      %dma_wait3A_48 = arith.constant 0 : i32
      %dma_wait3A_49 = tpu.memref_slice %arg3[%run_scoped3A_1, %add3A, %dma_wait3A_47, %dma_wait3A_48] : memref<2x32x79x128xi32, #tpu.memory_space<hbm>> -> memref<1x1x79x128xi32, #tpu.memory_space<hbm>>
      %dma_wait3A_50 = tpu.memref_squeeze %dma_wait3A_49 : memref<1x1x79x128xi32, #tpu.memory_space<hbm>> -> memref<79x128xi32, #tpu.memory_space<hbm>>
      tpu.wait_dma2 semaphore(%run_scoped3A_36 : memref<!tpu.dma_semaphore, #tpu.memory_space<semaphore_mem>>) src(%dma_wait3A_50 : memref<79x128xi32, #tpu.memory_space<hbm>>) dst(%arg7 : memref<79x128xi32, #tpu.memory_space<vmem>>)
      tpu.yield
    }) : () -> ()
    %scan3A = arith.constant 0 : i32
    %scan3A_2 = arith.constant 128 : i32
    %scan3A_3 = arith.addi %scan3A, %scan3A_2 : i32
    %scan3A_4 = arith.constant 1 : i32
    scf.for %scan3A_36 = %scan3A to %scan3A_3 step %scan3A_4  : i32 {
      %mul3A_37 = arith.constant 1 : i32
      %mul3A_38 = arith.muli %scan3A_36, %mul3A_37 : i32
      %add3A_39 = arith.constant 0 : i32
      %add3A_40 = arith.addi %add3A_39, %mul3A_38 : i32
      %broadcast_in_dim3A = arith.constant 0.000000e+00 : f32
      %broadcast_in_dim3A_41 = vector.broadcast %broadcast_in_dim3A : f32 to vector<16xf32>
      %swap3A = arith.index_cast %add3A_40 : i32 to index
      %swap3A_42 = arith.constant 0 : index
      %swap3A_43 = tpu.vector_load %arg9[%swap3A, %swap3A_42] {strides = array<i32>} : memref<128x128xf32, #tpu.memory_space<vmem>>, vector<16xf32>,
      tpu.vector_store %arg9[%swap3A, %swap3A_42], %broadcast_in_dim3A_41 {strides = array<i32>} : memref<128x128xf32, #tpu.memory_space<vmem>>, vector<16xf32>,
      %broadcast_in_dim3A_44 = arith.constant 0.000000e+00 : f32
      %broadcast_in_dim3A_45 = vector.broadcast %broadcast_in_dim3A_44 : f32 to vector<16xf32>
      %swap3A_46 = arith.index_cast %add3A_40 : i32 to index
      %swap3A_47 = arith.constant 16 : index
      %swap3A_48 = tpu.vector_load %arg9[%swap3A_46, %swap3A_47] {strides = array<i32>} : memref<128x128xf32, #tpu.memory_space<vmem>>, vector<16xf32>,
      tpu.vector_store %arg9[%swap3A_46, %swap3A_47], %broadcast_in_dim3A_45 {strides = array<i32>} : memref<128x128xf32, #tpu.memory_space<vmem>>, vector<16xf32>,
      %broadcast_in_dim3A_49 = arith.constant 0.000000e+00 : f32
      %broadcast_in_dim3A_50 = vector.broadcast %broadcast_in_dim3A_49 : f32 to vector<16xf32>
      %swap3A_51 = arith.index_cast %add3A_40 : i32 to index
      %swap3A_52 = arith.constant 32 : index
      %swap3A_53 = tpu.vector_load %arg9[%swap3A_51, %swap3A_52] {strides = array<i32>} : memref<128x128xf32, #tpu.memory_space<vmem>>, vector<16xf32>,
      tpu.vector_store %arg9[%swap3A_51, %swap3A_52], %broadcast_in_dim3A_50 {strides = array<i32>} : memref<128x128xf32, #tpu.memory_space<vmem>>, vector<16xf32>,
      %broadcast_in_dim3A_54 = arith.constant 0.000000e+00 : f32
      %broadcast_in_dim3A_55 = vector.broadcast %broadcast_in_dim3A_54 : f32 to vector<16xf32>
      %swap3A_56 = arith.index_cast %add3A_40 : i32 to index
      %swap3A_57 = arith.constant 48 : index
      %swap3A_58 = tpu.vector_load %arg9[%swap3A_56, %swap3A_57] {strides = array<i32>} : memref<128x128xf32, #tpu.memory_space<vmem>>, vector<16xf32>,
      tpu.vector_store %arg9[%swap3A_56, %swap3A_57], %broadcast_in_dim3A_55 {strides = array<i32>} : memref<128x128xf32, #tpu.memory_space<vmem>>, vector<16xf32>,
      %broadcast_in_dim3A_59 = arith.constant 0.000000e+00 : f32
      %broadcast_in_dim3A_60 = vector.broadcast %broadcast_in_dim3A_59 : f32 to vector<16xf32>
      %swap3A_61 = arith.index_cast %add3A_40 : i32 to index
      %swap3A_62 = arith.constant 64 : index
      %swap3A_63 = tpu.vector_load %arg9[%swap3A_61, %swap3A_62] {strides = array<i32>} : memref<128x128xf32, #tpu.memory_space<vmem>>, vector<16xf32>,
      tpu.vector_store %arg9[%swap3A_61, %swap3A_62], %broadcast_in_dim3A_60 {strides = array<i32>} : memref<128x128xf32, #tpu.memory_space<vmem>>, vector<16xf32>,
      %broadcast_in_dim3A_64 = arith.constant 0.000000e+00 : f32
      %broadcast_in_dim3A_65 = vector.broadcast %broadcast_in_dim3A_64 : f32 to vector<16xf32>
      %swap3A_66 = arith.index_cast %add3A_40 : i32 to index
      %swap3A_67 = arith.constant 80 : index
      %swap3A_68 = tpu.vector_load %arg9[%swap3A_66, %swap3A_67] {strides = array<i32>} : memref<128x128xf32, #tpu.memory_space<vmem>>, vector<16xf32>,
      tpu.vector_store %arg9[%swap3A_66, %swap3A_67], %broadcast_in_dim3A_65 {strides = array<i32>} : memref<128x128xf32, #tpu.memory_space<vmem>>, vector<16xf32>,
      %broadcast_in_dim3A_69 = arith.constant 0.000000e+00 : f32
      %broadcast_in_dim3A_70 = vector.broadcast %broadcast_in_dim3A_69 : f32 to vector<16xf32>
      %swap3A_71 = arith.index_cast %add3A_40 : i32 to index
      %swap3A_72 = arith.constant 96 : index
      %swap3A_73 = tpu.vector_load %arg9[%swap3A_71, %swap3A_72] {strides = array<i32>} : memref<128x128xf32, #tpu.memory_space<vmem>>, vector<16xf32>,
      tpu.vector_store %arg9[%swap3A_71, %swap3A_72], %broadcast_in_dim3A_70 {strides = array<i32>} : memref<128x128xf32, #tpu.memory_space<vmem>>, vector<16xf32>,
      %broadcast_in_dim3A_74 = arith.constant 0.000000e+00 : f32
      %broadcast_in_dim3A_75 = vector.broadcast %broadcast_in_dim3A_74 : f32 to vector<16xf32>
      %swap3A_76 = arith.index_cast %add3A_40 : i32 to index
      %swap3A_77 = arith.constant 112 : index
      %swap3A_78 = tpu.vector_load %arg9[%swap3A_76, %swap3A_77] {strides = array<i32>} : memref<128x128xf32, #tpu.memory_space<vmem>>, vector<16xf32>,
      tpu.vector_store %arg9[%swap3A_76, %swap3A_77], %broadcast_in_dim3A_75 {strides = array<i32>} : memref<128x128xf32, #tpu.memory_space<vmem>>, vector<16xf32>,
    }
    %scan3A_5 = arith.constant 128 : i32
    %mul3A_6 = arith.constant 640 : i32
    %mul3A_7 = arith.muli %arg1, %mul3A_6 : i32
    %add3A_8 = arith.constant 0 : i32
    %add3A_9 = arith.addi %mul3A_7, %add3A_8 : i32
    "tpu.region"() ({
      %run_scoped3A_36 = tpu.sem_alloc : memref<!tpu.dma_semaphore, #tpu.memory_space<semaphore_mem>>
      %dma_start3A = arith.constant 0 : i32
      %dma_start3A_37 = tpu.memref_slice %arg10[%add3A_9, %dma_start3A] : memref<10240x128xf32, #tpu.memory_space<vmem_shared>> -> memref<128x128xf32, #tpu.memory_space<vmem_shared>>
      %dma_start3A_38 = arith.constant 0 : i32
      %dma_start3A_39 = tpu.memref_slice %arg10[%add3A_9, %dma_start3A_38] : memref<10240x128xf32, #tpu.memory_space<vmem_shared>> -> memref<128x128xf32, #tpu.memory_space<vmem_shared>>
      tpu.enqueue_dma source(%arg9 : memref<128x128xf32, #tpu.memory_space<vmem>>) target(%dma_start3A_39 : memref<128x128xf32, #tpu.memory_space<vmem_shared>>) target_semaphore(%run_scoped3A_36 : memref<!tpu.dma_semaphore, #tpu.memory_space<semaphore_mem>>)
      %dma_wait3A = arith.constant 0 : i32
      %dma_wait3A_40 = tpu.memref_slice %arg10[%add3A_9, %dma_wait3A] : memref<10240x128xf32, #tpu.memory_space<vmem_shared>> -> memref<128x128xf32, #tpu.memory_space<vmem_shared>>
      %dma_wait3A_41 = arith.constant 0 : i32
      %dma_wait3A_42 = tpu.memref_slice %arg10[%add3A_9, %dma_wait3A_41] : memref<10240x128xf32, #tpu.memory_space<vmem_shared>> -> memref<128x128xf32, #tpu.memory_space<vmem_shared>>
      tpu.wait_dma2 semaphore(%run_scoped3A_36 : memref<!tpu.dma_semaphore, #tpu.memory_space<semaphore_mem>>) src(%arg9 : memref<128x128xf32, #tpu.memory_space<vmem>>) dst(%dma_wait3A_42 : memref<128x128xf32, #tpu.memory_space<vmem_shared>>)
      tpu.yield
    }) : () -> ()
    %mul3A_10 = arith.constant 640 : i32
    %mul3A_11 = arith.muli %arg1, %mul3A_10 : i32
    %add3A_12 = arith.constant 128 : i32
    %add3A_13 = arith.addi %mul3A_11, %add3A_12 : i32
    "tpu.region"() ({
      %run_scoped3A_36 = tpu.sem_alloc : memref<!tpu.dma_semaphore, #tpu.memory_space<semaphore_mem>>
      %dma_start3A = arith.constant 0 : i32
      %dma_start3A_37 = tpu.memref_slice %arg10[%add3A_13, %dma_start3A] : memref<10240x128xf32, #tpu.memory_space<vmem_shared>> -> memref<128x128xf32, #tpu.memory_space<vmem_shared>>
      %dma_start3A_38 = arith.constant 0 : i32
      %dma_start3A_39 = tpu.memref_slice %arg10[%add3A_13, %dma_start3A_38] : memref<10240x128xf32, #tpu.memory_space<vmem_shared>> -> memref<128x128xf32, #tpu.memory_space<vmem_shared>>
      tpu.enqueue_dma source(%arg9 : memref<128x128xf32, #tpu.memory_space<vmem>>) target(%dma_start3A_39 : memref<128x128xf32, #tpu.memory_space<vmem_shared>>) target_semaphore(%run_scoped3A_36 : memref<!tpu.dma_semaphore, #tpu.memory_space<semaphore_mem>>)
      %dma_wait3A = arith.constant 0 : i32
      %dma_wait3A_40 = tpu.memref_slice %arg10[%add3A_13, %dma_wait3A] : memref<10240x128xf32, #tpu.memory_space<vmem_shared>> -> memref<128x128xf32, #tpu.memory_space<vmem_shared>>
      %dma_wait3A_41 = arith.constant 0 : i32
      %dma_wait3A_42 = tpu.memref_slice %arg10[%add3A_13, %dma_wait3A_41] : memref<10240x128xf32, #tpu.memory_space<vmem_shared>> -> memref<128x128xf32, #tpu.memory_space<vmem_shared>>
      tpu.wait_dma2 semaphore(%run_scoped3A_36 : memref<!tpu.dma_semaphore, #tpu.memory_space<semaphore_mem>>) src(%arg9 : memref<128x128xf32, #tpu.memory_space<vmem>>) dst(%dma_wait3A_42 : memref<128x128xf32, #tpu.memory_space<vmem_shared>>)
      tpu.yield
    }) : () -> ()
    %mul3A_14 = arith.constant 640 : i32
    %mul3A_15 = arith.muli %arg1, %mul3A_14 : i32
    %add3A_16 = arith.constant 256 : i32
    %add3A_17 = arith.addi %mul3A_15, %add3A_16 : i32
    "tpu.region"() ({
      %run_scoped3A_36 = tpu.sem_alloc : memref<!tpu.dma_semaphore, #tpu.memory_space<semaphore_mem>>
      %dma_start3A = arith.constant 0 : i32
      %dma_start3A_37 = tpu.memref_slice %arg10[%add3A_17, %dma_start3A] : memref<10240x128xf32, #tpu.memory_space<vmem_shared>> -> memref<128x128xf32, #tpu.memory_space<vmem_shared>>
      %dma_start3A_38 = arith.constant 0 : i32
      %dma_start3A_39 = tpu.memref_slice %arg10[%add3A_17, %dma_start3A_38] : memref<10240x128xf32, #tpu.memory_space<vmem_shared>> -> memref<128x128xf32, #tpu.memory_space<vmem_shared>>
      tpu.enqueue_dma source(%arg9 : memref<128x128xf32, #tpu.memory_space<vmem>>) target(%dma_start3A_39 : memref<128x128xf32, #tpu.memory_space<vmem_shared>>) target_semaphore(%run_scoped3A_36 : memref<!tpu.dma_semaphore, #tpu.memory_space<semaphore_mem>>)
      %dma_wait3A = arith.constant 0 : i32
      %dma_wait3A_40 = tpu.memref_slice %arg10[%add3A_17, %dma_wait3A] : memref<10240x128xf32, #tpu.memory_space<vmem_shared>> -> memref<128x128xf32, #tpu.memory_space<vmem_shared>>
      %dma_wait3A_41 = arith.constant 0 : i32
      %dma_wait3A_42 = tpu.memref_slice %arg10[%add3A_17, %dma_wait3A_41] : memref<10240x128xf32, #tpu.memory_space<vmem_shared>> -> memref<128x128xf32, #tpu.memory_space<vmem_shared>>
      tpu.wait_dma2 semaphore(%run_scoped3A_36 : memref<!tpu.dma_semaphore, #tpu.memory_space<semaphore_mem>>) src(%arg9 : memref<128x128xf32, #tpu.memory_space<vmem>>) dst(%dma_wait3A_42 : memref<128x128xf32, #tpu.memory_space<vmem_shared>>)
      tpu.yield
    }) : () -> ()
    %mul3A_18 = arith.constant 640 : i32
    %mul3A_19 = arith.muli %arg1, %mul3A_18 : i32
    %add3A_20 = arith.constant 384 : i32
    %add3A_21 = arith.addi %mul3A_19, %add3A_20 : i32
    "tpu.region"() ({
      %run_scoped3A_36 = tpu.sem_alloc : memref<!tpu.dma_semaphore, #tpu.memory_space<semaphore_mem>>
      %dma_start3A = arith.constant 0 : i32
      %dma_start3A_37 = tpu.memref_slice %arg10[%add3A_21, %dma_start3A] : memref<10240x128xf32, #tpu.memory_space<vmem_shared>> -> memref<128x128xf32, #tpu.memory_space<vmem_shared>>
      %dma_start3A_38 = arith.constant 0 : i32
      %dma_start3A_39 = tpu.memref_slice %arg10[%add3A_21, %dma_start3A_38] : memref<10240x128xf32, #tpu.memory_space<vmem_shared>> -> memref<128x128xf32, #tpu.memory_space<vmem_shared>>
      tpu.enqueue_dma source(%arg9 : memref<128x128xf32, #tpu.memory_space<vmem>>) target(%dma_start3A_39 : memref<128x128xf32, #tpu.memory_space<vmem_shared>>) target_semaphore(%run_scoped3A_36 : memref<!tpu.dma_semaphore, #tpu.memory_space<semaphore_mem>>)
      %dma_wait3A = arith.constant 0 : i32
      %dma_wait3A_40 = tpu.memref_slice %arg10[%add3A_21, %dma_wait3A] : memref<10240x128xf32, #tpu.memory_space<vmem_shared>> -> memref<128x128xf32, #tpu.memory_space<vmem_shared>>
      %dma_wait3A_41 = arith.constant 0 : i32
      %dma_wait3A_42 = tpu.memref_slice %arg10[%add3A_21, %dma_wait3A_41] : memref<10240x128xf32, #tpu.memory_space<vmem_shared>> -> memref<128x128xf32, #tpu.memory_space<vmem_shared>>
      tpu.wait_dma2 semaphore(%run_scoped3A_36 : memref<!tpu.dma_semaphore, #tpu.memory_space<semaphore_mem>>) src(%arg9 : memref<128x128xf32, #tpu.memory_space<vmem>>) dst(%dma_wait3A_42 : memref<128x128xf32, #tpu.memory_space<vmem_shared>>)
      tpu.yield
    }) : () -> ()
    %mul3A_22 = arith.constant 640 : i32
    %mul3A_23 = arith.muli %arg1, %mul3A_22 : i32
    %add3A_24 = arith.constant 512 : i32
    %add3A_25 = arith.addi %mul3A_23, %add3A_24 : i32
    "tpu.region"() ({
      %run_scoped3A_36 = tpu.sem_alloc : memref<!tpu.dma_semaphore, #tpu.memory_space<semaphore_mem>>
      %dma_start3A = arith.constant 0 : i32
      %dma_start3A_37 = tpu.memref_slice %arg10[%add3A_25, %dma_start3A] : memref<10240x128xf32, #tpu.memory_space<vmem_shared>> -> memref<128x128xf32, #tpu.memory_space<vmem_shared>>
      %dma_start3A_38 = arith.constant 0 : i32
      %dma_start3A_39 = tpu.memref_slice %arg10[%add3A_25, %dma_start3A_38] : memref<10240x128xf32, #tpu.memory_space<vmem_shared>> -> memref<128x128xf32, #tpu.memory_space<vmem_shared>>
      tpu.enqueue_dma source(%arg9 : memref<128x128xf32, #tpu.memory_space<vmem>>) target(%dma_start3A_39 : memref<128x128xf32, #tpu.memory_space<vmem_shared>>) target_semaphore(%run_scoped3A_36 : memref<!tpu.dma_semaphore, #tpu.memory_space<semaphore_mem>>)
      %dma_wait3A = arith.constant 0 : i32
      %dma_wait3A_40 = tpu.memref_slice %arg10[%add3A_25, %dma_wait3A] : memref<10240x128xf32, #tpu.memory_space<vmem_shared>> -> memref<128x128xf32, #tpu.memory_space<vmem_shared>>
      %dma_wait3A_41 = arith.constant 0 : i32
      %dma_wait3A_42 = tpu.memref_slice %arg10[%add3A_25, %dma_wait3A_41] : memref<10240x128xf32, #tpu.memory_space<vmem_shared>> -> memref<128x128xf32, #tpu.memory_space<vmem_shared>>
      tpu.wait_dma2 semaphore(%run_scoped3A_36 : memref<!tpu.dma_semaphore, #tpu.memory_space<semaphore_mem>>) src(%arg9 : memref<128x128xf32, #tpu.memory_space<vmem>>) dst(%dma_wait3A_42 : memref<128x128xf32, #tpu.memory_space<vmem_shared>>)
      tpu.yield
    }) : () -> ()
    %barrier3A = arith.constant 0 : index
    tpu.barrier barrier_id(%barrier3A)
    %scan3A_26 = arith.constant 0 : i32
    %scan3A_27 = arith.constant 79 : i32
    %scan3A_28 = arith.addi %scan3A_26, %scan3A_27 : i32
    %scan3A_29 = arith.constant 1 : i32
    scf.for %scan3A_36 = %scan3A_26 to %scan3A_28 step %scan3A_29  : i32 {
      %mul3A_37 = arith.constant 1 : i32
      %mul3A_38 = arith.muli %scan3A_36, %mul3A_37 : i32
      %add3A_39 = arith.constant 0 : i32
      %add3A_40 = arith.addi %add3A_39, %mul3A_38 : i32
      %dma_start3A = arith.constant 0 : i32
      %dma_start3A_41 = tpu.memref_slice %arg4[%add3A, %add3A_40, %dma_start3A] : memref<32x79x128xf32, #tpu.memory_space<hbm>> -> memref<1x1x128xf32, #tpu.memory_space<hbm>>
      %dma_start3A_42 = tpu.memref_squeeze %dma_start3A_41 : memref<1x1x128xf32, #tpu.memory_space<hbm>> -> memref<128xf32, #tpu.memory_space<hbm>>
      %dma_start3A_43 = arith.constant 0 : i32
      %dma_start3A_44 = tpu.memref_slice %arg4[%add3A, %add3A_40, %dma_start3A_43] : memref<32x79x128xf32, #tpu.memory_space<hbm>> -> memref<1x1x128xf32, #tpu.memory_space<hbm>>
      %dma_start3A_45 = tpu.memref_squeeze %dma_start3A_44 : memref<1x1x128xf32, #tpu.memory_space<hbm>> -> memref<128xf32, #tpu.memory_space<hbm>>
      tpu.enqueue_dma source(%dma_start3A_45 : memref<128xf32, #tpu.memory_space<hbm>>) target(%arg8 : memref<128xf32, #tpu.memory_space<vmem>>) target_semaphore(%arg11 : memref<!tpu.dma_semaphore, #tpu.memory_space<semaphore_mem>>)
      "tpu.region"() ({
        %run_scoped3A_56 = tpu.sem_alloc : memref<!tpu.dma_semaphore, #tpu.memory_space<semaphore_mem>>
        %dma_start3A_57 = arith.constant 0 : i32
        %dma_start3A_58 = tpu.memref_slice %arg6[%add3A_40, %dma_start3A_57] : memref<79x128xi32, #tpu.memory_space<vmem>> -> memref<1x128xi32, #tpu.memory_space<vmem>>
        %dma_start3A_59 = tpu.memref_squeeze %dma_start3A_58 : memref<1x128xi32, #tpu.memory_space<vmem>> -> memref<128xi32, #tpu.memory_space<vmem>>
        %dma_start3A_60 = arith.constant 0 : i32
        %dma_start3A_61 = arith.constant 0 : i32
        %dma_start3A_62 = tpu.memref_slice %arg2[%dma_start3A_60, %dma_start3A_61] : memref<10000x128xf32, #tpu.memory_space<hbm>> -> memref<10000x128xf32, #tpu.memory_space<hbm>>
        tpu.enqueue_indirect_dma source(%dma_start3A_62 : memref<10000x128xf32, #tpu.memory_space<hbm>>) target(%arg9 : memref<128x128xf32, #tpu.memory_space<vmem>>) offsets(%dma_start3A_59 : memref<128xi32, #tpu.memory_space<vmem>>) semaphore(%run_scoped3A_56 : memref<!tpu.dma_semaphore, #tpu.memory_space<semaphore_mem>>)
        %dma_wait3A_63 = arith.constant 0 : i32
        %dma_wait3A_64 = tpu.memref_slice %arg6[%add3A_40, %dma_wait3A_63] : memref<79x128xi32, #tpu.memory_space<vmem>> -> memref<1x128xi32, #tpu.memory_space<vmem>>
        %dma_wait3A_65 = tpu.memref_squeeze %dma_wait3A_64 : memref<1x128xi32, #tpu.memory_space<vmem>> -> memref<128xi32, #tpu.memory_space<vmem>>
        %dma_wait3A_66 = arith.constant 0 : i32
        %dma_wait3A_67 = arith.constant 0 : i32
        %dma_wait3A_68 = tpu.memref_slice %arg2[%dma_wait3A_66, %dma_wait3A_67] : memref<10000x128xf32, #tpu.memory_space<hbm>> -> memref<10000x128xf32, #tpu.memory_space<hbm>>
        tpu.wait_indirect_dma semaphore(%run_scoped3A_56 : memref<!tpu.dma_semaphore, #tpu.memory_space<semaphore_mem>>) src(%dma_wait3A_68 : memref<10000x128xf32, #tpu.memory_space<hbm>>) dst(%arg9 : memref<128x128xf32, #tpu.memory_space<vmem>>)
        tpu.yield
      }) : () -> ()
      %dma_wait3A = arith.constant 0 : i32
      %dma_wait3A_46 = tpu.memref_slice %arg4[%add3A, %add3A_40, %dma_wait3A] : memref<32x79x128xf32, #tpu.memory_space<hbm>> -> memref<1x1x128xf32, #tpu.memory_space<hbm>>
      %dma_wait3A_47 = tpu.memref_squeeze %dma_wait3A_46 : memref<1x1x128xf32, #tpu.memory_space<hbm>> -> memref<128xf32, #tpu.memory_space<hbm>>
      %dma_wait3A_48 = arith.constant 0 : i32
      %dma_wait3A_49 = tpu.memref_slice %arg4[%add3A, %add3A_40, %dma_wait3A_48] : memref<32x79x128xf32, #tpu.memory_space<hbm>> -> memref<1x1x128xf32, #tpu.memory_space<hbm>>
      %dma_wait3A_50 = tpu.memref_squeeze %dma_wait3A_49 : memref<1x1x128xf32, #tpu.memory_space<hbm>> -> memref<128xf32, #tpu.memory_space<hbm>>
      tpu.wait_dma2 semaphore(%arg11 : memref<!tpu.dma_semaphore, #tpu.memory_space<semaphore_mem>>) src(%dma_wait3A_50 : memref<128xf32, #tpu.memory_space<hbm>>) dst(%arg8 : memref<128xf32, #tpu.memory_space<vmem>>)
      %scan3A_51 = arith.constant 0 : i32
      %scan3A_52 = arith.constant 8 : i32
      %scan3A_53 = arith.addi %scan3A_51, %scan3A_52 : i32
      %scan3A_54 = arith.constant 1 : i32
      scf.for %scan3A_56 = %scan3A_51 to %scan3A_53 step %scan3A_54  : i32 {
        %mul3A_57 = arith.constant 16 : i32
        %mul3A_58 = arith.muli %scan3A_56, %mul3A_57 : i32
        %add3A_59 = arith.constant 0 : i32
        %add3A_60 = arith.addi %add3A_59, %mul3A_58 : i32
        %get3A = arith.index_cast %add3A_60 : i32 to index
        %get3A_61 = tpu.vector_load %arg8[%get3A] {strides = array<i32>} : memref<128xf32, #tpu.memory_space<vmem>>, vector<16xf32>,
        %broadcast_in_dim3A = arith.constant 0 : i32
        %broadcast_in_dim3A_62 = vector.broadcast %broadcast_in_dim3A : i32 to vector<16xi32>
        %lt3A = arith.constant 0 : i32
        %lt3A_63 = vector.broadcast %lt3A : i32 to vector<16xi32>
        %lt3A_64 = arith.cmpi slt, %broadcast_in_dim3A_62, %lt3A_63 : vector<16xi32>
        %add3A_65 = arith.constant 16 : i32
        %add3A_66 = vector.broadcast %add3A_65 : i32 to vector<16xi32>
        %add3A_67 = arith.addi %broadcast_in_dim3A_62, %add3A_66 : vector<16xi32>
        %select_n3A = arith.select %lt3A_64, %add3A_67, %broadcast_in_dim3A_62 : vector<16xi1>, vector<16xi32>
        %broadcast_in_dim3A_68 = vector.shape_cast %select_n3A : vector<16xi32> to vector<16x1xi32>
        %gather3A = vector.shape_cast %broadcast_in_dim3A_68 : vector<16x1xi32> to vector<16xi32>
        %gather3A_69 = tpu.dynamic_gather %get3A_61[%gather3A] in [0] : vector<16xf32>, vector<16xi32> -> vector<16xf32>
        %add3A_70 = arith.constant 0 : i32
        %add3A_71 = arith.addi %add3A_60, %add3A_70 : i32
        %get3A_72 = arith.index_cast %add3A_71 : i32 to index
        %get3A_73 = arith.constant 0 : index
        %get3A_74 = tpu.vector_load %arg9[%get3A_72, %get3A_73] {strides = array<i32>} : memref<128x128xf32, #tpu.memory_space<vmem>>, vector<16xf32>,
        %mul3A_75 = arith.mulf %get3A_74, %gather3A_69 : vector<16xf32>
        %add3A_76 = arith.constant 0 : i32
        %add3A_77 = arith.addi %add3A_60, %add3A_76 : i32
        %swap3A = arith.index_cast %add3A_77 : i32 to index
        %swap3A_78 = arith.constant 0 : index
        %swap3A_79 = tpu.vector_load %arg9[%swap3A, %swap3A_78] {strides = array<i32>} : memref<128x128xf32, #tpu.memory_space<vmem>>, vector<16xf32>,
        tpu.vector_store %arg9[%swap3A, %swap3A_78], %mul3A_75 {strides = array<i32>} : memref<128x128xf32, #tpu.memory_space<vmem>>, vector<16xf32>,
        %add3A_80 = arith.constant 0 : i32
        %add3A_81 = arith.addi %add3A_60, %add3A_80 : i32
        %get3A_82 = arith.index_cast %add3A_81 : i32 to index
        %get3A_83 = arith.constant 16 : index
        %get3A_84 = tpu.vector_load %arg9[%get3A_82, %get3A_83] {strides = array<i32>} : memref<128x128xf32, #tpu.memory_space<vmem>>, vector<16xf32>,
        %mul3A_85 = arith.mulf %get3A_84, %gather3A_69 : vector<16xf32>
        %add3A_86 = arith.constant 0 : i32
        %add3A_87 = arith.addi %add3A_60, %add3A_86 : i32
        %swap3A_88 = arith.index_cast %add3A_87 : i32 to index
        %swap3A_89 = arith.constant 16 : index
        %swap3A_90 = tpu.vector_load %arg9[%swap3A_88, %swap3A_89] {strides = array<i32>} : memref<128x128xf32, #tpu.memory_space<vmem>>, vector<16xf32>,
        tpu.vector_store %arg9[%swap3A_88, %swap3A_89], %mul3A_85 {strides = array<i32>} : memref<128x128xf32, #tpu.memory_space<vmem>>, vector<16xf32>,
        %add3A_91 = arith.constant 0 : i32
        %add3A_92 = arith.addi %add3A_60, %add3A_91 : i32
        %get3A_93 = arith.index_cast %add3A_92 : i32 to index
        %get3A_94 = arith.constant 32 : index
        %get3A_95 = tpu.vector_load %arg9[%get3A_93, %get3A_94] {strides = array<i32>} : memref<128x128xf32, #tpu.memory_space<vmem>>, vector<16xf32>,
        %mul3A_96 = arith.mulf %get3A_95, %gather3A_69 : vector<16xf32>
        %add3A_97 = arith.constant 0 : i32
        %add3A_98 = arith.addi %add3A_60, %add3A_97 : i32
        %swap3A_99 = arith.index_cast %add3A_98 : i32 to index
        %swap3A_100 = arith.constant 32 : index
        %swap3A_101 = tpu.vector_load %arg9[%swap3A_99, %swap3A_100] {strides = array<i32>} : memref<128x128xf32, #tpu.memory_space<vmem>>, vector<16xf32>,
        tpu.vector_store %arg9[%swap3A_99, %swap3A_100], %mul3A_96 {strides = array<i32>} : memref<128x128xf32, #tpu.memory_space<vmem>>, vector<16xf32>,
        %add3A_102 = arith.constant 0 : i32
        %add3A_103 = arith.addi %add3A_60, %add3A_102 : i32
        %get3A_104 = arith.index_cast %add3A_103 : i32 to index
        %get3A_105 = arith.constant 48 : index
        %get3A_106 = tpu.vector_load %arg9[%get3A_104, %get3A_105] {strides = array<i32>} : memref<128x128xf32, #tpu.memory_space<vmem>>, vector<16xf32>,
        %mul3A_107 = arith.mulf %get3A_106, %gather3A_69 : vector<16xf32>
        %add3A_108 = arith.constant 0 : i32
        %add3A_109 = arith.addi %add3A_60, %add3A_108 : i32
        %swap3A_110 = arith.index_cast %add3A_109 : i32 to index
        %swap3A_111 = arith.constant 48 : index
        %swap3A_112 = tpu.vector_load %arg9[%swap3A_110, %swap3A_111] {strides = array<i32>} : memref<128x128xf32, #tpu.memory_space<vmem>>, vector<16xf32>,
        tpu.vector_store %arg9[%swap3A_110, %swap3A_111], %mul3A_107 {strides = array<i32>} : memref<128x128xf32, #tpu.memory_space<vmem>>, vector<16xf32>,
        %add3A_113 = arith.constant 0 : i32
        %add3A_114 = arith.addi %add3A_60, %add3A_113 : i32
        %get3A_115 = arith.index_cast %add3A_114 : i32 to index
        %get3A_116 = arith.constant 64 : index
        %get3A_117 = tpu.vector_load %arg9[%get3A_115, %get3A_116] {strides = array<i32>} : memref<128x128xf32, #tpu.memory_space<vmem>>, vector<16xf32>,
        %mul3A_118 = arith.mulf %get3A_117, %gather3A_69 : vector<16xf32>
        %add3A_119 = arith.constant 0 : i32
        %add3A_120 = arith.addi %add3A_60, %add3A_119 : i32
        %swap3A_121 = arith.index_cast %add3A_120 : i32 to index
        %swap3A_122 = arith.constant 64 : index
        %swap3A_123 = tpu.vector_load %arg9[%swap3A_121, %swap3A_122] {strides = array<i32>} : memref<128x128xf32, #tpu.memory_space<vmem>>, vector<16xf32>,
        tpu.vector_store %arg9[%swap3A_121, %swap3A_122], %mul3A_118 {strides = array<i32>} : memref<128x128xf32, #tpu.memory_space<vmem>>, vector<16xf32>,
        %add3A_124 = arith.constant 0 : i32
        %add3A_125 = arith.addi %add3A_60, %add3A_124 : i32
        %get3A_126 = arith.index_cast %add3A_125 : i32 to index
        %get3A_127 = arith.constant 80 : index
        %get3A_128 = tpu.vector_load %arg9[%get3A_126, %get3A_127] {strides = array<i32>} : memref<128x128xf32, #tpu.memory_space<vmem>>, vector<16xf32>,
        %mul3A_129 = arith.mulf %get3A_128, %gather3A_69 : vector<16xf32>
        %add3A_130 = arith.constant 0 : i32
        %add3A_131 = arith.addi %add3A_60, %add3A_130 : i32
        %swap3A_132 = arith.index_cast %add3A_131 : i32 to index
        %swap3A_133 = arith.constant 80 : index
        %swap3A_134 = tpu.vector_load %arg9[%swap3A_132, %swap3A_133] {strides = array<i32>} : memref<128x128xf32, #tpu.memory_space<vmem>>, vector<16xf32>,
        tpu.vector_store %arg9[%swap3A_132, %swap3A_133], %mul3A_129 {strides = array<i32>} : memref<128x128xf32, #tpu.memory_space<vmem>>, vector<16xf32>,
        %add3A_135 = arith.constant 0 : i32
        %add3A_136 = arith.addi %add3A_60, %add3A_135 : i32
        %get3A_137 = arith.index_cast %add3A_136 : i32 to index
        %get3A_138 = arith.constant 96 : index
        %get3A_139 = tpu.vector_load %arg9[%get3A_137, %get3A_138] {strides = array<i32>} : memref<128x128xf32, #tpu.memory_space<vmem>>, vector<16xf32>,
        %mul3A_140 = arith.mulf %get3A_139, %gather3A_69 : vector<16xf32>
        %add3A_141 = arith.constant 0 : i32
        %add3A_142 = arith.addi %add3A_60, %add3A_141 : i32
        %swap3A_143 = arith.index_cast %add3A_142 : i32 to index
        %swap3A_144 = arith.constant 96 : index
        %swap3A_145 = tpu.vector_load %arg9[%swap3A_143, %swap3A_144] {strides = array<i32>} : memref<128x128xf32, #tpu.memory_space<vmem>>, vector<16xf32>,
        tpu.vector_store %arg9[%swap3A_143, %swap3A_144], %mul3A_140 {strides = array<i32>} : memref<128x128xf32, #tpu.memory_space<vmem>>, vector<16xf32>,
        %add3A_146 = arith.constant 0 : i32
        %add3A_147 = arith.addi %add3A_60, %add3A_146 : i32
        %get3A_148 = arith.index_cast %add3A_147 : i32 to index
        %get3A_149 = arith.constant 112 : index
        %get3A_150 = tpu.vector_load %arg9[%get3A_148, %get3A_149] {strides = array<i32>} : memref<128x128xf32, #tpu.memory_space<vmem>>, vector<16xf32>,
        %mul3A_151 = arith.mulf %get3A_150, %gather3A_69 : vector<16xf32>
        %add3A_152 = arith.constant 0 : i32
        %add3A_153 = arith.addi %add3A_60, %add3A_152 : i32
        %swap3A_154 = arith.index_cast %add3A_153 : i32 to index
        %swap3A_155 = arith.constant 112 : index
        %swap3A_156 = tpu.vector_load %arg9[%swap3A_154, %swap3A_155] {strides = array<i32>} : memref<128x128xf32, #tpu.memory_space<vmem>>, vector<16xf32>,
        tpu.vector_store %arg9[%swap3A_154, %swap3A_155], %mul3A_151 {strides = array<i32>} : memref<128x128xf32, #tpu.memory_space<vmem>>, vector<16xf32>,
        %broadcast_in_dim3A_157 = arith.constant 1 : i32
        %broadcast_in_dim3A_158 = vector.broadcast %broadcast_in_dim3A_157 : i32 to vector<16xi32>
        %lt3A_159 = arith.constant 0 : i32
        %lt3A_160 = vector.broadcast %lt3A_159 : i32 to vector<16xi32>
        %lt3A_161 = arith.cmpi slt, %broadcast_in_dim3A_158, %lt3A_160 : vector<16xi32>
        %add3A_162 = arith.constant 16 : i32
        %add3A_163 = vector.broadcast %add3A_162 : i32 to vector<16xi32>
        %add3A_164 = arith.addi %broadcast_in_dim3A_158, %add3A_163 : vector<16xi32>
        %select_n3A_165 = arith.select %lt3A_161, %add3A_164, %broadcast_in_dim3A_158 : vector<16xi1>, vector<16xi32>
        %broadcast_in_dim3A_166 = vector.shape_cast %select_n3A_165 : vector<16xi32> to vector<16x1xi32>
        %gather3A_167 = vector.shape_cast %broadcast_in_dim3A_166 : vector<16x1xi32> to vector<16xi32>
        %gather3A_168 = tpu.dynamic_gather %get3A_61[%gather3A_167] in [0] : vector<16xf32>, vector<16xi32> -> vector<16xf32>
        %add3A_169 = arith.constant 1 : i32
        %add3A_170 = arith.addi %add3A_60, %add3A_169 : i32
        %get3A_171 = arith.index_cast %add3A_170 : i32 to index
        %get3A_172 = arith.constant 0 : index
        %get3A_173 = tpu.vector_load %arg9[%get3A_171, %get3A_172] {strides = array<i32>} : memref<128x128xf32, #tpu.memory_space<vmem>>, vector<16xf32>,
        %mul3A_174 = arith.mulf %get3A_173, %gather3A_168 : vector<16xf32>
        %add3A_175 = arith.constant 1 : i32
        %add3A_176 = arith.addi %add3A_60, %add3A_175 : i32
        %swap3A_177 = arith.index_cast %add3A_176 : i32 to index
        %swap3A_178 = arith.constant 0 : index
        %swap3A_179 = tpu.vector_load %arg9[%swap3A_177, %swap3A_178] {strides = array<i32>} : memref<128x128xf32, #tpu.memory_space<vmem>>, vector<16xf32>,
        tpu.vector_store %arg9[%swap3A_177, %swap3A_178], %mul3A_174 {strides = array<i32>} : memref<128x128xf32, #tpu.memory_space<vmem>>, vector<16xf32>,
        %add3A_180 = arith.constant 1 : i32
        %add3A_181 = arith.addi %add3A_60, %add3A_180 : i32
        %get3A_182 = arith.index_cast %add3A_181 : i32 to index
        %get3A_183 = arith.constant 16 : index
        %get3A_184 = tpu.vector_load %arg9[%get3A_182, %get3A_183] {strides = array<i32>} : memref<128x128xf32, #tpu.memory_space<vmem>>, vector<16xf32>,
        %mul3A_185 = arith.mulf %get3A_184, %gather3A_168 : vector<16xf32>
        %add3A_186 = arith.constant 1 : i32
        %add3A_187 = arith.addi %add3A_60, %add3A_186 : i32
        %swap3A_188 = arith.index_cast %add3A_187 : i32 to index
        %swap3A_189 = arith.constant 16 : index
        %swap3A_190 = tpu.vector_load %arg9[%swap3A_188, %swap3A_189] {strides = array<i32>} : memref<128x128xf32, #tpu.memory_space<vmem>>, vector<16xf32>,
        tpu.vector_store %arg9[%swap3A_188, %swap3A_189], %mul3A_185 {strides = array<i32>} : memref<128x128xf32, #tpu.memory_space<vmem>>, vector<16xf32>,
        %add3A_191 = arith.constant 1 : i32
        %add3A_192 = arith.addi %add3A_60, %add3A_191 : i32
        %get3A_193 = arith.index_cast %add3A_192 : i32 to index
        %get3A_194 = arith.constant 32 : index
        %get3A_195 = tpu.vector_load %arg9[%get3A_193, %get3A_194] {strides = array<i32>} : memref<128x128xf32, #tpu.memory_space<vmem>>, vector<16xf32>,
        %mul3A_196 = arith.mulf %get3A_195, %gather3A_168 : vector<16xf32>
        %add3A_197 = arith.constant 1 : i32
        %add3A_198 = arith.addi %add3A_60, %add3A_197 : i32
        %swap3A_199 = arith.index_cast %add3A_198 : i32 to index
        %swap3A_200 = arith.constant 32 : index
        %swap3A_201 = tpu.vector_load %arg9[%swap3A_199, %swap3A_200] {strides = array<i32>} : memref<128x128xf32, #tpu.memory_space<vmem>>, vector<16xf32>,
        tpu.vector_store %arg9[%swap3A_199, %swap3A_200], %mul3A_196 {strides = array<i32>} : memref<128x128xf32, #tpu.memory_space<vmem>>, vector<16xf32>,
        %add3A_202 = arith.constant 1 : i32
        %add3A_203 = arith.addi %add3A_60, %add3A_202 : i32
        %get3A_204 = arith.index_cast %add3A_203 : i32 to index
        %get3A_205 = arith.constant 48 : index
        %get3A_206 = tpu.vector_load %arg9[%get3A_204, %get3A_205] {strides = array<i32>} : memref<128x128xf32, #tpu.memory_space<vmem>>, vector<16xf32>,
        %mul3A_207 = arith.mulf %get3A_206, %gather3A_168 : vector<16xf32>
        %add3A_208 = arith.constant 1 : i32
        %add3A_209 = arith.addi %add3A_60, %add3A_208 : i32
        %swap3A_210 = arith.index_cast %add3A_209 : i32 to index
        %swap3A_211 = arith.constant 48 : index
        %swap3A_212 = tpu.vector_load %arg9[%swap3A_210, %swap3A_211] {strides = array<i32>} : memref<128x128xf32, #tpu.memory_space<vmem>>, vector<16xf32>,
        tpu.vector_store %arg9[%swap3A_210, %swap3A_211], %mul3A_207 {strides = array<i32>} : memref<128x128xf32, #tpu.memory_space<vmem>>, vector<16xf32>,
        %add3A_213 = arith.constant 1 : i32
        %add3A_214 = arith.addi %add3A_60, %add3A_213 : i32
        %get3A_215 = arith.index_cast %add3A_214 : i32 to index
        %get3A_216 = arith.constant 64 : index
        %get3A_217 = tpu.vector_load %arg9[%get3A_215, %get3A_216] {strides = array<i32>} : memref<128x128xf32, #tpu.memory_space<vmem>>, vector<16xf32>,
        %mul3A_218 = arith.mulf %get3A_217, %gather3A_168 : vector<16xf32>
        %add3A_219 = arith.constant 1 : i32
        %add3A_220 = arith.addi %add3A_60, %add3A_219 : i32
        %swap3A_221 = arith.index_cast %add3A_220 : i32 to index
        %swap3A_222 = arith.constant 64 : index
        %swap3A_223 = tpu.vector_load %arg9[%swap3A_221, %swap3A_222] {strides = array<i32>} : memref<128x128xf32, #tpu.memory_space<vmem>>, vector<16xf32>,
        tpu.vector_store %arg9[%swap3A_221, %swap3A_222], %mul3A_218 {strides = array<i32>} : memref<128x128xf32, #tpu.memory_space<vmem>>, vector<16xf32>,
        %add3A_224 = arith.constant 1 : i32
        %add3A_225 = arith.addi %add3A_60, %add3A_224 : i32
        %get3A_226 = arith.index_cast %add3A_225 : i32 to index
        %get3A_227 = arith.constant 80 : index
        %get3A_228 = tpu.vector_load %arg9[%get3A_226, %get3A_227] {strides = array<i32>} : memref<128x128xf32, #tpu.memory_space<vmem>>, vector<16xf32>,
        %mul3A_229 = arith.mulf %get3A_228, %gather3A_168 : vector<16xf32>
        %add3A_230 = arith.constant 1 : i32
        %add3A_231 = arith.addi %add3A_60, %add3A_230 : i32
        %swap3A_232 = arith.index_cast %add3A_231 : i32 to index
        %swap3A_233 = arith.constant 80 : index
        %swap3A_234 = tpu.vector_load %arg9[%swap3A_232, %swap3A_233] {strides = array<i32>} : memref<128x128xf32, #tpu.memory_space<vmem>>, vector<16xf32>,
        tpu.vector_store %arg9[%swap3A_232, %swap3A_233], %mul3A_229 {strides = array<i32>} : memref<128x128xf32, #tpu.memory_space<vmem>>, vector<16xf32>,
        %add3A_235 = arith.constant 1 : i32
        %add3A_236 = arith.addi %add3A_60, %add3A_235 : i32
        %get3A_237 = arith.index_cast %add3A_236 : i32 to index
        %get3A_238 = arith.constant 96 : index
        %get3A_239 = tpu.vector_load %arg9[%get3A_237, %get3A_238] {strides = array<i32>} : memref<128x128xf32, #tpu.memory_space<vmem>>, vector<16xf32>,
        %mul3A_240 = arith.mulf %get3A_239, %gather3A_168 : vector<16xf32>
        %add3A_241 = arith.constant 1 : i32
        %add3A_242 = arith.addi %add3A_60, %add3A_241 : i32
        %swap3A_243 = arith.index_cast %add3A_242 : i32 to index
        %swap3A_244 = arith.constant 96 : index
        %swap3A_245 = tpu.vector_load %arg9[%swap3A_243, %swap3A_244] {strides = array<i32>} : memref<128x128xf32, #tpu.memory_space<vmem>>, vector<16xf32>,
        tpu.vector_store %arg9[%swap3A_243, %swap3A_244], %mul3A_240 {strides = array<i32>} : memref<128x128xf32, #tpu.memory_space<vmem>>, vector<16xf32>,
        %add3A_246 = arith.constant 1 : i32
        %add3A_247 = arith.addi %add3A_60, %add3A_246 : i32
        %get3A_248 = arith.index_cast %add3A_247 : i32 to index
        %get3A_249 = arith.constant 112 : index
        %get3A_250 = tpu.vector_load %arg9[%get3A_248, %get3A_249] {strides = array<i32>} : memref<128x128xf32, #tpu.memory_space<vmem>>, vector<16xf32>,
        %mul3A_251 = arith.mulf %get3A_250, %gather3A_168 : vector<16xf32>
        %add3A_252 = arith.constant 1 : i32
        %add3A_253 = arith.addi %add3A_60, %add3A_252 : i32
        %swap3A_254 = arith.index_cast %add3A_253 : i32 to index
        %swap3A_255 = arith.constant 112 : index
        %swap3A_256 = tpu.vector_load %arg9[%swap3A_254, %swap3A_255] {strides = array<i32>} : memref<128x128xf32, #tpu.memory_space<vmem>>, vector<16xf32>,
        tpu.vector_store %arg9[%swap3A_254, %swap3A_255], %mul3A_251 {strides = array<i32>} : memref<128x128xf32, #tpu.memory_space<vmem>>, vector<16xf32>,
        %broadcast_in_dim3A_257 = arith.constant 2 : i32
        %broadcast_in_dim3A_258 = vector.broadcast %broadcast_in_dim3A_257 : i32 to vector<16xi32>
        %lt3A_259 = arith.constant 0 : i32
        %lt3A_260 = vector.broadcast %lt3A_259 : i32 to vector<16xi32>
        %lt3A_261 = arith.cmpi slt, %broadcast_in_dim3A_258, %lt3A_260 : vector<16xi32>
        %add3A_262 = arith.constant 16 : i32
        %add3A_263 = vector.broadcast %add3A_262 : i32 to vector<16xi32>
        %add3A_264 = arith.addi %broadcast_in_dim3A_258, %add3A_263 : vector<16xi32>
        %select_n3A_265 = arith.select %lt3A_261, %add3A_264, %broadcast_in_dim3A_258 : vector<16xi1>, vector<16xi32>
        %broadcast_in_dim3A_266 = vector.shape_cast %select_n3A_265 : vector<16xi32> to vector<16x1xi32>
        %gather3A_267 = vector.shape_cast %broadcast_in_dim3A_266 : vector<16x1xi32> to vector<16xi32>
        %gather3A_268 = tpu.dynamic_gather %get3A_61[%gather3A_267] in [0] : vector<16xf32>, vector<16xi32> -> vector<16xf32>
        %add3A_269 = arith.constant 2 : i32
        %add3A_270 = arith.addi %add3A_60, %add3A_269 : i32
        %get3A_271 = arith.index_cast %add3A_270 : i32 to index
        %get3A_272 = arith.constant 0 : index
        %get3A_273 = tpu.vector_load %arg9[%get3A_271, %get3A_272] {strides = array<i32>} : memref<128x128xf32, #tpu.memory_space<vmem>>, vector<16xf32>,
        %mul3A_274 = arith.mulf %get3A_273, %gather3A_268 : vector<16xf32>
        %add3A_275 = arith.constant 2 : i32
        %add3A_276 = arith.addi %add3A_60, %add3A_275 : i32
        %swap3A_277 = arith.index_cast %add3A_276 : i32 to index
        %swap3A_278 = arith.constant 0 : index
        %swap3A_279 = tpu.vector_load %arg9[%swap3A_277, %swap3A_278] {strides = array<i32>} : memref<128x128xf32, #tpu.memory_space<vmem>>, vector<16xf32>,
        tpu.vector_store %arg9[%swap3A_277, %swap3A_278], %mul3A_274 {strides = array<i32>} : memref<128x128xf32, #tpu.memory_space<vmem>>, vector<16xf32>,
        %add3A_280 = arith.constant 2 : i32
        %add3A_281 = arith.addi %add3A_60, %add3A_280 : i32
        %get3A_282 = arith.index_cast %add3A_281 : i32 to index
        %get3A_283 = arith.constant 16 : index
        %get3A_284 = tpu.vector_load %arg9[%get3A_282, %get3A_283] {strides = array<i32>} : memref<128x128xf32, #tpu.memory_space<vmem>>, vector<16xf32>,
        %mul3A_285 = arith.mulf %get3A_284, %gather3A_268 : vector<16xf32>
        %add3A_286 = arith.constant 2 : i32
        %add3A_287 = arith.addi %add3A_60, %add3A_286 : i32
        %swap3A_288 = arith.index_cast %add3A_287 : i32 to index
        %swap3A_289 = arith.constant 16 : index
        %swap3A_290 = tpu.vector_load %arg9[%swap3A_288, %swap3A_289] {strides = array<i32>} : memref<128x128xf32, #tpu.memory_space<vmem>>, vector<16xf32>,
        tpu.vector_store %arg9[%swap3A_288, %swap3A_289], %mul3A_285 {strides = array<i32>} : memref<128x128xf32, #tpu.memory_space<vmem>>, vector<16xf32>,
        %add3A_291 = arith.constant 2 : i32
        %add3A_292 = arith.addi %add3A_60, %add3A_291 : i32
        %get3A_293 = arith.index_cast %add3A_292 : i32 to index
        %get3A_294 = arith.constant 32 : index
        %get3A_295 = tpu.vector_load %arg9[%get3A_293, %get3A_294] {strides = array<i32>} : memref<128x128xf32, #tpu.memory_space<vmem>>, vector<16xf32>,
        %mul3A_296 = arith.mulf %get3A_295, %gather3A_268 : vector<16xf32>
        %add3A_297 = arith.constant 2 : i32
        %add3A_298 = arith.addi %add3A_60, %add3A_297 : i32
        %swap3A_299 = arith.index_cast %add3A_298 : i32 to index
        %swap3A_300 = arith.constant 32 : index
        %swap3A_301 = tpu.vector_load %arg9[%swap3A_299, %swap3A_300] {strides = array<i32>} : memref<128x128xf32, #tpu.memory_space<vmem>>, vector<16xf32>,
        tpu.vector_store %arg9[%swap3A_299, %swap3A_300], %mul3A_296 {strides = array<i32>} : memref<128x128xf32, #tpu.memory_space<vmem>>, vector<16xf32>,
        %add3A_302 = arith.constant 2 : i32
        %add3A_303 = arith.addi %add3A_60, %add3A_302 : i32
        %get3A_304 = arith.index_cast %add3A_303 : i32 to index
        %get3A_305 = arith.constant 48 : index
        %get3A_306 = tpu.vector_load %arg9[%get3A_304, %get3A_305] {strides = array<i32>} : memref<128x128xf32, #tpu.memory_space<vmem>>, vector<16xf32>,
        %mul3A_307 = arith.mulf %get3A_306, %gather3A_268 : vector<16xf32>
        %add3A_308 = arith.constant 2 : i32
        %add3A_309 = arith.addi %add3A_60, %add3A_308 : i32
        %swap3A_310 = arith.index_cast %add3A_309 : i32 to index
        %swap3A_311 = arith.constant 48 : index
        %swap3A_312 = tpu.vector_load %arg9[%swap3A_310, %swap3A_311] {strides = array<i32>} : memref<128x128xf32, #tpu.memory_space<vmem>>, vector<16xf32>,
        tpu.vector_store %arg9[%swap3A_310, %swap3A_311], %mul3A_307 {strides = array<i32>} : memref<128x128xf32, #tpu.memory_space<vmem>>, vector<16xf32>,
        %add3A_313 = arith.constant 2 : i32
        %add3A_314 = arith.addi %add3A_60, %add3A_313 : i32
        %get3A_315 = arith.index_cast %add3A_314 : i32 to index
        %get3A_316 = arith.constant 64 : index
        %get3A_317 = tpu.vector_load %arg9[%get3A_315, %get3A_316] {strides = array<i32>} : memref<128x128xf32, #tpu.memory_space<vmem>>, vector<16xf32>,
        %mul3A_318 = arith.mulf %get3A_317, %gather3A_268 : vector<16xf32>
        %add3A_319 = arith.constant 2 : i32
        %add3A_320 = arith.addi %add3A_60, %add3A_319 : i32
        %swap3A_321 = arith.index_cast %add3A_320 : i32 to index
        %swap3A_322 = arith.constant 64 : index
        %swap3A_323 = tpu.vector_load %arg9[%swap3A_321, %swap3A_322] {strides = array<i32>} : memref<128x128xf32, #tpu.memory_space<vmem>>, vector<16xf32>,
        tpu.vector_store %arg9[%swap3A_321, %swap3A_322], %mul3A_318 {strides = array<i32>} : memref<128x128xf32, #tpu.memory_space<vmem>>, vector<16xf32>,
        %add3A_324 = arith.constant 2 : i32
        %add3A_325 = arith.addi %add3A_60, %add3A_324 : i32
        %get3A_326 = arith.index_cast %add3A_325 : i32 to index
        %get3A_327 = arith.constant 80 : index
        %get3A_328 = tpu.vector_load %arg9[%get3A_326, %get3A_327] {strides = array<i32>} : memref<128x128xf32, #tpu.memory_space<vmem>>, vector<16xf32>,
        %mul3A_329 = arith.mulf %get3A_328, %gather3A_268 : vector<16xf32>
        %add3A_330 = arith.constant 2 : i32
        %add3A_331 = arith.addi %add3A_60, %add3A_330 : i32
        %swap3A_332 = arith.index_cast %add3A_331 : i32 to index
        %swap3A_333 = arith.constant 80 : index
        %swap3A_334 = tpu.vector_load %arg9[%swap3A_332, %swap3A_333] {strides = array<i32>} : memref<128x128xf32, #tpu.memory_space<vmem>>, vector<16xf32>,
        tpu.vector_store %arg9[%swap3A_332, %swap3A_333], %mul3A_329 {strides = array<i32>} : memref<128x128xf32, #tpu.memory_space<vmem>>, vector<16xf32>,
        %add3A_335 = arith.constant 2 : i32
        %add3A_336 = arith.addi %add3A_60, %add3A_335 : i32
        %get3A_337 = arith.index_cast %add3A_336 : i32 to index
        %get3A_338 = arith.constant 96 : index
        %get3A_339 = tpu.vector_load %arg9[%get3A_337, %get3A_338] {strides = array<i32>} : memref<128x128xf32, #tpu.memory_space<vmem>>, vector<16xf32>,
        %mul3A_340 = arith.mulf %get3A_339, %gather3A_268 : vector<16xf32>
        %add3A_341 = arith.constant 2 : i32
        %add3A_342 = arith.addi %add3A_60, %add3A_341 : i32
        %swap3A_343 = arith.index_cast %add3A_342 : i32 to index
        %swap3A_344 = arith.constant 96 : index
        %swap3A_345 = tpu.vector_load %arg9[%swap3A_343, %swap3A_344] {strides = array<i32>} : memref<128x128xf32, #tpu.memory_space<vmem>>, vector<16xf32>,
        tpu.vector_store %arg9[%swap3A_343, %swap3A_344], %mul3A_340 {strides = array<i32>} : memref<128x128xf32, #tpu.memory_space<vmem>>, vector<16xf32>,
        %add3A_346 = arith.constant 2 : i32
        %add3A_347 = arith.addi %add3A_60, %add3A_346 : i32
        %get3A_348 = arith.index_cast %add3A_347 : i32 to index
        %get3A_349 = arith.constant 112 : index
        %get3A_350 = tpu.vector_load %arg9[%get3A_348, %get3A_349] {strides = array<i32>} : memref<128x128xf32, #tpu.memory_space<vmem>>, vector<16xf32>,
        %mul3A_351 = arith.mulf %get3A_350, %gather3A_268 : vector<16xf32>
        %add3A_352 = arith.constant 2 : i32
        %add3A_353 = arith.addi %add3A_60, %add3A_352 : i32
        %swap3A_354 = arith.index_cast %add3A_353 : i32 to index
        %swap3A_355 = arith.constant 112 : index
        %swap3A_356 = tpu.vector_load %arg9[%swap3A_354, %swap3A_355] {strides = array<i32>} : memref<128x128xf32, #tpu.memory_space<vmem>>, vector<16xf32>,
        tpu.vector_store %arg9[%swap3A_354, %swap3A_355], %mul3A_351 {strides = array<i32>} : memref<128x128xf32, #tpu.memory_space<vmem>>, vector<16xf32>,
        %broadcast_in_dim3A_357 = arith.constant 3 : i32
        %broadcast_in_dim3A_358 = vector.broadcast %broadcast_in_dim3A_357 : i32 to vector<16xi32>
        %lt3A_359 = arith.constant 0 : i32
        %lt3A_360 = vector.broadcast %lt3A_359 : i32 to vector<16xi32>
        %lt3A_361 = arith.cmpi slt, %broadcast_in_dim3A_358, %lt3A_360 : vector<16xi32>
        %add3A_362 = arith.constant 16 : i32
        %add3A_363 = vector.broadcast %add3A_362 : i32 to vector<16xi32>
        %add3A_364 = arith.addi %broadcast_in_dim3A_358, %add3A_363 : vector<16xi32>
        %select_n3A_365 = arith.select %lt3A_361, %add3A_364, %broadcast_in_dim3A_358 : vector<16xi1>, vector<16xi32>
        %broadcast_in_dim3A_366 = vector.shape_cast %select_n3A_365 : vector<16xi32> to vector<16x1xi32>
        %gather3A_367 = vector.shape_cast %broadcast_in_dim3A_366 : vector<16x1xi32> to vector<16xi32>
        %gather3A_368 = tpu.dynamic_gather %get3A_61[%gather3A_367] in [0] : vector<16xf32>, vector<16xi32> -> vector<16xf32>
        %add3A_369 = arith.constant 3 : i32
        %add3A_370 = arith.addi %add3A_60, %add3A_369 : i32
        %get3A_371 = arith.index_cast %add3A_370 : i32 to index
        %get3A_372 = arith.constant 0 : index
        %get3A_373 = tpu.vector_load %arg9[%get3A_371, %get3A_372] {strides = array<i32>} : memref<128x128xf32, #tpu.memory_space<vmem>>, vector<16xf32>,
        %mul3A_374 = arith.mulf %get3A_373, %gather3A_368 : vector<16xf32>
        %add3A_375 = arith.constant 3 : i32
        %add3A_376 = arith.addi %add3A_60, %add3A_375 : i32
        %swap3A_377 = arith.index_cast %add3A_376 : i32 to index
        %swap3A_378 = arith.constant 0 : index
        %swap3A_379 = tpu.vector_load %arg9[%swap3A_377, %swap3A_378] {strides = array<i32>} : memref<128x128xf32, #tpu.memory_space<vmem>>, vector<16xf32>,
        tpu.vector_store %arg9[%swap3A_377, %swap3A_378], %mul3A_374 {strides = array<i32>} : memref<128x128xf32, #tpu.memory_space<vmem>>, vector<16xf32>,
        %add3A_380 = arith.constant 3 : i32
        %add3A_381 = arith.addi %add3A_60, %add3A_380 : i32
        %get3A_382 = arith.index_cast %add3A_381 : i32 to index
        %get3A_383 = arith.constant 16 : index
        %get3A_384 = tpu.vector_load %arg9[%get3A_382, %get3A_383] {strides = array<i32>} : memref<128x128xf32, #tpu.memory_space<vmem>>, vector<16xf32>,
        %mul3A_385 = arith.mulf %get3A_384, %gather3A_368 : vector<16xf32>
        %add3A_386 = arith.constant 3 : i32
        %add3A_387 = arith.addi %add3A_60, %add3A_386 : i32
        %swap3A_388 = arith.index_cast %add3A_387 : i32 to index
        %swap3A_389 = arith.constant 16 : index
        %swap3A_390 = tpu.vector_load %arg9[%swap3A_388, %swap3A_389] {strides = array<i32>} : memref<128x128xf32, #tpu.memory_space<vmem>>, vector<16xf32>,
        tpu.vector_store %arg9[%swap3A_388, %swap3A_389], %mul3A_385 {strides = array<i32>} : memref<128x128xf32, #tpu.memory_space<vmem>>, vector<16xf32>,
        %add3A_391 = arith.constant 3 : i32
        %add3A_392 = arith.addi %add3A_60, %add3A_391 : i32
        %get3A_393 = arith.index_cast %add3A_392 : i32 to index
        %get3A_394 = arith.constant 32 : index
        %get3A_395 = tpu.vector_load %arg9[%get3A_393, %get3A_394] {strides = array<i32>} : memref<128x128xf32, #tpu.memory_space<vmem>>, vector<16xf32>,
        %mul3A_396 = arith.mulf %get3A_395, %gather3A_368 : vector<16xf32>
        %add3A_397 = arith.constant 3 : i32
        %add3A_398 = arith.addi %add3A_60, %add3A_397 : i32
        %swap3A_399 = arith.index_cast %add3A_398 : i32 to index
        %swap3A_400 = arith.constant 32 : index
        %swap3A_401 = tpu.vector_load %arg9[%swap3A_399, %swap3A_400] {strides = array<i32>} : memref<128x128xf32, #tpu.memory_space<vmem>>, vector<16xf32>,
        tpu.vector_store %arg9[%swap3A_399, %swap3A_400], %mul3A_396 {strides = array<i32>} : memref<128x128xf32, #tpu.memory_space<vmem>>, vector<16xf32>,
        %add3A_402 = arith.constant 3 : i32
        %add3A_403 = arith.addi %add3A_60, %add3A_402 : i32
        %get3A_404 = arith.index_cast %add3A_403 : i32 to index
        %get3A_405 = arith.constant 48 : index
        %get3A_406 = tpu.vector_load %arg9[%get3A_404, %get3A_405] {strides = array<i32>} : memref<128x128xf32, #tpu.memory_space<vmem>>, vector<16xf32>,
        %mul3A_407 = arith.mulf %get3A_406, %gather3A_368 : vector<16xf32>
        %add3A_408 = arith.constant 3 : i32
        %add3A_409 = arith.addi %add3A_60, %add3A_408 : i32
        %swap3A_410 = arith.index_cast %add3A_409 : i32 to index
        %swap3A_411 = arith.constant 48 : index
        %swap3A_412 = tpu.vector_load %arg9[%swap3A_410, %swap3A_411] {strides = array<i32>} : memref<128x128xf32, #tpu.memory_space<vmem>>, vector<16xf32>,
        tpu.vector_store %arg9[%swap3A_410, %swap3A_411], %mul3A_407 {strides = array<i32>} : memref<128x128xf32, #tpu.memory_space<vmem>>, vector<16xf32>,
        %add3A_413 = arith.constant 3 : i32
        %add3A_414 = arith.addi %add3A_60, %add3A_413 : i32
        %get3A_415 = arith.index_cast %add3A_414 : i32 to index
        %get3A_416 = arith.constant 64 : index
        %get3A_417 = tpu.vector_load %arg9[%get3A_415, %get3A_416] {strides = array<i32>} : memref<128x128xf32, #tpu.memory_space<vmem>>, vector<16xf32>,
        %mul3A_418 = arith.mulf %get3A_417, %gather3A_368 : vector<16xf32>
        %add3A_419 = arith.constant 3 : i32
        %add3A_420 = arith.addi %add3A_60, %add3A_419 : i32
        %swap3A_421 = arith.index_cast %add3A_420 : i32 to index
        %swap3A_422 = arith.constant 64 : index
        %swap3A_423 = tpu.vector_load %arg9[%swap3A_421, %swap3A_422] {strides = array<i32>} : memref<128x128xf32, #tpu.memory_space<vmem>>, vector<16xf32>,
        tpu.vector_store %arg9[%swap3A_421, %swap3A_422], %mul3A_418 {strides = array<i32>} : memref<128x128xf32, #tpu.memory_space<vmem>>, vector<16xf32>,
        %add3A_424 = arith.constant 3 : i32
        %add3A_425 = arith.addi %add3A_60, %add3A_424 : i32
        %get3A_426 = arith.index_cast %add3A_425 : i32 to index
        %get3A_427 = arith.constant 80 : index
        %get3A_428 = tpu.vector_load %arg9[%get3A_426, %get3A_427] {strides = array<i32>} : memref<128x128xf32, #tpu.memory_space<vmem>>, vector<16xf32>,
        %mul3A_429 = arith.mulf %get3A_428, %gather3A_368 : vector<16xf32>
        %add3A_430 = arith.constant 3 : i32
        %add3A_431 = arith.addi %add3A_60, %add3A_430 : i32
        %swap3A_432 = arith.index_cast %add3A_431 : i32 to index
        %swap3A_433 = arith.constant 80 : index
        %swap3A_434 = tpu.vector_load %arg9[%swap3A_432, %swap3A_433] {strides = array<i32>} : memref<128x128xf32, #tpu.memory_space<vmem>>, vector<16xf32>,
        tpu.vector_store %arg9[%swap3A_432, %swap3A_433], %mul3A_429 {strides = array<i32>} : memref<128x128xf32, #tpu.memory_space<vmem>>, vector<16xf32>,
        %add3A_435 = arith.constant 3 : i32
        %add3A_436 = arith.addi %add3A_60, %add3A_435 : i32
        %get3A_437 = arith.index_cast %add3A_436 : i32 to index
        %get3A_438 = arith.constant 96 : index
        %get3A_439 = tpu.vector_load %arg9[%get3A_437, %get3A_438] {strides = array<i32>} : memref<128x128xf32, #tpu.memory_space<vmem>>, vector<16xf32>,
        %mul3A_440 = arith.mulf %get3A_439, %gather3A_368 : vector<16xf32>
        %add3A_441 = arith.constant 3 : i32
        %add3A_442 = arith.addi %add3A_60, %add3A_441 : i32
        %swap3A_443 = arith.index_cast %add3A_442 : i32 to index
        %swap3A_444 = arith.constant 96 : index
        %swap3A_445 = tpu.vector_load %arg9[%swap3A_443, %swap3A_444] {strides = array<i32>} : memref<128x128xf32, #tpu.memory_space<vmem>>, vector<16xf32>,
        tpu.vector_store %arg9[%swap3A_443, %swap3A_444], %mul3A_440 {strides = array<i32>} : memref<128x128xf32, #tpu.memory_space<vmem>>, vector<16xf32>,
        %add3A_446 = arith.constant 3 : i32
        %add3A_447 = arith.addi %add3A_60, %add3A_446 : i32
        %get3A_448 = arith.index_cast %add3A_447 : i32 to index
        %get3A_449 = arith.constant 112 : index
        %get3A_450 = tpu.vector_load %arg9[%get3A_448, %get3A_449] {strides = array<i32>} : memref<128x128xf32, #tpu.memory_space<vmem>>, vector<16xf32>,
        %mul3A_451 = arith.mulf %get3A_450, %gather3A_368 : vector<16xf32>
        %add3A_452 = arith.constant 3 : i32
        %add3A_453 = arith.addi %add3A_60, %add3A_452 : i32
        %swap3A_454 = arith.index_cast %add3A_453 : i32 to index
        %swap3A_455 = arith.constant 112 : index
        %swap3A_456 = tpu.vector_load %arg9[%swap3A_454, %swap3A_455] {strides = array<i32>} : memref<128x128xf32, #tpu.memory_space<vmem>>, vector<16xf32>,
        tpu.vector_store %arg9[%swap3A_454, %swap3A_455], %mul3A_451 {strides = array<i32>} : memref<128x128xf32, #tpu.memory_space<vmem>>, vector<16xf32>,
        %broadcast_in_dim3A_457 = arith.constant 4 : i32
        %broadcast_in_dim3A_458 = vector.broadcast %broadcast_in_dim3A_457 : i32 to vector<16xi32>
        %lt3A_459 = arith.constant 0 : i32
        %lt3A_460 = vector.broadcast %lt3A_459 : i32 to vector<16xi32>
        %lt3A_461 = arith.cmpi slt, %broadcast_in_dim3A_458, %lt3A_460 : vector<16xi32>
        %add3A_462 = arith.constant 16 : i32
        %add3A_463 = vector.broadcast %add3A_462 : i32 to vector<16xi32>
        %add3A_464 = arith.addi %broadcast_in_dim3A_458, %add3A_463 : vector<16xi32>
        %select_n3A_465 = arith.select %lt3A_461, %add3A_464, %broadcast_in_dim3A_458 : vector<16xi1>, vector<16xi32>
        %broadcast_in_dim3A_466 = vector.shape_cast %select_n3A_465 : vector<16xi32> to vector<16x1xi32>
        %gather3A_467 = vector.shape_cast %broadcast_in_dim3A_466 : vector<16x1xi32> to vector<16xi32>
        %gather3A_468 = tpu.dynamic_gather %get3A_61[%gather3A_467] in [0] : vector<16xf32>, vector<16xi32> -> vector<16xf32>
        %add3A_469 = arith.constant 4 : i32
        %add3A_470 = arith.addi %add3A_60, %add3A_469 : i32
        %get3A_471 = arith.index_cast %add3A_470 : i32 to index
        %get3A_472 = arith.constant 0 : index
        %get3A_473 = tpu.vector_load %arg9[%get3A_471, %get3A_472] {strides = array<i32>} : memref<128x128xf32, #tpu.memory_space<vmem>>, vector<16xf32>,
        %mul3A_474 = arith.mulf %get3A_473, %gather3A_468 : vector<16xf32>
        %add3A_475 = arith.constant 4 : i32
        %add3A_476 = arith.addi %add3A_60, %add3A_475 : i32
        %swap3A_477 = arith.index_cast %add3A_476 : i32 to index
        %swap3A_478 = arith.constant 0 : index
        %swap3A_479 = tpu.vector_load %arg9[%swap3A_477, %swap3A_478] {strides = array<i32>} : memref<128x128xf32, #tpu.memory_space<vmem>>, vector<16xf32>,
        tpu.vector_store %arg9[%swap3A_477, %swap3A_478], %mul3A_474 {strides = array<i32>} : memref<128x128xf32, #tpu.memory_space<vmem>>, vector<16xf32>,
        %add3A_480 = arith.constant 4 : i32
        %add3A_481 = arith.addi %add3A_60, %add3A_480 : i32
        %get3A_482 = arith.index_cast %add3A_481 : i32 to index
        %get3A_483 = arith.constant 16 : index
        %get3A_484 = tpu.vector_load %arg9[%get3A_482, %get3A_483] {strides = array<i32>} : memref<128x128xf32, #tpu.memory_space<vmem>>, vector<16xf32>,
        %mul3A_485 = arith.mulf %get3A_484, %gather3A_468 : vector<16xf32>
        %add3A_486 = arith.constant 4 : i32
        %add3A_487 = arith.addi %add3A_60, %add3A_486 : i32
        %swap3A_488 = arith.index_cast %add3A_487 : i32 to index
        %swap3A_489 = arith.constant 16 : index
        %swap3A_490 = tpu.vector_load %arg9[%swap3A_488, %swap3A_489] {strides = array<i32>} : memref<128x128xf32, #tpu.memory_space<vmem>>, vector<16xf32>,
        tpu.vector_store %arg9[%swap3A_488, %swap3A_489], %mul3A_485 {strides = array<i32>} : memref<128x128xf32, #tpu.memory_space<vmem>>, vector<16xf32>,
        %add3A_491 = arith.constant 4 : i32
        %add3A_492 = arith.addi %add3A_60, %add3A_491 : i32
        %get3A_493 = arith.index_cast %add3A_492 : i32 to index
        %get3A_494 = arith.constant 32 : index
        %get3A_495 = tpu.vector_load %arg9[%get3A_493, %get3A_494] {strides = array<i32>} : memref<128x128xf32, #tpu.memory_space<vmem>>, vector<16xf32>,
        %mul3A_496 = arith.mulf %get3A_495, %gather3A_468 : vector<16xf32>
        %add3A_497 = arith.constant 4 : i32
        %add3A_498 = arith.addi %add3A_60, %add3A_497 : i32
        %swap3A_499 = arith.index_cast %add3A_498 : i32 to index
        %swap3A_500 = arith.constant 32 : index
        %swap3A_501 = tpu.vector_load %arg9[%swap3A_499, %swap3A_500] {strides = array<i32>} : memref<128x128xf32, #tpu.memory_space<vmem>>, vector<16xf32>,
        tpu.vector_store %arg9[%swap3A_499, %swap3A_500], %mul3A_496 {strides = array<i32>} : memref<128x128xf32, #tpu.memory_space<vmem>>, vector<16xf32>,
        %add3A_502 = arith.constant 4 : i32
        %add3A_503 = arith.addi %add3A_60, %add3A_502 : i32
        %get3A_504 = arith.index_cast %add3A_503 : i32 to index
        %get3A_505 = arith.constant 48 : index
        %get3A_506 = tpu.vector_load %arg9[%get3A_504, %get3A_505] {strides = array<i32>} : memref<128x128xf32, #tpu.memory_space<vmem>>, vector<16xf32>,
        %mul3A_507 = arith.mulf %get3A_506, %gather3A_468 : vector<16xf32>
        %add3A_508 = arith.constant 4 : i32
        %add3A_509 = arith.addi %add3A_60, %add3A_508 : i32
        %swap3A_510 = arith.index_cast %add3A_509 : i32 to index
        %swap3A_511 = arith.constant 48 : index
        %swap3A_512 = tpu.vector_load %arg9[%swap3A_510, %swap3A_511] {strides = array<i32>} : memref<128x128xf32, #tpu.memory_space<vmem>>, vector<16xf32>,
        tpu.vector_store %arg9[%swap3A_510, %swap3A_511], %mul3A_507 {strides = array<i32>} : memref<128x128xf32, #tpu.memory_space<vmem>>, vector<16xf32>,
        %add3A_513 = arith.constant 4 : i32
        %add3A_514 = arith.addi %add3A_60, %add3A_513 : i32
        %get3A_515 = arith.index_cast %add3A_514 : i32 to index
        %get3A_516 = arith.constant 64 : index
        %get3A_517 = tpu.vector_load %arg9[%get3A_515, %get3A_516] {strides = array<i32>} : memref<128x128xf32, #tpu.memory_space<vmem>>, vector<16xf32>,
        %mul3A_518 = arith.mulf %get3A_517, %gather3A_468 : vector<16xf32>
        %add3A_519 = arith.constant 4 : i32
        %add3A_520 = arith.addi %add3A_60, %add3A_519 : i32
        %swap3A_521 = arith.index_cast %add3A_520 : i32 to index
        %swap3A_522 = arith.constant 64 : index
        %swap3A_523 = tpu.vector_load %arg9[%swap3A_521, %swap3A_522] {strides = array<i32>} : memref<128x128xf32, #tpu.memory_space<vmem>>, vector<16xf32>,
        tpu.vector_store %arg9[%swap3A_521, %swap3A_522], %mul3A_518 {strides = array<i32>} : memref<128x128xf32, #tpu.memory_space<vmem>>, vector<16xf32>,
        %add3A_524 = arith.constant 4 : i32
        %add3A_525 = arith.addi %add3A_60, %add3A_524 : i32
        %get3A_526 = arith.index_cast %add3A_525 : i32 to index
        %get3A_527 = arith.constant 80 : index
        %get3A_528 = tpu.vector_load %arg9[%get3A_526, %get3A_527] {strides = array<i32>} : memref<128x128xf32, #tpu.memory_space<vmem>>, vector<16xf32>,
        %mul3A_529 = arith.mulf %get3A_528, %gather3A_468 : vector<16xf32>
        %add3A_530 = arith.constant 4 : i32
        %add3A_531 = arith.addi %add3A_60, %add3A_530 : i32
        %swap3A_532 = arith.index_cast %add3A_531 : i32 to index
        %swap3A_533 = arith.constant 80 : index
        %swap3A_534 = tpu.vector_load %arg9[%swap3A_532, %swap3A_533] {strides = array<i32>} : memref<128x128xf32, #tpu.memory_space<vmem>>, vector<16xf32>,
        tpu.vector_store %arg9[%swap3A_532, %swap3A_533], %mul3A_529 {strides = array<i32>} : memref<128x128xf32, #tpu.memory_space<vmem>>, vector<16xf32>,
        %add3A_535 = arith.constant 4 : i32
        %add3A_536 = arith.addi %add3A_60, %add3A_535 : i32
        %get3A_537 = arith.index_cast %add3A_536 : i32 to index
        %get3A_538 = arith.constant 96 : index
        %get3A_539 = tpu.vector_load %arg9[%get3A_537, %get3A_538] {strides = array<i32>} : memref<128x128xf32, #tpu.memory_space<vmem>>, vector<16xf32>,
        %mul3A_540 = arith.mulf %get3A_539, %gather3A_468 : vector<16xf32>
        %add3A_541 = arith.constant 4 : i32
        %add3A_542 = arith.addi %add3A_60, %add3A_541 : i32
        %swap3A_543 = arith.index_cast %add3A_542 : i32 to index
        %swap3A_544 = arith.constant 96 : index
        %swap3A_545 = tpu.vector_load %arg9[%swap3A_543, %swap3A_544] {strides = array<i32>} : memref<128x128xf32, #tpu.memory_space<vmem>>, vector<16xf32>,
        tpu.vector_store %arg9[%swap3A_543, %swap3A_544], %mul3A_540 {strides = array<i32>} : memref<128x128xf32, #tpu.memory_space<vmem>>, vector<16xf32>,
        %add3A_546 = arith.constant 4 : i32
        %add3A_547 = arith.addi %add3A_60, %add3A_546 : i32
        %get3A_548 = arith.index_cast %add3A_547 : i32 to index
        %get3A_549 = arith.constant 112 : index
        %get3A_550 = tpu.vector_load %arg9[%get3A_548, %get3A_549] {strides = array<i32>} : memref<128x128xf32, #tpu.memory_space<vmem>>, vector<16xf32>,
        %mul3A_551 = arith.mulf %get3A_550, %gather3A_468 : vector<16xf32>
        %add3A_552 = arith.constant 4 : i32
        %add3A_553 = arith.addi %add3A_60, %add3A_552 : i32
        %swap3A_554 = arith.index_cast %add3A_553 : i32 to index
        %swap3A_555 = arith.constant 112 : index
        %swap3A_556 = tpu.vector_load %arg9[%swap3A_554, %swap3A_555] {strides = array<i32>} : memref<128x128xf32, #tpu.memory_space<vmem>>, vector<16xf32>,
        tpu.vector_store %arg9[%swap3A_554, %swap3A_555], %mul3A_551 {strides = array<i32>} : memref<128x128xf32, #tpu.memory_space<vmem>>, vector<16xf32>,
        %broadcast_in_dim3A_557 = arith.constant 5 : i32
        %broadcast_in_dim3A_558 = vector.broadcast %broadcast_in_dim3A_557 : i32 to vector<16xi32>
        %lt3A_559 = arith.constant 0 : i32
        %lt3A_560 = vector.broadcast %lt3A_559 : i32 to vector<16xi32>
        %lt3A_561 = arith.cmpi slt, %broadcast_in_dim3A_558, %lt3A_560 : vector<16xi32>
        %add3A_562 = arith.constant 16 : i32
        %add3A_563 = vector.broadcast %add3A_562 : i32 to vector<16xi32>
        %add3A_564 = arith.addi %broadcast_in_dim3A_558, %add3A_563 : vector<16xi32>
        %select_n3A_565 = arith.select %lt3A_561, %add3A_564, %broadcast_in_dim3A_558 : vector<16xi1>, vector<16xi32>
        %broadcast_in_dim3A_566 = vector.shape_cast %select_n3A_565 : vector<16xi32> to vector<16x1xi32>
        %gather3A_567 = vector.shape_cast %broadcast_in_dim3A_566 : vector<16x1xi32> to vector<16xi32>
        %gather3A_568 = tpu.dynamic_gather %get3A_61[%gather3A_567] in [0] : vector<16xf32>, vector<16xi32> -> vector<16xf32>
        %add3A_569 = arith.constant 5 : i32
        %add3A_570 = arith.addi %add3A_60, %add3A_569 : i32
        %get3A_571 = arith.index_cast %add3A_570 : i32 to index
        %get3A_572 = arith.constant 0 : index
        %get3A_573 = tpu.vector_load %arg9[%get3A_571, %get3A_572] {strides = array<i32>} : memref<128x128xf32, #tpu.memory_space<vmem>>, vector<16xf32>,
        %mul3A_574 = arith.mulf %get3A_573, %gather3A_568 : vector<16xf32>
        %add3A_575 = arith.constant 5 : i32
        %add3A_576 = arith.addi %add3A_60, %add3A_575 : i32
        %swap3A_577 = arith.index_cast %add3A_576 : i32 to index
        %swap3A_578 = arith.constant 0 : index
        %swap3A_579 = tpu.vector_load %arg9[%swap3A_577, %swap3A_578] {strides = array<i32>} : memref<128x128xf32, #tpu.memory_space<vmem>>, vector<16xf32>,
        tpu.vector_store %arg9[%swap3A_577, %swap3A_578], %mul3A_574 {strides = array<i32>} : memref<128x128xf32, #tpu.memory_space<vmem>>, vector<16xf32>,
        %add3A_580 = arith.constant 5 : i32
        %add3A_581 = arith.addi %add3A_60, %add3A_580 : i32
        %get3A_582 = arith.index_cast %add3A_581 : i32 to index
        %get3A_583 = arith.constant 16 : index
        %get3A_584 = tpu.vector_load %arg9[%get3A_582, %get3A_583] {strides = array<i32>} : memref<128x128xf32, #tpu.memory_space<vmem>>, vector<16xf32>,
        %mul3A_585 = arith.mulf %get3A_584, %gather3A_568 : vector<16xf32>
        %add3A_586 = arith.constant 5 : i32
        %add3A_587 = arith.addi %add3A_60, %add3A_586 : i32
        %swap3A_588 = arith.index_cast %add3A_587 : i32 to index
        %swap3A_589 = arith.constant 16 : index
        %swap3A_590 = tpu.vector_load %arg9[%swap3A_588, %swap3A_589] {strides = array<i32>} : memref<128x128xf32, #tpu.memory_space<vmem>>, vector<16xf32>,
        tpu.vector_store %arg9[%swap3A_588, %swap3A_589], %mul3A_585 {strides = array<i32>} : memref<128x128xf32, #tpu.memory_space<vmem>>, vector<16xf32>,
        %add3A_591 = arith.constant 5 : i32
        %add3A_592 = arith.addi %add3A_60, %add3A_591 : i32
        %get3A_593 = arith.index_cast %add3A_592 : i32 to index
        %get3A_594 = arith.constant 32 : index
        %get3A_595 = tpu.vector_load %arg9[%get3A_593, %get3A_594] {strides = array<i32>} : memref<128x128xf32, #tpu.memory_space<vmem>>, vector<16xf32>,
        %mul3A_596 = arith.mulf %get3A_595, %gather3A_568 : vector<16xf32>
        %add3A_597 = arith.constant 5 : i32
        %add3A_598 = arith.addi %add3A_60, %add3A_597 : i32
        %swap3A_599 = arith.index_cast %add3A_598 : i32 to index
        %swap3A_600 = arith.constant 32 : index
        %swap3A_601 = tpu.vector_load %arg9[%swap3A_599, %swap3A_600] {strides = array<i32>} : memref<128x128xf32, #tpu.memory_space<vmem>>, vector<16xf32>,
        tpu.vector_store %arg9[%swap3A_599, %swap3A_600], %mul3A_596 {strides = array<i32>} : memref<128x128xf32, #tpu.memory_space<vmem>>, vector<16xf32>,
        %add3A_602 = arith.constant 5 : i32
        %add3A_603 = arith.addi %add3A_60, %add3A_602 : i32
        %get3A_604 = arith.index_cast %add3A_603 : i32 to index
        %get3A_605 = arith.constant 48 : index
        %get3A_606 = tpu.vector_load %arg9[%get3A_604, %get3A_605] {strides = array<i32>} : memref<128x128xf32, #tpu.memory_space<vmem>>, vector<16xf32>,
        %mul3A_607 = arith.mulf %get3A_606, %gather3A_568 : vector<16xf32>
        %add3A_608 = arith.constant 5 : i32
        %add3A_609 = arith.addi %add3A_60, %add3A_608 : i32
        %swap3A_610 = arith.index_cast %add3A_609 : i32 to index
        %swap3A_611 = arith.constant 48 : index
        %swap3A_612 = tpu.vector_load %arg9[%swap3A_610, %swap3A_611] {strides = array<i32>} : memref<128x128xf32, #tpu.memory_space<vmem>>, vector<16xf32>,
        tpu.vector_store %arg9[%swap3A_610, %swap3A_611], %mul3A_607 {strides = array<i32>} : memref<128x128xf32, #tpu.memory_space<vmem>>, vector<16xf32>,
        %add3A_613 = arith.constant 5 : i32
        %add3A_614 = arith.addi %add3A_60, %add3A_613 : i32
        %get3A_615 = arith.index_cast %add3A_614 : i32 to index
        %get3A_616 = arith.constant 64 : index
        %get3A_617 = tpu.vector_load %arg9[%get3A_615, %get3A_616] {strides = array<i32>} : memref<128x128xf32, #tpu.memory_space<vmem>>, vector<16xf32>,
        %mul3A_618 = arith.mulf %get3A_617, %gather3A_568 : vector<16xf32>
        %add3A_619 = arith.constant 5 : i32
        %add3A_620 = arith.addi %add3A_60, %add3A_619 : i32
        %swap3A_621 = arith.index_cast %add3A_620 : i32 to index
        %swap3A_622 = arith.constant 64 : index
        %swap3A_623 = tpu.vector_load %arg9[%swap3A_621, %swap3A_622] {strides = array<i32>} : memref<128x128xf32, #tpu.memory_space<vmem>>, vector<16xf32>,
        tpu.vector_store %arg9[%swap3A_621, %swap3A_622], %mul3A_618 {strides = array<i32>} : memref<128x128xf32, #tpu.memory_space<vmem>>, vector<16xf32>,
        %add3A_624 = arith.constant 5 : i32
        %add3A_625 = arith.addi %add3A_60, %add3A_624 : i32
        %get3A_626 = arith.index_cast %add3A_625 : i32 to index
        %get3A_627 = arith.constant 80 : index
        %get3A_628 = tpu.vector_load %arg9[%get3A_626, %get3A_627] {strides = array<i32>} : memref<128x128xf32, #tpu.memory_space<vmem>>, vector<16xf32>,
        %mul3A_629 = arith.mulf %get3A_628, %gather3A_568 : vector<16xf32>
        %add3A_630 = arith.constant 5 : i32
        %add3A_631 = arith.addi %add3A_60, %add3A_630 : i32
        %swap3A_632 = arith.index_cast %add3A_631 : i32 to index
        %swap3A_633 = arith.constant 80 : index
        %swap3A_634 = tpu.vector_load %arg9[%swap3A_632, %swap3A_633] {strides = array<i32>} : memref<128x128xf32, #tpu.memory_space<vmem>>, vector<16xf32>,
        tpu.vector_store %arg9[%swap3A_632, %swap3A_633], %mul3A_629 {strides = array<i32>} : memref<128x128xf32, #tpu.memory_space<vmem>>, vector<16xf32>,
        %add3A_635 = arith.constant 5 : i32
        %add3A_636 = arith.addi %add3A_60, %add3A_635 : i32
        %get3A_637 = arith.index_cast %add3A_636 : i32 to index
        %get3A_638 = arith.constant 96 : index
        %get3A_639 = tpu.vector_load %arg9[%get3A_637, %get3A_638] {strides = array<i32>} : memref<128x128xf32, #tpu.memory_space<vmem>>, vector<16xf32>,
        %mul3A_640 = arith.mulf %get3A_639, %gather3A_568 : vector<16xf32>
        %add3A_641 = arith.constant 5 : i32
        %add3A_642 = arith.addi %add3A_60, %add3A_641 : i32
        %swap3A_643 = arith.index_cast %add3A_642 : i32 to index
        %swap3A_644 = arith.constant 96 : index
        %swap3A_645 = tpu.vector_load %arg9[%swap3A_643, %swap3A_644] {strides = array<i32>} : memref<128x128xf32, #tpu.memory_space<vmem>>, vector<16xf32>,
        tpu.vector_store %arg9[%swap3A_643, %swap3A_644], %mul3A_640 {strides = array<i32>} : memref<128x128xf32, #tpu.memory_space<vmem>>, vector<16xf32>,
        %add3A_646 = arith.constant 5 : i32
        %add3A_647 = arith.addi %add3A_60, %add3A_646 : i32
        %get3A_648 = arith.index_cast %add3A_647 : i32 to index
        %get3A_649 = arith.constant 112 : index
        %get3A_650 = tpu.vector_load %arg9[%get3A_648, %get3A_649] {strides = array<i32>} : memref<128x128xf32, #tpu.memory_space<vmem>>, vector<16xf32>,
        %mul3A_651 = arith.mulf %get3A_650, %gather3A_568 : vector<16xf32>
        %add3A_652 = arith.constant 5 : i32
        %add3A_653 = arith.addi %add3A_60, %add3A_652 : i32
        %swap3A_654 = arith.index_cast %add3A_653 : i32 to index
        %swap3A_655 = arith.constant 112 : index
        %swap3A_656 = tpu.vector_load %arg9[%swap3A_654, %swap3A_655] {strides = array<i32>} : memref<128x128xf32, #tpu.memory_space<vmem>>, vector<16xf32>,
        tpu.vector_store %arg9[%swap3A_654, %swap3A_655], %mul3A_651 {strides = array<i32>} : memref<128x128xf32, #tpu.memory_space<vmem>>, vector<16xf32>,
        %broadcast_in_dim3A_657 = arith.constant 6 : i32
        %broadcast_in_dim3A_658 = vector.broadcast %broadcast_in_dim3A_657 : i32 to vector<16xi32>
        %lt3A_659 = arith.constant 0 : i32
        %lt3A_660 = vector.broadcast %lt3A_659 : i32 to vector<16xi32>
        %lt3A_661 = arith.cmpi slt, %broadcast_in_dim3A_658, %lt3A_660 : vector<16xi32>
        %add3A_662 = arith.constant 16 : i32
        %add3A_663 = vector.broadcast %add3A_662 : i32 to vector<16xi32>
        %add3A_664 = arith.addi %broadcast_in_dim3A_658, %add3A_663 : vector<16xi32>
        %select_n3A_665 = arith.select %lt3A_661, %add3A_664, %broadcast_in_dim3A_658 : vector<16xi1>, vector<16xi32>
        %broadcast_in_dim3A_666 = vector.shape_cast %select_n3A_665 : vector<16xi32> to vector<16x1xi32>
        %gather3A_667 = vector.shape_cast %broadcast_in_dim3A_666 : vector<16x1xi32> to vector<16xi32>
        %gather3A_668 = tpu.dynamic_gather %get3A_61[%gather3A_667] in [0] : vector<16xf32>, vector<16xi32> -> vector<16xf32>
        %add3A_669 = arith.constant 6 : i32
        %add3A_670 = arith.addi %add3A_60, %add3A_669 : i32
        %get3A_671 = arith.index_cast %add3A_670 : i32 to index
        %get3A_672 = arith.constant 0 : index
        %get3A_673 = tpu.vector_load %arg9[%get3A_671, %get3A_672] {strides = array<i32>} : memref<128x128xf32, #tpu.memory_space<vmem>>, vector<16xf32>,
        %mul3A_674 = arith.mulf %get3A_673, %gather3A_668 : vector<16xf32>
        %add3A_675 = arith.constant 6 : i32
        %add3A_676 = arith.addi %add3A_60, %add3A_675 : i32
        %swap3A_677 = arith.index_cast %add3A_676 : i32 to index
        %swap3A_678 = arith.constant 0 : index
        %swap3A_679 = tpu.vector_load %arg9[%swap3A_677, %swap3A_678] {strides = array<i32>} : memref<128x128xf32, #tpu.memory_space<vmem>>, vector<16xf32>,
        tpu.vector_store %arg9[%swap3A_677, %swap3A_678], %mul3A_674 {strides = array<i32>} : memref<128x128xf32, #tpu.memory_space<vmem>>, vector<16xf32>,
        %add3A_680 = arith.constant 6 : i32
        %add3A_681 = arith.addi %add3A_60, %add3A_680 : i32
        %get3A_682 = arith.index_cast %add3A_681 : i32 to index
        %get3A_683 = arith.constant 16 : index
        %get3A_684 = tpu.vector_load %arg9[%get3A_682, %get3A_683] {strides = array<i32>} : memref<128x128xf32, #tpu.memory_space<vmem>>, vector<16xf32>,
        %mul3A_685 = arith.mulf %get3A_684, %gather3A_668 : vector<16xf32>
        %add3A_686 = arith.constant 6 : i32
        %add3A_687 = arith.addi %add3A_60, %add3A_686 : i32
        %swap3A_688 = arith.index_cast %add3A_687 : i32 to index
        %swap3A_689 = arith.constant 16 : index
        %swap3A_690 = tpu.vector_load %arg9[%swap3A_688, %swap3A_689] {strides = array<i32>} : memref<128x128xf32, #tpu.memory_space<vmem>>, vector<16xf32>,
        tpu.vector_store %arg9[%swap3A_688, %swap3A_689], %mul3A_685 {strides = array<i32>} : memref<128x128xf32, #tpu.memory_space<vmem>>, vector<16xf32>,
        %add3A_691 = arith.constant 6 : i32
        %add3A_692 = arith.addi %add3A_60, %add3A_691 : i32
        %get3A_693 = arith.index_cast %add3A_692 : i32 to index
        %get3A_694 = arith.constant 32 : index
        %get3A_695 = tpu.vector_load %arg9[%get3A_693, %get3A_694] {strides = array<i32>} : memref<128x128xf32, #tpu.memory_space<vmem>>, vector<16xf32>,
        %mul3A_696 = arith.mulf %get3A_695, %gather3A_668 : vector<16xf32>
        %add3A_697 = arith.constant 6 : i32
        %add3A_698 = arith.addi %add3A_60, %add3A_697 : i32
        %swap3A_699 = arith.index_cast %add3A_698 : i32 to index
        %swap3A_700 = arith.constant 32 : index
        %swap3A_701 = tpu.vector_load %arg9[%swap3A_699, %swap3A_700] {strides = array<i32>} : memref<128x128xf32, #tpu.memory_space<vmem>>, vector<16xf32>,
        tpu.vector_store %arg9[%swap3A_699, %swap3A_700], %mul3A_696 {strides = array<i32>} : memref<128x128xf32, #tpu.memory_space<vmem>>, vector<16xf32>,
        %add3A_702 = arith.constant 6 : i32
        %add3A_703 = arith.addi %add3A_60, %add3A_702 : i32
        %get3A_704 = arith.index_cast %add3A_703 : i32 to index
        %get3A_705 = arith.constant 48 : index
        %get3A_706 = tpu.vector_load %arg9[%get3A_704, %get3A_705] {strides = array<i32>} : memref<128x128xf32, #tpu.memory_space<vmem>>, vector<16xf32>,
        %mul3A_707 = arith.mulf %get3A_706, %gather3A_668 : vector<16xf32>
        %add3A_708 = arith.constant 6 : i32
        %add3A_709 = arith.addi %add3A_60, %add3A_708 : i32
        %swap3A_710 = arith.index_cast %add3A_709 : i32 to index
        %swap3A_711 = arith.constant 48 : index
        %swap3A_712 = tpu.vector_load %arg9[%swap3A_710, %swap3A_711] {strides = array<i32>} : memref<128x128xf32, #tpu.memory_space<vmem>>, vector<16xf32>,
        tpu.vector_store %arg9[%swap3A_710, %swap3A_711], %mul3A_707 {strides = array<i32>} : memref<128x128xf32, #tpu.memory_space<vmem>>, vector<16xf32>,
        %add3A_713 = arith.constant 6 : i32
        %add3A_714 = arith.addi %add3A_60, %add3A_713 : i32
        %get3A_715 = arith.index_cast %add3A_714 : i32 to index
        %get3A_716 = arith.constant 64 : index
        %get3A_717 = tpu.vector_load %arg9[%get3A_715, %get3A_716] {strides = array<i32>} : memref<128x128xf32, #tpu.memory_space<vmem>>, vector<16xf32>,
        %mul3A_718 = arith.mulf %get3A_717, %gather3A_668 : vector<16xf32>
        %add3A_719 = arith.constant 6 : i32
        %add3A_720 = arith.addi %add3A_60, %add3A_719 : i32
        %swap3A_721 = arith.index_cast %add3A_720 : i32 to index
        %swap3A_722 = arith.constant 64 : index
        %swap3A_723 = tpu.vector_load %arg9[%swap3A_721, %swap3A_722] {strides = array<i32>} : memref<128x128xf32, #tpu.memory_space<vmem>>, vector<16xf32>,
        tpu.vector_store %arg9[%swap3A_721, %swap3A_722], %mul3A_718 {strides = array<i32>} : memref<128x128xf32, #tpu.memory_space<vmem>>, vector<16xf32>,
        %add3A_724 = arith.constant 6 : i32
        %add3A_725 = arith.addi %add3A_60, %add3A_724 : i32
        %get3A_726 = arith.index_cast %add3A_725 : i32 to index
        %get3A_727 = arith.constant 80 : index
        %get3A_728 = tpu.vector_load %arg9[%get3A_726, %get3A_727] {strides = array<i32>} : memref<128x128xf32, #tpu.memory_space<vmem>>, vector<16xf32>,
        %mul3A_729 = arith.mulf %get3A_728, %gather3A_668 : vector<16xf32>
        %add3A_730 = arith.constant 6 : i32
        %add3A_731 = arith.addi %add3A_60, %add3A_730 : i32
        %swap3A_732 = arith.index_cast %add3A_731 : i32 to index
        %swap3A_733 = arith.constant 80 : index
        %swap3A_734 = tpu.vector_load %arg9[%swap3A_732, %swap3A_733] {strides = array<i32>} : memref<128x128xf32, #tpu.memory_space<vmem>>, vector<16xf32>,
        tpu.vector_store %arg9[%swap3A_732, %swap3A_733], %mul3A_729 {strides = array<i32>} : memref<128x128xf32, #tpu.memory_space<vmem>>, vector<16xf32>,
        %add3A_735 = arith.constant 6 : i32
        %add3A_736 = arith.addi %add3A_60, %add3A_735 : i32
        %get3A_737 = arith.index_cast %add3A_736 : i32 to index
        %get3A_738 = arith.constant 96 : index
        %get3A_739 = tpu.vector_load %arg9[%get3A_737, %get3A_738] {strides = array<i32>} : memref<128x128xf32, #tpu.memory_space<vmem>>, vector<16xf32>,
        %mul3A_740 = arith.mulf %get3A_739, %gather3A_668 : vector<16xf32>
        %add3A_741 = arith.constant 6 : i32
        %add3A_742 = arith.addi %add3A_60, %add3A_741 : i32
        %swap3A_743 = arith.index_cast %add3A_742 : i32 to index
        %swap3A_744 = arith.constant 96 : index
        %swap3A_745 = tpu.vector_load %arg9[%swap3A_743, %swap3A_744] {strides = array<i32>} : memref<128x128xf32, #tpu.memory_space<vmem>>, vector<16xf32>,
        tpu.vector_store %arg9[%swap3A_743, %swap3A_744], %mul3A_740 {strides = array<i32>} : memref<128x128xf32, #tpu.memory_space<vmem>>, vector<16xf32>,
        %add3A_746 = arith.constant 6 : i32
        %add3A_747 = arith.addi %add3A_60, %add3A_746 : i32
        %get3A_748 = arith.index_cast %add3A_747 : i32 to index
        %get3A_749 = arith.constant 112 : index
        %get3A_750 = tpu.vector_load %arg9[%get3A_748, %get3A_749] {strides = array<i32>} : memref<128x128xf32, #tpu.memory_space<vmem>>, vector<16xf32>,
        %mul3A_751 = arith.mulf %get3A_750, %gather3A_668 : vector<16xf32>
        %add3A_752 = arith.constant 6 : i32
        %add3A_753 = arith.addi %add3A_60, %add3A_752 : i32
        %swap3A_754 = arith.index_cast %add3A_753 : i32 to index
        %swap3A_755 = arith.constant 112 : index
        %swap3A_756 = tpu.vector_load %arg9[%swap3A_754, %swap3A_755] {strides = array<i32>} : memref<128x128xf32, #tpu.memory_space<vmem>>, vector<16xf32>,
        tpu.vector_store %arg9[%swap3A_754, %swap3A_755], %mul3A_751 {strides = array<i32>} : memref<128x128xf32, #tpu.memory_space<vmem>>, vector<16xf32>,
        %broadcast_in_dim3A_757 = arith.constant 7 : i32
        %broadcast_in_dim3A_758 = vector.broadcast %broadcast_in_dim3A_757 : i32 to vector<16xi32>
        %lt3A_759 = arith.constant 0 : i32
        %lt3A_760 = vector.broadcast %lt3A_759 : i32 to vector<16xi32>
        %lt3A_761 = arith.cmpi slt, %broadcast_in_dim3A_758, %lt3A_760 : vector<16xi32>
        %add3A_762 = arith.constant 16 : i32
        %add3A_763 = vector.broadcast %add3A_762 : i32 to vector<16xi32>
        %add3A_764 = arith.addi %broadcast_in_dim3A_758, %add3A_763 : vector<16xi32>
        %select_n3A_765 = arith.select %lt3A_761, %add3A_764, %broadcast_in_dim3A_758 : vector<16xi1>, vector<16xi32>
        %broadcast_in_dim3A_766 = vector.shape_cast %select_n3A_765 : vector<16xi32> to vector<16x1xi32>
        %gather3A_767 = vector.shape_cast %broadcast_in_dim3A_766 : vector<16x1xi32> to vector<16xi32>
        %gather3A_768 = tpu.dynamic_gather %get3A_61[%gather3A_767] in [0] : vector<16xf32>, vector<16xi32> -> vector<16xf32>
        %add3A_769 = arith.constant 7 : i32
        %add3A_770 = arith.addi %add3A_60, %add3A_769 : i32
        %get3A_771 = arith.index_cast %add3A_770 : i32 to index
        %get3A_772 = arith.constant 0 : index
        %get3A_773 = tpu.vector_load %arg9[%get3A_771, %get3A_772] {strides = array<i32>} : memref<128x128xf32, #tpu.memory_space<vmem>>, vector<16xf32>,
        %mul3A_774 = arith.mulf %get3A_773, %gather3A_768 : vector<16xf32>
        %add3A_775 = arith.constant 7 : i32
        %add3A_776 = arith.addi %add3A_60, %add3A_775 : i32
        %swap3A_777 = arith.index_cast %add3A_776 : i32 to index
        %swap3A_778 = arith.constant 0 : index
        %swap3A_779 = tpu.vector_load %arg9[%swap3A_777, %swap3A_778] {strides = array<i32>} : memref<128x128xf32, #tpu.memory_space<vmem>>, vector<16xf32>,
        tpu.vector_store %arg9[%swap3A_777, %swap3A_778], %mul3A_774 {strides = array<i32>} : memref<128x128xf32, #tpu.memory_space<vmem>>, vector<16xf32>,
        %add3A_780 = arith.constant 7 : i32
        %add3A_781 = arith.addi %add3A_60, %add3A_780 : i32
        %get3A_782 = arith.index_cast %add3A_781 : i32 to index
        %get3A_783 = arith.constant 16 : index
        %get3A_784 = tpu.vector_load %arg9[%get3A_782, %get3A_783] {strides = array<i32>} : memref<128x128xf32, #tpu.memory_space<vmem>>, vector<16xf32>,
        %mul3A_785 = arith.mulf %get3A_784, %gather3A_768 : vector<16xf32>
        %add3A_786 = arith.constant 7 : i32
        %add3A_787 = arith.addi %add3A_60, %add3A_786 : i32
        %swap3A_788 = arith.index_cast %add3A_787 : i32 to index
        %swap3A_789 = arith.constant 16 : index
        %swap3A_790 = tpu.vector_load %arg9[%swap3A_788, %swap3A_789] {strides = array<i32>} : memref<128x128xf32, #tpu.memory_space<vmem>>, vector<16xf32>,
        tpu.vector_store %arg9[%swap3A_788, %swap3A_789], %mul3A_785 {strides = array<i32>} : memref<128x128xf32, #tpu.memory_space<vmem>>, vector<16xf32>,
        %add3A_791 = arith.constant 7 : i32
        %add3A_792 = arith.addi %add3A_60, %add3A_791 : i32
        %get3A_793 = arith.index_cast %add3A_792 : i32 to index
        %get3A_794 = arith.constant 32 : index
        %get3A_795 = tpu.vector_load %arg9[%get3A_793, %get3A_794] {strides = array<i32>} : memref<128x128xf32, #tpu.memory_space<vmem>>, vector<16xf32>,
        %mul3A_796 = arith.mulf %get3A_795, %gather3A_768 : vector<16xf32>
        %add3A_797 = arith.constant 7 : i32
        %add3A_798 = arith.addi %add3A_60, %add3A_797 : i32
        %swap3A_799 = arith.index_cast %add3A_798 : i32 to index
        %swap3A_800 = arith.constant 32 : index
        %swap3A_801 = tpu.vector_load %arg9[%swap3A_799, %swap3A_800] {strides = array<i32>} : memref<128x128xf32, #tpu.memory_space<vmem>>, vector<16xf32>,
        tpu.vector_store %arg9[%swap3A_799, %swap3A_800], %mul3A_796 {strides = array<i32>} : memref<128x128xf32, #tpu.memory_space<vmem>>, vector<16xf32>,
        %add3A_802 = arith.constant 7 : i32
        %add3A_803 = arith.addi %add3A_60, %add3A_802 : i32
        %get3A_804 = arith.index_cast %add3A_803 : i32 to index
        %get3A_805 = arith.constant 48 : index
        %get3A_806 = tpu.vector_load %arg9[%get3A_804, %get3A_805] {strides = array<i32>} : memref<128x128xf32, #tpu.memory_space<vmem>>, vector<16xf32>,
        %mul3A_807 = arith.mulf %get3A_806, %gather3A_768 : vector<16xf32>
        %add3A_808 = arith.constant 7 : i32
        %add3A_809 = arith.addi %add3A_60, %add3A_808 : i32
        %swap3A_810 = arith.index_cast %add3A_809 : i32 to index
        %swap3A_811 = arith.constant 48 : index
        %swap3A_812 = tpu.vector_load %arg9[%swap3A_810, %swap3A_811] {strides = array<i32>} : memref<128x128xf32, #tpu.memory_space<vmem>>, vector<16xf32>,
        tpu.vector_store %arg9[%swap3A_810, %swap3A_811], %mul3A_807 {strides = array<i32>} : memref<128x128xf32, #tpu.memory_space<vmem>>, vector<16xf32>,
        %add3A_813 = arith.constant 7 : i32
        %add3A_814 = arith.addi %add3A_60, %add3A_813 : i32
        %get3A_815 = arith.index_cast %add3A_814 : i32 to index
        %get3A_816 = arith.constant 64 : index
        %get3A_817 = tpu.vector_load %arg9[%get3A_815, %get3A_816] {strides = array<i32>} : memref<128x128xf32, #tpu.memory_space<vmem>>, vector<16xf32>,
        %mul3A_818 = arith.mulf %get3A_817, %gather3A_768 : vector<16xf32>
        %add3A_819 = arith.constant 7 : i32
        %add3A_820 = arith.addi %add3A_60, %add3A_819 : i32
        %swap3A_821 = arith.index_cast %add3A_820 : i32 to index
        %swap3A_822 = arith.constant 64 : index
        %swap3A_823 = tpu.vector_load %arg9[%swap3A_821, %swap3A_822] {strides = array<i32>} : memref<128x128xf32, #tpu.memory_space<vmem>>, vector<16xf32>,
        tpu.vector_store %arg9[%swap3A_821, %swap3A_822], %mul3A_818 {strides = array<i32>} : memref<128x128xf32, #tpu.memory_space<vmem>>, vector<16xf32>,
        %add3A_824 = arith.constant 7 : i32
        %add3A_825 = arith.addi %add3A_60, %add3A_824 : i32
        %get3A_826 = arith.index_cast %add3A_825 : i32 to index
        %get3A_827 = arith.constant 80 : index
        %get3A_828 = tpu.vector_load %arg9[%get3A_826, %get3A_827] {strides = array<i32>} : memref<128x128xf32, #tpu.memory_space<vmem>>, vector<16xf32>,
        %mul3A_829 = arith.mulf %get3A_828, %gather3A_768 : vector<16xf32>
        %add3A_830 = arith.constant 7 : i32
        %add3A_831 = arith.addi %add3A_60, %add3A_830 : i32
        %swap3A_832 = arith.index_cast %add3A_831 : i32 to index
        %swap3A_833 = arith.constant 80 : index
        %swap3A_834 = tpu.vector_load %arg9[%swap3A_832, %swap3A_833] {strides = array<i32>} : memref<128x128xf32, #tpu.memory_space<vmem>>, vector<16xf32>,
        tpu.vector_store %arg9[%swap3A_832, %swap3A_833], %mul3A_829 {strides = array<i32>} : memref<128x128xf32, #tpu.memory_space<vmem>>, vector<16xf32>,
        %add3A_835 = arith.constant 7 : i32
        %add3A_836 = arith.addi %add3A_60, %add3A_835 : i32
        %get3A_837 = arith.index_cast %add3A_836 : i32 to index
        %get3A_838 = arith.constant 96 : index
        %get3A_839 = tpu.vector_load %arg9[%get3A_837, %get3A_838] {strides = array<i32>} : memref<128x128xf32, #tpu.memory_space<vmem>>, vector<16xf32>,
        %mul3A_840 = arith.mulf %get3A_839, %gather3A_768 : vector<16xf32>
        %add3A_841 = arith.constant 7 : i32
        %add3A_842 = arith.addi %add3A_60, %add3A_841 : i32
        %swap3A_843 = arith.index_cast %add3A_842 : i32 to index
        %swap3A_844 = arith.constant 96 : index
        %swap3A_845 = tpu.vector_load %arg9[%swap3A_843, %swap3A_844] {strides = array<i32>} : memref<128x128xf32, #tpu.memory_space<vmem>>, vector<16xf32>,
        tpu.vector_store %arg9[%swap3A_843, %swap3A_844], %mul3A_840 {strides = array<i32>} : memref<128x128xf32, #tpu.memory_space<vmem>>, vector<16xf32>,
        %add3A_846 = arith.constant 7 : i32
        %add3A_847 = arith.addi %add3A_60, %add3A_846 : i32
        %get3A_848 = arith.index_cast %add3A_847 : i32 to index
        %get3A_849 = arith.constant 112 : index
        %get3A_850 = tpu.vector_load %arg9[%get3A_848, %get3A_849] {strides = array<i32>} : memref<128x128xf32, #tpu.memory_space<vmem>>, vector<16xf32>,
        %mul3A_851 = arith.mulf %get3A_850, %gather3A_768 : vector<16xf32>
        %add3A_852 = arith.constant 7 : i32
        %add3A_853 = arith.addi %add3A_60, %add3A_852 : i32
        %swap3A_854 = arith.index_cast %add3A_853 : i32 to index
        %swap3A_855 = arith.constant 112 : index
        %swap3A_856 = tpu.vector_load %arg9[%swap3A_854, %swap3A_855] {strides = array<i32>} : memref<128x128xf32, #tpu.memory_space<vmem>>, vector<16xf32>,
        tpu.vector_store %arg9[%swap3A_854, %swap3A_855], %mul3A_851 {strides = array<i32>} : memref<128x128xf32, #tpu.memory_space<vmem>>, vector<16xf32>,
        %broadcast_in_dim3A_857 = arith.constant 8 : i32
        %broadcast_in_dim3A_858 = vector.broadcast %broadcast_in_dim3A_857 : i32 to vector<16xi32>
        %lt3A_859 = arith.constant 0 : i32
        %lt3A_860 = vector.broadcast %lt3A_859 : i32 to vector<16xi32>
        %lt3A_861 = arith.cmpi slt, %broadcast_in_dim3A_858, %lt3A_860 : vector<16xi32>
        %add3A_862 = arith.constant 16 : i32
        %add3A_863 = vector.broadcast %add3A_862 : i32 to vector<16xi32>
        %add3A_864 = arith.addi %broadcast_in_dim3A_858, %add3A_863 : vector<16xi32>
        %select_n3A_865 = arith.select %lt3A_861, %add3A_864, %broadcast_in_dim3A_858 : vector<16xi1>, vector<16xi32>
        %broadcast_in_dim3A_866 = vector.shape_cast %select_n3A_865 : vector<16xi32> to vector<16x1xi32>
        %gather3A_867 = vector.shape_cast %broadcast_in_dim3A_866 : vector<16x1xi32> to vector<16xi32>
        %gather3A_868 = tpu.dynamic_gather %get3A_61[%gather3A_867] in [0] : vector<16xf32>, vector<16xi32> -> vector<16xf32>
        %add3A_869 = arith.constant 8 : i32
        %add3A_870 = arith.addi %add3A_60, %add3A_869 : i32
        %get3A_871 = arith.index_cast %add3A_870 : i32 to index
        %get3A_872 = arith.constant 0 : index
        %get3A_873 = tpu.vector_load %arg9[%get3A_871, %get3A_872] {strides = array<i32>} : memref<128x128xf32, #tpu.memory_space<vmem>>, vector<16xf32>,
        %mul3A_874 = arith.mulf %get3A_873, %gather3A_868 : vector<16xf32>
        %add3A_875 = arith.constant 8 : i32
        %add3A_876 = arith.addi %add3A_60, %add3A_875 : i32
        %swap3A_877 = arith.index_cast %add3A_876 : i32 to index
        %swap3A_878 = arith.constant 0 : index
        %swap3A_879 = tpu.vector_load %arg9[%swap3A_877, %swap3A_878] {strides = array<i32>} : memref<128x128xf32, #tpu.memory_space<vmem>>, vector<16xf32>,
        tpu.vector_store %arg9[%swap3A_877, %swap3A_878], %mul3A_874 {strides = array<i32>} : memref<128x128xf32, #tpu.memory_space<vmem>>, vector<16xf32>,
        %add3A_880 = arith.constant 8 : i32
        %add3A_881 = arith.addi %add3A_60, %add3A_880 : i32
        %get3A_882 = arith.index_cast %add3A_881 : i32 to index
        %get3A_883 = arith.constant 16 : index
        %get3A_884 = tpu.vector_load %arg9[%get3A_882, %get3A_883] {strides = array<i32>} : memref<128x128xf32, #tpu.memory_space<vmem>>, vector<16xf32>,
        %mul3A_885 = arith.mulf %get3A_884, %gather3A_868 : vector<16xf32>
        %add3A_886 = arith.constant 8 : i32
        %add3A_887 = arith.addi %add3A_60, %add3A_886 : i32
        %swap3A_888 = arith.index_cast %add3A_887 : i32 to index
        %swap3A_889 = arith.constant 16 : index
        %swap3A_890 = tpu.vector_load %arg9[%swap3A_888, %swap3A_889] {strides = array<i32>} : memref<128x128xf32, #tpu.memory_space<vmem>>, vector<16xf32>,
        tpu.vector_store %arg9[%swap3A_888, %swap3A_889], %mul3A_885 {strides = array<i32>} : memref<128x128xf32, #tpu.memory_space<vmem>>, vector<16xf32>,
        %add3A_891 = arith.constant 8 : i32
        %add3A_892 = arith.addi %add3A_60, %add3A_891 : i32
        %get3A_893 = arith.index_cast %add3A_892 : i32 to index
        %get3A_894 = arith.constant 32 : index
        %get3A_895 = tpu.vector_load %arg9[%get3A_893, %get3A_894] {strides = array<i32>} : memref<128x128xf32, #tpu.memory_space<vmem>>, vector<16xf32>,
        %mul3A_896 = arith.mulf %get3A_895, %gather3A_868 : vector<16xf32>
        %add3A_897 = arith.constant 8 : i32
        %add3A_898 = arith.addi %add3A_60, %add3A_897 : i32
        %swap3A_899 = arith.index_cast %add3A_898 : i32 to index
        %swap3A_900 = arith.constant 32 : index
        %swap3A_901 = tpu.vector_load %arg9[%swap3A_899, %swap3A_900] {strides = array<i32>} : memref<128x128xf32, #tpu.memory_space<vmem>>, vector<16xf32>,
        tpu.vector_store %arg9[%swap3A_899, %swap3A_900], %mul3A_896 {strides = array<i32>} : memref<128x128xf32, #tpu.memory_space<vmem>>, vector<16xf32>,
        %add3A_902 = arith.constant 8 : i32
        %add3A_903 = arith.addi %add3A_60, %add3A_902 : i32
        %get3A_904 = arith.index_cast %add3A_903 : i32 to index
        %get3A_905 = arith.constant 48 : index
        %get3A_906 = tpu.vector_load %arg9[%get3A_904, %get3A_905] {strides = array<i32>} : memref<128x128xf32, #tpu.memory_space<vmem>>, vector<16xf32>,
        %mul3A_907 = arith.mulf %get3A_906, %gather3A_868 : vector<16xf32>
        %add3A_908 = arith.constant 8 : i32
        %add3A_909 = arith.addi %add3A_60, %add3A_908 : i32
        %swap3A_910 = arith.index_cast %add3A_909 : i32 to index
        %swap3A_911 = arith.constant 48 : index
        %swap3A_912 = tpu.vector_load %arg9[%swap3A_910, %swap3A_911] {strides = array<i32>} : memref<128x128xf32, #tpu.memory_space<vmem>>, vector<16xf32>,
        tpu.vector_store %arg9[%swap3A_910, %swap3A_911], %mul3A_907 {strides = array<i32>} : memref<128x128xf32, #tpu.memory_space<vmem>>, vector<16xf32>,
        %add3A_913 = arith.constant 8 : i32
        %add3A_914 = arith.addi %add3A_60, %add3A_913 : i32
        %get3A_915 = arith.index_cast %add3A_914 : i32 to index
        %get3A_916 = arith.constant 64 : index
        %get3A_917 = tpu.vector_load %arg9[%get3A_915, %get3A_916] {strides = array<i32>} : memref<128x128xf32, #tpu.memory_space<vmem>>, vector<16xf32>,
        %mul3A_918 = arith.mulf %get3A_917, %gather3A_868 : vector<16xf32>
        %add3A_919 = arith.constant 8 : i32
        %add3A_920 = arith.addi %add3A_60, %add3A_919 : i32
        %swap3A_921 = arith.index_cast %add3A_920 : i32 to index
        %swap3A_922 = arith.constant 64 : index
        %swap3A_923 = tpu.vector_load %arg9[%swap3A_921, %swap3A_922] {strides = array<i32>} : memref<128x128xf32, #tpu.memory_space<vmem>>, vector<16xf32>,
        tpu.vector_store %arg9[%swap3A_921, %swap3A_922], %mul3A_918 {strides = array<i32>} : memref<128x128xf32, #tpu.memory_space<vmem>>, vector<16xf32>,
        %add3A_924 = arith.constant 8 : i32
        %add3A_925 = arith.addi %add3A_60, %add3A_924 : i32
        %get3A_926 = arith.index_cast %add3A_925 : i32 to index
        %get3A_927 = arith.constant 80 : index
        %get3A_928 = tpu.vector_load %arg9[%get3A_926, %get3A_927] {strides = array<i32>} : memref<128x128xf32, #tpu.memory_space<vmem>>, vector<16xf32>,
        %mul3A_929 = arith.mulf %get3A_928, %gather3A_868 : vector<16xf32>
        %add3A_930 = arith.constant 8 : i32
        %add3A_931 = arith.addi %add3A_60, %add3A_930 : i32
        %swap3A_932 = arith.index_cast %add3A_931 : i32 to index
        %swap3A_933 = arith.constant 80 : index
        %swap3A_934 = tpu.vector_load %arg9[%swap3A_932, %swap3A_933] {strides = array<i32>} : memref<128x128xf32, #tpu.memory_space<vmem>>, vector<16xf32>,
        tpu.vector_store %arg9[%swap3A_932, %swap3A_933], %mul3A_929 {strides = array<i32>} : memref<128x128xf32, #tpu.memory_space<vmem>>, vector<16xf32>,
        %add3A_935 = arith.constant 8 : i32
        %add3A_936 = arith.addi %add3A_60, %add3A_935 : i32
        %get3A_937 = arith.index_cast %add3A_936 : i32 to index
        %get3A_938 = arith.constant 96 : index
        %get3A_939 = tpu.vector_load %arg9[%get3A_937, %get3A_938] {strides = array<i32>} : memref<128x128xf32, #tpu.memory_space<vmem>>, vector<16xf32>,
        %mul3A_940 = arith.mulf %get3A_939, %gather3A_868 : vector<16xf32>
        %add3A_941 = arith.constant 8 : i32
        %add3A_942 = arith.addi %add3A_60, %add3A_941 : i32
        %swap3A_943 = arith.index_cast %add3A_942 : i32 to index
        %swap3A_944 = arith.constant 96 : index
        %swap3A_945 = tpu.vector_load %arg9[%swap3A_943, %swap3A_944] {strides = array<i32>} : memref<128x128xf32, #tpu.memory_space<vmem>>, vector<16xf32>,
        tpu.vector_store %arg9[%swap3A_943, %swap3A_944], %mul3A_940 {strides = array<i32>} : memref<128x128xf32, #tpu.memory_space<vmem>>, vector<16xf32>,
        %add3A_946 = arith.constant 8 : i32
        %add3A_947 = arith.addi %add3A_60, %add3A_946 : i32
        %get3A_948 = arith.index_cast %add3A_947 : i32 to index
        %get3A_949 = arith.constant 112 : index
        %get3A_950 = tpu.vector_load %arg9[%get3A_948, %get3A_949] {strides = array<i32>} : memref<128x128xf32, #tpu.memory_space<vmem>>, vector<16xf32>,
        %mul3A_951 = arith.mulf %get3A_950, %gather3A_868 : vector<16xf32>
        %add3A_952 = arith.constant 8 : i32
        %add3A_953 = arith.addi %add3A_60, %add3A_952 : i32
        %swap3A_954 = arith.index_cast %add3A_953 : i32 to index
        %swap3A_955 = arith.constant 112 : index
        %swap3A_956 = tpu.vector_load %arg9[%swap3A_954, %swap3A_955] {strides = array<i32>} : memref<128x128xf32, #tpu.memory_space<vmem>>, vector<16xf32>,
        tpu.vector_store %arg9[%swap3A_954, %swap3A_955], %mul3A_951 {strides = array<i32>} : memref<128x128xf32, #tpu.memory_space<vmem>>, vector<16xf32>,
        %broadcast_in_dim3A_957 = arith.constant 9 : i32
        %broadcast_in_dim3A_958 = vector.broadcast %broadcast_in_dim3A_957 : i32 to vector<16xi32>
        %lt3A_959 = arith.constant 0 : i32
        %lt3A_960 = vector.broadcast %lt3A_959 : i32 to vector<16xi32>
        %lt3A_961 = arith.cmpi slt, %broadcast_in_dim3A_958, %lt3A_960 : vector<16xi32>
        %add3A_962 = arith.constant 16 : i32
        %add3A_963 = vector.broadcast %add3A_962 : i32 to vector<16xi32>
        %add3A_964 = arith.addi %broadcast_in_dim3A_958, %add3A_963 : vector<16xi32>
        %select_n3A_965 = arith.select %lt3A_961, %add3A_964, %broadcast_in_dim3A_958 : vector<16xi1>, vector<16xi32>
        %broadcast_in_dim3A_966 = vector.shape_cast %select_n3A_965 : vector<16xi32> to vector<16x1xi32>
        %gather3A_967 = vector.shape_cast %broadcast_in_dim3A_966 : vector<16x1xi32> to vector<16xi32>
        %gather3A_968 = tpu.dynamic_gather %get3A_61[%gather3A_967] in [0] : vector<16xf32>, vector<16xi32> -> vector<16xf32>
        %add3A_969 = arith.constant 9 : i32
        %add3A_970 = arith.addi %add3A_60, %add3A_969 : i32
        %get3A_971 = arith.index_cast %add3A_970 : i32 to index
        %get3A_972 = arith.constant 0 : index
        %get3A_973 = tpu.vector_load %arg9[%get3A_971, %get3A_972] {strides = array<i32>} : memref<128x128xf32, #tpu.memory_space<vmem>>, vector<16xf32>,
        %mul3A_974 = arith.mulf %get3A_973, %gather3A_968 : vector<16xf32>
        %add3A_975 = arith.constant 9 : i32
        %add3A_976 = arith.addi %add3A_60, %add3A_975 : i32
        %swap3A_977 = arith.index_cast %add3A_976 : i32 to index
        %swap3A_978 = arith.constant 0 : index
        %swap3A_979 = tpu.vector_load %arg9[%swap3A_977, %swap3A_978] {strides = array<i32>} : memref<128x128xf32, #tpu.memory_space<vmem>>, vector<16xf32>,
        tpu.vector_store %arg9[%swap3A_977, %swap3A_978], %mul3A_974 {strides = array<i32>} : memref<128x128xf32, #tpu.memory_space<vmem>>, vector<16xf32>,
        %add3A_980 = arith.constant 9 : i32
        %add3A_981 = arith.addi %add3A_60, %add3A_980 : i32
        %get3A_982 = arith.index_cast %add3A_981 : i32 to index
        %get3A_983 = arith.constant 16 : index
        %get3A_984 = tpu.vector_load %arg9[%get3A_982, %get3A_983] {strides = array<i32>} : memref<128x128xf32, #tpu.memory_space<vmem>>, vector<16xf32>,
        %mul3A_985 = arith.mulf %get3A_984, %gather3A_968 : vector<16xf32>
        %add3A_986 = arith.constant 9 : i32
        %add3A_987 = arith.addi %add3A_60, %add3A_986 : i32
        %swap3A_988 = arith.index_cast %add3A_987 : i32 to index
        %swap3A_989 = arith.constant 16 : index
        %swap3A_990 = tpu.vector_load %arg9[%swap3A_988, %swap3A_989] {strides = array<i32>} : memref<128x128xf32, #tpu.memory_space<vmem>>, vector<16xf32>,
        tpu.vector_store %arg9[%swap3A_988, %swap3A_989], %mul3A_985 {strides = array<i32>} : memref<128x128xf32, #tpu.memory_space<vmem>>, vector<16xf32>,
        %add3A_991 = arith.constant 9 : i32
        %add3A_992 = arith.addi %add3A_60, %add3A_991 : i32
        %get3A_993 = arith.index_cast %add3A_992 : i32 to index
        %get3A_994 = arith.constant 32 : index
        %get3A_995 = tpu.vector_load %arg9[%get3A_993, %get3A_994] {strides = array<i32>} : memref<128x128xf32, #tpu.memory_space<vmem>>, vector<16xf32>,
        %mul3A_996 = arith.mulf %get3A_995, %gather3A_968 : vector<16xf32>
        %add3A_997 = arith.constant 9 : i32
        %add3A_998 = arith.addi %add3A_60, %add3A_997 : i32
        %swap3A_999 = arith.index_cast %add3A_998 : i32 to index
        %swap3A_1000 = arith.constant 32 : index
        %swap3A_1001 = tpu.vector_load %arg9[%swap3A_999, %swap3A_1000] {strides = array<i32>} : memref<128x128xf32, #tpu.memory_space<vmem>>, vector<16xf32>,
        tpu.vector_store %arg9[%swap3A_999, %swap3A_1000], %mul3A_996 {strides = array<i32>} : memref<128x128xf32, #tpu.memory_space<vmem>>, vector<16xf32>,
        %add3A_1002 = arith.constant 9 : i32
        %add3A_1003 = arith.addi %add3A_60, %add3A_1002 : i32
        %get3A_1004 = arith.index_cast %add3A_1003 : i32 to index
        %get3A_1005 = arith.constant 48 : index
        %get3A_1006 = tpu.vector_load %arg9[%get3A_1004, %get3A_1005] {strides = array<i32>} : memref<128x128xf32, #tpu.memory_space<vmem>>, vector<16xf32>,
        %mul3A_1007 = arith.mulf %get3A_1006, %gather3A_968 : vector<16xf32>
        %add3A_1008 = arith.constant 9 : i32
        %add3A_1009 = arith.addi %add3A_60, %add3A_1008 : i32
        %swap3A_1010 = arith.index_cast %add3A_1009 : i32 to index
        %swap3A_1011 = arith.constant 48 : index
        %swap3A_1012 = tpu.vector_load %arg9[%swap3A_1010, %swap3A_1011] {strides = array<i32>} : memref<128x128xf32, #tpu.memory_space<vmem>>, vector<16xf32>,
        tpu.vector_store %arg9[%swap3A_1010, %swap3A_1011], %mul3A_1007 {strides = array<i32>} : memref<128x128xf32, #tpu.memory_space<vmem>>, vector<16xf32>,
        %add3A_1013 = arith.constant 9 : i32
        %add3A_1014 = arith.addi %add3A_60, %add3A_1013 : i32
        %get3A_1015 = arith.index_cast %add3A_1014 : i32 to index
        %get3A_1016 = arith.constant 64 : index
        %get3A_1017 = tpu.vector_load %arg9[%get3A_1015, %get3A_1016] {strides = array<i32>} : memref<128x128xf32, #tpu.memory_space<vmem>>, vector<16xf32>,
        %mul3A_1018 = arith.mulf %get3A_1017, %gather3A_968 : vector<16xf32>
        %add3A_1019 = arith.constant 9 : i32
        %add3A_1020 = arith.addi %add3A_60, %add3A_1019 : i32
        %swap3A_1021 = arith.index_cast %add3A_1020 : i32 to index
        %swap3A_1022 = arith.constant 64 : index
        %swap3A_1023 = tpu.vector_load %arg9[%swap3A_1021, %swap3A_1022] {strides = array<i32>} : memref<128x128xf32, #tpu.memory_space<vmem>>, vector<16xf32>,
        tpu.vector_store %arg9[%swap3A_1021, %swap3A_1022], %mul3A_1018 {strides = array<i32>} : memref<128x128xf32, #tpu.memory_space<vmem>>, vector<16xf32>,
        %add3A_1024 = arith.constant 9 : i32
        %add3A_1025 = arith.addi %add3A_60, %add3A_1024 : i32
        %get3A_1026 = arith.index_cast %add3A_1025 : i32 to index
        %get3A_1027 = arith.constant 80 : index
        %get3A_1028 = tpu.vector_load %arg9[%get3A_1026, %get3A_1027] {strides = array<i32>} : memref<128x128xf32, #tpu.memory_space<vmem>>, vector<16xf32>,
        %mul3A_1029 = arith.mulf %get3A_1028, %gather3A_968 : vector<16xf32>
        %add3A_1030 = arith.constant 9 : i32
        %add3A_1031 = arith.addi %add3A_60, %add3A_1030 : i32
        %swap3A_1032 = arith.index_cast %add3A_1031 : i32 to index
        %swap3A_1033 = arith.constant 80 : index
        %swap3A_1034 = tpu.vector_load %arg9[%swap3A_1032, %swap3A_1033] {strides = array<i32>} : memref<128x128xf32, #tpu.memory_space<vmem>>, vector<16xf32>,
        tpu.vector_store %arg9[%swap3A_1032, %swap3A_1033], %mul3A_1029 {strides = array<i32>} : memref<128x128xf32, #tpu.memory_space<vmem>>, vector<16xf32>,
        %add3A_1035 = arith.constant 9 : i32
        %add3A_1036 = arith.addi %add3A_60, %add3A_1035 : i32
        %get3A_1037 = arith.index_cast %add3A_1036 : i32 to index
        %get3A_1038 = arith.constant 96 : index
        %get3A_1039 = tpu.vector_load %arg9[%get3A_1037, %get3A_1038] {strides = array<i32>} : memref<128x128xf32, #tpu.memory_space<vmem>>, vector<16xf32>,
        %mul3A_1040 = arith.mulf %get3A_1039, %gather3A_968 : vector<16xf32>
        %add3A_1041 = arith.constant 9 : i32
        %add3A_1042 = arith.addi %add3A_60, %add3A_1041 : i32
        %swap3A_1043 = arith.index_cast %add3A_1042 : i32 to index
        %swap3A_1044 = arith.constant 96 : index
        %swap3A_1045 = tpu.vector_load %arg9[%swap3A_1043, %swap3A_1044] {strides = array<i32>} : memref<128x128xf32, #tpu.memory_space<vmem>>, vector<16xf32>,
        tpu.vector_store %arg9[%swap3A_1043, %swap3A_1044], %mul3A_1040 {strides = array<i32>} : memref<128x128xf32, #tpu.memory_space<vmem>>, vector<16xf32>,
        %add3A_1046 = arith.constant 9 : i32
        %add3A_1047 = arith.addi %add3A_60, %add3A_1046 : i32
        %get3A_1048 = arith.index_cast %add3A_1047 : i32 to index
        %get3A_1049 = arith.constant 112 : index
        %get3A_1050 = tpu.vector_load %arg9[%get3A_1048, %get3A_1049] {strides = array<i32>} : memref<128x128xf32, #tpu.memory_space<vmem>>, vector<16xf32>,
        %mul3A_1051 = arith.mulf %get3A_1050, %gather3A_968 : vector<16xf32>
        %add3A_1052 = arith.constant 9 : i32
        %add3A_1053 = arith.addi %add3A_60, %add3A_1052 : i32
        %swap3A_1054 = arith.index_cast %add3A_1053 : i32 to index
        %swap3A_1055 = arith.constant 112 : index
        %swap3A_1056 = tpu.vector_load %arg9[%swap3A_1054, %swap3A_1055] {strides = array<i32>} : memref<128x128xf32, #tpu.memory_space<vmem>>, vector<16xf32>,
        tpu.vector_store %arg9[%swap3A_1054, %swap3A_1055], %mul3A_1051 {strides = array<i32>} : memref<128x128xf32, #tpu.memory_space<vmem>>, vector<16xf32>,
        %broadcast_in_dim3A_1057 = arith.constant 10 : i32
        %broadcast_in_dim3A_1058 = vector.broadcast %broadcast_in_dim3A_1057 : i32 to vector<16xi32>
        %lt3A_1059 = arith.constant 0 : i32
        %lt3A_1060 = vector.broadcast %lt3A_1059 : i32 to vector<16xi32>
        %lt3A_1061 = arith.cmpi slt, %broadcast_in_dim3A_1058, %lt3A_1060 : vector<16xi32>
        %add3A_1062 = arith.constant 16 : i32
        %add3A_1063 = vector.broadcast %add3A_1062 : i32 to vector<16xi32>
        %add3A_1064 = arith.addi %broadcast_in_dim3A_1058, %add3A_1063 : vector<16xi32>
        %select_n3A_1065 = arith.select %lt3A_1061, %add3A_1064, %broadcast_in_dim3A_1058 : vector<16xi1>, vector<16xi32>
        %broadcast_in_dim3A_1066 = vector.shape_cast %select_n3A_1065 : vector<16xi32> to vector<16x1xi32>
        %gather3A_1067 = vector.shape_cast %broadcast_in_dim3A_1066 : vector<16x1xi32> to vector<16xi32>
        %gather3A_1068 = tpu.dynamic_gather %get3A_61[%gather3A_1067] in [0] : vector<16xf32>, vector<16xi32> -> vector<16xf32>
        %add3A_1069 = arith.constant 10 : i32
        %add3A_1070 = arith.addi %add3A_60, %add3A_1069 : i32
        %get3A_1071 = arith.index_cast %add3A_1070 : i32 to index
        %get3A_1072 = arith.constant 0 : index
        %get3A_1073 = tpu.vector_load %arg9[%get3A_1071, %get3A_1072] {strides = array<i32>} : memref<128x128xf32, #tpu.memory_space<vmem>>, vector<16xf32>,
        %mul3A_1074 = arith.mulf %get3A_1073, %gather3A_1068 : vector<16xf32>
        %add3A_1075 = arith.constant 10 : i32
        %add3A_1076 = arith.addi %add3A_60, %add3A_1075 : i32
        %swap3A_1077 = arith.index_cast %add3A_1076 : i32 to index
        %swap3A_1078 = arith.constant 0 : index
        %swap3A_1079 = tpu.vector_load %arg9[%swap3A_1077, %swap3A_1078] {strides = array<i32>} : memref<128x128xf32, #tpu.memory_space<vmem>>, vector<16xf32>,
        tpu.vector_store %arg9[%swap3A_1077, %swap3A_1078], %mul3A_1074 {strides = array<i32>} : memref<128x128xf32, #tpu.memory_space<vmem>>, vector<16xf32>,
        %add3A_1080 = arith.constant 10 : i32
        %add3A_1081 = arith.addi %add3A_60, %add3A_1080 : i32
        %get3A_1082 = arith.index_cast %add3A_1081 : i32 to index
        %get3A_1083 = arith.constant 16 : index
        %get3A_1084 = tpu.vector_load %arg9[%get3A_1082, %get3A_1083] {strides = array<i32>} : memref<128x128xf32, #tpu.memory_space<vmem>>, vector<16xf32>,
        %mul3A_1085 = arith.mulf %get3A_1084, %gather3A_1068 : vector<16xf32>
        %add3A_1086 = arith.constant 10 : i32
        %add3A_1087 = arith.addi %add3A_60, %add3A_1086 : i32
        %swap3A_1088 = arith.index_cast %add3A_1087 : i32 to index
        %swap3A_1089 = arith.constant 16 : index
        %swap3A_1090 = tpu.vector_load %arg9[%swap3A_1088, %swap3A_1089] {strides = array<i32>} : memref<128x128xf32, #tpu.memory_space<vmem>>, vector<16xf32>,
        tpu.vector_store %arg9[%swap3A_1088, %swap3A_1089], %mul3A_1085 {strides = array<i32>} : memref<128x128xf32, #tpu.memory_space<vmem>>, vector<16xf32>,
        %add3A_1091 = arith.constant 10 : i32
        %add3A_1092 = arith.addi %add3A_60, %add3A_1091 : i32
        %get3A_1093 = arith.index_cast %add3A_1092 : i32 to index
        %get3A_1094 = arith.constant 32 : index
        %get3A_1095 = tpu.vector_load %arg9[%get3A_1093, %get3A_1094] {strides = array<i32>} : memref<128x128xf32, #tpu.memory_space<vmem>>, vector<16xf32>,
        %mul3A_1096 = arith.mulf %get3A_1095, %gather3A_1068 : vector<16xf32>
        %add3A_1097 = arith.constant 10 : i32
        %add3A_1098 = arith.addi %add3A_60, %add3A_1097 : i32
        %swap3A_1099 = arith.index_cast %add3A_1098 : i32 to index
        %swap3A_1100 = arith.constant 32 : index
        %swap3A_1101 = tpu.vector_load %arg9[%swap3A_1099, %swap3A_1100] {strides = array<i32>} : memref<128x128xf32, #tpu.memory_space<vmem>>, vector<16xf32>,
        tpu.vector_store %arg9[%swap3A_1099, %swap3A_1100], %mul3A_1096 {strides = array<i32>} : memref<128x128xf32, #tpu.memory_space<vmem>>, vector<16xf32>,
        %add3A_1102 = arith.constant 10 : i32
        %add3A_1103 = arith.addi %add3A_60, %add3A_1102 : i32
        %get3A_1104 = arith.index_cast %add3A_1103 : i32 to index
        %get3A_1105 = arith.constant 48 : index
        %get3A_1106 = tpu.vector_load %arg9[%get3A_1104, %get3A_1105] {strides = array<i32>} : memref<128x128xf32, #tpu.memory_space<vmem>>, vector<16xf32>,
        %mul3A_1107 = arith.mulf %get3A_1106, %gather3A_1068 : vector<16xf32>
        %add3A_1108 = arith.constant 10 : i32
        %add3A_1109 = arith.addi %add3A_60, %add3A_1108 : i32
        %swap3A_1110 = arith.index_cast %add3A_1109 : i32 to index
        %swap3A_1111 = arith.constant 48 : index
        %swap3A_1112 = tpu.vector_load %arg9[%swap3A_1110, %swap3A_1111] {strides = array<i32>} : memref<128x128xf32, #tpu.memory_space<vmem>>, vector<16xf32>,
        tpu.vector_store %arg9[%swap3A_1110, %swap3A_1111], %mul3A_1107 {strides = array<i32>} : memref<128x128xf32, #tpu.memory_space<vmem>>, vector<16xf32>,
        %add3A_1113 = arith.constant 10 : i32
        %add3A_1114 = arith.addi %add3A_60, %add3A_1113 : i32
        %get3A_1115 = arith.index_cast %add3A_1114 : i32 to index
        %get3A_1116 = arith.constant 64 : index
        %get3A_1117 = tpu.vector_load %arg9[%get3A_1115, %get3A_1116] {strides = array<i32>} : memref<128x128xf32, #tpu.memory_space<vmem>>, vector<16xf32>,
        %mul3A_1118 = arith.mulf %get3A_1117, %gather3A_1068 : vector<16xf32>
        %add3A_1119 = arith.constant 10 : i32
        %add3A_1120 = arith.addi %add3A_60, %add3A_1119 : i32
        %swap3A_1121 = arith.index_cast %add3A_1120 : i32 to index
        %swap3A_1122 = arith.constant 64 : index
        %swap3A_1123 = tpu.vector_load %arg9[%swap3A_1121, %swap3A_1122] {strides = array<i32>} : memref<128x128xf32, #tpu.memory_space<vmem>>, vector<16xf32>,
        tpu.vector_store %arg9[%swap3A_1121, %swap3A_1122], %mul3A_1118 {strides = array<i32>} : memref<128x128xf32, #tpu.memory_space<vmem>>, vector<16xf32>,
        %add3A_1124 = arith.constant 10 : i32
        %add3A_1125 = arith.addi %add3A_60, %add3A_1124 : i32
        %get3A_1126 = arith.index_cast %add3A_1125 : i32 to index
        %get3A_1127 = arith.constant 80 : index
        %get3A_1128 = tpu.vector_load %arg9[%get3A_1126, %get3A_1127] {strides = array<i32>} : memref<128x128xf32, #tpu.memory_space<vmem>>, vector<16xf32>,
        %mul3A_1129 = arith.mulf %get3A_1128, %gather3A_1068 : vector<16xf32>
        %add3A_1130 = arith.constant 10 : i32
        %add3A_1131 = arith.addi %add3A_60, %add3A_1130 : i32
        %swap3A_1132 = arith.index_cast %add3A_1131 : i32 to index
        %swap3A_1133 = arith.constant 80 : index
        %swap3A_1134 = tpu.vector_load %arg9[%swap3A_1132, %swap3A_1133] {strides = array<i32>} : memref<128x128xf32, #tpu.memory_space<vmem>>, vector<16xf32>,
        tpu.vector_store %arg9[%swap3A_1132, %swap3A_1133], %mul3A_1129 {strides = array<i32>} : memref<128x128xf32, #tpu.memory_space<vmem>>, vector<16xf32>,
        %add3A_1135 = arith.constant 10 : i32
        %add3A_1136 = arith.addi %add3A_60, %add3A_1135 : i32
        %get3A_1137 = arith.index_cast %add3A_1136 : i32 to index
        %get3A_1138 = arith.constant 96 : index
        %get3A_1139 = tpu.vector_load %arg9[%get3A_1137, %get3A_1138] {strides = array<i32>} : memref<128x128xf32, #tpu.memory_space<vmem>>, vector<16xf32>,
        %mul3A_1140 = arith.mulf %get3A_1139, %gather3A_1068 : vector<16xf32>
        %add3A_1141 = arith.constant 10 : i32
        %add3A_1142 = arith.addi %add3A_60, %add3A_1141 : i32
        %swap3A_1143 = arith.index_cast %add3A_1142 : i32 to index
        %swap3A_1144 = arith.constant 96 : index
        %swap3A_1145 = tpu.vector_load %arg9[%swap3A_1143, %swap3A_1144] {strides = array<i32>} : memref<128x128xf32, #tpu.memory_space<vmem>>, vector<16xf32>,
        tpu.vector_store %arg9[%swap3A_1143, %swap3A_1144], %mul3A_1140 {strides = array<i32>} : memref<128x128xf32, #tpu.memory_space<vmem>>, vector<16xf32>,
        %add3A_1146 = arith.constant 10 : i32
        %add3A_1147 = arith.addi %add3A_60, %add3A_1146 : i32
        %get3A_1148 = arith.index_cast %add3A_1147 : i32 to index
        %get3A_1149 = arith.constant 112 : index
        %get3A_1150 = tpu.vector_load %arg9[%get3A_1148, %get3A_1149] {strides = array<i32>} : memref<128x128xf32, #tpu.memory_space<vmem>>, vector<16xf32>,
        %mul3A_1151 = arith.mulf %get3A_1150, %gather3A_1068 : vector<16xf32>
        %add3A_1152 = arith.constant 10 : i32
        %add3A_1153 = arith.addi %add3A_60, %add3A_1152 : i32
        %swap3A_1154 = arith.index_cast %add3A_1153 : i32 to index
        %swap3A_1155 = arith.constant 112 : index
        %swap3A_1156 = tpu.vector_load %arg9[%swap3A_1154, %swap3A_1155] {strides = array<i32>} : memref<128x128xf32, #tpu.memory_space<vmem>>, vector<16xf32>,
        tpu.vector_store %arg9[%swap3A_1154, %swap3A_1155], %mul3A_1151 {strides = array<i32>} : memref<128x128xf32, #tpu.memory_space<vmem>>, vector<16xf32>,
        %broadcast_in_dim3A_1157 = arith.constant 11 : i32
        %broadcast_in_dim3A_1158 = vector.broadcast %broadcast_in_dim3A_1157 : i32 to vector<16xi32>
        %lt3A_1159 = arith.constant 0 : i32
        %lt3A_1160 = vector.broadcast %lt3A_1159 : i32 to vector<16xi32>
        %lt3A_1161 = arith.cmpi slt, %broadcast_in_dim3A_1158, %lt3A_1160 : vector<16xi32>
        %add3A_1162 = arith.constant 16 : i32
        %add3A_1163 = vector.broadcast %add3A_1162 : i32 to vector<16xi32>
        %add3A_1164 = arith.addi %broadcast_in_dim3A_1158, %add3A_1163 : vector<16xi32>
        %select_n3A_1165 = arith.select %lt3A_1161, %add3A_1164, %broadcast_in_dim3A_1158 : vector<16xi1>, vector<16xi32>
        %broadcast_in_dim3A_1166 = vector.shape_cast %select_n3A_1165 : vector<16xi32> to vector<16x1xi32>
        %gather3A_1167 = vector.shape_cast %broadcast_in_dim3A_1166 : vector<16x1xi32> to vector<16xi32>
        %gather3A_1168 = tpu.dynamic_gather %get3A_61[%gather3A_1167] in [0] : vector<16xf32>, vector<16xi32> -> vector<16xf32>
        %add3A_1169 = arith.constant 11 : i32
        %add3A_1170 = arith.addi %add3A_60, %add3A_1169 : i32
        %get3A_1171 = arith.index_cast %add3A_1170 : i32 to index
        %get3A_1172 = arith.constant 0 : index
        %get3A_1173 = tpu.vector_load %arg9[%get3A_1171, %get3A_1172] {strides = array<i32>} : memref<128x128xf32, #tpu.memory_space<vmem>>, vector<16xf32>,
        %mul3A_1174 = arith.mulf %get3A_1173, %gather3A_1168 : vector<16xf32>
        %add3A_1175 = arith.constant 11 : i32
        %add3A_1176 = arith.addi %add3A_60, %add3A_1175 : i32
        %swap3A_1177 = arith.index_cast %add3A_1176 : i32 to index
        %swap3A_1178 = arith.constant 0 : index
        %swap3A_1179 = tpu.vector_load %arg9[%swap3A_1177, %swap3A_1178] {strides = array<i32>} : memref<128x128xf32, #tpu.memory_space<vmem>>, vector<16xf32>,
        tpu.vector_store %arg9[%swap3A_1177, %swap3A_1178], %mul3A_1174 {strides = array<i32>} : memref<128x128xf32, #tpu.memory_space<vmem>>, vector<16xf32>,
        %add3A_1180 = arith.constant 11 : i32
        %add3A_1181 = arith.addi %add3A_60, %add3A_1180 : i32
        %get3A_1182 = arith.index_cast %add3A_1181 : i32 to index
        %get3A_1183 = arith.constant 16 : index
        %get3A_1184 = tpu.vector_load %arg9[%get3A_1182, %get3A_1183] {strides = array<i32>} : memref<128x128xf32, #tpu.memory_space<vmem>>, vector<16xf32>,
        %mul3A_1185 = arith.mulf %get3A_1184, %gather3A_1168 : vector<16xf32>
        %add3A_1186 = arith.constant 11 : i32
        %add3A_1187 = arith.addi %add3A_60, %add3A_1186 : i32
        %swap3A_1188 = arith.index_cast %add3A_1187 : i32 to index
        %swap3A_1189 = arith.constant 16 : index
        %swap3A_1190 = tpu.vector_load %arg9[%swap3A_1188, %swap3A_1189] {strides = array<i32>} : memref<128x128xf32, #tpu.memory_space<vmem>>, vector<16xf32>,
        tpu.vector_store %arg9[%swap3A_1188, %swap3A_1189], %mul3A_1185 {strides = array<i32>} : memref<128x128xf32, #tpu.memory_space<vmem>>, vector<16xf32>,
        %add3A_1191 = arith.constant 11 : i32
        %add3A_1192 = arith.addi %add3A_60, %add3A_1191 : i32
        %get3A_1193 = arith.index_cast %add3A_1192 : i32 to index
        %get3A_1194 = arith.constant 32 : index
        %get3A_1195 = tpu.vector_load %arg9[%get3A_1193, %get3A_1194] {strides = array<i32>} : memref<128x128xf32, #tpu.memory_space<vmem>>, vector<16xf32>,
        %mul3A_1196 = arith.mulf %get3A_1195, %gather3A_1168 : vector<16xf32>
        %add3A_1197 = arith.constant 11 : i32
        %add3A_1198 = arith.addi %add3A_60, %add3A_1197 : i32
        %swap3A_1199 = arith.index_cast %add3A_1198 : i32 to index
        %swap3A_1200 = arith.constant 32 : index
        %swap3A_1201 = tpu.vector_load %arg9[%swap3A_1199, %swap3A_1200] {strides = array<i32>} : memref<128x128xf32, #tpu.memory_space<vmem>>, vector<16xf32>,
        tpu.vector_store %arg9[%swap3A_1199, %swap3A_1200], %mul3A_1196 {strides = array<i32>} : memref<128x128xf32, #tpu.memory_space<vmem>>, vector<16xf32>,
        %add3A_1202 = arith.constant 11 : i32
        %add3A_1203 = arith.addi %add3A_60, %add3A_1202 : i32
        %get3A_1204 = arith.index_cast %add3A_1203 : i32 to index
        %get3A_1205 = arith.constant 48 : index
        %get3A_1206 = tpu.vector_load %arg9[%get3A_1204, %get3A_1205] {strides = array<i32>} : memref<128x128xf32, #tpu.memory_space<vmem>>, vector<16xf32>,
        %mul3A_1207 = arith.mulf %get3A_1206, %gather3A_1168 : vector<16xf32>
        %add3A_1208 = arith.constant 11 : i32
        %add3A_1209 = arith.addi %add3A_60, %add3A_1208 : i32
        %swap3A_1210 = arith.index_cast %add3A_1209 : i32 to index
        %swap3A_1211 = arith.constant 48 : index
        %swap3A_1212 = tpu.vector_load %arg9[%swap3A_1210, %swap3A_1211] {strides = array<i32>} : memref<128x128xf32, #tpu.memory_space<vmem>>, vector<16xf32>,
        tpu.vector_store %arg9[%swap3A_1210, %swap3A_1211], %mul3A_1207 {strides = array<i32>} : memref<128x128xf32, #tpu.memory_space<vmem>>, vector<16xf32>,
        %add3A_1213 = arith.constant 11 : i32
        %add3A_1214 = arith.addi %add3A_60, %add3A_1213 : i32
        %get3A_1215 = arith.index_cast %add3A_1214 : i32 to index
        %get3A_1216 = arith.constant 64 : index
        %get3A_1217 = tpu.vector_load %arg9[%get3A_1215, %get3A_1216] {strides = array<i32>} : memref<128x128xf32, #tpu.memory_space<vmem>>, vector<16xf32>,
        %mul3A_1218 = arith.mulf %get3A_1217, %gather3A_1168 : vector<16xf32>
        %add3A_1219 = arith.constant 11 : i32
        %add3A_1220 = arith.addi %add3A_60, %add3A_1219 : i32
        %swap3A_1221 = arith.index_cast %add3A_1220 : i32 to index
        %swap3A_1222 = arith.constant 64 : index
        %swap3A_1223 = tpu.vector_load %arg9[%swap3A_1221, %swap3A_1222] {strides = array<i32>} : memref<128x128xf32, #tpu.memory_space<vmem>>, vector<16xf32>,
        tpu.vector_store %arg9[%swap3A_1221, %swap3A_1222], %mul3A_1218 {strides = array<i32>} : memref<128x128xf32, #tpu.memory_space<vmem>>, vector<16xf32>,
        %add3A_1224 = arith.constant 11 : i32
        %add3A_1225 = arith.addi %add3A_60, %add3A_1224 : i32
        %get3A_1226 = arith.index_cast %add3A_1225 : i32 to index
        %get3A_1227 = arith.constant 80 : index
        %get3A_1228 = tpu.vector_load %arg9[%get3A_1226, %get3A_1227] {strides = array<i32>} : memref<128x128xf32, #tpu.memory_space<vmem>>, vector<16xf32>,
        %mul3A_1229 = arith.mulf %get3A_1228, %gather3A_1168 : vector<16xf32>
        %add3A_1230 = arith.constant 11 : i32
        %add3A_1231 = arith.addi %add3A_60, %add3A_1230 : i32
        %swap3A_1232 = arith.index_cast %add3A_1231 : i32 to index
        %swap3A_1233 = arith.constant 80 : index
        %swap3A_1234 = tpu.vector_load %arg9[%swap3A_1232, %swap3A_1233] {strides = array<i32>} : memref<128x128xf32, #tpu.memory_space<vmem>>, vector<16xf32>,
        tpu.vector_store %arg9[%swap3A_1232, %swap3A_1233], %mul3A_1229 {strides = array<i32>} : memref<128x128xf32, #tpu.memory_space<vmem>>, vector<16xf32>,
        %add3A_1235 = arith.constant 11 : i32
        %add3A_1236 = arith.addi %add3A_60, %add3A_1235 : i32
        %get3A_1237 = arith.index_cast %add3A_1236 : i32 to index
        %get3A_1238 = arith.constant 96 : index
        %get3A_1239 = tpu.vector_load %arg9[%get3A_1237, %get3A_1238] {strides = array<i32>} : memref<128x128xf32, #tpu.memory_space<vmem>>, vector<16xf32>,
        %mul3A_1240 = arith.mulf %get3A_1239, %gather3A_1168 : vector<16xf32>
        %add3A_1241 = arith.constant 11 : i32
        %add3A_1242 = arith.addi %add3A_60, %add3A_1241 : i32
        %swap3A_1243 = arith.index_cast %add3A_1242 : i32 to index
        %swap3A_1244 = arith.constant 96 : index
        %swap3A_1245 = tpu.vector_load %arg9[%swap3A_1243, %swap3A_1244] {strides = array<i32>} : memref<128x128xf32, #tpu.memory_space<vmem>>, vector<16xf32>,
        tpu.vector_store %arg9[%swap3A_1243, %swap3A_1244], %mul3A_1240 {strides = array<i32>} : memref<128x128xf32, #tpu.memory_space<vmem>>, vector<16xf32>,
        %add3A_1246 = arith.constant 11 : i32
        %add3A_1247 = arith.addi %add3A_60, %add3A_1246 : i32
        %get3A_1248 = arith.index_cast %add3A_1247 : i32 to index
        %get3A_1249 = arith.constant 112 : index
        %get3A_1250 = tpu.vector_load %arg9[%get3A_1248, %get3A_1249] {strides = array<i32>} : memref<128x128xf32, #tpu.memory_space<vmem>>, vector<16xf32>,
        %mul3A_1251 = arith.mulf %get3A_1250, %gather3A_1168 : vector<16xf32>
        %add3A_1252 = arith.constant 11 : i32
        %add3A_1253 = arith.addi %add3A_60, %add3A_1252 : i32
        %swap3A_1254 = arith.index_cast %add3A_1253 : i32 to index
        %swap3A_1255 = arith.constant 112 : index
        %swap3A_1256 = tpu.vector_load %arg9[%swap3A_1254, %swap3A_1255] {strides = array<i32>} : memref<128x128xf32, #tpu.memory_space<vmem>>, vector<16xf32>,
        tpu.vector_store %arg9[%swap3A_1254, %swap3A_1255], %mul3A_1251 {strides = array<i32>} : memref<128x128xf32, #tpu.memory_space<vmem>>, vector<16xf32>,
        %broadcast_in_dim3A_1257 = arith.constant 12 : i32
        %broadcast_in_dim3A_1258 = vector.broadcast %broadcast_in_dim3A_1257 : i32 to vector<16xi32>
        %lt3A_1259 = arith.constant 0 : i32
        %lt3A_1260 = vector.broadcast %lt3A_1259 : i32 to vector<16xi32>
        %lt3A_1261 = arith.cmpi slt, %broadcast_in_dim3A_1258, %lt3A_1260 : vector<16xi32>
        %add3A_1262 = arith.constant 16 : i32
        %add3A_1263 = vector.broadcast %add3A_1262 : i32 to vector<16xi32>
        %add3A_1264 = arith.addi %broadcast_in_dim3A_1258, %add3A_1263 : vector<16xi32>
        %select_n3A_1265 = arith.select %lt3A_1261, %add3A_1264, %broadcast_in_dim3A_1258 : vector<16xi1>, vector<16xi32>
        %broadcast_in_dim3A_1266 = vector.shape_cast %select_n3A_1265 : vector<16xi32> to vector<16x1xi32>
        %gather3A_1267 = vector.shape_cast %broadcast_in_dim3A_1266 : vector<16x1xi32> to vector<16xi32>
        %gather3A_1268 = tpu.dynamic_gather %get3A_61[%gather3A_1267] in [0] : vector<16xf32>, vector<16xi32> -> vector<16xf32>
        %add3A_1269 = arith.constant 12 : i32
        %add3A_1270 = arith.addi %add3A_60, %add3A_1269 : i32
        %get3A_1271 = arith.index_cast %add3A_1270 : i32 to index
        %get3A_1272 = arith.constant 0 : index
        %get3A_1273 = tpu.vector_load %arg9[%get3A_1271, %get3A_1272] {strides = array<i32>} : memref<128x128xf32, #tpu.memory_space<vmem>>, vector<16xf32>,
        %mul3A_1274 = arith.mulf %get3A_1273, %gather3A_1268 : vector<16xf32>
        %add3A_1275 = arith.constant 12 : i32
        %add3A_1276 = arith.addi %add3A_60, %add3A_1275 : i32
        %swap3A_1277 = arith.index_cast %add3A_1276 : i32 to index
        %swap3A_1278 = arith.constant 0 : index
        %swap3A_1279 = tpu.vector_load %arg9[%swap3A_1277, %swap3A_1278] {strides = array<i32>} : memref<128x128xf32, #tpu.memory_space<vmem>>, vector<16xf32>,
        tpu.vector_store %arg9[%swap3A_1277, %swap3A_1278], %mul3A_1274 {strides = array<i32>} : memref<128x128xf32, #tpu.memory_space<vmem>>, vector<16xf32>,
        %add3A_1280 = arith.constant 12 : i32
        %add3A_1281 = arith.addi %add3A_60, %add3A_1280 : i32
        %get3A_1282 = arith.index_cast %add3A_1281 : i32 to index
        %get3A_1283 = arith.constant 16 : index
        %get3A_1284 = tpu.vector_load %arg9[%get3A_1282, %get3A_1283] {strides = array<i32>} : memref<128x128xf32, #tpu.memory_space<vmem>>, vector<16xf32>,
        %mul3A_1285 = arith.mulf %get3A_1284, %gather3A_1268 : vector<16xf32>
        %add3A_1286 = arith.constant 12 : i32
        %add3A_1287 = arith.addi %add3A_60, %add3A_1286 : i32
        %swap3A_1288 = arith.index_cast %add3A_1287 : i32 to index
        %swap3A_1289 = arith.constant 16 : index
        %swap3A_1290 = tpu.vector_load %arg9[%swap3A_1288, %swap3A_1289] {strides = array<i32>} : memref<128x128xf32, #tpu.memory_space<vmem>>, vector<16xf32>,
        tpu.vector_store %arg9[%swap3A_1288, %swap3A_1289], %mul3A_1285 {strides = array<i32>} : memref<128x128xf32, #tpu.memory_space<vmem>>, vector<16xf32>,
        %add3A_1291 = arith.constant 12 : i32
        %add3A_1292 = arith.addi %add3A_60, %add3A_1291 : i32
        %get3A_1293 = arith.index_cast %add3A_1292 : i32 to index
        %get3A_1294 = arith.constant 32 : index
        %get3A_1295 = tpu.vector_load %arg9[%get3A_1293, %get3A_1294] {strides = array<i32>} : memref<128x128xf32, #tpu.memory_space<vmem>>, vector<16xf32>,
        %mul3A_1296 = arith.mulf %get3A_1295, %gather3A_1268 : vector<16xf32>
        %add3A_1297 = arith.constant 12 : i32
        %add3A_1298 = arith.addi %add3A_60, %add3A_1297 : i32
        %swap3A_1299 = arith.index_cast %add3A_1298 : i32 to index
        %swap3A_1300 = arith.constant 32 : index
        %swap3A_1301 = tpu.vector_load %arg9[%swap3A_1299, %swap3A_1300] {strides = array<i32>} : memref<128x128xf32, #tpu.memory_space<vmem>>, vector<16xf32>,
        tpu.vector_store %arg9[%swap3A_1299, %swap3A_1300], %mul3A_1296 {strides = array<i32>} : memref<128x128xf32, #tpu.memory_space<vmem>>, vector<16xf32>,
        %add3A_1302 = arith.constant 12 : i32
        %add3A_1303 = arith.addi %add3A_60, %add3A_1302 : i32
        %get3A_1304 = arith.index_cast %add3A_1303 : i32 to index
        %get3A_1305 = arith.constant 48 : index
        %get3A_1306 = tpu.vector_load %arg9[%get3A_1304, %get3A_1305] {strides = array<i32>} : memref<128x128xf32, #tpu.memory_space<vmem>>, vector<16xf32>,
        %mul3A_1307 = arith.mulf %get3A_1306, %gather3A_1268 : vector<16xf32>
        %add3A_1308 = arith.constant 12 : i32
        %add3A_1309 = arith.addi %add3A_60, %add3A_1308 : i32
        %swap3A_1310 = arith.index_cast %add3A_1309 : i32 to index
        %swap3A_1311 = arith.constant 48 : index
        %swap3A_1312 = tpu.vector_load %arg9[%swap3A_1310, %swap3A_1311] {strides = array<i32>} : memref<128x128xf32, #tpu.memory_space<vmem>>, vector<16xf32>,
        tpu.vector_store %arg9[%swap3A_1310, %swap3A_1311], %mul3A_1307 {strides = array<i32>} : memref<128x128xf32, #tpu.memory_space<vmem>>, vector<16xf32>,
        %add3A_1313 = arith.constant 12 : i32
        %add3A_1314 = arith.addi %add3A_60, %add3A_1313 : i32
        %get3A_1315 = arith.index_cast %add3A_1314 : i32 to index
        %get3A_1316 = arith.constant 64 : index
        %get3A_1317 = tpu.vector_load %arg9[%get3A_1315, %get3A_1316] {strides = array<i32>} : memref<128x128xf32, #tpu.memory_space<vmem>>, vector<16xf32>,
        %mul3A_1318 = arith.mulf %get3A_1317, %gather3A_1268 : vector<16xf32>
        %add3A_1319 = arith.constant 12 : i32
        %add3A_1320 = arith.addi %add3A_60, %add3A_1319 : i32
        %swap3A_1321 = arith.index_cast %add3A_1320 : i32 to index
        %swap3A_1322 = arith.constant 64 : index
        %swap3A_1323 = tpu.vector_load %arg9[%swap3A_1321, %swap3A_1322] {strides = array<i32>} : memref<128x128xf32, #tpu.memory_space<vmem>>, vector<16xf32>,
        tpu.vector_store %arg9[%swap3A_1321, %swap3A_1322], %mul3A_1318 {strides = array<i32>} : memref<128x128xf32, #tpu.memory_space<vmem>>, vector<16xf32>,
        %add3A_1324 = arith.constant 12 : i32
        %add3A_1325 = arith.addi %add3A_60, %add3A_1324 : i32
        %get3A_1326 = arith.index_cast %add3A_1325 : i32 to index
        %get3A_1327 = arith.constant 80 : index
        %get3A_1328 = tpu.vector_load %arg9[%get3A_1326, %get3A_1327] {strides = array<i32>} : memref<128x128xf32, #tpu.memory_space<vmem>>, vector<16xf32>,
        %mul3A_1329 = arith.mulf %get3A_1328, %gather3A_1268 : vector<16xf32>
        %add3A_1330 = arith.constant 12 : i32
        %add3A_1331 = arith.addi %add3A_60, %add3A_1330 : i32
        %swap3A_1332 = arith.index_cast %add3A_1331 : i32 to index
        %swap3A_1333 = arith.constant 80 : index
        %swap3A_1334 = tpu.vector_load %arg9[%swap3A_1332, %swap3A_1333] {strides = array<i32>} : memref<128x128xf32, #tpu.memory_space<vmem>>, vector<16xf32>,
        tpu.vector_store %arg9[%swap3A_1332, %swap3A_1333], %mul3A_1329 {strides = array<i32>} : memref<128x128xf32, #tpu.memory_space<vmem>>, vector<16xf32>,
        %add3A_1335 = arith.constant 12 : i32
        %add3A_1336 = arith.addi %add3A_60, %add3A_1335 : i32
        %get3A_1337 = arith.index_cast %add3A_1336 : i32 to index
        %get3A_1338 = arith.constant 96 : index
        %get3A_1339 = tpu.vector_load %arg9[%get3A_1337, %get3A_1338] {strides = array<i32>} : memref<128x128xf32, #tpu.memory_space<vmem>>, vector<16xf32>,
        %mul3A_1340 = arith.mulf %get3A_1339, %gather3A_1268 : vector<16xf32>
        %add3A_1341 = arith.constant 12 : i32
        %add3A_1342 = arith.addi %add3A_60, %add3A_1341 : i32
        %swap3A_1343 = arith.index_cast %add3A_1342 : i32 to index
        %swap3A_1344 = arith.constant 96 : index
        %swap3A_1345 = tpu.vector_load %arg9[%swap3A_1343, %swap3A_1344] {strides = array<i32>} : memref<128x128xf32, #tpu.memory_space<vmem>>, vector<16xf32>,
        tpu.vector_store %arg9[%swap3A_1343, %swap3A_1344], %mul3A_1340 {strides = array<i32>} : memref<128x128xf32, #tpu.memory_space<vmem>>, vector<16xf32>,
        %add3A_1346 = arith.constant 12 : i32
        %add3A_1347 = arith.addi %add3A_60, %add3A_1346 : i32
        %get3A_1348 = arith.index_cast %add3A_1347 : i32 to index
        %get3A_1349 = arith.constant 112 : index
        %get3A_1350 = tpu.vector_load %arg9[%get3A_1348, %get3A_1349] {strides = array<i32>} : memref<128x128xf32, #tpu.memory_space<vmem>>, vector<16xf32>,
        %mul3A_1351 = arith.mulf %get3A_1350, %gather3A_1268 : vector<16xf32>
        %add3A_1352 = arith.constant 12 : i32
        %add3A_1353 = arith.addi %add3A_60, %add3A_1352 : i32
        %swap3A_1354 = arith.index_cast %add3A_1353 : i32 to index
        %swap3A_1355 = arith.constant 112 : index
        %swap3A_1356 = tpu.vector_load %arg9[%swap3A_1354, %swap3A_1355] {strides = array<i32>} : memref<128x128xf32, #tpu.memory_space<vmem>>, vector<16xf32>,
        tpu.vector_store %arg9[%swap3A_1354, %swap3A_1355], %mul3A_1351 {strides = array<i32>} : memref<128x128xf32, #tpu.memory_space<vmem>>, vector<16xf32>,
        %broadcast_in_dim3A_1357 = arith.constant 13 : i32
        %broadcast_in_dim3A_1358 = vector.broadcast %broadcast_in_dim3A_1357 : i32 to vector<16xi32>
        %lt3A_1359 = arith.constant 0 : i32
        %lt3A_1360 = vector.broadcast %lt3A_1359 : i32 to vector<16xi32>
        %lt3A_1361 = arith.cmpi slt, %broadcast_in_dim3A_1358, %lt3A_1360 : vector<16xi32>
        %add3A_1362 = arith.constant 16 : i32
        %add3A_1363 = vector.broadcast %add3A_1362 : i32 to vector<16xi32>
        %add3A_1364 = arith.addi %broadcast_in_dim3A_1358, %add3A_1363 : vector<16xi32>
        %select_n3A_1365 = arith.select %lt3A_1361, %add3A_1364, %broadcast_in_dim3A_1358 : vector<16xi1>, vector<16xi32>
        %broadcast_in_dim3A_1366 = vector.shape_cast %select_n3A_1365 : vector<16xi32> to vector<16x1xi32>
        %gather3A_1367 = vector.shape_cast %broadcast_in_dim3A_1366 : vector<16x1xi32> to vector<16xi32>
        %gather3A_1368 = tpu.dynamic_gather %get3A_61[%gather3A_1367] in [0] : vector<16xf32>, vector<16xi32> -> vector<16xf32>
        %add3A_1369 = arith.constant 13 : i32
        %add3A_1370 = arith.addi %add3A_60, %add3A_1369 : i32
        %get3A_1371 = arith.index_cast %add3A_1370 : i32 to index
        %get3A_1372 = arith.constant 0 : index
        %get3A_1373 = tpu.vector_load %arg9[%get3A_1371, %get3A_1372] {strides = array<i32>} : memref<128x128xf32, #tpu.memory_space<vmem>>, vector<16xf32>,
        %mul3A_1374 = arith.mulf %get3A_1373, %gather3A_1368 : vector<16xf32>
        %add3A_1375 = arith.constant 13 : i32
        %add3A_1376 = arith.addi %add3A_60, %add3A_1375 : i32
        %swap3A_1377 = arith.index_cast %add3A_1376 : i32 to index
        %swap3A_1378 = arith.constant 0 : index
        %swap3A_1379 = tpu.vector_load %arg9[%swap3A_1377, %swap3A_1378] {strides = array<i32>} : memref<128x128xf32, #tpu.memory_space<vmem>>, vector<16xf32>,
        tpu.vector_store %arg9[%swap3A_1377, %swap3A_1378], %mul3A_1374 {strides = array<i32>} : memref<128x128xf32, #tpu.memory_space<vmem>>, vector<16xf32>,
        %add3A_1380 = arith.constant 13 : i32
        %add3A_1381 = arith.addi %add3A_60, %add3A_1380 : i32
        %get3A_1382 = arith.index_cast %add3A_1381 : i32 to index
        %get3A_1383 = arith.constant 16 : index
        %get3A_1384 = tpu.vector_load %arg9[%get3A_1382, %get3A_1383] {strides = array<i32>} : memref<128x128xf32, #tpu.memory_space<vmem>>, vector<16xf32>,
        %mul3A_1385 = arith.mulf %get3A_1384, %gather3A_1368 : vector<16xf32>
        %add3A_1386 = arith.constant 13 : i32
        %add3A_1387 = arith.addi %add3A_60, %add3A_1386 : i32
        %swap3A_1388 = arith.index_cast %add3A_1387 : i32 to index
        %swap3A_1389 = arith.constant 16 : index
        %swap3A_1390 = tpu.vector_load %arg9[%swap3A_1388, %swap3A_1389] {strides = array<i32>} : memref<128x128xf32, #tpu.memory_space<vmem>>, vector<16xf32>,
        tpu.vector_store %arg9[%swap3A_1388, %swap3A_1389], %mul3A_1385 {strides = array<i32>} : memref<128x128xf32, #tpu.memory_space<vmem>>, vector<16xf32>,
        %add3A_1391 = arith.constant 13 : i32
        %add3A_1392 = arith.addi %add3A_60, %add3A_1391 : i32
        %get3A_1393 = arith.index_cast %add3A_1392 : i32 to index
        %get3A_1394 = arith.constant 32 : index
        %get3A_1395 = tpu.vector_load %arg9[%get3A_1393, %get3A_1394] {strides = array<i32>} : memref<128x128xf32, #tpu.memory_space<vmem>>, vector<16xf32>,
        %mul3A_1396 = arith.mulf %get3A_1395, %gather3A_1368 : vector<16xf32>
        %add3A_1397 = arith.constant 13 : i32
        %add3A_1398 = arith.addi %add3A_60, %add3A_1397 : i32
        %swap3A_1399 = arith.index_cast %add3A_1398 : i32 to index
        %swap3A_1400 = arith.constant 32 : index
        %swap3A_1401 = tpu.vector_load %arg9[%swap3A_1399, %swap3A_1400] {strides = array<i32>} : memref<128x128xf32, #tpu.memory_space<vmem>>, vector<16xf32>,
        tpu.vector_store %arg9[%swap3A_1399, %swap3A_1400], %mul3A_1396 {strides = array<i32>} : memref<128x128xf32, #tpu.memory_space<vmem>>, vector<16xf32>,
        %add3A_1402 = arith.constant 13 : i32
        %add3A_1403 = arith.addi %add3A_60, %add3A_1402 : i32
        %get3A_1404 = arith.index_cast %add3A_1403 : i32 to index
        %get3A_1405 = arith.constant 48 : index
        %get3A_1406 = tpu.vector_load %arg9[%get3A_1404, %get3A_1405] {strides = array<i32>} : memref<128x128xf32, #tpu.memory_space<vmem>>, vector<16xf32>,
        %mul3A_1407 = arith.mulf %get3A_1406, %gather3A_1368 : vector<16xf32>
        %add3A_1408 = arith.constant 13 : i32
        %add3A_1409 = arith.addi %add3A_60, %add3A_1408 : i32
        %swap3A_1410 = arith.index_cast %add3A_1409 : i32 to index
        %swap3A_1411 = arith.constant 48 : index
        %swap3A_1412 = tpu.vector_load %arg9[%swap3A_1410, %swap3A_1411] {strides = array<i32>} : memref<128x128xf32, #tpu.memory_space<vmem>>, vector<16xf32>,
        tpu.vector_store %arg9[%swap3A_1410, %swap3A_1411], %mul3A_1407 {strides = array<i32>} : memref<128x128xf32, #tpu.memory_space<vmem>>, vector<16xf32>,
        %add3A_1413 = arith.constant 13 : i32
        %add3A_1414 = arith.addi %add3A_60, %add3A_1413 : i32
        %get3A_1415 = arith.index_cast %add3A_1414 : i32 to index
        %get3A_1416 = arith.constant 64 : index
        %get3A_1417 = tpu.vector_load %arg9[%get3A_1415, %get3A_1416] {strides = array<i32>} : memref<128x128xf32, #tpu.memory_space<vmem>>, vector<16xf32>,
        %mul3A_1418 = arith.mulf %get3A_1417, %gather3A_1368 : vector<16xf32>
        %add3A_1419 = arith.constant 13 : i32
        %add3A_1420 = arith.addi %add3A_60, %add3A_1419 : i32
        %swap3A_1421 = arith.index_cast %add3A_1420 : i32 to index
        %swap3A_1422 = arith.constant 64 : index
        %swap3A_1423 = tpu.vector_load %arg9[%swap3A_1421, %swap3A_1422] {strides = array<i32>} : memref<128x128xf32, #tpu.memory_space<vmem>>, vector<16xf32>,
        tpu.vector_store %arg9[%swap3A_1421, %swap3A_1422], %mul3A_1418 {strides = array<i32>} : memref<128x128xf32, #tpu.memory_space<vmem>>, vector<16xf32>,
        %add3A_1424 = arith.constant 13 : i32
        %add3A_1425 = arith.addi %add3A_60, %add3A_1424 : i32
        %get3A_1426 = arith.index_cast %add3A_1425 : i32 to index
        %get3A_1427 = arith.constant 80 : index
        %get3A_1428 = tpu.vector_load %arg9[%get3A_1426, %get3A_1427] {strides = array<i32>} : memref<128x128xf32, #tpu.memory_space<vmem>>, vector<16xf32>,
        %mul3A_1429 = arith.mulf %get3A_1428, %gather3A_1368 : vector<16xf32>
        %add3A_1430 = arith.constant 13 : i32
        %add3A_1431 = arith.addi %add3A_60, %add3A_1430 : i32
        %swap3A_1432 = arith.index_cast %add3A_1431 : i32 to index
        %swap3A_1433 = arith.constant 80 : index
        %swap3A_1434 = tpu.vector_load %arg9[%swap3A_1432, %swap3A_1433] {strides = array<i32>} : memref<128x128xf32, #tpu.memory_space<vmem>>, vector<16xf32>,
        tpu.vector_store %arg9[%swap3A_1432, %swap3A_1433], %mul3A_1429 {strides = array<i32>} : memref<128x128xf32, #tpu.memory_space<vmem>>, vector<16xf32>,
        %add3A_1435 = arith.constant 13 : i32
        %add3A_1436 = arith.addi %add3A_60, %add3A_1435 : i32
        %get3A_1437 = arith.index_cast %add3A_1436 : i32 to index
        %get3A_1438 = arith.constant 96 : index
        %get3A_1439 = tpu.vector_load %arg9[%get3A_1437, %get3A_1438] {strides = array<i32>} : memref<128x128xf32, #tpu.memory_space<vmem>>, vector<16xf32>,
        %mul3A_1440 = arith.mulf %get3A_1439, %gather3A_1368 : vector<16xf32>
        %add3A_1441 = arith.constant 13 : i32
        %add3A_1442 = arith.addi %add3A_60, %add3A_1441 : i32
        %swap3A_1443 = arith.index_cast %add3A_1442 : i32 to index
        %swap3A_1444 = arith.constant 96 : index
        %swap3A_1445 = tpu.vector_load %arg9[%swap3A_1443, %swap3A_1444] {strides = array<i32>} : memref<128x128xf32, #tpu.memory_space<vmem>>, vector<16xf32>,
        tpu.vector_store %arg9[%swap3A_1443, %swap3A_1444], %mul3A_1440 {strides = array<i32>} : memref<128x128xf32, #tpu.memory_space<vmem>>, vector<16xf32>,
        %add3A_1446 = arith.constant 13 : i32
        %add3A_1447 = arith.addi %add3A_60, %add3A_1446 : i32
        %get3A_1448 = arith.index_cast %add3A_1447 : i32 to index
        %get3A_1449 = arith.constant 112 : index
        %get3A_1450 = tpu.vector_load %arg9[%get3A_1448, %get3A_1449] {strides = array<i32>} : memref<128x128xf32, #tpu.memory_space<vmem>>, vector<16xf32>,
        %mul3A_1451 = arith.mulf %get3A_1450, %gather3A_1368 : vector<16xf32>
        %add3A_1452 = arith.constant 13 : i32
        %add3A_1453 = arith.addi %add3A_60, %add3A_1452 : i32
        %swap3A_1454 = arith.index_cast %add3A_1453 : i32 to index
        %swap3A_1455 = arith.constant 112 : index
        %swap3A_1456 = tpu.vector_load %arg9[%swap3A_1454, %swap3A_1455] {strides = array<i32>} : memref<128x128xf32, #tpu.memory_space<vmem>>, vector<16xf32>,
        tpu.vector_store %arg9[%swap3A_1454, %swap3A_1455], %mul3A_1451 {strides = array<i32>} : memref<128x128xf32, #tpu.memory_space<vmem>>, vector<16xf32>,
        %broadcast_in_dim3A_1457 = arith.constant 14 : i32
        %broadcast_in_dim3A_1458 = vector.broadcast %broadcast_in_dim3A_1457 : i32 to vector<16xi32>
        %lt3A_1459 = arith.constant 0 : i32
        %lt3A_1460 = vector.broadcast %lt3A_1459 : i32 to vector<16xi32>
        %lt3A_1461 = arith.cmpi slt, %broadcast_in_dim3A_1458, %lt3A_1460 : vector<16xi32>
        %add3A_1462 = arith.constant 16 : i32
        %add3A_1463 = vector.broadcast %add3A_1462 : i32 to vector<16xi32>
        %add3A_1464 = arith.addi %broadcast_in_dim3A_1458, %add3A_1463 : vector<16xi32>
        %select_n3A_1465 = arith.select %lt3A_1461, %add3A_1464, %broadcast_in_dim3A_1458 : vector<16xi1>, vector<16xi32>
        %broadcast_in_dim3A_1466 = vector.shape_cast %select_n3A_1465 : vector<16xi32> to vector<16x1xi32>
        %gather3A_1467 = vector.shape_cast %broadcast_in_dim3A_1466 : vector<16x1xi32> to vector<16xi32>
        %gather3A_1468 = tpu.dynamic_gather %get3A_61[%gather3A_1467] in [0] : vector<16xf32>, vector<16xi32> -> vector<16xf32>
        %add3A_1469 = arith.constant 14 : i32
        %add3A_1470 = arith.addi %add3A_60, %add3A_1469 : i32
        %get3A_1471 = arith.index_cast %add3A_1470 : i32 to index
        %get3A_1472 = arith.constant 0 : index
        %get3A_1473 = tpu.vector_load %arg9[%get3A_1471, %get3A_1472] {strides = array<i32>} : memref<128x128xf32, #tpu.memory_space<vmem>>, vector<16xf32>,
        %mul3A_1474 = arith.mulf %get3A_1473, %gather3A_1468 : vector<16xf32>
        %add3A_1475 = arith.constant 14 : i32
        %add3A_1476 = arith.addi %add3A_60, %add3A_1475 : i32
        %swap3A_1477 = arith.index_cast %add3A_1476 : i32 to index
        %swap3A_1478 = arith.constant 0 : index
        %swap3A_1479 = tpu.vector_load %arg9[%swap3A_1477, %swap3A_1478] {strides = array<i32>} : memref<128x128xf32, #tpu.memory_space<vmem>>, vector<16xf32>,
        tpu.vector_store %arg9[%swap3A_1477, %swap3A_1478], %mul3A_1474 {strides = array<i32>} : memref<128x128xf32, #tpu.memory_space<vmem>>, vector<16xf32>,
        %add3A_1480 = arith.constant 14 : i32
        %add3A_1481 = arith.addi %add3A_60, %add3A_1480 : i32
        %get3A_1482 = arith.index_cast %add3A_1481 : i32 to index
        %get3A_1483 = arith.constant 16 : index
        %get3A_1484 = tpu.vector_load %arg9[%get3A_1482, %get3A_1483] {strides = array<i32>} : memref<128x128xf32, #tpu.memory_space<vmem>>, vector<16xf32>,
        %mul3A_1485 = arith.mulf %get3A_1484, %gather3A_1468 : vector<16xf32>
        %add3A_1486 = arith.constant 14 : i32
        %add3A_1487 = arith.addi %add3A_60, %add3A_1486 : i32
        %swap3A_1488 = arith.index_cast %add3A_1487 : i32 to index
        %swap3A_1489 = arith.constant 16 : index
        %swap3A_1490 = tpu.vector_load %arg9[%swap3A_1488, %swap3A_1489] {strides = array<i32>} : memref<128x128xf32, #tpu.memory_space<vmem>>, vector<16xf32>,
        tpu.vector_store %arg9[%swap3A_1488, %swap3A_1489], %mul3A_1485 {strides = array<i32>} : memref<128x128xf32, #tpu.memory_space<vmem>>, vector<16xf32>,
        %add3A_1491 = arith.constant 14 : i32
        %add3A_1492 = arith.addi %add3A_60, %add3A_1491 : i32
        %get3A_1493 = arith.index_cast %add3A_1492 : i32 to index
        %get3A_1494 = arith.constant 32 : index
        %get3A_1495 = tpu.vector_load %arg9[%get3A_1493, %get3A_1494] {strides = array<i32>} : memref<128x128xf32, #tpu.memory_space<vmem>>, vector<16xf32>,
        %mul3A_1496 = arith.mulf %get3A_1495, %gather3A_1468 : vector<16xf32>
        %add3A_1497 = arith.constant 14 : i32
        %add3A_1498 = arith.addi %add3A_60, %add3A_1497 : i32
        %swap3A_1499 = arith.index_cast %add3A_1498 : i32 to index
        %swap3A_1500 = arith.constant 32 : index
        %swap3A_1501 = tpu.vector_load %arg9[%swap3A_1499, %swap3A_1500] {strides = array<i32>} : memref<128x128xf32, #tpu.memory_space<vmem>>, vector<16xf32>,
        tpu.vector_store %arg9[%swap3A_1499, %swap3A_1500], %mul3A_1496 {strides = array<i32>} : memref<128x128xf32, #tpu.memory_space<vmem>>, vector<16xf32>,
        %add3A_1502 = arith.constant 14 : i32
        %add3A_1503 = arith.addi %add3A_60, %add3A_1502 : i32
        %get3A_1504 = arith.index_cast %add3A_1503 : i32 to index
        %get3A_1505 = arith.constant 48 : index
        %get3A_1506 = tpu.vector_load %arg9[%get3A_1504, %get3A_1505] {strides = array<i32>} : memref<128x128xf32, #tpu.memory_space<vmem>>, vector<16xf32>,
        %mul3A_1507 = arith.mulf %get3A_1506, %gather3A_1468 : vector<16xf32>
        %add3A_1508 = arith.constant 14 : i32
        %add3A_1509 = arith.addi %add3A_60, %add3A_1508 : i32
        %swap3A_1510 = arith.index_cast %add3A_1509 : i32 to index
        %swap3A_1511 = arith.constant 48 : index
        %swap3A_1512 = tpu.vector_load %arg9[%swap3A_1510, %swap3A_1511] {strides = array<i32>} : memref<128x128xf32, #tpu.memory_space<vmem>>, vector<16xf32>,
        tpu.vector_store %arg9[%swap3A_1510, %swap3A_1511], %mul3A_1507 {strides = array<i32>} : memref<128x128xf32, #tpu.memory_space<vmem>>, vector<16xf32>,
        %add3A_1513 = arith.constant 14 : i32
        %add3A_1514 = arith.addi %add3A_60, %add3A_1513 : i32
        %get3A_1515 = arith.index_cast %add3A_1514 : i32 to index
        %get3A_1516 = arith.constant 64 : index
        %get3A_1517 = tpu.vector_load %arg9[%get3A_1515, %get3A_1516] {strides = array<i32>} : memref<128x128xf32, #tpu.memory_space<vmem>>, vector<16xf32>,
        %mul3A_1518 = arith.mulf %get3A_1517, %gather3A_1468 : vector<16xf32>
        %add3A_1519 = arith.constant 14 : i32
        %add3A_1520 = arith.addi %add3A_60, %add3A_1519 : i32
        %swap3A_1521 = arith.index_cast %add3A_1520 : i32 to index
        %swap3A_1522 = arith.constant 64 : index
        %swap3A_1523 = tpu.vector_load %arg9[%swap3A_1521, %swap3A_1522] {strides = array<i32>} : memref<128x128xf32, #tpu.memory_space<vmem>>, vector<16xf32>,
        tpu.vector_store %arg9[%swap3A_1521, %swap3A_1522], %mul3A_1518 {strides = array<i32>} : memref<128x128xf32, #tpu.memory_space<vmem>>, vector<16xf32>,
        %add3A_1524 = arith.constant 14 : i32
        %add3A_1525 = arith.addi %add3A_60, %add3A_1524 : i32
        %get3A_1526 = arith.index_cast %add3A_1525 : i32 to index
        %get3A_1527 = arith.constant 80 : index
        %get3A_1528 = tpu.vector_load %arg9[%get3A_1526, %get3A_1527] {strides = array<i32>} : memref<128x128xf32, #tpu.memory_space<vmem>>, vector<16xf32>,
        %mul3A_1529 = arith.mulf %get3A_1528, %gather3A_1468 : vector<16xf32>
        %add3A_1530 = arith.constant 14 : i32
        %add3A_1531 = arith.addi %add3A_60, %add3A_1530 : i32
        %swap3A_1532 = arith.index_cast %add3A_1531 : i32 to index
        %swap3A_1533 = arith.constant 80 : index
        %swap3A_1534 = tpu.vector_load %arg9[%swap3A_1532, %swap3A_1533] {strides = array<i32>} : memref<128x128xf32, #tpu.memory_space<vmem>>, vector<16xf32>,
        tpu.vector_store %arg9[%swap3A_1532, %swap3A_1533], %mul3A_1529 {strides = array<i32>} : memref<128x128xf32, #tpu.memory_space<vmem>>, vector<16xf32>,
        %add3A_1535 = arith.constant 14 : i32
        %add3A_1536 = arith.addi %add3A_60, %add3A_1535 : i32
        %get3A_1537 = arith.index_cast %add3A_1536 : i32 to index
        %get3A_1538 = arith.constant 96 : index
        %get3A_1539 = tpu.vector_load %arg9[%get3A_1537, %get3A_1538] {strides = array<i32>} : memref<128x128xf32, #tpu.memory_space<vmem>>, vector<16xf32>,
        %mul3A_1540 = arith.mulf %get3A_1539, %gather3A_1468 : vector<16xf32>
        %add3A_1541 = arith.constant 14 : i32
        %add3A_1542 = arith.addi %add3A_60, %add3A_1541 : i32
        %swap3A_1543 = arith.index_cast %add3A_1542 : i32 to index
        %swap3A_1544 = arith.constant 96 : index
        %swap3A_1545 = tpu.vector_load %arg9[%swap3A_1543, %swap3A_1544] {strides = array<i32>} : memref<128x128xf32, #tpu.memory_space<vmem>>, vector<16xf32>,
        tpu.vector_store %arg9[%swap3A_1543, %swap3A_1544], %mul3A_1540 {strides = array<i32>} : memref<128x128xf32, #tpu.memory_space<vmem>>, vector<16xf32>,
        %add3A_1546 = arith.constant 14 : i32
        %add3A_1547 = arith.addi %add3A_60, %add3A_1546 : i32
        %get3A_1548 = arith.index_cast %add3A_1547 : i32 to index
        %get3A_1549 = arith.constant 112 : index
        %get3A_1550 = tpu.vector_load %arg9[%get3A_1548, %get3A_1549] {strides = array<i32>} : memref<128x128xf32, #tpu.memory_space<vmem>>, vector<16xf32>,
        %mul3A_1551 = arith.mulf %get3A_1550, %gather3A_1468 : vector<16xf32>
        %add3A_1552 = arith.constant 14 : i32
        %add3A_1553 = arith.addi %add3A_60, %add3A_1552 : i32
        %swap3A_1554 = arith.index_cast %add3A_1553 : i32 to index
        %swap3A_1555 = arith.constant 112 : index
        %swap3A_1556 = tpu.vector_load %arg9[%swap3A_1554, %swap3A_1555] {strides = array<i32>} : memref<128x128xf32, #tpu.memory_space<vmem>>, vector<16xf32>,
        tpu.vector_store %arg9[%swap3A_1554, %swap3A_1555], %mul3A_1551 {strides = array<i32>} : memref<128x128xf32, #tpu.memory_space<vmem>>, vector<16xf32>,
        %broadcast_in_dim3A_1557 = arith.constant 15 : i32
        %broadcast_in_dim3A_1558 = vector.broadcast %broadcast_in_dim3A_1557 : i32 to vector<16xi32>
        %lt3A_1559 = arith.constant 0 : i32
        %lt3A_1560 = vector.broadcast %lt3A_1559 : i32 to vector<16xi32>
        %lt3A_1561 = arith.cmpi slt, %broadcast_in_dim3A_1558, %lt3A_1560 : vector<16xi32>
        %add3A_1562 = arith.constant 16 : i32
        %add3A_1563 = vector.broadcast %add3A_1562 : i32 to vector<16xi32>
        %add3A_1564 = arith.addi %broadcast_in_dim3A_1558, %add3A_1563 : vector<16xi32>
        %select_n3A_1565 = arith.select %lt3A_1561, %add3A_1564, %broadcast_in_dim3A_1558 : vector<16xi1>, vector<16xi32>
        %broadcast_in_dim3A_1566 = vector.shape_cast %select_n3A_1565 : vector<16xi32> to vector<16x1xi32>
        %gather3A_1567 = vector.shape_cast %broadcast_in_dim3A_1566 : vector<16x1xi32> to vector<16xi32>
        %gather3A_1568 = tpu.dynamic_gather %get3A_61[%gather3A_1567] in [0] : vector<16xf32>, vector<16xi32> -> vector<16xf32>
        %add3A_1569 = arith.constant 15 : i32
        %add3A_1570 = arith.addi %add3A_60, %add3A_1569 : i32
        %get3A_1571 = arith.index_cast %add3A_1570 : i32 to index
        %get3A_1572 = arith.constant 0 : index
        %get3A_1573 = tpu.vector_load %arg9[%get3A_1571, %get3A_1572] {strides = array<i32>} : memref<128x128xf32, #tpu.memory_space<vmem>>, vector<16xf32>,
        %mul3A_1574 = arith.mulf %get3A_1573, %gather3A_1568 : vector<16xf32>
        %add3A_1575 = arith.constant 15 : i32
        %add3A_1576 = arith.addi %add3A_60, %add3A_1575 : i32
        %swap3A_1577 = arith.index_cast %add3A_1576 : i32 to index
        %swap3A_1578 = arith.constant 0 : index
        %swap3A_1579 = tpu.vector_load %arg9[%swap3A_1577, %swap3A_1578] {strides = array<i32>} : memref<128x128xf32, #tpu.memory_space<vmem>>, vector<16xf32>,
        tpu.vector_store %arg9[%swap3A_1577, %swap3A_1578], %mul3A_1574 {strides = array<i32>} : memref<128x128xf32, #tpu.memory_space<vmem>>, vector<16xf32>,
        %add3A_1580 = arith.constant 15 : i32
        %add3A_1581 = arith.addi %add3A_60, %add3A_1580 : i32
        %get3A_1582 = arith.index_cast %add3A_1581 : i32 to index
        %get3A_1583 = arith.constant 16 : index
        %get3A_1584 = tpu.vector_load %arg9[%get3A_1582, %get3A_1583] {strides = array<i32>} : memref<128x128xf32, #tpu.memory_space<vmem>>, vector<16xf32>,
        %mul3A_1585 = arith.mulf %get3A_1584, %gather3A_1568 : vector<16xf32>
        %add3A_1586 = arith.constant 15 : i32
        %add3A_1587 = arith.addi %add3A_60, %add3A_1586 : i32
        %swap3A_1588 = arith.index_cast %add3A_1587 : i32 to index
        %swap3A_1589 = arith.constant 16 : index
        %swap3A_1590 = tpu.vector_load %arg9[%swap3A_1588, %swap3A_1589] {strides = array<i32>} : memref<128x128xf32, #tpu.memory_space<vmem>>, vector<16xf32>,
        tpu.vector_store %arg9[%swap3A_1588, %swap3A_1589], %mul3A_1585 {strides = array<i32>} : memref<128x128xf32, #tpu.memory_space<vmem>>, vector<16xf32>,
        %add3A_1591 = arith.constant 15 : i32
        %add3A_1592 = arith.addi %add3A_60, %add3A_1591 : i32
        %get3A_1593 = arith.index_cast %add3A_1592 : i32 to index
        %get3A_1594 = arith.constant 32 : index
        %get3A_1595 = tpu.vector_load %arg9[%get3A_1593, %get3A_1594] {strides = array<i32>} : memref<128x128xf32, #tpu.memory_space<vmem>>, vector<16xf32>,
        %mul3A_1596 = arith.mulf %get3A_1595, %gather3A_1568 : vector<16xf32>
        %add3A_1597 = arith.constant 15 : i32
        %add3A_1598 = arith.addi %add3A_60, %add3A_1597 : i32
        %swap3A_1599 = arith.index_cast %add3A_1598 : i32 to index
        %swap3A_1600 = arith.constant 32 : index
        %swap3A_1601 = tpu.vector_load %arg9[%swap3A_1599, %swap3A_1600] {strides = array<i32>} : memref<128x128xf32, #tpu.memory_space<vmem>>, vector<16xf32>,
        tpu.vector_store %arg9[%swap3A_1599, %swap3A_1600], %mul3A_1596 {strides = array<i32>} : memref<128x128xf32, #tpu.memory_space<vmem>>, vector<16xf32>,
        %add3A_1602 = arith.constant 15 : i32
        %add3A_1603 = arith.addi %add3A_60, %add3A_1602 : i32
        %get3A_1604 = arith.index_cast %add3A_1603 : i32 to index
        %get3A_1605 = arith.constant 48 : index
        %get3A_1606 = tpu.vector_load %arg9[%get3A_1604, %get3A_1605] {strides = array<i32>} : memref<128x128xf32, #tpu.memory_space<vmem>>, vector<16xf32>,
        %mul3A_1607 = arith.mulf %get3A_1606, %gather3A_1568 : vector<16xf32>
        %add3A_1608 = arith.constant 15 : i32
        %add3A_1609 = arith.addi %add3A_60, %add3A_1608 : i32
        %swap3A_1610 = arith.index_cast %add3A_1609 : i32 to index
        %swap3A_1611 = arith.constant 48 : index
        %swap3A_1612 = tpu.vector_load %arg9[%swap3A_1610, %swap3A_1611] {strides = array<i32>} : memref<128x128xf32, #tpu.memory_space<vmem>>, vector<16xf32>,
        tpu.vector_store %arg9[%swap3A_1610, %swap3A_1611], %mul3A_1607 {strides = array<i32>} : memref<128x128xf32, #tpu.memory_space<vmem>>, vector<16xf32>,
        %add3A_1613 = arith.constant 15 : i32
        %add3A_1614 = arith.addi %add3A_60, %add3A_1613 : i32
        %get3A_1615 = arith.index_cast %add3A_1614 : i32 to index
        %get3A_1616 = arith.constant 64 : index
        %get3A_1617 = tpu.vector_load %arg9[%get3A_1615, %get3A_1616] {strides = array<i32>} : memref<128x128xf32, #tpu.memory_space<vmem>>, vector<16xf32>,
        %mul3A_1618 = arith.mulf %get3A_1617, %gather3A_1568 : vector<16xf32>
        %add3A_1619 = arith.constant 15 : i32
        %add3A_1620 = arith.addi %add3A_60, %add3A_1619 : i32
        %swap3A_1621 = arith.index_cast %add3A_1620 : i32 to index
        %swap3A_1622 = arith.constant 64 : index
        %swap3A_1623 = tpu.vector_load %arg9[%swap3A_1621, %swap3A_1622] {strides = array<i32>} : memref<128x128xf32, #tpu.memory_space<vmem>>, vector<16xf32>,
        tpu.vector_store %arg9[%swap3A_1621, %swap3A_1622], %mul3A_1618 {strides = array<i32>} : memref<128x128xf32, #tpu.memory_space<vmem>>, vector<16xf32>,
        %add3A_1624 = arith.constant 15 : i32
        %add3A_1625 = arith.addi %add3A_60, %add3A_1624 : i32
        %get3A_1626 = arith.index_cast %add3A_1625 : i32 to index
        %get3A_1627 = arith.constant 80 : index
        %get3A_1628 = tpu.vector_load %arg9[%get3A_1626, %get3A_1627] {strides = array<i32>} : memref<128x128xf32, #tpu.memory_space<vmem>>, vector<16xf32>,
        %mul3A_1629 = arith.mulf %get3A_1628, %gather3A_1568 : vector<16xf32>
        %add3A_1630 = arith.constant 15 : i32
        %add3A_1631 = arith.addi %add3A_60, %add3A_1630 : i32
        %swap3A_1632 = arith.index_cast %add3A_1631 : i32 to index
        %swap3A_1633 = arith.constant 80 : index
        %swap3A_1634 = tpu.vector_load %arg9[%swap3A_1632, %swap3A_1633] {strides = array<i32>} : memref<128x128xf32, #tpu.memory_space<vmem>>, vector<16xf32>,
        tpu.vector_store %arg9[%swap3A_1632, %swap3A_1633], %mul3A_1629 {strides = array<i32>} : memref<128x128xf32, #tpu.memory_space<vmem>>, vector<16xf32>,
        %add3A_1635 = arith.constant 15 : i32
        %add3A_1636 = arith.addi %add3A_60, %add3A_1635 : i32
        %get3A_1637 = arith.index_cast %add3A_1636 : i32 to index
        %get3A_1638 = arith.constant 96 : index
        %get3A_1639 = tpu.vector_load %arg9[%get3A_1637, %get3A_1638] {strides = array<i32>} : memref<128x128xf32, #tpu.memory_space<vmem>>, vector<16xf32>,
        %mul3A_1640 = arith.mulf %get3A_1639, %gather3A_1568 : vector<16xf32>
        %add3A_1641 = arith.constant 15 : i32
        %add3A_1642 = arith.addi %add3A_60, %add3A_1641 : i32
        %swap3A_1643 = arith.index_cast %add3A_1642 : i32 to index
        %swap3A_1644 = arith.constant 96 : index
        %swap3A_1645 = tpu.vector_load %arg9[%swap3A_1643, %swap3A_1644] {strides = array<i32>} : memref<128x128xf32, #tpu.memory_space<vmem>>, vector<16xf32>,
        tpu.vector_store %arg9[%swap3A_1643, %swap3A_1644], %mul3A_1640 {strides = array<i32>} : memref<128x128xf32, #tpu.memory_space<vmem>>, vector<16xf32>,
        %add3A_1646 = arith.constant 15 : i32
        %add3A_1647 = arith.addi %add3A_60, %add3A_1646 : i32
        %get3A_1648 = arith.index_cast %add3A_1647 : i32 to index
        %get3A_1649 = arith.constant 112 : index
        %get3A_1650 = tpu.vector_load %arg9[%get3A_1648, %get3A_1649] {strides = array<i32>} : memref<128x128xf32, #tpu.memory_space<vmem>>, vector<16xf32>,
        %mul3A_1651 = arith.mulf %get3A_1650, %gather3A_1568 : vector<16xf32>
        %add3A_1652 = arith.constant 15 : i32
        %add3A_1653 = arith.addi %add3A_60, %add3A_1652 : i32
        %swap3A_1654 = arith.index_cast %add3A_1653 : i32 to index
        %swap3A_1655 = arith.constant 112 : index
        %swap3A_1656 = tpu.vector_load %arg9[%swap3A_1654, %swap3A_1655] {strides = array<i32>} : memref<128x128xf32, #tpu.memory_space<vmem>>, vector<16xf32>,
        tpu.vector_store %arg9[%swap3A_1654, %swap3A_1655], %mul3A_1651 {strides = array<i32>} : memref<128x128xf32, #tpu.memory_space<vmem>>, vector<16xf32>,
      }
      %scan3A_55 = arith.constant 8 : i32
      "tpu.region"() ({
        %run_scoped3A_56 = tpu.sem_alloc : memref<!tpu.dma_semaphore, #tpu.memory_space<semaphore_mem>>
        %dma_start3A_57 = arith.constant 0 : i32
        %dma_start3A_58 = tpu.memref_slice %arg7[%add3A_40, %dma_start3A_57] : memref<79x128xi32, #tpu.memory_space<vmem>> -> memref<1x128xi32, #tpu.memory_space<vmem>>
        %dma_start3A_59 = tpu.memref_squeeze %dma_start3A_58 : memref<1x128xi32, #tpu.memory_space<vmem>> -> memref<128xi32, #tpu.memory_space<vmem>>
        %dma_start3A_60 = arith.constant 0 : i32
        %dma_start3A_61 = arith.constant 0 : i32
        %dma_start3A_62 = tpu.memref_slice %arg10[%dma_start3A_60, %dma_start3A_61] : memref<10240x128xf32, #tpu.memory_space<vmem_shared>> -> memref<10240x128xf32, #tpu.memory_space<vmem_shared>>
        tpu.enqueue_indirect_dma source(%arg9 : memref<128x128xf32, #tpu.memory_space<vmem>>) target(%dma_start3A_62 : memref<10240x128xf32, #tpu.memory_space<vmem_shared>>) offsets(%dma_start3A_59 : memref<128xi32, #tpu.memory_space<vmem>>) semaphore(%run_scoped3A_56 : memref<!tpu.dma_semaphore, #tpu.memory_space<semaphore_mem>>) {add = true}
        %dma_wait3A_63 = arith.constant 0 : i32
        %dma_wait3A_64 = tpu.memref_slice %arg7[%add3A_40, %dma_wait3A_63] : memref<79x128xi32, #tpu.memory_space<vmem>> -> memref<1x128xi32, #tpu.memory_space<vmem>>
        %dma_wait3A_65 = tpu.memref_squeeze %dma_wait3A_64 : memref<1x128xi32, #tpu.memory_space<vmem>> -> memref<128xi32, #tpu.memory_space<vmem>>
        %dma_wait3A_66 = arith.constant 0 : i32
        %dma_wait3A_67 = arith.constant 0 : i32
        %dma_wait3A_68 = tpu.memref_slice %arg10[%dma_wait3A_66, %dma_wait3A_67] : memref<10240x128xf32, #tpu.memory_space<vmem_shared>> -> memref<10240x128xf32, #tpu.memory_space<vmem_shared>>
        tpu.wait_indirect_dma semaphore(%run_scoped3A_56 : memref<!tpu.dma_semaphore, #tpu.memory_space<semaphore_mem>>) src(%arg9 : memref<128x128xf32, #tpu.memory_space<vmem>>) dst(%dma_wait3A_68 : memref<10240x128xf32, #tpu.memory_space<vmem_shared>>)
        tpu.yield
      }) : () -> ()
    }
    %scan3A_30 = arith.constant 79 : i32
    %barrier3A_31 = arith.constant 0 : index
    tpu.barrier barrier_id(%barrier3A_31)
    %mul3A_32 = arith.constant 640 : i32
    %mul3A_33 = arith.muli %arg1, %mul3A_32 : i32
    %mul3A_34 = arith.constant 640 : i32
    %mul3A_35 = arith.muli %arg1, %mul3A_34 : i32
    "tpu.region"() ({
      %run_scoped3A_36 = tpu.sem_alloc : memref<!tpu.dma_semaphore, #tpu.memory_space<semaphore_mem>>
      %dma_start3A = arith.constant 0 : i32
      %dma_start3A_37 = tpu.memref_slice %arg5[%arg0, %mul3A_35, %dma_start3A] : memref<2x10240x128xf32, #tpu.memory_space<hbm>> -> memref<1x640x128xf32, #tpu.memory_space<hbm>>
      %dma_start3A_38 = tpu.memref_squeeze %dma_start3A_37 : memref<1x640x128xf32, #tpu.memory_space<hbm>> -> memref<640x128xf32, #tpu.memory_space<hbm>>
      %dma_start3A_39 = arith.constant 0 : i32
      %dma_start3A_40 = tpu.memref_slice %arg10[%mul3A_33, %dma_start3A_39] : memref<10240x128xf32, #tpu.memory_space<vmem_shared>> -> memref<640x128xf32, #tpu.memory_space<vmem_shared>>
      tpu.enqueue_dma source(%dma_start3A_40 : memref<640x128xf32, #tpu.memory_space<vmem_shared>>) target(%dma_start3A_38 : memref<640x128xf32, #tpu.memory_space<hbm>>) target_semaphore(%run_scoped3A_36 : memref<!tpu.dma_semaphore, #tpu.memory_space<semaphore_mem>>)
      %dma_wait3A = arith.constant 0 : i32
      %dma_wait3A_41 = tpu.memref_slice %arg5[%arg0, %mul3A_35, %dma_wait3A] : memref<2x10240x128xf32, #tpu.memory_space<hbm>> -> memref<1x640x128xf32, #tpu.memory_space<hbm>>
      %dma_wait3A_42 = tpu.memref_squeeze %dma_wait3A_41 : memref<1x640x128xf32, #tpu.memory_space<hbm>> -> memref<640x128xf32, #tpu.memory_space<hbm>>
      %dma_wait3A_43 = arith.constant 0 : i32
      %dma_wait3A_44 = tpu.memref_slice %arg10[%mul3A_33, %dma_wait3A_43] : memref<10240x128xf32, #tpu.memory_space<vmem_shared>> -> memref<640x128xf32, #tpu.memory_space<vmem_shared>>
      tpu.wait_dma2 semaphore(%run_scoped3A_36 : memref<!tpu.dma_semaphore, #tpu.memory_space<semaphore_mem>>) src(%dma_wait3A_44 : memref<640x128xf32, #tpu.memory_space<vmem_shared>>) dst(%dma_wait3A_42 : memref<640x128xf32, #tpu.memory_space<hbm>>)
      tpu.yield
    }) : () -> ()
    return
  }
}

module attributes {stable_mosaic.version = 14 : i64} {
  func.func @_tc1_body(%arg0: memref<32x10000xf32, #tpu.memory_space<vmem>>, %arg1: memref<10000x128xf32, #tpu.memory_space<vmem>>, %arg2: memref<128x128xf32, #tpu.memory_space<vmem>>, %arg3: memref<10000x128xf32, #tpu.memory_space<vmem>>, %arg4: memref<10000x1xf32, #tpu.memory_space<vmem>>) attributes {dimension_semantics = [], scalar_prefetch = 0 : i64, scratch_operands = 0 : i64, tpu.core_type = #tpu.core_type<tc>} {
    %get3A = arith.constant 0 : index
    %get3A_0 = arith.constant 0 : index
    %get3A_1 = vector.load %arg0[%get3A, %get3A_0] : memref<32x10000xf32, #tpu.memory_space<vmem>>, vector<32x10000xf32>
    %reduce_sum3A = arith.constant dense<0.000000e+00> : vector<10000xf32>
    %reduce_sum3A_2 = vector.multi_reduction <add>, %get3A_1, %reduce_sum3A [0] : vector<32x10000xf32> to vector<10000xf32>
    %add3A = arith.constant 1.000000e+00 : f32
    %add3A_3 = vector.broadcast %add3A : f32 to vector<10000xf32>
    %add3A_4 = arith.addf %reduce_sum3A_2, %add3A_3 : vector<10000xf32>
    %gt3A = arith.constant 0.000000e+00 : f32
    %gt3A_5 = vector.broadcast %gt3A : f32 to vector<10000xf32>
    %gt3A_6 = arith.cmpf ogt, %add3A_4, %gt3A_5 : vector<10000xf32>
    %rsqrt3A = math.rsqrt %add3A_4 : vector<10000xf32>
    %jit3A = arith.constant 0.000000e+00 : f32
    %broadcast_in_dim3A = vector.broadcast %jit3A : f32 to vector<10000xf32>
    %select_n3A = arith.select %gt3A_6, %rsqrt3A, %broadcast_in_dim3A : vector<10000xi1>, vector<10000xf32>
    %broadcast_in_dim3A_7 = vector.shape_cast %select_n3A : vector<10000xf32> to vector<10000x1xf32>
    %get3A_8 = arith.constant 0 : index
    %get3A_9 = arith.constant 0 : index
    %get3A_10 = vector.load %arg1[%get3A_8, %get3A_9] : memref<10000x128xf32, #tpu.memory_space<vmem>>, vector<10000x128xf32>
    %get3A_11 = arith.constant 0 : index
    %get3A_12 = arith.constant 0 : index
    %get3A_13 = vector.load %arg2[%get3A_11, %get3A_12] : memref<128x128xf32, #tpu.memory_space<vmem>>, vector<128x128xf32>
    %dot_general3A = arith.constant dense<0.000000e+00> : vector<10000x128xf32>
    %dot_general3A_14 = tpu.matmul %get3A_10, %get3A_13, %dot_general3A {dimension_numbers = #tpu.dot_dimension_numbers<[1], [0], [0], [1], [0, 0, 1, 1], [], []>, transpose_lhs_hint = false} : vector<10000x128xf32>, vector<128x128xf32>, vector<10000x128xf32> -> vector<10000x128xf32>
    %mul3A = vector.broadcast %broadcast_in_dim3A_7 : vector<10000x1xf32> to vector<10000x128xf32>
    %mul3A_15 = arith.mulf %dot_general3A_14, %mul3A : vector<10000x128xf32>
    %swap3A = arith.constant 0 : index
    %swap3A_16 = arith.constant 0 : index
    %swap3A_17 = vector.load %arg3[%swap3A, %swap3A_16] : memref<10000x128xf32, #tpu.memory_space<vmem>>, vector<10000x128xf32>
    tpu.vector_store %arg3[%swap3A, %swap3A_16], %mul3A_15 {strides = array<i32>} : memref<10000x128xf32, #tpu.memory_space<vmem>>, vector<10000x128xf32>,
    %swap3A_18 = arith.constant 0 : index
    %swap3A_19 = arith.constant 0 : index
    %swap3A_20 = vector.load %arg4[%swap3A_18, %swap3A_19] : memref<10000x1xf32, #tpu.memory_space<vmem>>, vector<10000x1xf32>
    tpu.vector_store %arg4[%swap3A_18, %swap3A_19], %broadcast_in_dim3A_7 {strides = array<i32>} : memref<10000x1xf32, #tpu.memory_space<vmem>>, vector<10000x1xf32>,
    return
  }
}

module attributes {stable_mosaic.version = 14 : i64} {
  func.func @_tc2_body(%arg0: memref<2x10240x128xf32, #tpu.memory_space<vmem>>, %arg1: memref<10000x128xf32, #tpu.memory_space<vmem>>, %arg2: memref<10000x1xf32, #tpu.memory_space<vmem>>, %arg3: memref<1x128xf32, #tpu.memory_space<vmem>>, %arg4: memref<128x128xf32, #tpu.memory_space<vmem>>, %arg5: memref<10000x128xf32, #tpu.memory_space<vmem>>) attributes {dimension_semantics = [], scalar_prefetch = 0 : i64, scratch_operands = 0 : i64, tpu.core_type = #tpu.core_type<tc>} {
    %get3A = arith.constant 0 : index
    %get3A_0 = arith.constant 0 : index
    %get3A_1 = vector.load %arg2[%get3A, %get3A_0] : memref<10000x1xf32, #tpu.memory_space<vmem>>, vector<10000x1xf32>
    %get3A_2 = arith.constant 0 : index
    %get3A_3 = arith.constant 0 : index
    %get3A_4 = arith.constant 0 : index
    %get3A_5 = vector.load %arg0[%get3A_2, %get3A_3, %get3A_4] : memref<2x10240x128xf32, #tpu.memory_space<vmem>>, vector<1x10000x128xf32>
    %get3A_6 = vector.shape_cast %get3A_5 : vector<1x10000x128xf32> to vector<10000x128xf32>
    %get3A_7 = arith.constant 1 : index
    %get3A_8 = arith.constant 0 : index
    %get3A_9 = arith.constant 0 : index
    %get3A_10 = vector.load %arg0[%get3A_7, %get3A_8, %get3A_9] : memref<2x10240x128xf32, #tpu.memory_space<vmem>>, vector<1x10000x128xf32>
    %get3A_11 = vector.shape_cast %get3A_10 : vector<1x10000x128xf32> to vector<10000x128xf32>
    %add3A = arith.addf %get3A_6, %get3A_11 : vector<10000x128xf32>
    %get3A_12 = arith.constant 0 : index
    %get3A_13 = arith.constant 0 : index
    %get3A_14 = vector.load %arg1[%get3A_12, %get3A_13] : memref<10000x128xf32, #tpu.memory_space<vmem>>, vector<10000x128xf32>
    %add3A_15 = arith.addf %add3A, %get3A_14 : vector<10000x128xf32>
    %mul3A = vector.broadcast %get3A_1 : vector<10000x1xf32> to vector<10000x128xf32>
    %mul3A_16 = arith.mulf %add3A_15, %mul3A : vector<10000x128xf32>
    %get3A_17 = arith.constant 0 : index
    %get3A_18 = arith.constant 0 : index
    %get3A_19 = vector.load %arg3[%get3A_17, %get3A_18] : memref<1x128xf32, #tpu.memory_space<vmem>>, vector<1x128xf32>
    %add3A_20 = vector.broadcast %get3A_19 : vector<1x128xf32> to vector<10000x128xf32>
    %add3A_21 = arith.addf %mul3A_16, %add3A_20 : vector<10000x128xf32>
    %max3A = arith.constant 0.000000e+00 : f32
    %max3A_22 = vector.broadcast %max3A : f32 to vector<10000x128xf32>
    %max3A_23 = arith.maximumf %add3A_21, %max3A_22 : vector<10000x128xf32>
    %get3A_24 = arith.constant 0 : index
    %get3A_25 = arith.constant 0 : index
    %get3A_26 = vector.load %arg4[%get3A_24, %get3A_25] : memref<128x128xf32, #tpu.memory_space<vmem>>, vector<128x128xf32>
    %dot_general3A = arith.constant dense<0.000000e+00> : vector<10000x128xf32>
    %dot_general3A_27 = tpu.matmul %max3A_23, %get3A_26, %dot_general3A {dimension_numbers = #tpu.dot_dimension_numbers<[1], [0], [0], [1], [0, 0, 1, 1], [], []>, transpose_lhs_hint = false} : vector<10000x128xf32>, vector<128x128xf32>, vector<10000x128xf32> -> vector<10000x128xf32>
    %mul3A_28 = vector.broadcast %get3A_1 : vector<10000x1xf32> to vector<10000x128xf32>
    %mul3A_29 = arith.mulf %dot_general3A_27, %mul3A_28 : vector<10000x128xf32>
    %swap3A = arith.constant 0 : index
    %swap3A_30 = arith.constant 0 : index
    %swap3A_31 = vector.load %arg5[%swap3A, %swap3A_30] : memref<10000x128xf32, #tpu.memory_space<vmem>>, vector<10000x128xf32>
    tpu.vector_store %arg5[%swap3A, %swap3A_30], %mul3A_29 {strides = array<i32>} : memref<10000x128xf32, #tpu.memory_space<vmem>>, vector<10000x128xf32>,
    return
  }
}

module attributes {stable_mosaic.version = 14 : i64} {
  func.func @_tc3_body(%arg0: memref<2x10240x128xf32, #tpu.memory_space<vmem>>, %arg1: memref<10000x128xf32, #tpu.memory_space<vmem>>, %arg2: memref<10000x1xf32, #tpu.memory_space<vmem>>, %arg3: memref<1x128xf32, #tpu.memory_space<vmem>>, %arg4: memref<1x128xf32, #tpu.memory_space<vmem>>, %arg5: memref<1x128xf32, #tpu.memory_space<vmem>>, %arg6: memref<1x128xf32, #tpu.memory_space<vmem>>, %arg7: memref<1x128xf32, #tpu.memory_space<vmem>>, %arg8: memref<10000x128xf32, #tpu.memory_space<vmem>>) attributes {dimension_semantics = [], scalar_prefetch = 0 : i64, scratch_operands = 0 : i64, tpu.core_type = #tpu.core_type<tc>} {
    %get3A = arith.constant 0 : index
    %get3A_0 = arith.constant 0 : index
    %get3A_1 = vector.load %arg2[%get3A, %get3A_0] : memref<10000x1xf32, #tpu.memory_space<vmem>>, vector<10000x1xf32>
    %get3A_2 = arith.constant 0 : index
    %get3A_3 = arith.constant 0 : index
    %get3A_4 = arith.constant 0 : index
    %get3A_5 = vector.load %arg0[%get3A_2, %get3A_3, %get3A_4] : memref<2x10240x128xf32, #tpu.memory_space<vmem>>, vector<1x10000x128xf32>
    %get3A_6 = vector.shape_cast %get3A_5 : vector<1x10000x128xf32> to vector<10000x128xf32>
    %get3A_7 = arith.constant 1 : index
    %get3A_8 = arith.constant 0 : index
    %get3A_9 = arith.constant 0 : index
    %get3A_10 = vector.load %arg0[%get3A_7, %get3A_8, %get3A_9] : memref<2x10240x128xf32, #tpu.memory_space<vmem>>, vector<1x10000x128xf32>
    %get3A_11 = vector.shape_cast %get3A_10 : vector<1x10000x128xf32> to vector<10000x128xf32>
    %add3A = arith.addf %get3A_6, %get3A_11 : vector<10000x128xf32>
    %get3A_12 = arith.constant 0 : index
    %get3A_13 = arith.constant 0 : index
    %get3A_14 = vector.load %arg1[%get3A_12, %get3A_13] : memref<10000x128xf32, #tpu.memory_space<vmem>>, vector<10000x128xf32>
    %add3A_15 = arith.addf %add3A, %get3A_14 : vector<10000x128xf32>
    %mul3A = vector.broadcast %get3A_1 : vector<10000x1xf32> to vector<10000x128xf32>
    %mul3A_16 = arith.mulf %add3A_15, %mul3A : vector<10000x128xf32>
    %get3A_17 = arith.constant 0 : index
    %get3A_18 = arith.constant 0 : index
    %get3A_19 = vector.load %arg3[%get3A_17, %get3A_18] : memref<1x128xf32, #tpu.memory_space<vmem>>, vector<1x128xf32>
    %add3A_20 = vector.broadcast %get3A_19 : vector<1x128xf32> to vector<10000x128xf32>
    %add3A_21 = arith.addf %mul3A_16, %add3A_20 : vector<10000x128xf32>
    %max3A = arith.constant 0.000000e+00 : f32
    %max3A_22 = vector.broadcast %max3A : f32 to vector<10000x128xf32>
    %max3A_23 = arith.maximumf %add3A_21, %max3A_22 : vector<10000x128xf32>
    %reduce_sum3A = arith.constant dense<0.000000e+00> : vector<128xf32>
    %reduce_sum3A_24 = vector.multi_reduction <add>, %max3A_23, %reduce_sum3A [0] : vector<10000x128xf32> to vector<128xf32>
    %broadcast_in_dim3A = vector.shape_cast %reduce_sum3A_24 : vector<128xf32> to vector<1x128xf32>
    %div3A = arith.constant 1.000000e+04 : f32
    %div3A_25 = vector.broadcast %div3A : f32 to vector<1x128xf32>
    %div3A_26 = arith.divf %broadcast_in_dim3A, %div3A_25 : vector<1x128xf32>
    %sub3A = vector.broadcast %div3A_26 : vector<1x128xf32> to vector<10000x128xf32>
    %sub3A_27 = arith.subf %max3A_23, %sub3A : vector<10000x128xf32>
    %integer_pow3A = arith.mulf %sub3A_27, %sub3A_27 : vector<10000x128xf32>
    %reduce_sum3A_28 = arith.constant dense<0.000000e+00> : vector<128xf32>
    %reduce_sum3A_29 = vector.multi_reduction <add>, %integer_pow3A, %reduce_sum3A_28 [0] : vector<10000x128xf32> to vector<128xf32>
    %broadcast_in_dim3A_30 = vector.shape_cast %reduce_sum3A_29 : vector<128xf32> to vector<1x128xf32>
    %div3A_31 = arith.constant 1.000000e+04 : f32
    %div3A_32 = vector.broadcast %div3A_31 : f32 to vector<1x128xf32>
    %div3A_33 = arith.divf %broadcast_in_dim3A_30, %div3A_32 : vector<1x128xf32>
    %sub3A_34 = vector.broadcast %div3A_26 : vector<1x128xf32> to vector<10000x128xf32>
    %sub3A_35 = arith.subf %max3A_23, %sub3A_34 : vector<10000x128xf32>
    %add3A_36 = arith.constant 9.99999974E-6 : f32
    %add3A_37 = vector.broadcast %add3A_36 : f32 to vector<1x128xf32>
    %add3A_38 = arith.addf %div3A_33, %add3A_37 : vector<1x128xf32>
    %sqrt3A = math.sqrt %add3A_38 : vector<1x128xf32>
    %div3A_39 = vector.broadcast %sqrt3A : vector<1x128xf32> to vector<10000x128xf32>
    %div3A_40 = arith.divf %sub3A_35, %div3A_39 : vector<10000x128xf32>
    %get3A_41 = arith.constant 0 : index
    %get3A_42 = arith.constant 0 : index
    %get3A_43 = vector.load %arg4[%get3A_41, %get3A_42] : memref<1x128xf32, #tpu.memory_space<vmem>>, vector<1x128xf32>
    %mul3A_44 = vector.broadcast %get3A_43 : vector<1x128xf32> to vector<10000x128xf32>
    %mul3A_45 = arith.mulf %div3A_40, %mul3A_44 : vector<10000x128xf32>
    %get3A_46 = arith.constant 0 : index
    %get3A_47 = arith.constant 0 : index
    %get3A_48 = vector.load %arg5[%get3A_46, %get3A_47] : memref<1x128xf32, #tpu.memory_space<vmem>>, vector<1x128xf32>
    %add3A_49 = vector.broadcast %get3A_48 : vector<1x128xf32> to vector<10000x128xf32>
    %add3A_50 = arith.addf %mul3A_45, %add3A_49 : vector<10000x128xf32>
    %reduce_sum3A_51 = arith.constant dense<0.000000e+00> : vector<10000xf32>
    %reduce_sum3A_52 = vector.multi_reduction <add>, %add3A_50, %reduce_sum3A_51 [1] : vector<10000x128xf32> to vector<10000xf32>
    %broadcast_in_dim3A_53 = vector.shape_cast %reduce_sum3A_52 : vector<10000xf32> to vector<10000x1xf32>
    %div3A_54 = arith.constant 1.280000e+02 : f32
    %div3A_55 = vector.broadcast %div3A_54 : f32 to vector<10000x1xf32>
    %div3A_56 = arith.divf %broadcast_in_dim3A_53, %div3A_55 : vector<10000x1xf32>
    %sub3A_57 = vector.broadcast %div3A_56 : vector<10000x1xf32> to vector<10000x128xf32>
    %sub3A_58 = arith.subf %add3A_50, %sub3A_57 : vector<10000x128xf32>
    %integer_pow3A_59 = arith.mulf %sub3A_58, %sub3A_58 : vector<10000x128xf32>
    %reduce_sum3A_60 = arith.constant dense<0.000000e+00> : vector<10000xf32>
    %reduce_sum3A_61 = vector.multi_reduction <add>, %integer_pow3A_59, %reduce_sum3A_60 [1] : vector<10000x128xf32> to vector<10000xf32>
    %broadcast_in_dim3A_62 = vector.shape_cast %reduce_sum3A_61 : vector<10000xf32> to vector<10000x1xf32>
    %div3A_63 = arith.constant 1.280000e+02 : f32
    %div3A_64 = vector.broadcast %div3A_63 : f32 to vector<10000x1xf32>
    %div3A_65 = arith.divf %broadcast_in_dim3A_62, %div3A_64 : vector<10000x1xf32>
    %sub3A_66 = vector.broadcast %div3A_56 : vector<10000x1xf32> to vector<10000x128xf32>
    %sub3A_67 = arith.subf %add3A_50, %sub3A_66 : vector<10000x128xf32>
    %add3A_68 = arith.constant 9.99999974E-6 : f32
    %add3A_69 = vector.broadcast %add3A_68 : f32 to vector<10000x1xf32>
    %add3A_70 = arith.addf %div3A_65, %add3A_69 : vector<10000x1xf32>
    %sqrt3A_71 = math.sqrt %add3A_70 : vector<10000x1xf32>
    %div3A_72 = vector.broadcast %sqrt3A_71 : vector<10000x1xf32> to vector<10000x128xf32>
    %div3A_73 = arith.divf %sub3A_67, %div3A_72 : vector<10000x128xf32>
    %get3A_74 = arith.constant 0 : index
    %get3A_75 = arith.constant 0 : index
    %get3A_76 = vector.load %arg6[%get3A_74, %get3A_75] : memref<1x128xf32, #tpu.memory_space<vmem>>, vector<1x128xf32>
    %mul3A_77 = vector.broadcast %get3A_76 : vector<1x128xf32> to vector<10000x128xf32>
    %mul3A_78 = arith.mulf %div3A_73, %mul3A_77 : vector<10000x128xf32>
    %get3A_79 = arith.constant 0 : index
    %get3A_80 = arith.constant 0 : index
    %get3A_81 = vector.load %arg7[%get3A_79, %get3A_80] : memref<1x128xf32, #tpu.memory_space<vmem>>, vector<1x128xf32>
    %add3A_82 = vector.broadcast %get3A_81 : vector<1x128xf32> to vector<10000x128xf32>
    %add3A_83 = arith.addf %mul3A_78, %add3A_82 : vector<10000x128xf32>
    %swap3A = arith.constant 0 : index
    %swap3A_84 = arith.constant 0 : index
    %swap3A_85 = vector.load %arg8[%swap3A, %swap3A_84] : memref<10000x128xf32, #tpu.memory_space<vmem>>, vector<10000x128xf32>
    tpu.vector_store %arg8[%swap3A, %swap3A_84], %add3A_83 {strides = array<i32>} : memref<10000x128xf32, #tpu.memory_space<vmem>>, vector<10000x128xf32>,
    return
  }
}

</mosaic_0001>

<sc_bundles>
// kernel: kernel.11.cloned.1.call-start
scs
__scs_entry_jumppad:
0x0: {  	(pc) =	sbr.rel $0x88, $3  }
0x1: {  	(tag) =	ssettag $0x0;
	lr =	simm.s32 $0x1  }
0x2: {  	[smem:$0x3F96] =	sst lr;
	_ =	strace $0xD0000000  }
0x3: {  	_ = 	snop  }
0x4: {  	_ = 	snop  }
0x5: {  	_ = 	snop  }
0x6: {  	_ = 	snop  }
0x7: {  	_ = 	snop  }
__scs_overlays_trampoline_lowered:
0x8: {  	[smem:$0x3FA5] =	sst s0  }
0x9: {  	[smem:$0x3FA6] =	sst s1  }
0xa: {  	[smem:$0x3FA7] =	sst s2  }
0xb: {  	[smem:$0x3FA8] =	sst s3  }
0xc: {  	[smem:$0x3FA9] =	sst s4  }
0xd: {  	[smem:$0x3FAA] =	sst s5  }
0xe: {  	[smem:$0x3FAB] =	sst s6  }
0xf: {  	[smem:$0x3FAC] =	sst s7  }
0x10: {  	[smem:$0x3FAD] =	sst s8  }
0x11: {  	[smem:$0x3FAE] =	sst s9;
	s0 =	simm.s32 @!p0 $0x0  }
0x12: {  	s1 =	sld [smem:$0x3F94];
	s0 =	simm.s32 @p0 $0x1  }
0x13: {  	[smem:$0x3FAF] =	sst s0;
	s0 =	simm.s32 @!p1 $0x0  }
0x14: {  	s2 =	sld [smem:$0x3F93];
	s0 =	simm.s32 @p1 $0x1  }
0x15: {  	[smem:$0x3FB0] =	sst s0;
	s0 =	simm.s32 @!p2 $0x0  }
0x16: {  	s3 =	sld [smem:$0x3FDB];
	s0 =	simm.s32 @p2 $0x1  }
0x17: {  	s4 =	simm.s32 $0x1BF5;
	[smem:$0x3FB2] =	sst s0  }
0x18: {  	s0 =	sld [smem:$0x3F95];
	_ =	swait.ge [sflag:s4], $0x0  }
0x19: {  	s7 =	sld [smem:$0x3F96]  }
0x1a: {  	s8 =	sadd.s32 $0xFFFFE003, lr  }
0x1b: {  	s9 =	sadd.s32 $0xFFFFFEF7, lr;
	s5 =	simm.s32 $0xFFFFFFFF;
	p2 =	slt.u32 s8, $0xFFFFF086  }
0x1c: {  	p1 =	slt.u32 s9, $0xF7A;
	s5 =	simm.s32 @!p2 $0x0  }
0x1d: {  	s5 =	simm.s32 @p1 $0x1;
	p0 =	seq.s32 s7, s2  }
0x1e: {  	s7 =	smul.u32 @!p0 $0xF7A, s2;
	p2 =	seq.s32 @!p0 s5, $0x0  }
0x1f: {  	s9 =	smul.u32 $0xF7A, s1;
	s8 =	simm.s32 @!p0 $0x1BF5;
	p2 =	por !p2, p0  }
0x20: {  	[sflag:s8] =	ssyncset.s32 @!p0 $0xFFFFF086;
	s6 =	sadd.s32 @!p0 s3, s7;
	s7 =	simm.s32 @!p0 $0x108  }
0x21: {  	s3 =	sadd.s32 s3, s9;
	s6 =	sadd.s32 @!p0 $0x88, s6;
	s7 =	simm.s32 @p2 $0x1082  }
0x22: {  	[simem:s7], [sflag:s8] =	dma.local @!p0 [hbm:s6], $0xF7A  }
0x23: {  	s9 =	sor.u32 $0xD0000000, s2;
	s6 =	simm.s32 $0x108;
	_ =	swait.ge @!p0 [sflag:s8], $0x0  }
0x24: {  	s3 =	sadd.s32 $0x88, s3;
	s6 =	simm.s32 @!p1 $0x1082;
	[sflag:s4] =	ssyncset.s32 $0xFFFFF086  }
0x25: {  	[simem:s6], [sflag:s4] =	dma.local [hbm:s3], $0xF7A  }
0x26: {  	[smem:$0x3F96] =	sst s1;
	(tag) =	ssettag s2;
	_ =	strace s9  }
0x27: {  	s1 =	sld [smem:$0x3FA6]  }
0x28: {  	s2 =	sld [smem:$0x3FA7]  }
0x29: {  	s4 =	sld [smem:$0x3FA9]  }
0x2a: {  	p0 =	seq.s32 s5, $0x0;
	s5 =	sld [smem:$0x3FAA]  }
0x2b: {  	s6 =	sld [smem:$0x3FAB]  }
0x2c: {  	s7 =	sld [smem:$0x3FAC]  }
0x2d: {  	s3 =	simm.s32 $0x108;
	s8 =	sld [smem:$0x3FAD]  }
0x2e: {  	s3 =	simm.s32 @!p0 $0x1082;
	s9 =	sld [smem:$0x3FAE]  }
0x2f: {  	lr =	sadd.s32 s0, s3;
	s0 =	sld [smem:$0x3FA5]  }
0x30: {  	s3 =	sld [smem:$0x3FA8]  }
0x31: {  	[smem:$0x3FB1] =	sst s10  }
0x32: {  	s10 =	sld [smem:$0x3FAF];
	_ =	sdelay $0x3  }
0x33: {  	p0 =	seq.s32 s10, $0x1;
	s10 =	sld [smem:$0x3FB1];
	_ =	sdelay $0x3  }
0x34: {  	[smem:$0x3FB1] =	sst s10  }
0x35: {  	s10 =	sld [smem:$0x3FB0];
	_ =	sdelay $0x3  }
0x36: {  	p1 =	seq.s32 s10, $0x1;
	s10 =	sld [smem:$0x3FB1];
	_ =	sdelay $0x3  }
0x37: {  	[smem:$0x3FB1] =	sst s10  }
0x38: {  	s10 =	sld [smem:$0x3FB2]  }
0x39: {  	_ = 	snop;
	(pc) =	sbr.ind lr, $3  }
0x3a: {  	_ = 	snop  }
0x3b: {  	_ = 	snop  }
0x3c: {  	p2 =	seq.s32 s10, $0x1;
	s10 =	sld [smem:$0x3FB1]  }
0x3d: {  	_ =	shalt  }
0x3e: {  	_ =	shalt  }
0x3f: {  	_ =	shalt  }
0x40: {  	_ =	shalt  }
0x41: {  	_ =	shalt  }
0x42: {  	_ =	shalt  }
0x43: {  	_ =	shalt  }
0x44: {  	_ =	shalt  }
0x45: {  	_ =	shalt  }
0x46: {  	_ =	shalt  }
0x47: {  	_ =	shalt  }
0x48: {  	_ =	shalt  }
0x49: {  	_ =	shalt  }
0x4a: {  	_ =	shalt  }
0x4b: {  	_ =	shalt  }
0x4c: {  	_ =	shalt  }
0x4d: {  	_ =	shalt  }
0x4e: {  	_ =	shalt  }
0x4f: {  	_ =	shalt  }
0x50: {  	_ =	shalt  }
0x51: {  	_ =	shalt  }
0x52: {  	_ =	shalt  }
0x53: {  	_ =	shalt  }
0x54: {  	_ =	shalt  }
0x55: {  	_ =	shalt  }
0x56: {  	_ =	shalt  }
0x57: {  	_ =	shalt  }
0x58: {  	_ =	shalt  }
0x59: {  	_ =	shalt  }
0x5a: {  	_ =	shalt  }
0x5b: {  	_ =	shalt  }
0x5c: {  	_ =	shalt  }
0x5d: {  	_ =	shalt  }
0x5e: {  	_ =	shalt  }
0x5f: {  	_ =	shalt  }
0x60: {  	_ =	shalt  }
0x61: {  	_ =	shalt  }
0x62: {  	_ =	shalt  }
0x63: {  	_ =	shalt  }
0x64: {  	_ =	shalt  }
0x65: {  	_ =	shalt  }
0x66: {  	_ =	shalt  }
0x67: {  	_ =	shalt  }
0x68: {  	_ =	shalt  }
0x69: {  	_ =	shalt  }
0x6a: {  	_ =	shalt  }
0x6b: {  	_ =	shalt  }
0x6c: {  	_ =	shalt  }
0x6d: {  	_ =	shalt  }
0x6e: {  	_ =	shalt  }
0x6f: {  	_ =	shalt  }
0x70: {  	_ =	shalt  }
0x71: {  	_ =	shalt  }
0x72: {  	_ =	shalt  }
0x73: {  	_ =	shalt  }
0x74: {  	_ =	shalt  }
0x75: {  	_ =	shalt  }
0x76: {  	_ =	shalt  }
0x77: {  	_ =	shalt  }
0x78: {  	_ =	shalt  }
0x79: {  	_ =	shalt  }
0x7a: {  	_ =	shalt  }
0x7b: {  	_ =	shalt  }
0x7c: {  	_ =	shalt  }
0x7d: {  	_ =	shalt  }
0x7e: {  	_ =	shalt  }
0x7f: {  	_ =	shalt  }
0x80: {  	_ =	shalt  }
0x81: {  	_ =	shalt  }
0x82: {  	_ =	shalt  }
0x83: {  	_ =	shalt  }
0x84: {  	_ =	shalt  }
0x85: {  	_ =	shalt  }
0x86: {  	_ =	shalt  }
0x87: {  	_ =	shalt  }
.Lfunc_end0:
.L_simem_size_0:
called_computation.1_lowered:
.L_overlay_start_0:
0x88: {  	s2 =	sld [smem:$0x3FD9]  }
0x89: {  	s3 =	sld [smem:$0x3FFE];
	_ =	sdelay $0x1  }
0x8a: {  	s1 =	srdreg.scid  }
0x8b: {  	s0 =	sand.u32 $0x1, s1  }
0x8c: {  	s17 =	sshll.u32 s0, $0xA;
	s2 =	sadd.s32 s3, s2  }
0x8d: {  	s2 =	sadd.s32 s2, s17  }
0x8e: {  	[smem:$0x3FBD] =	sst s2  }
0x8f: {  	_ = 	snop  }
0x90: {  	s2 =	sld [smem:$0x3FD0];
	(tm) =	ssettm $0x1  }
0x91: {  	s18 =	sld [smem:$0x3FFB];
	_ =	sdelay $0x3  }
0x92: {  	_ =	strace s18  }
0x93: {  	s3 =	sld [smem:$0x3FFC];
	_ =	sdelay $0x3  }
0x94: {  	_ =	strace s3  }
0x95: {  	s3 =	sld [smem:$0x3FFD];
	_ =	sdelay $0x3  }
0x96: {  	_ =	strace s3  }
0x97: {  	_ =	strace $0x8FFFFFFF  }
0x98: {  	s19 =	sld [smem:$0x3FDB];
	_ =	sdelay $0x1  }
0x99: {  	s4 =	simm.s32 $_scs_section_size  }
0x9a: {  	s5 =	simm.s32 $_size__tile_overlayer_lowered;
	s6 =	simm.s32 $_tile_overlayer_lowered  }
0x9b: {  	s22 =	simm.s32 $0x1BFF;
	s21 =	sshll.u32 s6, $0x1;
	s3 =	sadd.s32 s4, s19  }
0x9c: {  	s7 =	simm.s32 $0x0;
	s20 =	sshll.u32 s5, $0x1;
	s5 =	sadd.s32 s21, s3  }
0x9d: {  	[timem:s7], [sflag:s22] =	dma.local [hbm:s5], s20  }
0x9e: {  	_ =	swait.ge [sflag:s22], s20  }
0x9f: {  	s4 =	ssub.s32 $0x0, s20;
	[sflag:s22] =	ssyncset.done $0x0  }
0xa0: {  	[sflag:s22] =	ssyncadd.s32 s4;
	_ =	sdelay $0x1  }
0xa1: {  	s23 =	simm.s32 $0x1B8B  }
0xa2: {  	_ =	swait.ge [sflag:s23], $0x1  }
0xa3: {  	[sflag:s23] =	ssyncset.done $0x0  }
0xa4: {  	s25 =	simm.s32 $0x1B8E;
	s24 =	sld [smem:$0x3FFE];
	[sflag:s23] =	ssyncadd.s32 $0xFFFFFFFF  }
0xa5: {  	s26 =	simm.s32 $execute0_lowered;
	[smem:$0x3FD2] =	sst s25  }
0xa6: {  	s5 =	sshll.u32 s26, $0x1;
	_ =	strace $0x80000049;
	[dreg:$0x1] =	wrdreg $0xFFFFFFFF  }
0xa7: {  	s28 =	simm.s32 $_size_execute0_lowered;
	s3 =	sadd.s32 s3, s5;
	[dreg:$0x0] =	wrdreg $0x0  }
0xa8: {  	s5 =	sshll.u32 s28, $0x1;
	[dreg:$0x2] =	wrdreg s3  }
0xa9: {  	[dreg:$0x3] =	wrdreg s5  }
0xaa: {  	[dreg:$0x4] =	wrdreg $0xC0  }
0xab: {  	_ =	task [dreg:s7], $0x5FFFF  }
0xac: {  	[dreg:$0x1] =	wrdreg $0xFFFFFFFF  }
0xad: {  	[dreg:$0x0] =	wrdreg $0x60  }
0xae: {  	[dreg:$0x2] =	wrdreg s2  }
0xaf: {  	[dreg:$0x3] =	wrdreg s24  }
0xb0: {  	[dreg:$0x4] =	wrdreg $0x90800  }
0xb1: {  	[dreg:$0x5] =	wrdreg $0x9  }
0xb2: {  	_ =	task.clear_ibuf [dreg:s7], $0x6FFFF;
	_ =	strace $0x90000049  }
0xb3: {  	s29 =	simm.s32 $0x9;
	_ =	strace $0x8000004B  }
0xb4: {  	_ =	swait.ge [sflag:s29], $0x1  }
0xb5: {  	[sflag:s29] =	ssyncadd.s32 $0xFFFFFFFF  }
0xb6: {  	_ =	strace $0x9000004B  }
0xb7: {  	_ =	sfence  }
0xb8: {  	s30 =	sld [smem:$0x0];
	_ =	sdelay $0x2  }
0xb9: {  	s31 =	sshll.u32 s1, $0xD;
	s1 =	sshrl.u32 s1, $0x2  }
0xba: {  	s3 =	sand.u32 $0x4000, s31;
	s1 =	sadd.s32 s1, s30  }
0xbb: {  	s0 =	sor.u32 s3, s0;
	s1 =	sshll.u32 s1, $0x11  }
0xbc: {  	s0 =	sor.u32 s1, s0  }
0xbd: {  	s0 =	sadd.s32 $0x8F2B, s0  }
0xbe: {  	[sflag:s0] =	ssyncadd.remote.s32 $0x1  }
0xbf: {  	_ =	sfence.sel $0xFFFF  }
0xc0: {  	[dreg:$0x0] =	wrdreg $0xFFFFFFFF;
	(pc) =	sbr.abs _section_cstart, $3  }
0xc1: {  	[dreg:$0x1] =	wrdreg $0xFFFFFFFF  }
0xc2: {  	_ =	task.clear_ibuf [dreg:s7], $0x2FFFF;
	_ =	strace $0x9FFFFFFF  }
0xc3: {  	(tm) =	ssettm $0x7FFFFFFF  }
tec
execute0_lowered:
.L_overlay_start_1:
0x0: {  	(tag) =	ssettag $0x1  }
0x1: {  	s1 =	rddreg [dreg:$0x0]  }
0x2: {  	s0 =	srdreg.scid;
	s8 =	rddreg [dreg:$0x1]  }
0x3: {  	s3 =	rddreg [dreg:$0x2];
	s5 =	simm.s32 $0x0;
	s16 =	simm.s32 $0x2  }
0x4: {  	s17 =	simm.s32 $0x2800;
	s18 =	simm.s32 $0x5080;
	s19 =	simm.s32 $0x5000  }
0x5: {  	s20 =	simm.s32 $0x80;
	s21 =	simm.s32 $0x1;
	s7 =	sand.u32 $0x1, s0  }
0x6: {  	s24 =	simm.s32 $0x0;
	s0 =	stileid.u32;
	s9 =	smul.u32 $0x140000, s7  }
0x7: {  	[smem:$0x7FF] =	sst s5;
	s2 =	sshll.u32 s7, $0x4;
	s10 =	smul.u32 $0x14000, s0  }
0x8: {  	s12 =	smul.u32 $0x50000, s0;
	s7 =	ssub.s32 $0x2, s7;
	s22 =	sshll.u32 s0, $0x6  }
0x9: {  	s2 =	sor.u32 s0, s2;
	s31 =	sshrl.u32 s7, $0x1;
	s22 =	sor.u32 $0x1C02, s22  }
0xa: {  	s4 =	smul.u32 $0x2800, s2;
	s2 =	rddreg [dreg:$0x3];
	_ =	strace $0x8000004A  }
0xb: {  	v0 =	vimm.f32 $0.0e+00;
	v1 =	vimm.s32 $0x0;
	s9 =	sadd.s32 s10, s9;
	s12 =	sshrl.u32 s12, $0x2;
	s15 =	ssub.s32 s7, s31  }
0xc: {  	v2 =	vimm.s32 $0x1;
	v3 =	vimm.s32 $0x2;
	v4 =	vimm.s32 $0x3;
	s9 =	sshrl.u32 s9, $0x3;
	s7 =	sadd.s32 s12, s3;
	s15 =	smax.u32 s15, $0x1  }
0xd: {  	v5 =	vimm.s32 $0x4;
	v6 =	vimm.s32 $0x5;
	v7 =	vimm.s32 $0x6;
	s6 =	sshrl.u32 s4, $0x3;
	s14 =	sadd.s32 s9, s8;
	s10 =	sadd.s32 $0x4000, s7  }
0xe: {  	v8 =	vimm.s32 $0x7;
	v9 =	vimm.s32 $0x8;
	v10 =	vimm.s32 $0x9;
	s12 =	sadd.s32 $0xC000, s7;
	s13 =	sadd.s32 $0x10000, s7;
	s23 =	sshrl.u32 s7, $0x3  }
0xf: {  	v11 =	vimm.s32 $0xA;
	v12 =	vimm.s32 $0xB;
	v13 =	vimm.s32 $0xC;
	s11 =	sadd.s32 s6, s8;
	s6 =	sadd.s32 $0x3800, s8;
	s14 =	sadd.s32 $0x21800, s14  }
0x10: {  	v14 =	vimm.s32 $0xD;
	v15 =	vimm.s32 $0xE;
	v16 =	vimm.s32 $0xF;
	s8 =	sadd.s32 $0xD800, s11;
	s9 =	sadd.s32 $0x17800, s11;
	s11 =	sadd.s32 $0x8000, s7  }
.LBB2_1:
0x11: {  	[tilespmem:s5], [sflag:$0x2] =	stream.linear.gather [hbm4b:s8+s5], $0x2780, $0x38;
	[tilespmem:$0x1D080] =	vst v63  }
0x12: {  	_ =	swait.ge [sflag:s16], $0x2780  }
0x13: {  	[sflag:s16] =	ssyncset.done $0x0  }
0x14: {  	[sflag:s16] =	ssyncadd.s32 $0xFFFFD880  }
0x15: {  	[tilespmem:s17], [sflag:$0x2] =	stream.linear.gather [hbm4b:s9+s5], $0x2780, $0x38;
	[tilespmem:$0x1D080] =	vst v63  }
0x16: {  	_ =	swait.ge [sflag:s16], $0x2780  }
0x17: {  	[sflag:s16] =	ssyncset.done $0x0  }
0x18: {  	s25 =	simm.s32 $0x0;
	s26 =	simm.s32 $0x200;
	[sflag:s16] =	ssyncadd.s32 $0xFFFFD880  }
.LBB2_2:
0x19: {  	p0 =	sne.s32 s26, $0xFE00;
	[tilespmem:s25+$0x50F0] =	vst v0  }
0x1a: {  	[tilespmem:s25+$0x5080] =	vst v0  }
0x1b: {  	[tilespmem:s25+$0x5090] =	vst v0  }
.Ltmp0:
0x1c: {  	[tilespmem:s25+$0x50A0] =	vst v0;
	(pc) =	sbr.rel @p0 .LBB2_2-.Ltmp0, $4  }
0x1d: {  	[tilespmem:s25+$0x50B0] =	vst v0  }
0x1e: {  	[tilespmem:s25+$0x50C0] =	vst v0  }
0x1f: {  	[tilespmem:s25+$0x50D0] =	vst v0  }
0x20: {  	[tilespmem:s25+$0x50E0] =	vst v0;
	s25 =	sshra.s32 s26, $0x2;
	s26 =	sadd.s32 $0x200, s26  }
0x21: {  	[tilespmem:s25+$0x50F0] =	vst v0  }
0x22: {  	[tilespmem:s25+$0x5080] =	vst v0  }
0x23: {  	[tilespmem:s25+$0x5090] =	vst v0  }
0x24: {  	[tilespmem:s25+$0x50A0] =	vst v0  }
0x25: {  	[tilespmem:s25+$0x50B0] =	vst v0  }
0x26: {  	[tilespmem:s25+$0x50C0] =	vst v0  }
0x27: {  	[tilespmem:s25+$0x50D0] =	vst v0  }
0x28: {  	[tilespmem:s25+$0x50E0] =	vst v0  }
0x29: {  	[spmem:s7] =	stream.linear.scatter [tilespmem:s18], [sflag:$0x2], $0x4000, $0x38;
	[tilespmem:$0x1D080] =	vst v63  }
0x2a: {  	_ =	swait.ge [sflag:s16], $0x4000  }
0x2b: {  	[sflag:s16] =	ssyncset.done $0x0  }
0x2c: {  	[sflag:s16] =	ssyncadd.s32 $0xFFFFC000  }
0x2d: {  	[spmem:s10] =	stream.linear.scatter [tilespmem:s18], [sflag:$0x2], $0x4000, $0x38;
	[tilespmem:$0x1D080] =	vst v63  }
0x2e: {  	_ =	swait.ge [sflag:s16], $0x4000  }
0x2f: {  	[sflag:s16] =	ssyncset.done $0x0  }
0x30: {  	[sflag:s16] =	ssyncadd.s32 $0xFFFFC000  }
0x31: {  	[spmem:s11] =	stream.linear.scatter [tilespmem:s18], [sflag:$0x2], $0x4000, $0x38;
	[tilespmem:$0x1D080] =	vst v63  }
0x32: {  	_ =	swait.ge [sflag:s16], $0x4000  }
0x33: {  	[sflag:s16] =	ssyncset.done $0x0  }
0x34: {  	[sflag:s16] =	ssyncadd.s32 $0xFFFFC000  }
0x35: {  	[spmem:s12] =	stream.linear.scatter [tilespmem:s18], [sflag:$0x2], $0x4000, $0x38;
	[tilespmem:$0x1D080] =	vst v63  }
0x36: {  	_ =	swait.ge [sflag:s16], $0x4000  }
0x37: {  	[sflag:s16] =	ssyncset.done $0x0  }
0x38: {  	[sflag:s16] =	ssyncadd.s32 $0xFFFFC000  }
0x39: {  	[spmem:s13] =	stream.linear.scatter [tilespmem:s18], [sflag:$0x2], $0x4000, $0x38;
	[tilespmem:$0x1D080] =	vst v63  }
0x3a: {  	_ =	swait.ge [sflag:s16], $0x4000  }
0x3b: {  	[sflag:s16] =	ssyncset.done $0x0  }
0x3c: {  	[sflag:s16] =	ssyncadd.s32 $0xFFFFC000  }
0x3d: {  	s25 =	simm.s32 $0x0;
	s26 =	simm.s32 $0x0;
	[bflag:$0x0] =	sbarrier.arrive $0xFFFF  }
.LBB2_4:
0x3e: {  	s28 =	sshll.u32 s26, $0x7  }
0x3f: {  	s29 =	sand.u32 $0x3C00, s28  }
0x40: {  	s30 =	sand.u32 $0x380, s28;
	s29 =	sadd.s32 s4, s29  }
0x41: {  	s29 =	sor.u32 s30, s29  }
0x42: {  	s29 =	sshrl.u32 s29, $0x3  }
0x43: {  	s29 =	sadd.s32 s6, s29  }
0x44: {  	[tilespmem:s19], [sflag:$0x1] =	stream.linear.gather [hbm4b:s29+s25], $0x80, $0x38;
	[tilespmem:$0x1D080] =	vst v63  }
0x45: {  	_ = 	snop  }
0x46: {  	[tilespmem:s18], [sflag:$0x2] =	stream.indirect.gather [hbm4b:s1+s20], $0x80, s28, s20, $0xb8;
	[tilespmem:$0x1D080] =	vst v63  }
0x47: {  	_ =	swait.ge [sflag:s16], $0x4000  }
0x48: {  	[sflag:s16] =	ssyncset.done $0x0  }
0x49: {  	[sflag:s16] =	ssyncadd.s32 $0xFFFFC000  }
0x4a: {  	_ =	swait.ge [sflag:s21], $0x80  }
0x4b: {  	[sflag:s21] =	ssyncset.done $0x0  }
0x4c: {  	s29 =	simm.s32 $0x0;
	[sflag:s21] =	ssyncadd.s32 $0xFFFFFF80  }
.LBB2_5:
0x4d: {  	s30 =	sshll.u32 s29, $0x4  }
0x4e: {  	s30 =	sand.u32 $0x3FFFFFF0, s30  }
0x4f: {  	s31 =	sshll.u32 s29, $0xB;
	v17 =	vld [tilespmem:s30+$0x5000]  }
0x50: {  	s30 =	sand.u32 $0x3FFFF800, s31  }
0x51: {  	v18 =	vld [tilespmem:s30+$0x5080]  }
0x52: {  	v19 =	vld [tilespmem:s30+$0x5090]  }
0x53: {  	v20 =	vld [tilespmem:s30+$0x50A0]  }
0x54: {  	v22 =	vld [tilespmem:s30+$0x50B0];
	v21 =	vperm.xlane v17, v1  }
0x55: {  	v23 =	vld [tilespmem:s30+$0x50C0]  }
0x56: {  	v24 =	vld [tilespmem:s30+$0x50D0];
	v18 =	vmul.f32 v18, v21  }
0x57: {  	v25 =	vld [tilespmem:s30+$0x50E0];
	v19 =	vmul.f32 v19, v21  }
0x58: {  	v38 =	vld [tilespmem:s30+$0x50F0];
	[tilespmem:s30+$0x5080] =	vst v18;
	v18 =	vmul.f32 v20, v21  }
0x59: {  	v39 =	vld [tilespmem:s30+$0x5100];
	[tilespmem:s30+$0x5090] =	vst v19;
	v19 =	vmul.f32 v22, v21  }
0x5a: {  	v40 =	vld [tilespmem:s30+$0x5110];
	[tilespmem:s30+$0x50A0] =	vst v18;
	v18 =	vmul.f32 v23, v21  }
0x5b: {  	v41 =	vld [tilespmem:s30+$0x5120];
	[tilespmem:s30+$0x50B0] =	vst v19;
	v19 =	vmul.f32 v24, v21  }
0x5c: {  	v26 =	vld [tilespmem:s30+$0x5130];
	v42 =	vperm.xlane v17, v2;
	[tilespmem:s30+$0x50C0] =	vst v18;
	v18 =	vmul.f32 v25, v21  }
0x5d: {  	v43 =	vld [tilespmem:s30+$0x5140];
	[tilespmem:s30+$0x50D0] =	vst v19;
	v19 =	vmul.f32 v38, v21  }
0x5e: {  	v44 =	vld [tilespmem:s30+$0x5150];
	[tilespmem:s30+$0x50E0] =	vst v18;
	v18 =	vmul.f32 v39, v42  }
0x5f: {  	v45 =	vld [tilespmem:s30+$0x5160];
	[tilespmem:s30+$0x50F0] =	vst v19;
	v19 =	vmul.f32 v40, v42  }
0x60: {  	v46 =	vld [tilespmem:s30+$0x5170];
	[tilespmem:s30+$0x5100] =	vst v18;
	v18 =	vmul.f32 v41, v42  }
0x61: {  	v47 =	vld [tilespmem:s30+$0x5180];
	[tilespmem:s30+$0x5110] =	vst v19;
	v19 =	vmul.f32 v26, v42  }
0x62: {  	v48 =	vld [tilespmem:s30+$0x5190];
	[tilespmem:s30+$0x5120] =	vst v18;
	v18 =	vmul.f32 v43, v42  }
0x63: {  	v49 =	vld [tilespmem:s30+$0x51A0];
	[tilespmem:s30+$0x5130] =	vst v19;
	v19 =	vmul.f32 v44, v42  }
0x64: {  	v51 =	vld [tilespmem:s30+$0x51B0];
	v50 =	vperm.xlane v17, v3;
	[tilespmem:s30+$0x5140] =	vst v18;
	v18 =	vmul.f32 v45, v42  }
0x65: {  	v52 =	vld [tilespmem:s30+$0x51C0];
	[tilespmem:s30+$0x5150] =	vst v19;
	v19 =	vmul.f32 v46, v42  }
0x66: {  	v53 =	vld [tilespmem:s30+$0x51D0];
	[tilespmem:s30+$0x5160] =	vst v18;
	v18 =	vmul.f32 v47, v50  }
0x67: {  	v54 =	vld [tilespmem:s30+$0x51E0];
	[tilespmem:s30+$0x5170] =	vst v19;
	v19 =	vmul.f32 v48, v50  }
0x68: {  	v55 =	vld [tilespmem:s30+$0x51F0];
	[tilespmem:s30+$0x5180] =	vst v18;
	v18 =	vmul.f32 v49, v50  }
0x69: {  	v56 =	vld [tilespmem:s30+$0x5200];
	[tilespmem:s30+$0x5190] =	vst v19;
	v19 =	vmul.f32 v51, v50  }
0x6a: {  	v57 =	vld [tilespmem:s30+$0x5210];
	[tilespmem:s30+$0x51A0] =	vst v18;
	v18 =	vmul.f32 v52, v50  }
0x6b: {  	v58 =	vld [tilespmem:s30+$0x5220];
	[tilespmem:s30+$0x51B0] =	vst v19;
	v19 =	vmul.f32 v53, v50  }
0x6c: {  	v60 =	vld [tilespmem:s30+$0x5230];
	v59 =	vperm.xlane v17, v4;
	[tilespmem:s30+$0x51C0] =	vst v18;
	v18 =	vmul.f32 v54, v50  }
0x6d: {  	v61 =	vld [tilespmem:s30+$0x5240];
	[tilespmem:s30+$0x51D0] =	vst v19;
	v19 =	vmul.f32 v55, v50  }
0x6e: {  	v62 =	vld [tilespmem:s30+$0x5250];
	[tilespmem:s30+$0x51E0] =	vst v18;
	v18 =	vmul.f32 v56, v59  }
0x6f: {  	v63 =	vld [tilespmem:s30+$0x5260];
	[tilespmem:s30+$0x51F0] =	vst v19;
	v19 =	vmul.f32 v57, v59  }
0x70: {  	v28 =	vld [tilespmem:s30+$0x5270];
	[tilespmem:s30+$0x5200] =	vst v18;
	v18 =	vmul.f32 v58, v59  }
0x71: {  	v29 =	vld [tilespmem:s30+$0x5280];
	[tilespmem:s30+$0x5210] =	vst v19;
	v19 =	vmul.f32 v60, v59  }
0x72: {  	v30 =	vld [tilespmem:s30+$0x5290];
	[tilespmem:s30+$0x5220] =	vst v18;
	v18 =	vmul.f32 v61, v59  }
0x73: {  	v31 =	vld [tilespmem:s30+$0x52A0];
	[tilespmem:s30+$0x5230] =	vst v19;
	v19 =	vmul.f32 v62, v59  }
0x74: {  	v33 =	vld [tilespmem:s30+$0x52B0];
	v32 =	vperm.xlane v17, v5;
	[tilespmem:s30+$0x5240] =	vst v18;
	v18 =	vmul.f32 v63, v59  }
0x75: {  	v34 =	vld [tilespmem:s30+$0x52C0];
	[tilespmem:s30+$0x5250] =	vst v19;
	v19 =	vmul.f32 v28, v59  }
0x76: {  	v35 =	vld [tilespmem:s30+$0x52D0];
	[tilespmem:s30+$0x5260] =	vst v18;
	v18 =	vmul.f32 v29, v32  }
0x77: {  	v36 =	vld [tilespmem:s30+$0x52E0];
	[tilespmem:s30+$0x5270] =	vst v19;
	v19 =	vmul.f32 v30, v32  }
0x78: {  	v37 =	vld [tilespmem:s30+$0x52F0];
	[tilespmem:s30+$0x5280] =	vst v18;
	v18 =	vmul.f32 v31, v32  }
0x79: {  	v38 =	vld [tilespmem:s30+$0x5300];
	[tilespmem:s30+$0x5290] =	vst v19;
	v19 =	vmul.f32 v33, v32  }
0x7a: {  	v39 =	vld [tilespmem:s30+$0x5310];
	[tilespmem:s30+$0x52A0] =	vst v18;
	v18 =	vmul.f32 v34, v32  }
0x7b: {  	v40 =	vld [tilespmem:s30+$0x5320];
	[tilespmem:s30+$0x52B0] =	vst v19;
	v19 =	vmul.f32 v35, v32  }
0x7c: {  	v41 =	vperm.xlane v17, v6;
	v42 =	vld [tilespmem:s30+$0x5330];
	[tilespmem:s30+$0x52C0] =	vst v18;
	v18 =	vmul.f32 v36, v32  }
0x7d: {  	v43 =	vld [tilespmem:s30+$0x5340];
	[tilespmem:s30+$0x52D0] =	vst v19;
	v19 =	vmul.f32 v37, v32  }
0x7e: {  	v44 =	vld [tilespmem:s30+$0x5350];
	[tilespmem:s30+$0x52E0] =	vst v18;
	v18 =	vmul.f32 v38, v41  }
0x7f: {  	v45 =	vld [tilespmem:s30+$0x5360];
	[tilespmem:s30+$0x52F0] =	vst v19;
	v19 =	vmul.f32 v39, v41  }
0x80: {  	v46 =	vld [tilespmem:s30+$0x5370];
	[tilespmem:s30+$0x5300] =	vst v18;
	v18 =	vmul.f32 v40, v41  }
0x81: {  	v47 =	vld [tilespmem:s30+$0x5380];
	[tilespmem:s30+$0x5310] =	vst v19;
	v19 =	vmul.f32 v42, v41  }
0x82: {  	v48 =	vld [tilespmem:s30+$0x5390];
	[tilespmem:s30+$0x5320] =	vst v18;
	v18 =	vmul.f32 v43, v41  }
0x83: {  	v49 =	vld [tilespmem:s30+$0x53A0];
	[tilespmem:s30+$0x5330] =	vst v19;
	v19 =	vmul.f32 v44, v41  }
0x84: {  	v51 =	vld [tilespmem:s30+$0x53B0];
	v50 =	vperm.xlane v17, v7;
	[tilespmem:s30+$0x5340] =	vst v18;
	v18 =	vmul.f32 v45, v41  }
0x85: {  	v52 =	vld [tilespmem:s30+$0x53C0];
	[tilespmem:s30+$0x5350] =	vst v19;
	v19 =	vmul.f32 v46, v41  }
0x86: {  	v53 =	vld [tilespmem:s30+$0x53D0];
	[tilespmem:s30+$0x5360] =	vst v18;
	v18 =	vmul.f32 v47, v50  }
0x87: {  	v54 =	vld [tilespmem:s30+$0x53E0];
	[tilespmem:s30+$0x5370] =	vst v19;
	v19 =	vmul.f32 v48, v50  }
0x88: {  	v55 =	vld [tilespmem:s30+$0x53F0];
	[tilespmem:s30+$0x5380] =	vst v18;
	v18 =	vmul.f32 v49, v50  }
0x89: {  	v56 =	vld [tilespmem:s30+$0x5400];
	[tilespmem:s30+$0x5390] =	vst v19;
	v19 =	vmul.f32 v51, v50  }
0x8a: {  	v57 =	vld [tilespmem:s30+$0x5410];
	[tilespmem:s30+$0x53A0] =	vst v18;
	v18 =	vmul.f32 v52, v50  }
0x8b: {  	v58 =	vld [tilespmem:s30+$0x5420];
	[tilespmem:s30+$0x53B0] =	vst v19;
	v19 =	vmul.f32 v53, v50  }
0x8c: {  	v60 =	vld [tilespmem:s30+$0x5430];
	v59 =	vperm.xlane v17, v8;
	[tilespmem:s30+$0x53C0] =	vst v18;
	v18 =	vmul.f32 v54, v50  }
0x8d: {  	v61 =	vld [tilespmem:s30+$0x5440];
	[tilespmem:s30+$0x53D0] =	vst v19;
	v19 =	vmul.f32 v55, v50  }
0x8e: {  	v62 =	vld [tilespmem:s30+$0x5450];
	[tilespmem:s30+$0x53E0] =	vst v18;
	v18 =	vmul.f32 v56, v59  }
0x8f: {  	v63 =	vld [tilespmem:s30+$0x5460];
	[tilespmem:s30+$0x53F0] =	vst v19;
	v19 =	vmul.f32 v57, v59  }
0x90: {  	v28 =	vld [tilespmem:s30+$0x5470];
	[tilespmem:s30+$0x5400] =	vst v18;
	v18 =	vmul.f32 v58, v59  }
0x91: {  	v29 =	vld [tilespmem:s30+$0x5480];
	[tilespmem:s30+$0x5410] =	vst v19;
	v19 =	vmul.f32 v60, v59  }
0x92: {  	v30 =	vld [tilespmem:s30+$0x5490];
	[tilespmem:s30+$0x5420] =	vst v18;
	v18 =	vmul.f32 v61, v59  }
0x93: {  	v31 =	vld [tilespmem:s30+$0x54A0];
	[tilespmem:s30+$0x5430] =	vst v19;
	v19 =	vmul.f32 v62, v59  }
0x94: {  	v33 =	vld [tilespmem:s30+$0x54B0];
	v32 =	vperm.xlane v17, v9;
	[tilespmem:s30+$0x5440] =	vst v18;
	v18 =	vmul.f32 v63, v59  }
0x95: {  	v34 =	vld [tilespmem:s30+$0x54C0];
	[tilespmem:s30+$0x5450] =	vst v19;
	v19 =	vmul.f32 v28, v59  }
0x96: {  	v35 =	vld [tilespmem:s30+$0x54D0];
	[tilespmem:s30+$0x5460] =	vst v18;
	v18 =	vmul.f32 v29, v32  }
0x97: {  	v36 =	vld [tilespmem:s30+$0x54E0];
	[tilespmem:s30+$0x5470] =	vst v19;
	v19 =	vmul.f32 v30, v32  }
0x98: {  	v37 =	vld [tilespmem:s30+$0x54F0];
	[tilespmem:s30+$0x5480] =	vst v18;
	v18 =	vmul.f32 v31, v32  }
0x99: {  	v38 =	vld [tilespmem:s30+$0x5500];
	[tilespmem:s30+$0x5490] =	vst v19;
	v19 =	vmul.f32 v33, v32  }
0x9a: {  	v39 =	vld [tilespmem:s30+$0x5510];
	[tilespmem:s30+$0x54A0] =	vst v18;
	v18 =	vmul.f32 v34, v32  }
0x9b: {  	v40 =	vld [tilespmem:s30+$0x5520];
	[tilespmem:s30+$0x54B0] =	vst v19;
	v19 =	vmul.f32 v35, v32  }
0x9c: {  	v42 =	vld [tilespmem:s30+$0x5530];
	v41 =	vperm.xlane v17, v10;
	[tilespmem:s30+$0x54C0] =	vst v18;
	v18 =	vmul.f32 v36, v32  }
0x9d: {  	v43 =	vld [tilespmem:s30+$0x5540];
	[tilespmem:s30+$0x54D0] =	vst v19;
	v19 =	vmul.f32 v37, v32  }
0x9e: {  	v44 =	vld [tilespmem:s30+$0x5550];
	[tilespmem:s30+$0x54E0] =	vst v18;
	v18 =	vmul.f32 v38, v41  }
0x9f: {  	v45 =	vld [tilespmem:s30+$0x5560];
	[tilespmem:s30+$0x54F0] =	vst v19;
	v19 =	vmul.f32 v39, v41  }
0xa0: {  	v46 =	vld [tilespmem:s30+$0x5570];
	[tilespmem:s30+$0x5500] =	vst v18;
	v18 =	vmul.f32 v40, v41  }
0xa1: {  	v47 =	vld [tilespmem:s30+$0x5580];
	[tilespmem:s30+$0x5510] =	vst v19;
	v19 =	vmul.f32 v42, v41  }
0xa2: {  	v48 =	vld [tilespmem:s30+$0x5590];
	[tilespmem:s30+$0x5520] =	vst v18;
	v18 =	vmul.f32 v43, v41  }
0xa3: {  	v49 =	vld [tilespmem:s30+$0x55A0];
	[tilespmem:s30+$0x5530] =	vst v19;
	v19 =	vmul.f32 v44, v41  }
0xa4: {  	v51 =	vld [tilespmem:s30+$0x55B0];
	v50 =	vperm.xlane v17, v11;
	[tilespmem:s30+$0x5540] =	vst v18;
	v18 =	vmul.f32 v45, v41  }
0xa5: {  	v52 =	vld [tilespmem:s30+$0x55C0];
	[tilespmem:s30+$0x5550] =	vst v19;
	v19 =	vmul.f32 v46, v41  }
0xa6: {  	v53 =	vld [tilespmem:s30+$0x55D0];
	[tilespmem:s30+$0x5560] =	vst v18;
	v18 =	vmul.f32 v47, v50  }
0xa7: {  	v54 =	vld [tilespmem:s30+$0x55E0];
	[tilespmem:s30+$0x5570] =	vst v19;
	v19 =	vmul.f32 v48, v50  }
0xa8: {  	v55 =	vld [tilespmem:s30+$0x55F0];
	[tilespmem:s30+$0x5580] =	vst v18;
	v18 =	vmul.f32 v49, v50  }
0xa9: {  	v56 =	vld [tilespmem:s30+$0x5600];
	[tilespmem:s30+$0x5590] =	vst v19;
	v19 =	vmul.f32 v51, v50  }
0xaa: {  	v57 =	vld [tilespmem:s30+$0x5610];
	[tilespmem:s30+$0x55A0] =	vst v18;
	v18 =	vmul.f32 v52, v50  }
0xab: {  	v58 =	vld [tilespmem:s30+$0x5620];
	[tilespmem:s30+$0x55B0] =	vst v19;
	v19 =	vmul.f32 v53, v50  }
0xac: {  	v60 =	vld [tilespmem:s30+$0x5630];
	v59 =	vperm.xlane v17, v12;
	[tilespmem:s30+$0x55C0] =	vst v18;
	v18 =	vmul.f32 v54, v50  }
0xad: {  	v61 =	vld [tilespmem:s30+$0x5640];
	[tilespmem:s30+$0x55D0] =	vst v19;
	v19 =	vmul.f32 v55, v50  }
0xae: {  	v62 =	vld [tilespmem:s30+$0x5650];
	[tilespmem:s30+$0x55E0] =	vst v18;
	v18 =	vmul.f32 v56, v59  }
0xaf: {  	v63 =	vld [tilespmem:s30+$0x5660];
	[tilespmem:s30+$0x55F0] =	vst v19;
	v19 =	vmul.f32 v57, v59  }
0xb0: {  	v28 =	vld [tilespmem:s30+$0x5670];
	[tilespmem:s30+$0x5600] =	vst v18;
	v18 =	vmul.f32 v58, v59  }
0xb1: {  	v29 =	vld [tilespmem:s30+$0x5680];
	[tilespmem:s30+$0x5610] =	vst v19;
	v19 =	vmul.f32 v60, v59  }
0xb2: {  	v30 =	vld [tilespmem:s30+$0x5690];
	[tilespmem:s30+$0x5620] =	vst v18;
	v18 =	vmul.f32 v61, v59  }
0xb3: {  	v31 =	vld [tilespmem:s30+$0x56A0];
	[tilespmem:s30+$0x5630] =	vst v19;
	v19 =	vmul.f32 v62, v59  }
0xb4: {  	v33 =	vld [tilespmem:s30+$0x56B0];
	v32 =	vperm.xlane v17, v13;
	[tilespmem:s30+$0x5640] =	vst v18;
	v18 =	vmul.f32 v63, v59  }
0xb5: {  	v34 =	vld [tilespmem:s30+$0x56C0];
	[tilespmem:s30+$0x5650] =	vst v19;
	v19 =	vmul.f32 v28, v59  }
0xb6: {  	v35 =	vld [tilespmem:s30+$0x56D0];
	[tilespmem:s30+$0x5660] =	vst v18;
	v18 =	vmul.f32 v29, v32  }
0xb7: {  	v36 =	vld [tilespmem:s30+$0x56E0];
	[tilespmem:s30+$0x5670] =	vst v19;
	v19 =	vmul.f32 v30, v32  }
0xb8: {  	v37 =	vld [tilespmem:s30+$0x56F0];
	[tilespmem:s30+$0x5680] =	vst v18;
	v18 =	vmul.f32 v31, v32  }
0xb9: {  	v38 =	vld [tilespmem:s30+$0x5700];
	[tilespmem:s30+$0x5690] =	vst v19;
	v19 =	vmul.f32 v33, v32  }
0xba: {  	v39 =	vld [tilespmem:s30+$0x5710];
	[tilespmem:s30+$0x56A0] =	vst v18;
	v18 =	vmul.f32 v34, v32  }
0xbb: {  	v40 =	vld [tilespmem:s30+$0x5720];
	[tilespmem:s30+$0x56B0] =	vst v19;
	v19 =	vmul.f32 v35, v32  }
0xbc: {  	v42 =	vld [tilespmem:s30+$0x5730];
	v41 =	vperm.xlane v17, v14;
	[tilespmem:s30+$0x56C0] =	vst v18;
	v18 =	vmul.f32 v36, v32  }
0xbd: {  	v43 =	vld [tilespmem:s30+$0x5740];
	[tilespmem:s30+$0x56D0] =	vst v19;
	v19 =	vmul.f32 v37, v32  }
0xbe: {  	v44 =	vld [tilespmem:s30+$0x5750];
	[tilespmem:s30+$0x56E0] =	vst v18;
	v18 =	vmul.f32 v38, v41  }
0xbf: {  	v45 =	vld [tilespmem:s30+$0x5760];
	[tilespmem:s30+$0x56F0] =	vst v19;
	v19 =	vmul.f32 v39, v41  }
0xc0: {  	v46 =	vld [tilespmem:s30+$0x5770];
	[tilespmem:s30+$0x5700] =	vst v18;
	v18 =	vmul.f32 v40, v41  }
0xc1: {  	v47 =	vld [tilespmem:s30+$0x5780];
	[tilespmem:s30+$0x5710] =	vst v19;
	v19 =	vmul.f32 v42, v41  }
0xc2: {  	v48 =	vld [tilespmem:s30+$0x5790];
	[tilespmem:s30+$0x5720] =	vst v18;
	v18 =	vmul.f32 v43, v41  }
0xc3: {  	v49 =	vld [tilespmem:s30+$0x57A0];
	[tilespmem:s30+$0x5730] =	vst v19;
	v19 =	vmul.f32 v44, v41  }
0xc4: {  	v51 =	vld [tilespmem:s30+$0x57B0];
	v50 =	vperm.xlane v17, v15;
	[tilespmem:s30+$0x5740] =	vst v18;
	v18 =	vmul.f32 v45, v41  }
0xc5: {  	v52 =	vld [tilespmem:s30+$0x57C0];
	[tilespmem:s30+$0x5750] =	vst v19;
	v19 =	vmul.f32 v46, v41  }
0xc6: {  	v53 =	vld [tilespmem:s30+$0x57D0];
	[tilespmem:s30+$0x5760] =	vst v18;
	v18 =	vmul.f32 v47, v50  }
0xc7: {  	v54 =	vld [tilespmem:s30+$0x57E0];
	[tilespmem:s30+$0x5770] =	vst v19;
	v19 =	vmul.f32 v48, v50  }
0xc8: {  	v55 =	vld [tilespmem:s30+$0x57F0];
	[tilespmem:s30+$0x5780] =	vst v18;
	v18 =	vmul.f32 v49, v50  }
0xc9: {  	v56 =	vld [tilespmem:s30+$0x5800];
	[tilespmem:s30+$0x5790] =	vst v19;
	v19 =	vmul.f32 v51, v50  }
0xca: {  	v57 =	vld [tilespmem:s30+$0x5810];
	[tilespmem:s30+$0x57A0] =	vst v18;
	v18 =	vmul.f32 v52, v50  }
0xcb: {  	v58 =	vld [tilespmem:s30+$0x5820];
	[tilespmem:s30+$0x57B0] =	vst v19;
	v19 =	vmul.f32 v53, v50  }
0xcc: {  	v17 =	vperm.xlane v17, v16;
	v59 =	vld [tilespmem:s30+$0x5830];
	[tilespmem:s30+$0x57C0] =	vst v18;
	v18 =	vmul.f32 v54, v50  }
0xcd: {  	v60 =	vld [tilespmem:s30+$0x5840];
	[tilespmem:s30+$0x57D0] =	vst v19;
	v19 =	vmul.f32 v55, v50  }
0xce: {  	v61 =	vld [tilespmem:s30+$0x5850];
	[tilespmem:s30+$0x57E0] =	vst v18;
	v18 =	vmul.f32 v56, v17  }
0xcf: {  	v62 =	vld [tilespmem:s30+$0x5860];
	[tilespmem:s30+$0x57F0] =	vst v19;
	v19 =	vmul.f32 v57, v17  }
0xd0: {  	v63 =	vld [tilespmem:s30+$0x5870];
	[tilespmem:s30+$0x5800] =	vst v18;
	v18 =	vmul.f32 v58, v17  }
0xd1: {  	[tilespmem:s30+$0x5810] =	vst v19;
	v19 =	vmul.f32 v59, v17  }
0xd2: {  	p0 =	sne.s32 s29, $0x7;
	[tilespmem:s30+$0x5820] =	vst v18;
	v18 =	vmul.f32 v60, v17  }
.Ltmp1:
0xd3: {  	[tilespmem:s30+$0x5830] =	vst v19;
	v19 =	vmul.f32 v61, v17;
	(pc) =	sbr.rel @p0 .LBB2_5-.Ltmp1, $4  }
0xd4: {  	[tilespmem:s30+$0x5840] =	vst v18;
	v18 =	vmul.f32 v62, v17  }
0xd5: {  	[tilespmem:s30+$0x5850] =	vst v19;
	v17 =	vmul.f32 v63, v17  }
0xd6: {  	[tilespmem:s30+$0x5860] =	vst v18  }
0xd7: {  	s29 =	sadd.s32 $0x1, s29;
	[tilespmem:s30+$0x5870] =	vst v17  }
0xd8: {  	s26 =	sadd.s32 $0x1, s26  }
0xd9: {  	p0 =	sne.s32 s26, $0x4F  }
.Ltmp2:
0xda: {  	s28 =	sadd.s32 $0x2800, s28;
	(pc) =	sbr.rel @p0 .LBB2_4-.Ltmp2, $4  }
0xdb: {  	[spmem:s3] =	stream.indirect.scatter.add.f32 [tilespmem:s18], [sflag:$0x2], $0x80, s28, s20, $0xb8;
	[tilespmem:$0x1D080] =	vst v63  }
0xdc: {  	_ =	swait.ge [sflag:s16], $0x4000  }
0xdd: {  	[sflag:s16] =	ssyncset.done $0x0  }
0xde: {  	[sflag:s16] =	ssyncadd.s32 $0xFFFFC000  }
0xdf: {  	s24 =	sadd.s32 $0x1, s24  }
0xe0: {  	p0 =	sne.s32 s24, s15  }
.Ltmp3:
0xe1: {  	[bflag:$0x0] =	sbarrier.arrive $0xFFFF;
	(pc) =	sbr.rel @p0 .LBB2_1-.Ltmp3, $4  }
0xe2: {  	[hbm:s14], [sflag:s22] =	dma.local [spmem:s23], $0x2800  }
0xe3: {  	_ =	swait.ge [sflag:s16], $0x2800  }
0xe4: {  	[sflag:s16] =	ssyncset.done $0x0  }
0xe5: {  	[sflag:s16] =	ssyncadd.s32 $0xFFFFD800  }
0xe6: {  	_ =	sfence.sel $0x180000  }
0xe7: {  	[bflag:$0x0] =	sbarrier.arrive $0xFFFF  }
0xe8: {  	p0 =	sne.s32 s0, $0x0;
	_ =	strace $0x9000004A  }
0xe9: {  	s0 =	sadd.s32 @!p0 $0x100000, s2;
	[bflag:$0x2] =	sbarrier.arrive $0xFFFF  }
0xea: {  	[sflag:s0] =	ssyncadd.tile.s32 @!p0 $0x1;
	_ =	shalt  }
.Lfunc_end2:
_tile_overlayer_lowered:
.L_overlay_start_2:
0xeb: {  	(tag) =	ssettag $0x2  }
0xec: {  	s0 =	rddreg [dreg:$0x0];
	s2 =	stileid.u32  }
0xed: {  	s1 =	rddreg [dreg:$0x1];
	p0 =	sne.s32 s2, $0x0  }
0xee: {  	s3 =	rddreg [dreg:$0x2];
	[bflag:$0x3] =	sbarrier.arrive $0xFFFF;
	s2 =	simm.s32 @!p0 $0x1C02  }
0xef: {  	[timem:s3], [sflag:s2] =	dma.local @!p0 [hbm:s0], s1  }
0xf0: {  	s0 =	simm.s32 @!p0 $0x2  }
0xf1: {  	_ =	swait.ge @!p0 [sflag:s0], s1  }
0xf2: {  	s1 =	ssub.s32 @!p0 $0x0, s1;
	[sflag:s0] =	ssyncset.done @!p0 $0x0  }
0xf3: {  	[sflag:s0] =	ssyncadd.s32 @!p0 s1  }
0xf4: {  	[bflag:$0x3] =	sbarrier.arrive $0xFFFF  }
0xf5: {  	_ =	shalt  }

// kernel: kernel.14.cloned.1.call-start
scs
__scs_entry_jumppad:
0x0: {  	(pc) =	sbr.rel $0x88, $3  }
0x1: {  	(tag) =	ssettag $0x0;
	lr =	simm.s32 $0x1  }
0x2: {  	[smem:$0x3F96] =	sst lr;
	_ =	strace $0xD0000000  }
0x3: {  	_ = 	snop  }
0x4: {  	_ = 	snop  }
0x5: {  	_ = 	snop  }
0x6: {  	_ = 	snop  }
0x7: {  	_ = 	snop  }
__scs_overlays_trampoline_lowered:
0x8: {  	[smem:$0x3FA5] =	sst s0  }
0x9: {  	[smem:$0x3FA6] =	sst s1  }
0xa: {  	[smem:$0x3FA7] =	sst s2  }
0xb: {  	[smem:$0x3FA8] =	sst s3  }
0xc: {  	[smem:$0x3FA9] =	sst s4  }
0xd: {  	[smem:$0x3FAA] =	sst s5  }
0xe: {  	[smem:$0x3FAB] =	sst s6  }
0xf: {  	[smem:$0x3FAC] =	sst s7  }
0x10: {  	[smem:$0x3FAD] =	sst s8  }
0x11: {  	[smem:$0x3FAE] =	sst s9;
	s0 =	simm.s32 @!p0 $0x0  }
0x12: {  	s1 =	sld [smem:$0x3F94];
	s0 =	simm.s32 @p0 $0x1  }
0x13: {  	[smem:$0x3FAF] =	sst s0;
	s0 =	simm.s32 @!p1 $0x0  }
0x14: {  	s2 =	sld [smem:$0x3F93];
	s0 =	simm.s32 @p1 $0x1  }
0x15: {  	[smem:$0x3FB0] =	sst s0;
	s0 =	simm.s32 @!p2 $0x0  }
0x16: {  	s3 =	sld [smem:$0x3FDB];
	s0 =	simm.s32 @p2 $0x1  }
0x17: {  	s4 =	simm.s32 $0x1BF5;
	[smem:$0x3FB2] =	sst s0  }
0x18: {  	s0 =	sld [smem:$0x3F95];
	_ =	swait.ge [sflag:s4], $0x0  }
0x19: {  	s7 =	sld [smem:$0x3F96]  }
0x1a: {  	s8 =	sadd.s32 $0xFFFFE003, lr  }
0x1b: {  	s9 =	sadd.s32 $0xFFFFFEF7, lr;
	s5 =	simm.s32 $0xFFFFFFFF;
	p2 =	slt.u32 s8, $0xFFFFF086  }
0x1c: {  	p1 =	slt.u32 s9, $0xF7A;
	s5 =	simm.s32 @!p2 $0x0  }
0x1d: {  	s5 =	simm.s32 @p1 $0x1;
	p0 =	seq.s32 s7, s2  }
0x1e: {  	s7 =	smul.u32 @!p0 $0xF7A, s2;
	p2 =	seq.s32 @!p0 s5, $0x0  }
0x1f: {  	s9 =	smul.u32 $0xF7A, s1;
	s8 =	simm.s32 @!p0 $0x1BF5;
	p2 =	por !p2, p0  }
0x20: {  	[sflag:s8] =	ssyncset.s32 @!p0 $0xFFFFF086;
	s6 =	sadd.s32 @!p0 s3, s7;
	s7 =	simm.s32 @!p0 $0x108  }
0x21: {  	s3 =	sadd.s32 s3, s9;
	s6 =	sadd.s32 @!p0 $0x88, s6;
	s7 =	simm.s32 @p2 $0x1082  }
0x22: {  	[simem:s7], [sflag:s8] =	dma.local @!p0 [hbm:s6], $0xF7A  }
0x23: {  	s9 =	sor.u32 $0xD0000000, s2;
	s6 =	simm.s32 $0x108;
	_ =	swait.ge @!p0 [sflag:s8], $0x0  }
0x24: {  	s3 =	sadd.s32 $0x88, s3;
	s6 =	simm.s32 @!p1 $0x1082;
	[sflag:s4] =	ssyncset.s32 $0xFFFFF086  }
0x25: {  	[simem:s6], [sflag:s4] =	dma.local [hbm:s3], $0xF7A  }
0x26: {  	[smem:$0x3F96] =	sst s1;
	(tag) =	ssettag s2;
	_ =	strace s9  }
0x27: {  	s1 =	sld [smem:$0x3FA6]  }
0x28: {  	s2 =	sld [smem:$0x3FA7]  }
0x29: {  	s4 =	sld [smem:$0x3FA9]  }
0x2a: {  	p0 =	seq.s32 s5, $0x0;
	s5 =	sld [smem:$0x3FAA]  }
0x2b: {  	s6 =	sld [smem:$0x3FAB]  }
0x2c: {  	s7 =	sld [smem:$0x3FAC]  }
0x2d: {  	s3 =	simm.s32 $0x108;
	s8 =	sld [smem:$0x3FAD]  }
0x2e: {  	s3 =	simm.s32 @!p0 $0x1082;
	s9 =	sld [smem:$0x3FAE]  }
0x2f: {  	lr =	sadd.s32 s0, s3;
	s0 =	sld [smem:$0x3FA5]  }
0x30: {  	s3 =	sld [smem:$0x3FA8]  }
0x31: {  	[smem:$0x3FB1] =	sst s10  }
0x32: {  	s10 =	sld [smem:$0x3FAF];
	_ =	sdelay $0x3  }
0x33: {  	p0 =	seq.s32 s10, $0x1;
	s10 =	sld [smem:$0x3FB1];
	_ =	sdelay $0x3  }
0x34: {  	[smem:$0x3FB1] =	sst s10  }
0x35: {  	s10 =	sld [smem:$0x3FB0];
	_ =	sdelay $0x3  }
0x36: {  	p1 =	seq.s32 s10, $0x1;
	s10 =	sld [smem:$0x3FB1];
	_ =	sdelay $0x3  }
0x37: {  	[smem:$0x3FB1] =	sst s10  }
0x38: {  	s10 =	sld [smem:$0x3FB2]  }
0x39: {  	_ = 	snop;
	(pc) =	sbr.ind lr, $3  }
0x3a: {  	_ = 	snop  }
0x3b: {  	_ = 	snop  }
0x3c: {  	p2 =	seq.s32 s10, $0x1;
	s10 =	sld [smem:$0x3FB1]  }
0x3d: {  	_ =	shalt  }
0x3e: {  	_ =	shalt  }
0x3f: {  	_ =	shalt  }
0x40: {  	_ =	shalt  }
0x41: {  	_ =	shalt  }
0x42: {  	_ =	shalt  }
0x43: {  	_ =	shalt  }
0x44: {  	_ =	shalt  }
0x45: {  	_ =	shalt  }
0x46: {  	_ =	shalt  }
0x47: {  	_ =	shalt  }
0x48: {  	_ =	shalt  }
0x49: {  	_ =	shalt  }
0x4a: {  	_ =	shalt  }
0x4b: {  	_ =	shalt  }
0x4c: {  	_ =	shalt  }
0x4d: {  	_ =	shalt  }
0x4e: {  	_ =	shalt  }
0x4f: {  	_ =	shalt  }
0x50: {  	_ =	shalt  }
0x51: {  	_ =	shalt  }
0x52: {  	_ =	shalt  }
0x53: {  	_ =	shalt  }
0x54: {  	_ =	shalt  }
0x55: {  	_ =	shalt  }
0x56: {  	_ =	shalt  }
0x57: {  	_ =	shalt  }
0x58: {  	_ =	shalt  }
0x59: {  	_ =	shalt  }
0x5a: {  	_ =	shalt  }
0x5b: {  	_ =	shalt  }
0x5c: {  	_ =	shalt  }
0x5d: {  	_ =	shalt  }
0x5e: {  	_ =	shalt  }
0x5f: {  	_ =	shalt  }
0x60: {  	_ =	shalt  }
0x61: {  	_ =	shalt  }
0x62: {  	_ =	shalt  }
0x63: {  	_ =	shalt  }
0x64: {  	_ =	shalt  }
0x65: {  	_ =	shalt  }
0x66: {  	_ =	shalt  }
0x67: {  	_ =	shalt  }
0x68: {  	_ =	shalt  }
0x69: {  	_ =	shalt  }
0x6a: {  	_ =	shalt  }
0x6b: {  	_ =	shalt  }
0x6c: {  	_ =	shalt  }
0x6d: {  	_ =	shalt  }
0x6e: {  	_ =	shalt  }
0x6f: {  	_ =	shalt  }
0x70: {  	_ =	shalt  }
0x71: {  	_ =	shalt  }
0x72: {  	_ =	shalt  }
0x73: {  	_ =	shalt  }
0x74: {  	_ =	shalt  }
0x75: {  	_ =	shalt  }
0x76: {  	_ =	shalt  }
0x77: {  	_ =	shalt  }
0x78: {  	_ =	shalt  }
0x79: {  	_ =	shalt  }
0x7a: {  	_ =	shalt  }
0x7b: {  	_ =	shalt  }
0x7c: {  	_ =	shalt  }
0x7d: {  	_ =	shalt  }
0x7e: {  	_ =	shalt  }
0x7f: {  	_ =	shalt  }
0x80: {  	_ =	shalt  }
0x81: {  	_ =	shalt  }
0x82: {  	_ =	shalt  }
0x83: {  	_ =	shalt  }
0x84: {  	_ =	shalt  }
0x85: {  	_ =	shalt  }
0x86: {  	_ =	shalt  }
0x87: {  	_ =	shalt  }
.Lfunc_end0:
.L_simem_size_0:
called_computation.2_lowered:
.L_overlay_start_0:
0x88: {  	s2 =	sld [smem:$0x3FD9]  }
0x89: {  	s3 =	sld [smem:$0x3FFE];
	_ =	sdelay $0x1  }
0x8a: {  	s1 =	srdreg.scid  }
0x8b: {  	s0 =	sand.u32 $0x1, s1  }
0x8c: {  	s17 =	sshll.u32 s0, $0xA;
	s2 =	sadd.s32 s3, s2  }
0x8d: {  	s2 =	sadd.s32 s2, s17  }
0x8e: {  	[smem:$0x3FBD] =	sst s2  }
0x8f: {  	_ = 	snop  }
0x90: {  	s2 =	sld [smem:$0x3FD0];
	(tm) =	ssettm $0x1  }
0x91: {  	s18 =	sld [smem:$0x3FFB];
	_ =	sdelay $0x3  }
0x92: {  	_ =	strace s18  }
0x93: {  	s3 =	sld [smem:$0x3FFC];
	_ =	sdelay $0x3  }
0x94: {  	_ =	strace s3  }
0x95: {  	s3 =	sld [smem:$0x3FFD];
	_ =	sdelay $0x3  }
0x96: {  	_ =	strace s3  }
0x97: {  	_ =	strace $0x8FFFFFFF  }
0x98: {  	s19 =	sld [smem:$0x3FDB];
	_ =	sdelay $0x1  }
0x99: {  	s4 =	simm.s32 $_scs_section_size  }
0x9a: {  	s5 =	simm.s32 $_size__tile_overlayer_lowered;
	s6 =	simm.s32 $_tile_overlayer_lowered  }
0x9b: {  	s22 =	simm.s32 $0x1BFF;
	s21 =	sshll.u32 s6, $0x1;
	s3 =	sadd.s32 s4, s19  }
0x9c: {  	s7 =	simm.s32 $0x0;
	s20 =	sshll.u32 s5, $0x1;
	s5 =	sadd.s32 s21, s3  }
0x9d: {  	[timem:s7], [sflag:s22] =	dma.local [hbm:s5], s20  }
0x9e: {  	_ =	swait.ge [sflag:s22], s20  }
0x9f: {  	s4 =	ssub.s32 $0x0, s20;
	[sflag:s22] =	ssyncset.done $0x0  }
0xa0: {  	[sflag:s22] =	ssyncadd.s32 s4;
	_ =	sdelay $0x1  }
0xa1: {  	s23 =	simm.s32 $0x1B8B  }
0xa2: {  	_ =	swait.ge [sflag:s23], $0x1  }
0xa3: {  	[sflag:s23] =	ssyncset.done $0x0  }
0xa4: {  	s25 =	simm.s32 $0x1B8E;
	s24 =	sld [smem:$0x3FFE];
	[sflag:s23] =	ssyncadd.s32 $0xFFFFFFFF  }
0xa5: {  	s26 =	simm.s32 $execute0_lowered;
	[smem:$0x3FD2] =	sst s25  }
0xa6: {  	s5 =	sshll.u32 s26, $0x1;
	_ =	strace $0x8000004C;
	[dreg:$0x1] =	wrdreg $0xFFFFFFFF  }
0xa7: {  	s28 =	simm.s32 $_size_execute0_lowered;
	s3 =	sadd.s32 s3, s5;
	[dreg:$0x0] =	wrdreg $0x0  }
0xa8: {  	s5 =	sshll.u32 s28, $0x1;
	[dreg:$0x2] =	wrdreg s3  }
0xa9: {  	[dreg:$0x3] =	wrdreg s5  }
0xaa: {  	[dreg:$0x4] =	wrdreg $0xC0  }
0xab: {  	_ =	task [dreg:s7], $0x5FFFF  }
0xac: {  	[dreg:$0x1] =	wrdreg $0xFFFFFFFF  }
0xad: {  	[dreg:$0x0] =	wrdreg $0x60  }
0xae: {  	[dreg:$0x2] =	wrdreg s2  }
0xaf: {  	[dreg:$0x3] =	wrdreg s24  }
0xb0: {  	[dreg:$0x4] =	wrdreg $0x90800  }
0xb1: {  	[dreg:$0x5] =	wrdreg $0x9  }
0xb2: {  	_ =	task.clear_ibuf [dreg:s7], $0x6FFFF;
	_ =	strace $0x9000004C  }
0xb3: {  	s29 =	simm.s32 $0x9;
	_ =	strace $0x8000004E  }
0xb4: {  	_ =	swait.ge [sflag:s29], $0x1  }
0xb5: {  	[sflag:s29] =	ssyncadd.s32 $0xFFFFFFFF  }
0xb6: {  	_ =	strace $0x9000004E  }
0xb7: {  	_ =	sfence  }
0xb8: {  	s30 =	sld [smem:$0x0];
	_ =	sdelay $0x2  }
0xb9: {  	s31 =	sshll.u32 s1, $0xD;
	s1 =	sshrl.u32 s1, $0x2  }
0xba: {  	s3 =	sand.u32 $0x4000, s31;
	s1 =	sadd.s32 s1, s30  }
0xbb: {  	s0 =	sor.u32 s3, s0;
	s1 =	sshll.u32 s1, $0x11  }
0xbc: {  	s0 =	sor.u32 s1, s0  }
0xbd: {  	s0 =	sadd.s32 $0x8F2B, s0  }
0xbe: {  	[sflag:s0] =	ssyncadd.remote.s32 $0x1  }
0xbf: {  	_ =	sfence.sel $0xFFFF  }
0xc0: {  	[dreg:$0x0] =	wrdreg $0xFFFFFFFF;
	(pc) =	sbr.abs _section_cstart, $3  }
0xc1: {  	[dreg:$0x1] =	wrdreg $0xFFFFFFFF  }
0xc2: {  	_ =	task.clear_ibuf [dreg:s7], $0x2FFFF;
	_ =	strace $0x9FFFFFFF  }
0xc3: {  	(tm) =	ssettm $0x7FFFFFFF  }
tec
execute0_lowered:
.L_overlay_start_1:
0x0: {  	(tag) =	ssettag $0x1  }
0x1: {  	s1 =	rddreg [dreg:$0x0]  }
0x2: {  	s0 =	srdreg.scid;
	s8 =	rddreg [dreg:$0x1]  }
0x3: {  	s3 =	rddreg [dreg:$0x2];
	s5 =	simm.s32 $0x0;
	s16 =	simm.s32 $0x2  }
0x4: {  	s17 =	simm.s32 $0x2800;
	s18 =	simm.s32 $0x5080;
	s19 =	simm.s32 $0x5000  }
0x5: {  	s20 =	simm.s32 $0x80;
	s21 =	simm.s32 $0x1;
	s7 =	sand.u32 $0x1, s0  }
0x6: {  	s24 =	simm.s32 $0x0;
	s0 =	stileid.u32;
	s9 =	smul.u32 $0x140000, s7  }
0x7: {  	[smem:$0x7FF] =	sst s5;
	s2 =	sshll.u32 s7, $0x4;
	s10 =	smul.u32 $0x14000, s0  }
0x8: {  	s12 =	smul.u32 $0x50000, s0;
	s7 =	ssub.s32 $0x2, s7;
	s22 =	sshll.u32 s0, $0x6  }
0x9: {  	s2 =	sor.u32 s0, s2;
	s31 =	sshrl.u32 s7, $0x1;
	s22 =	sor.u32 $0x1C02, s22  }
0xa: {  	s4 =	smul.u32 $0x2800, s2;
	s2 =	rddreg [dreg:$0x3];
	_ =	strace $0x8000004D  }
0xb: {  	v0 =	vimm.f32 $0.0e+00;
	v1 =	vimm.s32 $0x0;
	s9 =	sadd.s32 s10, s9;
	s12 =	sshrl.u32 s12, $0x2;
	s15 =	ssub.s32 s7, s31  }
0xc: {  	v2 =	vimm.s32 $0x1;
	v3 =	vimm.s32 $0x2;
	v4 =	vimm.s32 $0x3;
	s9 =	sshrl.u32 s9, $0x3;
	s7 =	sadd.s32 s12, s3;
	s15 =	smax.u32 s15, $0x1  }
0xd: {  	v5 =	vimm.s32 $0x4;
	v6 =	vimm.s32 $0x5;
	v7 =	vimm.s32 $0x6;
	s6 =	sshrl.u32 s4, $0x3;
	s14 =	sadd.s32 s9, s8;
	s10 =	sadd.s32 $0x4000, s7  }
0xe: {  	v8 =	vimm.s32 $0x7;
	v9 =	vimm.s32 $0x8;
	v10 =	vimm.s32 $0x9;
	s12 =	sadd.s32 $0xC000, s7;
	s13 =	sadd.s32 $0x10000, s7;
	s23 =	sshrl.u32 s7, $0x3  }
0xf: {  	v11 =	vimm.s32 $0xA;
	v12 =	vimm.s32 $0xB;
	v13 =	vimm.s32 $0xC;
	s11 =	sadd.s32 s6, s8;
	s6 =	sadd.s32 $0x3800, s8;
	s14 =	sadd.s32 $0x21800, s14  }
0x10: {  	v14 =	vimm.s32 $0xD;
	v15 =	vimm.s32 $0xE;
	v16 =	vimm.s32 $0xF;
	s8 =	sadd.s32 $0xD800, s11;
	s9 =	sadd.s32 $0x17800, s11;
	s11 =	sadd.s32 $0x8000, s7  }
.LBB2_1:
0x11: {  	[tilespmem:s5], [sflag:$0x2] =	stream.linear.gather [hbm4b:s8+s5], $0x2780, $0x38;
	[tilespmem:$0x1D080] =	vst v63  }
0x12: {  	_ =	swait.ge [sflag:s16], $0x2780  }
0x13: {  	[sflag:s16] =	ssyncset.done $0x0  }
0x14: {  	[sflag:s16] =	ssyncadd.s32 $0xFFFFD880  }
0x15: {  	[tilespmem:s17], [sflag:$0x2] =	stream.linear.gather [hbm4b:s9+s5], $0x2780, $0x38;
	[tilespmem:$0x1D080] =	vst v63  }
0x16: {  	_ =	swait.ge [sflag:s16], $0x2780  }
0x17: {  	[sflag:s16] =	ssyncset.done $0x0  }
0x18: {  	s25 =	simm.s32 $0x0;
	s26 =	simm.s32 $0x200;
	[sflag:s16] =	ssyncadd.s32 $0xFFFFD880  }
.LBB2_2:
0x19: {  	p0 =	sne.s32 s26, $0xFE00;
	[tilespmem:s25+$0x50F0] =	vst v0  }
0x1a: {  	[tilespmem:s25+$0x5080] =	vst v0  }
0x1b: {  	[tilespmem:s25+$0x5090] =	vst v0  }
.Ltmp0:
0x1c: {  	[tilespmem:s25+$0x50A0] =	vst v0;
	(pc) =	sbr.rel @p0 .LBB2_2-.Ltmp0, $4  }
0x1d: {  	[tilespmem:s25+$0x50B0] =	vst v0  }
0x1e: {  	[tilespmem:s25+$0x50C0] =	vst v0  }
0x1f: {  	[tilespmem:s25+$0x50D0] =	vst v0  }
0x20: {  	[tilespmem:s25+$0x50E0] =	vst v0;
	s25 =	sshra.s32 s26, $0x2;
	s26 =	sadd.s32 $0x200, s26  }
0x21: {  	[tilespmem:s25+$0x50F0] =	vst v0  }
0x22: {  	[tilespmem:s25+$0x5080] =	vst v0  }
0x23: {  	[tilespmem:s25+$0x5090] =	vst v0  }
0x24: {  	[tilespmem:s25+$0x50A0] =	vst v0  }
0x25: {  	[tilespmem:s25+$0x50B0] =	vst v0  }
0x26: {  	[tilespmem:s25+$0x50C0] =	vst v0  }
0x27: {  	[tilespmem:s25+$0x50D0] =	vst v0  }
0x28: {  	[tilespmem:s25+$0x50E0] =	vst v0  }
0x29: {  	[spmem:s7] =	stream.linear.scatter [tilespmem:s18], [sflag:$0x2], $0x4000, $0x38;
	[tilespmem:$0x1D080] =	vst v63  }
0x2a: {  	_ =	swait.ge [sflag:s16], $0x4000  }
0x2b: {  	[sflag:s16] =	ssyncset.done $0x0  }
0x2c: {  	[sflag:s16] =	ssyncadd.s32 $0xFFFFC000  }
0x2d: {  	[spmem:s10] =	stream.linear.scatter [tilespmem:s18], [sflag:$0x2], $0x4000, $0x38;
	[tilespmem:$0x1D080] =	vst v63  }
0x2e: {  	_ =	swait.ge [sflag:s16], $0x4000  }
0x2f: {  	[sflag:s16] =	ssyncset.done $0x0  }
0x30: {  	[sflag:s16] =	ssyncadd.s32 $0xFFFFC000  }
0x31: {  	[spmem:s11] =	stream.linear.scatter [tilespmem:s18], [sflag:$0x2], $0x4000, $0x38;
	[tilespmem:$0x1D080] =	vst v63  }
0x32: {  	_ =	swait.ge [sflag:s16], $0x4000  }
0x33: {  	[sflag:s16] =	ssyncset.done $0x0  }
0x34: {  	[sflag:s16] =	ssyncadd.s32 $0xFFFFC000  }
0x35: {  	[spmem:s12] =	stream.linear.scatter [tilespmem:s18], [sflag:$0x2], $0x4000, $0x38;
	[tilespmem:$0x1D080] =	vst v63  }
0x36: {  	_ =	swait.ge [sflag:s16], $0x4000  }
0x37: {  	[sflag:s16] =	ssyncset.done $0x0  }
0x38: {  	[sflag:s16] =	ssyncadd.s32 $0xFFFFC000  }
0x39: {  	[spmem:s13] =	stream.linear.scatter [tilespmem:s18], [sflag:$0x2], $0x4000, $0x38;
	[tilespmem:$0x1D080] =	vst v63  }
0x3a: {  	_ =	swait.ge [sflag:s16], $0x4000  }
0x3b: {  	[sflag:s16] =	ssyncset.done $0x0  }
0x3c: {  	[sflag:s16] =	ssyncadd.s32 $0xFFFFC000  }
0x3d: {  	s25 =	simm.s32 $0x0;
	s26 =	simm.s32 $0x0;
	[bflag:$0x0] =	sbarrier.arrive $0xFFFF  }
.LBB2_4:
0x3e: {  	s28 =	sshll.u32 s26, $0x7  }
0x3f: {  	s29 =	sand.u32 $0x3C00, s28  }
0x40: {  	s30 =	sand.u32 $0x380, s28;
	s29 =	sadd.s32 s4, s29  }
0x41: {  	s29 =	sor.u32 s30, s29  }
0x42: {  	s29 =	sshrl.u32 s29, $0x3  }
0x43: {  	s29 =	sadd.s32 s6, s29  }
0x44: {  	[tilespmem:s19], [sflag:$0x1] =	stream.linear.gather [hbm4b:s29+s25], $0x80, $0x38;
	[tilespmem:$0x1D080] =	vst v63  }
0x45: {  	_ = 	snop  }
0x46: {  	[tilespmem:s18], [sflag:$0x2] =	stream.indirect.gather [hbm4b:s1+s20], $0x80, s28, s20, $0xb8;
	[tilespmem:$0x1D080] =	vst v63  }
0x47: {  	_ =	swait.ge [sflag:s16], $0x4000  }
0x48: {  	[sflag:s16] =	ssyncset.done $0x0  }
0x49: {  	[sflag:s16] =	ssyncadd.s32 $0xFFFFC000  }
0x4a: {  	_ =	swait.ge [sflag:s21], $0x80  }
0x4b: {  	[sflag:s21] =	ssyncset.done $0x0  }
0x4c: {  	s29 =	simm.s32 $0x0;
	[sflag:s21] =	ssyncadd.s32 $0xFFFFFF80  }
.LBB2_5:
0x4d: {  	s30 =	sshll.u32 s29, $0x4  }
0x4e: {  	s30 =	sand.u32 $0x3FFFFFF0, s30  }
0x4f: {  	s31 =	sshll.u32 s29, $0xB;
	v17 =	vld [tilespmem:s30+$0x5000]  }
0x50: {  	s30 =	sand.u32 $0x3FFFF800, s31  }
0x51: {  	v18 =	vld [tilespmem:s30+$0x5080]  }
0x52: {  	v19 =	vld [tilespmem:s30+$0x5090]  }
0x53: {  	v20 =	vld [tilespmem:s30+$0x50A0]  }
0x54: {  	v22 =	vld [tilespmem:s30+$0x50B0];
	v21 =	vperm.xlane v17, v1  }
0x55: {  	v23 =	vld [tilespmem:s30+$0x50C0]  }
0x56: {  	v24 =	vld [tilespmem:s30+$0x50D0];
	v18 =	vmul.f32 v18, v21  }
0x57: {  	v25 =	vld [tilespmem:s30+$0x50E0];
	v19 =	vmul.f32 v19, v21  }
0x58: {  	v38 =	vld [tilespmem:s30+$0x50F0];
	[tilespmem:s30+$0x5080] =	vst v18;
	v18 =	vmul.f32 v20, v21  }
0x59: {  	v39 =	vld [tilespmem:s30+$0x5100];
	[tilespmem:s30+$0x5090] =	vst v19;
	v19 =	vmul.f32 v22, v21  }
0x5a: {  	v40 =	vld [tilespmem:s30+$0x5110];
	[tilespmem:s30+$0x50A0] =	vst v18;
	v18 =	vmul.f32 v23, v21  }
0x5b: {  	v41 =	vld [tilespmem:s30+$0x5120];
	[tilespmem:s30+$0x50B0] =	vst v19;
	v19 =	vmul.f32 v24, v21  }
0x5c: {  	v26 =	vld [tilespmem:s30+$0x5130];
	v42 =	vperm.xlane v17, v2;
	[tilespmem:s30+$0x50C0] =	vst v18;
	v18 =	vmul.f32 v25, v21  }
0x5d: {  	v43 =	vld [tilespmem:s30+$0x5140];
	[tilespmem:s30+$0x50D0] =	vst v19;
	v19 =	vmul.f32 v38, v21  }
0x5e: {  	v44 =	vld [tilespmem:s30+$0x5150];
	[tilespmem:s30+$0x50E0] =	vst v18;
	v18 =	vmul.f32 v39, v42  }
0x5f: {  	v45 =	vld [tilespmem:s30+$0x5160];
	[tilespmem:s30+$0x50F0] =	vst v19;
	v19 =	vmul.f32 v40, v42  }
0x60: {  	v46 =	vld [tilespmem:s30+$0x5170];
	[tilespmem:s30+$0x5100] =	vst v18;
	v18 =	vmul.f32 v41, v42  }
0x61: {  	v47 =	vld [tilespmem:s30+$0x5180];
	[tilespmem:s30+$0x5110] =	vst v19;
	v19 =	vmul.f32 v26, v42  }
0x62: {  	v48 =	vld [tilespmem:s30+$0x5190];
	[tilespmem:s30+$0x5120] =	vst v18;
	v18 =	vmul.f32 v43, v42  }
0x63: {  	v49 =	vld [tilespmem:s30+$0x51A0];
	[tilespmem:s30+$0x5130] =	vst v19;
	v19 =	vmul.f32 v44, v42  }
0x64: {  	v51 =	vld [tilespmem:s30+$0x51B0];
	v50 =	vperm.xlane v17, v3;
	[tilespmem:s30+$0x5140] =	vst v18;
	v18 =	vmul.f32 v45, v42  }
0x65: {  	v52 =	vld [tilespmem:s30+$0x51C0];
	[tilespmem:s30+$0x5150] =	vst v19;
	v19 =	vmul.f32 v46, v42  }
0x66: {  	v53 =	vld [tilespmem:s30+$0x51D0];
	[tilespmem:s30+$0x5160] =	vst v18;
	v18 =	vmul.f32 v47, v50  }
0x67: {  	v54 =	vld [tilespmem:s30+$0x51E0];
	[tilespmem:s30+$0x5170] =	vst v19;
	v19 =	vmul.f32 v48, v50  }
0x68: {  	v55 =	vld [tilespmem:s30+$0x51F0];
	[tilespmem:s30+$0x5180] =	vst v18;
	v18 =	vmul.f32 v49, v50  }
0x69: {  	v56 =	vld [tilespmem:s30+$0x5200];
	[tilespmem:s30+$0x5190] =	vst v19;
	v19 =	vmul.f32 v51, v50  }
0x6a: {  	v57 =	vld [tilespmem:s30+$0x5210];
	[tilespmem:s30+$0x51A0] =	vst v18;
	v18 =	vmul.f32 v52, v50  }
0x6b: {  	v58 =	vld [tilespmem:s30+$0x5220];
	[tilespmem:s30+$0x51B0] =	vst v19;
	v19 =	vmul.f32 v53, v50  }
0x6c: {  	v60 =	vld [tilespmem:s30+$0x5230];
	v59 =	vperm.xlane v17, v4;
	[tilespmem:s30+$0x51C0] =	vst v18;
	v18 =	vmul.f32 v54, v50  }
0x6d: {  	v61 =	vld [tilespmem:s30+$0x5240];
	[tilespmem:s30+$0x51D0] =	vst v19;
	v19 =	vmul.f32 v55, v50  }
0x6e: {  	v62 =	vld [tilespmem:s30+$0x5250];
	[tilespmem:s30+$0x51E0] =	vst v18;
	v18 =	vmul.f32 v56, v59  }
0x6f: {  	v63 =	vld [tilespmem:s30+$0x5260];
	[tilespmem:s30+$0x51F0] =	vst v19;
	v19 =	vmul.f32 v57, v59  }
0x70: {  	v28 =	vld [tilespmem:s30+$0x5270];
	[tilespmem:s30+$0x5200] =	vst v18;
	v18 =	vmul.f32 v58, v59  }
0x71: {  	v29 =	vld [tilespmem:s30+$0x5280];
	[tilespmem:s30+$0x5210] =	vst v19;
	v19 =	vmul.f32 v60, v59  }
0x72: {  	v30 =	vld [tilespmem:s30+$0x5290];
	[tilespmem:s30+$0x5220] =	vst v18;
	v18 =	vmul.f32 v61, v59  }
0x73: {  	v31 =	vld [tilespmem:s30+$0x52A0];
	[tilespmem:s30+$0x5230] =	vst v19;
	v19 =	vmul.f32 v62, v59  }
0x74: {  	v33 =	vld [tilespmem:s30+$0x52B0];
	v32 =	vperm.xlane v17, v5;
	[tilespmem:s30+$0x5240] =	vst v18;
	v18 =	vmul.f32 v63, v59  }
0x75: {  	v34 =	vld [tilespmem:s30+$0x52C0];
	[tilespmem:s30+$0x5250] =	vst v19;
	v19 =	vmul.f32 v28, v59  }
0x76: {  	v35 =	vld [tilespmem:s30+$0x52D0];
	[tilespmem:s30+$0x5260] =	vst v18;
	v18 =	vmul.f32 v29, v32  }
0x77: {  	v36 =	vld [tilespmem:s30+$0x52E0];
	[tilespmem:s30+$0x5270] =	vst v19;
	v19 =	vmul.f32 v30, v32  }
0x78: {  	v37 =	vld [tilespmem:s30+$0x52F0];
	[tilespmem:s30+$0x5280] =	vst v18;
	v18 =	vmul.f32 v31, v32  }
0x79: {  	v38 =	vld [tilespmem:s30+$0x5300];
	[tilespmem:s30+$0x5290] =	vst v19;
	v19 =	vmul.f32 v33, v32  }
0x7a: {  	v39 =	vld [tilespmem:s30+$0x5310];
	[tilespmem:s30+$0x52A0] =	vst v18;
	v18 =	vmul.f32 v34, v32  }
0x7b: {  	v40 =	vld [tilespmem:s30+$0x5320];
	[tilespmem:s30+$0x52B0] =	vst v19;
	v19 =	vmul.f32 v35, v32  }
0x7c: {  	v41 =	vperm.xlane v17, v6;
	v42 =	vld [tilespmem:s30+$0x5330];
	[tilespmem:s30+$0x52C0] =	vst v18;
	v18 =	vmul.f32 v36, v32  }
0x7d: {  	v43 =	vld [tilespmem:s30+$0x5340];
	[tilespmem:s30+$0x52D0] =	vst v19;
	v19 =	vmul.f32 v37, v32  }
0x7e: {  	v44 =	vld [tilespmem:s30+$0x5350];
	[tilespmem:s30+$0x52E0] =	vst v18;
	v18 =	vmul.f32 v38, v41  }
0x7f: {  	v45 =	vld [tilespmem:s30+$0x5360];
	[tilespmem:s30+$0x52F0] =	vst v19;
	v19 =	vmul.f32 v39, v41  }
0x80: {  	v46 =	vld [tilespmem:s30+$0x5370];
	[tilespmem:s30+$0x5300] =	vst v18;
	v18 =	vmul.f32 v40, v41  }
0x81: {  	v47 =	vld [tilespmem:s30+$0x5380];
	[tilespmem:s30+$0x5310] =	vst v19;
	v19 =	vmul.f32 v42, v41  }
0x82: {  	v48 =	vld [tilespmem:s30+$0x5390];
	[tilespmem:s30+$0x5320] =	vst v18;
	v18 =	vmul.f32 v43, v41  }
0x83: {  	v49 =	vld [tilespmem:s30+$0x53A0];
	[tilespmem:s30+$0x5330] =	vst v19;
	v19 =	vmul.f32 v44, v41  }
0x84: {  	v51 =	vld [tilespmem:s30+$0x53B0];
	v50 =	vperm.xlane v17, v7;
	[tilespmem:s30+$0x5340] =	vst v18;
	v18 =	vmul.f32 v45, v41  }
0x85: {  	v52 =	vld [tilespmem:s30+$0x53C0];
	[tilespmem:s30+$0x5350] =	vst v19;
	v19 =	vmul.f32 v46, v41  }
0x86: {  	v53 =	vld [tilespmem:s30+$0x53D0];
	[tilespmem:s30+$0x5360] =	vst v18;
	v18 =	vmul.f32 v47, v50  }
0x87: {  	v54 =	vld [tilespmem:s30+$0x53E0];
	[tilespmem:s30+$0x5370] =	vst v19;
	v19 =	vmul.f32 v48, v50  }
0x88: {  	v55 =	vld [tilespmem:s30+$0x53F0];
	[tilespmem:s30+$0x5380] =	vst v18;
	v18 =	vmul.f32 v49, v50  }
0x89: {  	v56 =	vld [tilespmem:s30+$0x5400];
	[tilespmem:s30+$0x5390] =	vst v19;
	v19 =	vmul.f32 v51, v50  }
0x8a: {  	v57 =	vld [tilespmem:s30+$0x5410];
	[tilespmem:s30+$0x53A0] =	vst v18;
	v18 =	vmul.f32 v52, v50  }
0x8b: {  	v58 =	vld [tilespmem:s30+$0x5420];
	[tilespmem:s30+$0x53B0] =	vst v19;
	v19 =	vmul.f32 v53, v50  }
0x8c: {  	v60 =	vld [tilespmem:s30+$0x5430];
	v59 =	vperm.xlane v17, v8;
	[tilespmem:s30+$0x53C0] =	vst v18;
	v18 =	vmul.f32 v54, v50  }
0x8d: {  	v61 =	vld [tilespmem:s30+$0x5440];
	[tilespmem:s30+$0x53D0] =	vst v19;
	v19 =	vmul.f32 v55, v50  }
0x8e: {  	v62 =	vld [tilespmem:s30+$0x5450];
	[tilespmem:s30+$0x53E0] =	vst v18;
	v18 =	vmul.f32 v56, v59  }
0x8f: {  	v63 =	vld [tilespmem:s30+$0x5460];
	[tilespmem:s30+$0x53F0] =	vst v19;
	v19 =	vmul.f32 v57, v59  }
0x90: {  	v28 =	vld [tilespmem:s30+$0x5470];
	[tilespmem:s30+$0x5400] =	vst v18;
	v18 =	vmul.f32 v58, v59  }
0x91: {  	v29 =	vld [tilespmem:s30+$0x5480];
	[tilespmem:s30+$0x5410] =	vst v19;
	v19 =	vmul.f32 v60, v59  }
0x92: {  	v30 =	vld [tilespmem:s30+$0x5490];
	[tilespmem:s30+$0x5420] =	vst v18;
	v18 =	vmul.f32 v61, v59  }
0x93: {  	v31 =	vld [tilespmem:s30+$0x54A0];
	[tilespmem:s30+$0x5430] =	vst v19;
	v19 =	vmul.f32 v62, v59  }
0x94: {  	v33 =	vld [tilespmem:s30+$0x54B0];
	v32 =	vperm.xlane v17, v9;
	[tilespmem:s30+$0x5440] =	vst v18;
	v18 =	vmul.f32 v63, v59  }
0x95: {  	v34 =	vld [tilespmem:s30+$0x54C0];
	[tilespmem:s30+$0x5450] =	vst v19;
	v19 =	vmul.f32 v28, v59  }
0x96: {  	v35 =	vld [tilespmem:s30+$0x54D0];
	[tilespmem:s30+$0x5460] =	vst v18;
	v18 =	vmul.f32 v29, v32  }
0x97: {  	v36 =	vld [tilespmem:s30+$0x54E0];
	[tilespmem:s30+$0x5470] =	vst v19;
	v19 =	vmul.f32 v30, v32  }
0x98: {  	v37 =	vld [tilespmem:s30+$0x54F0];
	[tilespmem:s30+$0x5480] =	vst v18;
	v18 =	vmul.f32 v31, v32  }
0x99: {  	v38 =	vld [tilespmem:s30+$0x5500];
	[tilespmem:s30+$0x5490] =	vst v19;
	v19 =	vmul.f32 v33, v32  }
0x9a: {  	v39 =	vld [tilespmem:s30+$0x5510];
	[tilespmem:s30+$0x54A0] =	vst v18;
	v18 =	vmul.f32 v34, v32  }
0x9b: {  	v40 =	vld [tilespmem:s30+$0x5520];
	[tilespmem:s30+$0x54B0] =	vst v19;
	v19 =	vmul.f32 v35, v32  }
0x9c: {  	v42 =	vld [tilespmem:s30+$0x5530];
	v41 =	vperm.xlane v17, v10;
	[tilespmem:s30+$0x54C0] =	vst v18;
	v18 =	vmul.f32 v36, v32  }
0x9d: {  	v43 =	vld [tilespmem:s30+$0x5540];
	[tilespmem:s30+$0x54D0] =	vst v19;
	v19 =	vmul.f32 v37, v32  }
0x9e: {  	v44 =	vld [tilespmem:s30+$0x5550];
	[tilespmem:s30+$0x54E0] =	vst v18;
	v18 =	vmul.f32 v38, v41  }
0x9f: {  	v45 =	vld [tilespmem:s30+$0x5560];
	[tilespmem:s30+$0x54F0] =	vst v19;
	v19 =	vmul.f32 v39, v41  }
0xa0: {  	v46 =	vld [tilespmem:s30+$0x5570];
	[tilespmem:s30+$0x5500] =	vst v18;
	v18 =	vmul.f32 v40, v41  }
0xa1: {  	v47 =	vld [tilespmem:s30+$0x5580];
	[tilespmem:s30+$0x5510] =	vst v19;
	v19 =	vmul.f32 v42, v41  }
0xa2: {  	v48 =	vld [tilespmem:s30+$0x5590];
	[tilespmem:s30+$0x5520] =	vst v18;
	v18 =	vmul.f32 v43, v41  }
0xa3: {  	v49 =	vld [tilespmem:s30+$0x55A0];
	[tilespmem:s30+$0x5530] =	vst v19;
	v19 =	vmul.f32 v44, v41  }
0xa4: {  	v51 =	vld [tilespmem:s30+$0x55B0];
	v50 =	vperm.xlane v17, v11;
	[tilespmem:s30+$0x5540] =	vst v18;
	v18 =	vmul.f32 v45, v41  }
0xa5: {  	v52 =	vld [tilespmem:s30+$0x55C0];
	[tilespmem:s30+$0x5550] =	vst v19;
	v19 =	vmul.f32 v46, v41  }
0xa6: {  	v53 =	vld [tilespmem:s30+$0x55D0];
	[tilespmem:s30+$0x5560] =	vst v18;
	v18 =	vmul.f32 v47, v50  }
0xa7: {  	v54 =	vld [tilespmem:s30+$0x55E0];
	[tilespmem:s30+$0x5570] =	vst v19;
	v19 =	vmul.f32 v48, v50  }
0xa8: {  	v55 =	vld [tilespmem:s30+$0x55F0];
	[tilespmem:s30+$0x5580] =	vst v18;
	v18 =	vmul.f32 v49, v50  }
0xa9: {  	v56 =	vld [tilespmem:s30+$0x5600];
	[tilespmem:s30+$0x5590] =	vst v19;
	v19 =	vmul.f32 v51, v50  }
0xaa: {  	v57 =	vld [tilespmem:s30+$0x5610];
	[tilespmem:s30+$0x55A0] =	vst v18;
	v18 =	vmul.f32 v52, v50  }
0xab: {  	v58 =	vld [tilespmem:s30+$0x5620];
	[tilespmem:s30+$0x55B0] =	vst v19;
	v19 =	vmul.f32 v53, v50  }
0xac: {  	v60 =	vld [tilespmem:s30+$0x5630];
	v59 =	vperm.xlane v17, v12;
	[tilespmem:s30+$0x55C0] =	vst v18;
	v18 =	vmul.f32 v54, v50  }
0xad: {  	v61 =	vld [tilespmem:s30+$0x5640];
	[tilespmem:s30+$0x55D0] =	vst v19;
	v19 =	vmul.f32 v55, v50  }
0xae: {  	v62 =	vld [tilespmem:s30+$0x5650];
	[tilespmem:s30+$0x55E0] =	vst v18;
	v18 =	vmul.f32 v56, v59  }
0xaf: {  	v63 =	vld [tilespmem:s30+$0x5660];
	[tilespmem:s30+$0x55F0] =	vst v19;
	v19 =	vmul.f32 v57, v59  }
0xb0: {  	v28 =	vld [tilespmem:s30+$0x5670];
	[tilespmem:s30+$0x5600] =	vst v18;
	v18 =	vmul.f32 v58, v59  }
0xb1: {  	v29 =	vld [tilespmem:s30+$0x5680];
	[tilespmem:s30+$0x5610] =	vst v19;
	v19 =	vmul.f32 v60, v59  }
0xb2: {  	v30 =	vld [tilespmem:s30+$0x5690];
	[tilespmem:s30+$0x5620] =	vst v18;
	v18 =	vmul.f32 v61, v59  }
0xb3: {  	v31 =	vld [tilespmem:s30+$0x56A0];
	[tilespmem:s30+$0x5630] =	vst v19;
	v19 =	vmul.f32 v62, v59  }
0xb4: {  	v33 =	vld [tilespmem:s30+$0x56B0];
	v32 =	vperm.xlane v17, v13;
	[tilespmem:s30+$0x5640] =	vst v18;
	v18 =	vmul.f32 v63, v59  }
0xb5: {  	v34 =	vld [tilespmem:s30+$0x56C0];
	[tilespmem:s30+$0x5650] =	vst v19;
	v19 =	vmul.f32 v28, v59  }
0xb6: {  	v35 =	vld [tilespmem:s30+$0x56D0];
	[tilespmem:s30+$0x5660] =	vst v18;
	v18 =	vmul.f32 v29, v32  }
0xb7: {  	v36 =	vld [tilespmem:s30+$0x56E0];
	[tilespmem:s30+$0x5670] =	vst v19;
	v19 =	vmul.f32 v30, v32  }
0xb8: {  	v37 =	vld [tilespmem:s30+$0x56F0];
	[tilespmem:s30+$0x5680] =	vst v18;
	v18 =	vmul.f32 v31, v32  }
0xb9: {  	v38 =	vld [tilespmem:s30+$0x5700];
	[tilespmem:s30+$0x5690] =	vst v19;
	v19 =	vmul.f32 v33, v32  }
0xba: {  	v39 =	vld [tilespmem:s30+$0x5710];
	[tilespmem:s30+$0x56A0] =	vst v18;
	v18 =	vmul.f32 v34, v32  }
0xbb: {  	v40 =	vld [tilespmem:s30+$0x5720];
	[tilespmem:s30+$0x56B0] =	vst v19;
	v19 =	vmul.f32 v35, v32  }
0xbc: {  	v42 =	vld [tilespmem:s30+$0x5730];
	v41 =	vperm.xlane v17, v14;
	[tilespmem:s30+$0x56C0] =	vst v18;
	v18 =	vmul.f32 v36, v32  }
0xbd: {  	v43 =	vld [tilespmem:s30+$0x5740];
	[tilespmem:s30+$0x56D0] =	vst v19;
	v19 =	vmul.f32 v37, v32  }
0xbe: {  	v44 =	vld [tilespmem:s30+$0x5750];
	[tilespmem:s30+$0x56E0] =	vst v18;
	v18 =	vmul.f32 v38, v41  }
0xbf: {  	v45 =	vld [tilespmem:s30+$0x5760];
	[tilespmem:s30+$0x56F0] =	vst v19;
	v19 =	vmul.f32 v39, v41  }
0xc0: {  	v46 =	vld [tilespmem:s30+$0x5770];
	[tilespmem:s30+$0x5700] =	vst v18;
	v18 =	vmul.f32 v40, v41  }
0xc1: {  	v47 =	vld [tilespmem:s30+$0x5780];
	[tilespmem:s30+$0x5710] =	vst v19;
	v19 =	vmul.f32 v42, v41  }
0xc2: {  	v48 =	vld [tilespmem:s30+$0x5790];
	[tilespmem:s30+$0x5720] =	vst v18;
	v18 =	vmul.f32 v43, v41  }
0xc3: {  	v49 =	vld [tilespmem:s30+$0x57A0];
	[tilespmem:s30+$0x5730] =	vst v19;
	v19 =	vmul.f32 v44, v41  }
0xc4: {  	v51 =	vld [tilespmem:s30+$0x57B0];
	v50 =	vperm.xlane v17, v15;
	[tilespmem:s30+$0x5740] =	vst v18;
	v18 =	vmul.f32 v45, v41  }
0xc5: {  	v52 =	vld [tilespmem:s30+$0x57C0];
	[tilespmem:s30+$0x5750] =	vst v19;
	v19 =	vmul.f32 v46, v41  }
0xc6: {  	v53 =	vld [tilespmem:s30+$0x57D0];
	[tilespmem:s30+$0x5760] =	vst v18;
	v18 =	vmul.f32 v47, v50  }
0xc7: {  	v54 =	vld [tilespmem:s30+$0x57E0];
	[tilespmem:s30+$0x5770] =	vst v19;
	v19 =	vmul.f32 v48, v50  }
0xc8: {  	v55 =	vld [tilespmem:s30+$0x57F0];
	[tilespmem:s30+$0x5780] =	vst v18;
	v18 =	vmul.f32 v49, v50  }
0xc9: {  	v56 =	vld [tilespmem:s30+$0x5800];
	[tilespmem:s30+$0x5790] =	vst v19;
	v19 =	vmul.f32 v51, v50  }
0xca: {  	v57 =	vld [tilespmem:s30+$0x5810];
	[tilespmem:s30+$0x57A0] =	vst v18;
	v18 =	vmul.f32 v52, v50  }
0xcb: {  	v58 =	vld [tilespmem:s30+$0x5820];
	[tilespmem:s30+$0x57B0] =	vst v19;
	v19 =	vmul.f32 v53, v50  }
0xcc: {  	v17 =	vperm.xlane v17, v16;
	v59 =	vld [tilespmem:s30+$0x5830];
	[tilespmem:s30+$0x57C0] =	vst v18;
	v18 =	vmul.f32 v54, v50  }
0xcd: {  	v60 =	vld [tilespmem:s30+$0x5840];
	[tilespmem:s30+$0x57D0] =	vst v19;
	v19 =	vmul.f32 v55, v50  }
0xce: {  	v61 =	vld [tilespmem:s30+$0x5850];
	[tilespmem:s30+$0x57E0] =	vst v18;
	v18 =	vmul.f32 v56, v17  }
0xcf: {  	v62 =	vld [tilespmem:s30+$0x5860];
	[tilespmem:s30+$0x57F0] =	vst v19;
	v19 =	vmul.f32 v57, v17  }
0xd0: {  	v63 =	vld [tilespmem:s30+$0x5870];
	[tilespmem:s30+$0x5800] =	vst v18;
	v18 =	vmul.f32 v58, v17  }
0xd1: {  	[tilespmem:s30+$0x5810] =	vst v19;
	v19 =	vmul.f32 v59, v17  }
0xd2: {  	p0 =	sne.s32 s29, $0x7;
	[tilespmem:s30+$0x5820] =	vst v18;
	v18 =	vmul.f32 v60, v17  }
.Ltmp1:
0xd3: {  	[tilespmem:s30+$0x5830] =	vst v19;
	v19 =	vmul.f32 v61, v17;
	(pc) =	sbr.rel @p0 .LBB2_5-.Ltmp1, $4  }
0xd4: {  	[tilespmem:s30+$0x5840] =	vst v18;
	v18 =	vmul.f32 v62, v17  }
0xd5: {  	[tilespmem:s30+$0x5850] =	vst v19;
	v17 =	vmul.f32 v63, v17  }
0xd6: {  	[tilespmem:s30+$0x5860] =	vst v18  }
0xd7: {  	s29 =	sadd.s32 $0x1, s29;
	[tilespmem:s30+$0x5870] =	vst v17  }
0xd8: {  	s26 =	sadd.s32 $0x1, s26  }
0xd9: {  	p0 =	sne.s32 s26, $0x4F  }
.Ltmp2:
0xda: {  	s28 =	sadd.s32 $0x2800, s28;
	(pc) =	sbr.rel @p0 .LBB2_4-.Ltmp2, $4  }
0xdb: {  	[spmem:s3] =	stream.indirect.scatter.add.f32 [tilespmem:s18], [sflag:$0x2], $0x80, s28, s20, $0xb8;
	[tilespmem:$0x1D080] =	vst v63  }
0xdc: {  	_ =	swait.ge [sflag:s16], $0x4000  }
0xdd: {  	[sflag:s16] =	ssyncset.done $0x0  }
0xde: {  	[sflag:s16] =	ssyncadd.s32 $0xFFFFC000  }
0xdf: {  	s24 =	sadd.s32 $0x1, s24  }
0xe0: {  	p0 =	sne.s32 s24, s15  }
.Ltmp3:
0xe1: {  	[bflag:$0x0] =	sbarrier.arrive $0xFFFF;
	(pc) =	sbr.rel @p0 .LBB2_1-.Ltmp3, $4  }
0xe2: {  	[hbm:s14], [sflag:s22] =	dma.local [spmem:s23], $0x2800  }
0xe3: {  	_ =	swait.ge [sflag:s16], $0x2800  }
0xe4: {  	[sflag:s16] =	ssyncset.done $0x0  }
0xe5: {  	[sflag:s16] =	ssyncadd.s32 $0xFFFFD800  }
0xe6: {  	_ =	sfence.sel $0x180000  }
0xe7: {  	[bflag:$0x0] =	sbarrier.arrive $0xFFFF  }
0xe8: {  	p0 =	sne.s32 s0, $0x0;
	_ =	strace $0x9000004D  }
0xe9: {  	s0 =	sadd.s32 @!p0 $0x100000, s2;
	[bflag:$0x2] =	sbarrier.arrive $0xFFFF  }
0xea: {  	[sflag:s0] =	ssyncadd.tile.s32 @!p0 $0x1;
	_ =	shalt  }
.Lfunc_end2:
_tile_overlayer_lowered:
.L_overlay_start_2:
0xeb: {  	(tag) =	ssettag $0x2  }
0xec: {  	s0 =	rddreg [dreg:$0x0];
	s2 =	stileid.u32  }
0xed: {  	s1 =	rddreg [dreg:$0x1];
	p0 =	sne.s32 s2, $0x0  }
0xee: {  	s3 =	rddreg [dreg:$0x2];
	[bflag:$0x3] =	sbarrier.arrive $0xFFFF;
	s2 =	simm.s32 @!p0 $0x1C02  }
0xef: {  	[timem:s3], [sflag:s2] =	dma.local @!p0 [hbm:s0], s1  }
0xf0: {  	s0 =	simm.s32 @!p0 $0x2  }
0xf1: {  	_ =	swait.ge @!p0 [sflag:s0], s1  }
0xf2: {  	s1 =	ssub.s32 @!p0 $0x0, s1;
	[sflag:s0] =	ssyncset.done @!p0 $0x0  }
0xf3: {  	[sflag:s0] =	ssyncadd.s32 @!p0 s1  }
0xf4: {  	[bflag:$0x3] =	sbarrier.arrive $0xFFFF  }
0xf5: {  	_ =	shalt  }

// kernel: kernel.8.cloned.1.call-start
scs
__scs_entry_jumppad:
0x0: {  	(pc) =	sbr.rel $0x88, $3  }
0x1: {  	(tag) =	ssettag $0x0;
	lr =	simm.s32 $0x1  }
0x2: {  	[smem:$0x3F96] =	sst lr;
	_ =	strace $0xD0000000  }
0x3: {  	_ = 	snop  }
0x4: {  	_ = 	snop  }
0x5: {  	_ = 	snop  }
0x6: {  	_ = 	snop  }
0x7: {  	_ = 	snop  }
__scs_overlays_trampoline_lowered:
0x8: {  	[smem:$0x3FA5] =	sst s0  }
0x9: {  	[smem:$0x3FA6] =	sst s1  }
0xa: {  	[smem:$0x3FA7] =	sst s2  }
0xb: {  	[smem:$0x3FA8] =	sst s3  }
0xc: {  	[smem:$0x3FA9] =	sst s4  }
0xd: {  	[smem:$0x3FAA] =	sst s5  }
0xe: {  	[smem:$0x3FAB] =	sst s6  }
0xf: {  	[smem:$0x3FAC] =	sst s7  }
0x10: {  	[smem:$0x3FAD] =	sst s8  }
0x11: {  	[smem:$0x3FAE] =	sst s9;
	s0 =	simm.s32 @!p0 $0x0  }
0x12: {  	s1 =	sld [smem:$0x3F94];
	s0 =	simm.s32 @p0 $0x1  }
0x13: {  	[smem:$0x3FAF] =	sst s0;
	s0 =	simm.s32 @!p1 $0x0  }
0x14: {  	s2 =	sld [smem:$0x3F93];
	s0 =	simm.s32 @p1 $0x1  }
0x15: {  	[smem:$0x3FB0] =	sst s0;
	s0 =	simm.s32 @!p2 $0x0  }
0x16: {  	s3 =	sld [smem:$0x3FDB];
	s0 =	simm.s32 @p2 $0x1  }
0x17: {  	s4 =	simm.s32 $0x1BF5;
	[smem:$0x3FB2] =	sst s0  }
0x18: {  	s0 =	sld [smem:$0x3F95];
	_ =	swait.ge [sflag:s4], $0x0  }
0x19: {  	s7 =	sld [smem:$0x3F96]  }
0x1a: {  	s8 =	sadd.s32 $0xFFFFE003, lr  }
0x1b: {  	s9 =	sadd.s32 $0xFFFFFEF7, lr;
	s5 =	simm.s32 $0xFFFFFFFF;
	p2 =	slt.u32 s8, $0xFFFFF086  }
0x1c: {  	p1 =	slt.u32 s9, $0xF7A;
	s5 =	simm.s32 @!p2 $0x0  }
0x1d: {  	s5 =	simm.s32 @p1 $0x1;
	p0 =	seq.s32 s7, s2  }
0x1e: {  	s7 =	smul.u32 @!p0 $0xF7A, s2;
	p2 =	seq.s32 @!p0 s5, $0x0  }
0x1f: {  	s9 =	smul.u32 $0xF7A, s1;
	s8 =	simm.s32 @!p0 $0x1BF5;
	p2 =	por !p2, p0  }
0x20: {  	[sflag:s8] =	ssyncset.s32 @!p0 $0xFFFFF086;
	s6 =	sadd.s32 @!p0 s3, s7;
	s7 =	simm.s32 @!p0 $0x108  }
0x21: {  	s3 =	sadd.s32 s3, s9;
	s6 =	sadd.s32 @!p0 $0x88, s6;
	s7 =	simm.s32 @p2 $0x1082  }
0x22: {  	[simem:s7], [sflag:s8] =	dma.local @!p0 [hbm:s6], $0xF7A  }
0x23: {  	s9 =	sor.u32 $0xD0000000, s2;
	s6 =	simm.s32 $0x108;
	_ =	swait.ge @!p0 [sflag:s8], $0x0  }
0x24: {  	s3 =	sadd.s32 $0x88, s3;
	s6 =	simm.s32 @!p1 $0x1082;
	[sflag:s4] =	ssyncset.s32 $0xFFFFF086  }
0x25: {  	[simem:s6], [sflag:s4] =	dma.local [hbm:s3], $0xF7A  }
0x26: {  	[smem:$0x3F96] =	sst s1;
	(tag) =	ssettag s2;
	_ =	strace s9  }
0x27: {  	s1 =	sld [smem:$0x3FA6]  }
0x28: {  	s2 =	sld [smem:$0x3FA7]  }
0x29: {  	s4 =	sld [smem:$0x3FA9]  }
0x2a: {  	p0 =	seq.s32 s5, $0x0;
	s5 =	sld [smem:$0x3FAA]  }
0x2b: {  	s6 =	sld [smem:$0x3FAB]  }
0x2c: {  	s7 =	sld [smem:$0x3FAC]  }
0x2d: {  	s3 =	simm.s32 $0x108;
	s8 =	sld [smem:$0x3FAD]  }
0x2e: {  	s3 =	simm.s32 @!p0 $0x1082;
	s9 =	sld [smem:$0x3FAE]  }
0x2f: {  	lr =	sadd.s32 s0, s3;
	s0 =	sld [smem:$0x3FA5]  }
0x30: {  	s3 =	sld [smem:$0x3FA8]  }
0x31: {  	[smem:$0x3FB1] =	sst s10  }
0x32: {  	s10 =	sld [smem:$0x3FAF];
	_ =	sdelay $0x3  }
0x33: {  	p0 =	seq.s32 s10, $0x1;
	s10 =	sld [smem:$0x3FB1];
	_ =	sdelay $0x3  }
0x34: {  	[smem:$0x3FB1] =	sst s10  }
0x35: {  	s10 =	sld [smem:$0x3FB0];
	_ =	sdelay $0x3  }
0x36: {  	p1 =	seq.s32 s10, $0x1;
	s10 =	sld [smem:$0x3FB1];
	_ =	sdelay $0x3  }
0x37: {  	[smem:$0x3FB1] =	sst s10  }
0x38: {  	s10 =	sld [smem:$0x3FB2]  }
0x39: {  	_ = 	snop;
	(pc) =	sbr.ind lr, $3  }
0x3a: {  	_ = 	snop  }
0x3b: {  	_ = 	snop  }
0x3c: {  	p2 =	seq.s32 s10, $0x1;
	s10 =	sld [smem:$0x3FB1]  }
0x3d: {  	_ =	shalt  }
0x3e: {  	_ =	shalt  }
0x3f: {  	_ =	shalt  }
0x40: {  	_ =	shalt  }
0x41: {  	_ =	shalt  }
0x42: {  	_ =	shalt  }
0x43: {  	_ =	shalt  }
0x44: {  	_ =	shalt  }
0x45: {  	_ =	shalt  }
0x46: {  	_ =	shalt  }
0x47: {  	_ =	shalt  }
0x48: {  	_ =	shalt  }
0x49: {  	_ =	shalt  }
0x4a: {  	_ =	shalt  }
0x4b: {  	_ =	shalt  }
0x4c: {  	_ =	shalt  }
0x4d: {  	_ =	shalt  }
0x4e: {  	_ =	shalt  }
0x4f: {  	_ =	shalt  }
0x50: {  	_ =	shalt  }
0x51: {  	_ =	shalt  }
0x52: {  	_ =	shalt  }
0x53: {  	_ =	shalt  }
0x54: {  	_ =	shalt  }
0x55: {  	_ =	shalt  }
0x56: {  	_ =	shalt  }
0x57: {  	_ =	shalt  }
0x58: {  	_ =	shalt  }
0x59: {  	_ =	shalt  }
0x5a: {  	_ =	shalt  }
0x5b: {  	_ =	shalt  }
0x5c: {  	_ =	shalt  }
0x5d: {  	_ =	shalt  }
0x5e: {  	_ =	shalt  }
0x5f: {  	_ =	shalt  }
0x60: {  	_ =	shalt  }
0x61: {  	_ =	shalt  }
0x62: {  	_ =	shalt  }
0x63: {  	_ =	shalt  }
0x64: {  	_ =	shalt  }
0x65: {  	_ =	shalt  }
0x66: {  	_ =	shalt  }
0x67: {  	_ =	shalt  }
0x68: {  	_ =	shalt  }
0x69: {  	_ =	shalt  }
0x6a: {  	_ =	shalt  }
0x6b: {  	_ =	shalt  }
0x6c: {  	_ =	shalt  }
0x6d: {  	_ =	shalt  }
0x6e: {  	_ =	shalt  }
0x6f: {  	_ =	shalt  }
0x70: {  	_ =	shalt  }
0x71: {  	_ =	shalt  }
0x72: {  	_ =	shalt  }
0x73: {  	_ =	shalt  }
0x74: {  	_ =	shalt  }
0x75: {  	_ =	shalt  }
0x76: {  	_ =	shalt  }
0x77: {  	_ =	shalt  }
0x78: {  	_ =	shalt  }
0x79: {  	_ =	shalt  }
0x7a: {  	_ =	shalt  }
0x7b: {  	_ =	shalt  }
0x7c: {  	_ =	shalt  }
0x7d: {  	_ =	shalt  }
0x7e: {  	_ =	shalt  }
0x7f: {  	_ =	shalt  }
0x80: {  	_ =	shalt  }
0x81: {  	_ =	shalt  }
0x82: {  	_ =	shalt  }
0x83: {  	_ =	shalt  }
0x84: {  	_ =	shalt  }
0x85: {  	_ =	shalt  }
0x86: {  	_ =	shalt  }
0x87: {  	_ =	shalt  }
.Lfunc_end0:
.L_simem_size_0:
called_computation_lowered:
.L_overlay_start_0:
0x88: {  	s2 =	sld [smem:$0x3FD9]  }
0x89: {  	s3 =	sld [smem:$0x3FFE];
	_ =	sdelay $0x1  }
0x8a: {  	s1 =	srdreg.scid  }
0x8b: {  	s0 =	sand.u32 $0x1, s1  }
0x8c: {  	s17 =	sshll.u32 s0, $0xA;
	s2 =	sadd.s32 s3, s2  }
0x8d: {  	s2 =	sadd.s32 s2, s17  }
0x8e: {  	[smem:$0x3FBD] =	sst s2  }
0x8f: {  	_ = 	snop  }
0x90: {  	s2 =	sld [smem:$0x3FD0];
	(tm) =	ssettm $0x1  }
0x91: {  	s18 =	sld [smem:$0x3FFB];
	_ =	sdelay $0x3  }
0x92: {  	_ =	strace s18  }
0x93: {  	s3 =	sld [smem:$0x3FFC];
	_ =	sdelay $0x3  }
0x94: {  	_ =	strace s3  }
0x95: {  	s3 =	sld [smem:$0x3FFD];
	_ =	sdelay $0x3  }
0x96: {  	_ =	strace s3  }
0x97: {  	_ =	strace $0x8FFFFFFF  }
0x98: {  	s19 =	sld [smem:$0x3FDB];
	_ =	sdelay $0x1  }
0x99: {  	s4 =	simm.s32 $_scs_section_size  }
0x9a: {  	s5 =	simm.s32 $_size__tile_overlayer_lowered;
	s6 =	simm.s32 $_tile_overlayer_lowered  }
0x9b: {  	s22 =	simm.s32 $0x1BFF;
	s21 =	sshll.u32 s6, $0x1;
	s3 =	sadd.s32 s4, s19  }
0x9c: {  	s7 =	simm.s32 $0x0;
	s20 =	sshll.u32 s5, $0x1;
	s5 =	sadd.s32 s21, s3  }
0x9d: {  	[timem:s7], [sflag:s22] =	dma.local [hbm:s5], s20  }
0x9e: {  	_ =	swait.ge [sflag:s22], s20  }
0x9f: {  	s4 =	ssub.s32 $0x0, s20;
	[sflag:s22] =	ssyncset.done $0x0  }
0xa0: {  	[sflag:s22] =	ssyncadd.s32 s4;
	_ =	sdelay $0x1  }
0xa1: {  	s23 =	simm.s32 $0x1B8B  }
0xa2: {  	_ =	swait.ge [sflag:s23], $0x1  }
0xa3: {  	[sflag:s23] =	ssyncset.done $0x0  }
0xa4: {  	s25 =	simm.s32 $0x1B8E;
	s24 =	sld [smem:$0x3FFE];
	[sflag:s23] =	ssyncadd.s32 $0xFFFFFFFF  }
0xa5: {  	s26 =	simm.s32 $execute0_lowered;
	[smem:$0x3FD2] =	sst s25  }
0xa6: {  	s5 =	sshll.u32 s26, $0x1;
	_ =	strace $0x80000046;
	[dreg:$0x1] =	wrdreg $0xFFFFFFFF  }
0xa7: {  	s28 =	simm.s32 $_size_execute0_lowered;
	s3 =	sadd.s32 s3, s5;
	[dreg:$0x0] =	wrdreg $0x0  }
0xa8: {  	s5 =	sshll.u32 s28, $0x1;
	[dreg:$0x2] =	wrdreg s3  }
0xa9: {  	[dreg:$0x3] =	wrdreg s5  }
0xaa: {  	[dreg:$0x4] =	wrdreg $0xC0  }
0xab: {  	_ =	task [dreg:s7], $0x5FFFF  }
0xac: {  	[dreg:$0x1] =	wrdreg $0xFFFFFFFF  }
0xad: {  	[dreg:$0x0] =	wrdreg $0x60  }
0xae: {  	[dreg:$0x2] =	wrdreg s24  }
0xaf: {  	[dreg:$0x3] =	wrdreg s2  }
0xb0: {  	[dreg:$0x4] =	wrdreg $0x9  }
0xb1: {  	_ =	task.clear_ibuf [dreg:s7], $0x5FFFF;
	_ =	strace $0x90000046  }
0xb2: {  	s29 =	simm.s32 $0x9;
	_ =	strace $0x80000048  }
0xb3: {  	_ =	swait.ge [sflag:s29], $0x1  }
0xb4: {  	[sflag:s29] =	ssyncadd.s32 $0xFFFFFFFF  }
0xb5: {  	_ =	strace $0x90000048  }
0xb6: {  	_ =	sfence  }
0xb7: {  	s30 =	sld [smem:$0x0];
	_ =	sdelay $0x2  }
0xb8: {  	s31 =	sshll.u32 s1, $0xD;
	s1 =	sshrl.u32 s1, $0x2  }
0xb9: {  	s3 =	sand.u32 $0x4000, s31;
	s1 =	sadd.s32 s1, s30  }
0xba: {  	s0 =	sor.u32 s3, s0;
	s1 =	sshll.u32 s1, $0x11  }
0xbb: {  	s0 =	sor.u32 s1, s0  }
0xbc: {  	s0 =	sadd.s32 $0x8F2B, s0  }
0xbd: {  	[sflag:s0] =	ssyncadd.remote.s32 $0x1  }
0xbe: {  	_ =	sfence.sel $0xFFFF  }
0xbf: {  	[dreg:$0x0] =	wrdreg $0xFFFFFFFF;
	(pc) =	sbr.abs _section_cstart, $3  }
0xc0: {  	[dreg:$0x1] =	wrdreg $0xFFFFFFFF  }
0xc1: {  	_ =	task.clear_ibuf [dreg:s7], $0x2FFFF;
	_ =	strace $0x9FFFFFFF  }
0xc2: {  	(tm) =	ssettm $0x7FFFFFFF  }
0xc3: {  	_ =	shalt  }
tec
execute0_lowered:
.L_overlay_start_1:
0x0: {  	(tag) =	ssettag $0x1  }
0x1: {  	s0 =	srdreg.scid  }
0x2: {  	s3 =	sand.u32 $0x1, s0  }
0x3: {  	s4 =	rddreg [dreg:$0x0];
	s0 =	stileid.u32;
	s1 =	sshll.u32 s3, $0x4  }
0x4: {  	s5 =	rddreg [dreg:$0x1];
	s2 =	simm.s32 $0x0;
	s6 =	sor.u32 s0, s1  }
0x5: {  	s8 =	simm.s32 $0x2800;
	s9 =	simm.s32 $0x5000;
	s7 =	smul.u32 $0x2800, s6  }
0x6: {  	s10 =	simm.s32 $0x0;
	[smem:$0x7FF] =	sst s2;
	s3 =	ssub.s32 $0x2, s3  }
0x7: {  	s1 =	rddreg [dreg:$0x2];
	s6 =	smul.u32 $0x4E2, s6;
	s7 =	sshrl.u32 s7, $0x3  }
0x8: {  	_ =	strace $0x80000047;
	s31 =	sshrl.u32 s3, $0x1;
	s4 =	sadd.s32 s7, s4  }
0x9: {  	s5 =	sadd.s32 s5, s6;
	s7 =	ssub.s32 s3, s31;
	s3 =	sadd.s32 $0x17800, s4  }
0xa: {  	v0 =	vimm.f32 $0.0e+00;
	s4 =	sadd.s32 $0x3800, s4;
	s6 =	smax.u32 s7, $0x1;
	s7 =	simm.s32 $0x1  }
.LBB2_1:
0xb: {  	[tilespmem:s2], [sflag:$0x1] =	stream.linear.gather [hbm4b:s3+s2], $0x2780, $0x38;
	[tilespmem:$0x7780] =	vst v63  }
0xc: {  	_ =	swait.ge [sflag:s7], $0x2780  }
0xd: {  	[sflag:s7] =	ssyncset.done $0x0  }
0xe: {  	[sflag:s7] =	ssyncadd.s32 $0xFFFFD880  }
0xf: {  	[tilespmem:s8], [sflag:$0x1] =	stream.linear.gather [hbm4b:s4+s2], $0x2780, $0x38;
	[tilespmem:$0x7780] =	vst v63  }
0x10: {  	_ =	swait.ge [sflag:s7], $0x2780  }
0x11: {  	[sflag:s7] =	ssyncset.done $0x0  }
0x12: {  	s11 =	simm.s32 $0x0;
	[sflag:s7] =	ssyncadd.s32 $0xFFFFD880  }
.LBB2_2:
0x13: {  	p0 =	sne.s32 s11, $0x9C00  }
.Ltmp0:
0x14: {  	_ = 	snop;
	(pc) =	sbr.rel @p0 .LBB2_2-.Ltmp0, $3  }
0x15: {  	_ =	sdelay $0x1  }
0x16: {  	s12 =	sshra.s32 s11, $0x2  }
0x17: {  	s11 =	sadd.s32 $0x40, s11;
	[tilespmem:s12+$0x5000] =	vst v0  }
0x18: {  	s11 =	simm.s32 $0x0  }
.LBB2_4:
0x19: {  	s12 =	sshra.s32 s11, $0x2  }
0x1a: {  	v1 =	vld [tilespmem:s12+$0x0];
	_ =	sdelay $0x2  }
0x1b: {  	v2 =	vld [tilespmem:s12+$0x2800];
	_ =	sdelay $0x4  }
0x1c: {  	[tilespmem:v1+s9+$0x0] =	vst.idx.add.f32.msk $0xffff, v2  }
0x1d: {  	v1 =	vld [tilespmem:s12+$0x10];
	_ =	sdelay $0x2  }
0x1e: {  	v2 =	vld [tilespmem:s12+$0x2810];
	_ =	sdelay $0x4  }
0x1f: {  	[tilespmem:v1+s9+$0x0] =	vst.idx.add.f32.msk $0xffff, v2  }
0x20: {  	v1 =	vld [tilespmem:s12+$0x20];
	_ =	sdelay $0x2  }
0x21: {  	v2 =	vld [tilespmem:s12+$0x2820];
	_ =	sdelay $0x4  }
0x22: {  	[tilespmem:v1+s9+$0x0] =	vst.idx.add.f32.msk $0xffff, v2  }
0x23: {  	v1 =	vld [tilespmem:s12+$0x30];
	_ =	sdelay $0x2  }
0x24: {  	v2 =	vld [tilespmem:s12+$0x2830];
	_ =	sdelay $0x4  }
0x25: {  	[tilespmem:v1+s9+$0x0] =	vst.idx.add.f32.msk $0xffff, v2  }
0x26: {  	v1 =	vld [tilespmem:s12+$0x40];
	_ =	sdelay $0x2  }
0x27: {  	v2 =	vld [tilespmem:s12+$0x2840];
	_ =	sdelay $0x4  }
0x28: {  	[tilespmem:v1+s9+$0x0] =	vst.idx.add.f32.msk $0xffff, v2  }
0x29: {  	v1 =	vld [tilespmem:s12+$0x50];
	_ =	sdelay $0x2  }
0x2a: {  	v2 =	vld [tilespmem:s12+$0x2850];
	_ =	sdelay $0x4  }
0x2b: {  	[tilespmem:v1+s9+$0x0] =	vst.idx.add.f32.msk $0xffff, v2  }
0x2c: {  	v1 =	vld [tilespmem:s12+$0x60];
	_ =	sdelay $0x2  }
0x2d: {  	v2 =	vld [tilespmem:s12+$0x2860];
	_ =	sdelay $0x4  }
0x2e: {  	[tilespmem:v1+s9+$0x0] =	vst.idx.add.f32.msk $0xffff, v2  }
0x2f: {  	v1 =	vld [tilespmem:s12+$0x70];
	_ =	sdelay $0x2  }
0x30: {  	p0 =	sne.s32 s11, $0x9C00;
	v2 =	vld [tilespmem:s12+$0x2870]  }
.Ltmp1:
0x31: {  	_ = 	snop;
	(pc) =	sbr.rel @p0 .LBB2_4-.Ltmp1, $2  }
0x32: {  	_ =	sdelay $0x2  }
0x33: {  	s11 =	sadd.s32 $0x200, s11;
	[tilespmem:v1+s9+$0x0] =	vst.idx.add.f32.msk $0xffff, v2  }
0x34: {  	s10 =	sadd.s32 $0x1, s10  }
0x35: {  	p0 =	sne.s32 s10, s6  }
.Ltmp2:
0x36: {  	_ = 	snop;
	(pc) =	sbr.rel @p0 .LBB2_1-.Ltmp2, $4  }
0x37: {  	[hbm4b:s5+s2] =	stream.linear.scatter [tilespmem:s9], [sflag:$0x1], $0x2710, $0x38;
	[tilespmem:$0x7780] =	vst v63  }
0x38: {  	_ =	swait.ge [sflag:s7], $0x2710  }
0x39: {  	[sflag:s7] =	ssyncset.done $0x0  }
0x3a: {  	[sflag:s7] =	ssyncadd.s32 $0xFFFFD8F0  }
0x3b: {  	_ =	sfence.sel $0x180000  }
0x3c: {  	[bflag:$0x0] =	sbarrier.arrive $0xFFFF  }
0x3d: {  	p0 =	sne.s32 s0, $0x0;
	_ =	strace $0x90000047  }
0x3e: {  	s0 =	sadd.s32 @!p0 $0x100000, s1;
	[bflag:$0x2] =	sbarrier.arrive $0xFFFF  }
0x3f: {  	[sflag:s0] =	ssyncadd.tile.s32 @!p0 $0x1;
	_ =	shalt  }
.Lfunc_end2:
_tile_overlayer_lowered:
.L_overlay_start_2:
0x40: {  	(tag) =	ssettag $0x2  }
0x41: {  	s0 =	rddreg [dreg:$0x0];
	s2 =	stileid.u32  }
0x42: {  	s1 =	rddreg [dreg:$0x1];
	p0 =	sne.s32 s2, $0x0  }
0x43: {  	s3 =	rddreg [dreg:$0x2];
	[bflag:$0x3] =	sbarrier.arrive $0xFFFF;
	s2 =	simm.s32 @!p0 $0x1C01  }
0x44: {  	[timem:s3], [sflag:s2] =	dma.local @!p0 [hbm:s0], s1  }
0x45: {  	s0 =	simm.s32 @!p0 $0x1  }
0x46: {  	_ =	swait.ge @!p0 [sflag:s0], s1  }
0x47: {  	s1 =	ssub.s32 @!p0 $0x0, s1;
	[sflag:s0] =	ssyncset.done @!p0 $0x0  }
0x48: {  	[sflag:s0] =	ssyncadd.s32 @!p0 s1  }
0x49: {  	[bflag:$0x3] =	sbarrier.arrive $0xFFFF  }
0x4a: {  	_ =	shalt  }

</sc_bundles>
